<compile_context>
chip_gen: v7x
topology: tpu7x:2x2x1
jax: 0.10.2.dev20260603
libtpu: 0.0.44.dev20260713+nightly
codegen_flags: <defaults>
</compile_context>

<pallas_src>
import functools

import jax
import jax.numpy as jnp
from jax import lax
from jax.experimental import pallas as pl
from jax.experimental.pallas import tpu as pltpu
from jax.experimental.pallas import tpu_sc as plsc

N_PRODUCTS = 100000
N_DIM = 1024
BATCH = 16384
N_LABELS = 3

NC, NS, L = 2, 16, 16
NW = NC * NS
RPW = BATCH // NW
K = 8
NBLK = RPW // K
NCH = N_DIM // L


def _vrsqrt(x):
    i = lax.bitcast_convert_type(x, jnp.int32)
    magic = jnp.full((L,), 0x5F3759DF, jnp.int32)
    one = jnp.full((L,), 1, jnp.int32)
    y = lax.bitcast_convert_type(
        magic - lax.shift_right_arithmetic(i, one), jnp.float32)
    for _ in range(3):
        y = y * (1.5 - 0.5 * x * y * y)
    return y


def _lane_sum(x, lanes):
    for k in (8, 4, 2, 1):
        x = x + x.at[lanes ^ k].get(mode="promise_in_bounds")
    return x


def _shuf(x, lanes, k):
    return x.at[lanes ^ k].get(mode="promise_in_bounds")


def _at(x, idx):
    return x.at[idx].get(mode="promise_in_bounds")


def _merge(a, b, k, lanes):
    m = (lanes & k) != 0
    keep = jnp.where(m, b, a)
    give = jnp.where(m, a, b)
    return keep + _shuf(give, lanes, k)


def _reduce8(vs, lanes):
    for k in (1, 2, 4):
        vs = [_merge(vs[2 * i], vs[2 * i + 1], k, lanes)
              for i in range(len(vs) // 2)]
    z = vs[0]
    return z + _shuf(z, lanes, 8)


_mesh = plsc.VectorSubcoreMesh(
    core_axis_name="c", subcore_axis_name="s", num_cores=NC, num_subcores=NS
)


@functools.partial(
    pl.kernel,
    out_type=jax.ShapeDtypeStruct((N_LABELS * BATCH,), jnp.float32),
    mesh=_mesh,
    scratch_types=[
        pltpu.VMEM((RPW,), jnp.int32),
        pltpu.VMEM((3, N_DIM), jnp.float32),
        pltpu.VMEM((3, N_DIM), jnp.float32),
        pltpu.VMEM((2, K, N_DIM), jnp.float32),
        pltpu.VMEM((2, K, N_DIM), jnp.float32),
        pltpu.VMEM((2, K, N_DIM), jnp.float32),
        pltpu.VMEM((RPW * N_LABELS,), jnp.float32),
        pltpu.SemaphoreType.DMA,
        pltpu.SemaphoreType.DMA,
    ],
)
def _fastvss_sc(qv_hbm, qc_hbm, pvs_hbm, qw_hbm, lab_hbm, idx_hbm, out_hbm,
                idx_v, qw_v, lab_v, pv_buf, qv_buf, qc_buf, out_v,
                sem0, sem1):
    wid = lax.axis_index("s") * NC + lax.axis_index("c")
    base = pl.multiple_of(wid * RPW, RPW)
    sems = (sem0, sem1)

    pltpu.sync_copy(idx_hbm.at[pl.ds(base, RPW)], idx_v)
    pltpu.sync_copy(qw_hbm, qw_v)
    pltpu.sync_copy(lab_hbm, lab_v)

    zero = jnp.zeros((L,), jnp.float32)
    lanes = lax.iota(jnp.int32, L)

    def pre_body(v, carry):
        sl = pl.ds(pl.multiple_of(v * L, L), L)
        for j in range(3):
            qw_v[j, sl] = qw_v[j, sl] * 2.0
        l0, l1, l2 = lab_v[0, sl], lab_v[1, sl], lab_v[2, sl]
        a0, a1, a2 = carry
        return (a0 + l0 * l0, a1 + l1 * l1, a2 + l2 * l2)

    la = lax.fori_loop(0, NCH, pre_body, (zero, zero, zero))
    inv_l = [_vrsqrt(_lane_sum(a, lanes)) for a in la]

    def lab_scale(v, c):
        sl = pl.ds(pl.multiple_of(v * L, L), L)
        for j in range(3):
            lab_v[j, sl] = lab_v[j, sl] * inv_l[j]
        return c

    lax.fori_loop(0, NCH, lab_scale, 0)

    def copies(slot, blk):
        off = base + blk * K
        return (
            pltpu.make_async_copy(
                pvs_hbm.at[idx_v.at[pl.ds(blk * K, K)]], pv_buf.at[slot], sems[slot]),
            pltpu.make_async_copy(
                qv_hbm.at[pl.ds(off, K)], qv_buf.at[slot], sems[slot]),
            pltpu.make_async_copy(
                qc_hbm.at[pl.ds(off, K)], qc_buf.at[slot], sems[slot]),
        )

    def issue(slot, blk):
        for c in copies(slot, blk):
            c.start()

    def wait(slot, blk):
        for c in copies(slot, blk):
            c.wait()

    def compute(slot, blk):
        pv_b, qv_b, qc_b = pv_buf.at[slot], qv_buf.at[slot], qc_buf.at[slot]

        def one_chunk(v, carry):
            sl = pl.ds(pl.multiple_of(v * L, L), L)
            w0, w1, w2 = qw_v[0, sl], qw_v[1, sl], qw_v[2, sl]
            l0, l1, l2 = lab_v[0, sl], lab_v[1, sl], lab_v[2, sl]
            nxt = []
            for r in range(K):
                ss, d0, d1, d2 = carry[4 * r: 4 * r + 4]
                x = qv_b[r, sl] * w0 + qc_b[r, sl] * w1 + pv_b[r, sl] * w2
                t = 1.0 - 2.0 / (jnp.exp(x) + 1.0)
                nxt += [ss + t * t, d0 + t * l0, d1 + t * l1, d2 + t * l2]
            return tuple(nxt)

        accs = plsc.parallel_loop(
            0, NCH, 1, carry=(zero,) * (4 * K))(one_chunk)
        ssf = _reduce8([accs[4 * r + 0] for r in range(K)], lanes)
        inv_q = _vrsqrt(ssf)
        return tuple(
            _reduce8([accs[4 * r + 1 + j] for r in range(K)], lanes) * inv_q
            for j in range(N_LABELS))

    shift16 = jnp.full((L,), 16, jnp.int32)

    def assemble(pair, a, b):
        for k in range(N_LABELS):
            p16 = lanes + (k * 16)
            lr = lax.shift_right_logical(p16 * 21846, shift16)
            j3 = p16 - lr * 3
            pa = jnp.where(
                j3 == 0, _at(a[0], lr),
                jnp.where(j3 == 1, _at(a[1], lr), _at(a[2], lr)))
            pb = jnp.where(
                j3 == 0, _at(b[0], lr),
                jnp.where(j3 == 1, _at(b[1], lr), _at(b[2], lr)))
            out_v[pl.ds(pair * 48 + k * 16, L)] = jnp.where(lr < 8, pa, pb)

    issue(0, 0)

    def outer(i2, c):
        b0 = i2 * 2
        issue(1, b0 + 1)
        wait(0, b0)
        sa = compute(0, b0)

        @pl.when(b0 + 2 < NBLK)
        def _():
            issue(0, b0 + 2)

        wait(1, b0 + 1)
        sb = compute(1, b0 + 1)
        assemble(i2, sa, sb)
        return c

    lax.fori_loop(0, NBLK // 2, outer, 0)

    pltpu.sync_copy(
        out_v, out_hbm.at[pl.ds(base * N_LABELS, RPW * N_LABELS)])


def kernel(query_vec, qclass_vec, pvs, query_weight, label, product_idx):
    flat = _fastvss_sc(
        query_vec,
        qclass_vec,
        pvs,
        query_weight.astype(jnp.float32),
        label.astype(jnp.float32),
        product_idx.astype(jnp.int32),
    )
    return flat.reshape(BATCH, N_LABELS)

# --- scband reference (transcript-rebuilt; emitter-appended) ---
"""Pipeline reference for scband-fast-vss-30142080483945 (READ-ONLY COPY).

The authoritative reference and input builder live on the scoring server;
editing this copy changes nothing except your own understanding.
"""

import jax, jax.numpy as jnp
import numpy as np

N_PRODUCTS = 100000
N_DIM = 1024
BATCH = 16384
N_LABELS = 3


def setup_inputs(seed: int = 0) -> dict:
    key = jax.random.key(seed)
    k1, k2, k3, k4, k5, k6 = jax.random.split(key, 6)
    product_idx = jax.random.randint(k1, (BATCH,), 0, N_PRODUCTS)
    query_vec = jax.random.normal(k2, (BATCH, N_DIM), dtype=jnp.float32)
    qclass_vec = jax.random.normal(k3, (BATCH, N_DIM), dtype=jnp.float32)
    # precomputed, soft-quantized product hypervectors (self.pvs after torchhd.soft_quantize)
    pvs = jnp.tanh(jax.random.normal(k4, (N_PRODUCTS, N_DIM), dtype=jnp.float32))
    # torchhd.embeddings.Random weights are random bipolar {-1, +1} hypervectors
    query_weight = jnp.where(jax.random.uniform(k5, (3, N_DIM)) > 0.5, 1.0, -1.0).astype(jnp.float32)
    label = jnp.where(jax.random.uniform(k6, (N_LABELS, N_DIM)) > 0.5, 1.0, -1.0).astype(jnp.float32)
    return {
        'query_vec': query_vec,
        'qclass_vec': qclass_vec,
        'pvs': pvs,
        'query_weight': query_weight,
        'label': label,
        'product_idx': product_idx,
    }


def reference(query_vec, qclass_vec, pvs, query_weight, label, product_idx):
    # Embedding lookup of precomputed product hypervectors (memory-bound gather)
    pv = jnp.take(pvs, product_idx, axis=0)              # [B, D]
    # query = stack([query_vec, qclass_vec, pvs]).mul(self.query.weight)
    stacked = jnp.stack([query_vec, qclass_vec, pv], axis=1)  # [B, 3, D]
    bound = stacked * query_weight[None, :, :]           # bind with role hypervectors
    # torchhd.multibundle -> sum over the bundled axis
    bundled = jnp.sum(bound, axis=1)                     # [B, D]
    # torchhd.soft_quantize -> tanh
    q = jnp.tanh(bundled)
    # torchhd.cosine_similarity(query, self.label)
    qn = q / (jnp.linalg.norm(q, axis=-1, keepdims=True) + 1e-12)
    ln = label / (jnp.linalg.norm(label, axis=-1, keepdims=True) + 1e-12)
    scores = qn @ ln.T                                   # [B, N_LABELS]
    return scores

if __name__ == "__main__":
    import jax
    _d = setup_inputs()
    print(jax.jit(kernel)(*tuple(_d.values())))

</pallas_src>

<mosaic_0001>
#map = affine_map<(d0, d1) -> (0, 0)>
#map1 = affine_map<(d0, d1) -> (0)>
module attributes {stable_mosaic.version = 14 : i64} {
  func.func @_fastvss_sc(%arg0: i32, %arg1: i32, %arg2: memref<16384x1024xf32, #tpu.memory_space<hbm>>, %arg3: memref<16384x1024xf32, #tpu.memory_space<hbm>>, %arg4: memref<100000x1024xf32, #tpu.memory_space<hbm>>, %arg5: memref<3x1024xf32, #tpu.memory_space<hbm>>, %arg6: memref<3x1024xf32, #tpu.memory_space<hbm>>, %arg7: memref<16384xi32, #tpu.memory_space<hbm>>, %arg8: memref<49152xf32, #tpu.memory_space<hbm>>, %arg9: memref<512xi32, #tpu.memory_space<vmem>>, %arg10: memref<3x1024xf32, #tpu.memory_space<vmem>>, %arg11: memref<3x1024xf32, #tpu.memory_space<vmem>>, %arg12: memref<2x8x1024xf32, #tpu.memory_space<vmem>>, %arg13: memref<2x8x1024xf32, #tpu.memory_space<vmem>>, %arg14: memref<2x8x1024xf32, #tpu.memory_space<vmem>>, %arg15: memref<1536xf32, #tpu.memory_space<vmem>>, %arg16: memref<!tpu.dma_semaphore, #tpu.memory_space<semaphore_mem>>, %arg17: memref<!tpu.dma_semaphore, #tpu.memory_space<semaphore_mem>>) attributes {dimension_semantics = [#tpu.dimension_semantics<core_parallel>, #tpu.dimension_semantics<subcore_parallel>], iteration_bounds = array<i64: 2, 16>, scalar_prefetch = 0 : i64, scratch_operands = 9 : i64, tpu.core_type = #tpu.core_type<sc_vector_subcore>, window_params = [{transform_indices = #map}, {transform_indices = #map}, {transform_indices = #map}, {transform_indices = #map}, {transform_indices = #map}, {transform_indices = #map1}, {transform_indices = #map1}]} {
    %mul3A = arith.constant 2 : i32
    %mul3A_0 = arith.muli %arg1, %mul3A : i32
    %add3A = arith.addi %mul3A_0, %arg0 : i32
    %mul3A_1 = arith.constant 512 : i32
    %mul3A_2 = arith.muli %add3A, %mul3A_1 : i32
    %multiple_of3A = tpu.assume_multiple %mul3A_2, 512 : i32
    "tpu.region"() ({
      %run_scoped3A = tpu.sem_alloc : memref<!tpu.dma_semaphore, #tpu.memory_space<semaphore_mem>>
      %dma_start3A_328 = tpu.memref_slice %arg7[%multiple_of3A] : memref<16384xi32, #tpu.memory_space<hbm>> -> memref<512xi32, #tpu.memory_space<hbm>>
      %dma_start3A_329 = tpu.memref_slice %arg7[%multiple_of3A] : memref<16384xi32, #tpu.memory_space<hbm>> -> memref<512xi32, #tpu.memory_space<hbm>>
      tpu.enqueue_dma source(%dma_start3A_329 : memref<512xi32, #tpu.memory_space<hbm>>) target(%arg9 : memref<512xi32, #tpu.memory_space<vmem>>) target_semaphore(%run_scoped3A : memref<!tpu.dma_semaphore, #tpu.memory_space<semaphore_mem>>)
      %dma_wait3A = tpu.memref_slice %arg7[%multiple_of3A] : memref<16384xi32, #tpu.memory_space<hbm>> -> memref<512xi32, #tpu.memory_space<hbm>>
      %dma_wait3A_330 = tpu.memref_slice %arg7[%multiple_of3A] : memref<16384xi32, #tpu.memory_space<hbm>> -> memref<512xi32, #tpu.memory_space<hbm>>
      tpu.wait_dma2 semaphore(%run_scoped3A : memref<!tpu.dma_semaphore, #tpu.memory_space<semaphore_mem>>) src(%dma_wait3A_330 : memref<512xi32, #tpu.memory_space<hbm>>) dst(%arg9 : memref<512xi32, #tpu.memory_space<vmem>>)
      tpu.yield
    }) : () -> ()
    "tpu.region"() ({
      %run_scoped3A = tpu.sem_alloc : memref<!tpu.dma_semaphore, #tpu.memory_space<semaphore_mem>>
      tpu.enqueue_dma source(%arg5 : memref<3x1024xf32, #tpu.memory_space<hbm>>) target(%arg10 : memref<3x1024xf32, #tpu.memory_space<vmem>>) target_semaphore(%run_scoped3A : memref<!tpu.dma_semaphore, #tpu.memory_space<semaphore_mem>>)
      tpu.wait_dma2 semaphore(%run_scoped3A : memref<!tpu.dma_semaphore, #tpu.memory_space<semaphore_mem>>) src(%arg5 : memref<3x1024xf32, #tpu.memory_space<hbm>>) dst(%arg10 : memref<3x1024xf32, #tpu.memory_space<vmem>>)
      tpu.yield
    }) : () -> ()
    "tpu.region"() ({
      %run_scoped3A = tpu.sem_alloc : memref<!tpu.dma_semaphore, #tpu.memory_space<semaphore_mem>>
      tpu.enqueue_dma source(%arg6 : memref<3x1024xf32, #tpu.memory_space<hbm>>) target(%arg11 : memref<3x1024xf32, #tpu.memory_space<vmem>>) target_semaphore(%run_scoped3A : memref<!tpu.dma_semaphore, #tpu.memory_space<semaphore_mem>>)
      tpu.wait_dma2 semaphore(%run_scoped3A : memref<!tpu.dma_semaphore, #tpu.memory_space<semaphore_mem>>) src(%arg6 : memref<3x1024xf32, #tpu.memory_space<hbm>>) dst(%arg11 : memref<3x1024xf32, #tpu.memory_space<vmem>>)
      tpu.yield
    }) : () -> ()
    %broadcast_in_dim3A = arith.constant 0.000000e+00 : f32
    %broadcast_in_dim3A_3 = vector.broadcast %broadcast_in_dim3A : f32 to vector<16xf32>
    %iota3A = tpu.iota {dimensions = array<i32: 0>} : vector<16xi32>
    %scan3A = arith.constant 0 : i32
    %scan3A_4 = arith.constant 64 : i32
    %scan3A_5 = arith.addi %scan3A, %scan3A_4 : i32
    %scan3A_6 = arith.constant 1 : i32
    %scan3A_7:3 = scf.for %scan3A_328 = %scan3A to %scan3A_5 step %scan3A_6 iter_args(%scan3A_329 = %broadcast_in_dim3A_3, %scan3A_330 = %broadcast_in_dim3A_3, %scan3A_331 = %broadcast_in_dim3A_3) -> (vector<16xf32>, vector<16xf32>, vector<16xf32>)  : i32 {
      %mul3A_332 = arith.constant 16 : i32
      %mul3A_333 = arith.muli %scan3A_328, %mul3A_332 : i32
      %multiple_of3A_334 = tpu.assume_multiple %mul3A_333, 16 : i32
      %get3A = arith.constant 0 : i32
      %get3A_335 = arith.index_cast %get3A : i32 to index
      %get3A_336 = arith.index_cast %multiple_of3A_334 : i32 to index
      %get3A_337 = tpu.vector_load %arg10[%get3A_335, %get3A_336] {strides = array<i32>} : memref<3x1024xf32, #tpu.memory_space<vmem>>, vector<1x16xf32>,
      %get3A_338 = vector.shape_cast %get3A_337 : vector<1x16xf32> to vector<16xf32>
      %mul3A_339 = arith.constant 2.000000e+00 : f32
      %mul3A_340 = vector.broadcast %mul3A_339 : f32 to vector<16xf32>
      %mul3A_341 = arith.mulf %get3A_338, %mul3A_340 : vector<16xf32>
      %swap3A = arith.constant 0 : i32
      %swap3A_342 = arith.index_cast %swap3A : i32 to index
      %swap3A_343 = arith.index_cast %multiple_of3A_334 : i32 to index
      %swap3A_344 = tpu.vector_load %arg10[%swap3A_342, %swap3A_343] {strides = array<i32>} : memref<3x1024xf32, #tpu.memory_space<vmem>>, vector<1x16xf32>,
      %swap3A_345 = vector.shape_cast %swap3A_344 : vector<1x16xf32> to vector<16xf32>
      %swap3A_346 = vector.shape_cast %mul3A_341 : vector<16xf32> to vector<1x16xf32>
      tpu.vector_store %arg10[%swap3A_342, %swap3A_343], %swap3A_346 {strides = array<i32>} : memref<3x1024xf32, #tpu.memory_space<vmem>>, vector<1x16xf32>,
      %get3A_347 = arith.constant 1 : i32
      %get3A_348 = arith.index_cast %get3A_347 : i32 to index
      %get3A_349 = arith.index_cast %multiple_of3A_334 : i32 to index
      %get3A_350 = tpu.vector_load %arg10[%get3A_348, %get3A_349] {strides = array<i32>} : memref<3x1024xf32, #tpu.memory_space<vmem>>, vector<1x16xf32>,
      %get3A_351 = vector.shape_cast %get3A_350 : vector<1x16xf32> to vector<16xf32>
      %mul3A_352 = arith.constant 2.000000e+00 : f32
      %mul3A_353 = vector.broadcast %mul3A_352 : f32 to vector<16xf32>
      %mul3A_354 = arith.mulf %get3A_351, %mul3A_353 : vector<16xf32>
      %swap3A_355 = arith.constant 1 : i32
      %swap3A_356 = arith.index_cast %swap3A_355 : i32 to index
      %swap3A_357 = arith.index_cast %multiple_of3A_334 : i32 to index
      %swap3A_358 = tpu.vector_load %arg10[%swap3A_356, %swap3A_357] {strides = array<i32>} : memref<3x1024xf32, #tpu.memory_space<vmem>>, vector<1x16xf32>,
      %swap3A_359 = vector.shape_cast %swap3A_358 : vector<1x16xf32> to vector<16xf32>
      %swap3A_360 = vector.shape_cast %mul3A_354 : vector<16xf32> to vector<1x16xf32>
      tpu.vector_store %arg10[%swap3A_356, %swap3A_357], %swap3A_360 {strides = array<i32>} : memref<3x1024xf32, #tpu.memory_space<vmem>>, vector<1x16xf32>,
      %get3A_361 = arith.constant 2 : i32
      %get3A_362 = arith.index_cast %get3A_361 : i32 to index
      %get3A_363 = arith.index_cast %multiple_of3A_334 : i32 to index
      %get3A_364 = tpu.vector_load %arg10[%get3A_362, %get3A_363] {strides = array<i32>} : memref<3x1024xf32, #tpu.memory_space<vmem>>, vector<1x16xf32>,
      %get3A_365 = vector.shape_cast %get3A_364 : vector<1x16xf32> to vector<16xf32>
      %mul3A_366 = arith.constant 2.000000e+00 : f32
      %mul3A_367 = vector.broadcast %mul3A_366 : f32 to vector<16xf32>
      %mul3A_368 = arith.mulf %get3A_365, %mul3A_367 : vector<16xf32>
      %swap3A_369 = arith.constant 2 : i32
      %swap3A_370 = arith.index_cast %swap3A_369 : i32 to index
      %swap3A_371 = arith.index_cast %multiple_of3A_334 : i32 to index
      %swap3A_372 = tpu.vector_load %arg10[%swap3A_370, %swap3A_371] {strides = array<i32>} : memref<3x1024xf32, #tpu.memory_space<vmem>>, vector<1x16xf32>,
      %swap3A_373 = vector.shape_cast %swap3A_372 : vector<1x16xf32> to vector<16xf32>
      %swap3A_374 = vector.shape_cast %mul3A_368 : vector<16xf32> to vector<1x16xf32>
      tpu.vector_store %arg10[%swap3A_370, %swap3A_371], %swap3A_374 {strides = array<i32>} : memref<3x1024xf32, #tpu.memory_space<vmem>>, vector<1x16xf32>,
      %get3A_375 = arith.constant 0 : i32
      %get3A_376 = arith.index_cast %get3A_375 : i32 to index
      %get3A_377 = arith.index_cast %multiple_of3A_334 : i32 to index
      %get3A_378 = tpu.vector_load %arg11[%get3A_376, %get3A_377] {strides = array<i32>} : memref<3x1024xf32, #tpu.memory_space<vmem>>, vector<1x16xf32>,
      %get3A_379 = vector.shape_cast %get3A_378 : vector<1x16xf32> to vector<16xf32>
      %get3A_380 = arith.constant 1 : i32
      %get3A_381 = arith.index_cast %get3A_380 : i32 to index
      %get3A_382 = arith.index_cast %multiple_of3A_334 : i32 to index
      %get3A_383 = tpu.vector_load %arg11[%get3A_381, %get3A_382] {strides = array<i32>} : memref<3x1024xf32, #tpu.memory_space<vmem>>, vector<1x16xf32>,
      %get3A_384 = vector.shape_cast %get3A_383 : vector<1x16xf32> to vector<16xf32>
      %get3A_385 = arith.constant 2 : i32
      %get3A_386 = arith.index_cast %get3A_385 : i32 to index
      %get3A_387 = arith.index_cast %multiple_of3A_334 : i32 to index
      %get3A_388 = tpu.vector_load %arg11[%get3A_386, %get3A_387] {strides = array<i32>} : memref<3x1024xf32, #tpu.memory_space<vmem>>, vector<1x16xf32>,
      %get3A_389 = vector.shape_cast %get3A_388 : vector<1x16xf32> to vector<16xf32>
      %mul3A_390 = arith.mulf %get3A_379, %get3A_379 : vector<16xf32>
      %add3A_391 = arith.addf %scan3A_329, %mul3A_390 : vector<16xf32>
      %mul3A_392 = arith.mulf %get3A_384, %get3A_384 : vector<16xf32>
      %add3A_393 = arith.addf %scan3A_330, %mul3A_392 : vector<16xf32>
      %mul3A_394 = arith.mulf %get3A_389, %get3A_389 : vector<16xf32>
      %add3A_395 = arith.addf %scan3A_331, %mul3A_394 : vector<16xf32>
      scf.yield %add3A_391, %add3A_393, %add3A_395 : vector<16xf32>, vector<16xf32>, vector<16xf32>
    }
    %scan3A_8 = arith.constant 64 : i32
    %xor3A = arith.constant 8 : i32
    %xor3A_9 = vector.broadcast %xor3A : i32 to vector<16xi32>
    %xor3A_10 = arith.xori %iota3A, %xor3A_9 : vector<16xi32>
    %lt3A = arith.constant 0 : i32
    %lt3A_11 = vector.broadcast %lt3A : i32 to vector<16xi32>
    %lt3A_12 = arith.cmpi slt, %xor3A_10, %lt3A_11 : vector<16xi32>
    %add3A_13 = arith.constant 16 : i32
    %add3A_14 = vector.broadcast %add3A_13 : i32 to vector<16xi32>
    %add3A_15 = arith.addi %xor3A_10, %add3A_14 : vector<16xi32>
    %select_n3A = arith.select %lt3A_12, %add3A_15, %xor3A_10 : vector<16xi1>, vector<16xi32>
    %broadcast_in_dim3A_16 = vector.shape_cast %select_n3A : vector<16xi32> to vector<16x1xi32>
    %gather3A = vector.shape_cast %broadcast_in_dim3A_16 : vector<16x1xi32> to vector<16xi32>
    %gather3A_17 = tpu.dynamic_gather %scan3A_7#0[%gather3A] in [0] : vector<16xf32>, vector<16xi32> -> vector<16xf32>
    %add3A_18 = arith.addf %scan3A_7#0, %gather3A_17 : vector<16xf32>
    %xor3A_19 = arith.constant 4 : i32
    %xor3A_20 = vector.broadcast %xor3A_19 : i32 to vector<16xi32>
    %xor3A_21 = arith.xori %iota3A, %xor3A_20 : vector<16xi32>
    %lt3A_22 = arith.constant 0 : i32
    %lt3A_23 = vector.broadcast %lt3A_22 : i32 to vector<16xi32>
    %lt3A_24 = arith.cmpi slt, %xor3A_21, %lt3A_23 : vector<16xi32>
    %add3A_25 = arith.constant 16 : i32
    %add3A_26 = vector.broadcast %add3A_25 : i32 to vector<16xi32>
    %add3A_27 = arith.addi %xor3A_21, %add3A_26 : vector<16xi32>
    %select_n3A_28 = arith.select %lt3A_24, %add3A_27, %xor3A_21 : vector<16xi1>, vector<16xi32>
    %broadcast_in_dim3A_29 = vector.shape_cast %select_n3A_28 : vector<16xi32> to vector<16x1xi32>
    %gather3A_30 = vector.shape_cast %broadcast_in_dim3A_29 : vector<16x1xi32> to vector<16xi32>
    %gather3A_31 = tpu.dynamic_gather %add3A_18[%gather3A_30] in [0] : vector<16xf32>, vector<16xi32> -> vector<16xf32>
    %add3A_32 = arith.addf %add3A_18, %gather3A_31 : vector<16xf32>
    %xor3A_33 = arith.constant 2 : i32
    %xor3A_34 = vector.broadcast %xor3A_33 : i32 to vector<16xi32>
    %xor3A_35 = arith.xori %iota3A, %xor3A_34 : vector<16xi32>
    %lt3A_36 = arith.constant 0 : i32
    %lt3A_37 = vector.broadcast %lt3A_36 : i32 to vector<16xi32>
    %lt3A_38 = arith.cmpi slt, %xor3A_35, %lt3A_37 : vector<16xi32>
    %add3A_39 = arith.constant 16 : i32
    %add3A_40 = vector.broadcast %add3A_39 : i32 to vector<16xi32>
    %add3A_41 = arith.addi %xor3A_35, %add3A_40 : vector<16xi32>
    %select_n3A_42 = arith.select %lt3A_38, %add3A_41, %xor3A_35 : vector<16xi1>, vector<16xi32>
    %broadcast_in_dim3A_43 = vector.shape_cast %select_n3A_42 : vector<16xi32> to vector<16x1xi32>
    %gather3A_44 = vector.shape_cast %broadcast_in_dim3A_43 : vector<16x1xi32> to vector<16xi32>
    %gather3A_45 = tpu.dynamic_gather %add3A_32[%gather3A_44] in [0] : vector<16xf32>, vector<16xi32> -> vector<16xf32>
    %add3A_46 = arith.addf %add3A_32, %gather3A_45 : vector<16xf32>
    %xor3A_47 = arith.constant 1 : i32
    %xor3A_48 = vector.broadcast %xor3A_47 : i32 to vector<16xi32>
    %xor3A_49 = arith.xori %iota3A, %xor3A_48 : vector<16xi32>
    %lt3A_50 = arith.constant 0 : i32
    %lt3A_51 = vector.broadcast %lt3A_50 : i32 to vector<16xi32>
    %lt3A_52 = arith.cmpi slt, %xor3A_49, %lt3A_51 : vector<16xi32>
    %add3A_53 = arith.constant 16 : i32
    %add3A_54 = vector.broadcast %add3A_53 : i32 to vector<16xi32>
    %add3A_55 = arith.addi %xor3A_49, %add3A_54 : vector<16xi32>
    %select_n3A_56 = arith.select %lt3A_52, %add3A_55, %xor3A_49 : vector<16xi1>, vector<16xi32>
    %broadcast_in_dim3A_57 = vector.shape_cast %select_n3A_56 : vector<16xi32> to vector<16x1xi32>
    %gather3A_58 = vector.shape_cast %broadcast_in_dim3A_57 : vector<16x1xi32> to vector<16xi32>
    %gather3A_59 = tpu.dynamic_gather %add3A_46[%gather3A_58] in [0] : vector<16xf32>, vector<16xi32> -> vector<16xf32>
    %add3A_60 = arith.addf %add3A_46, %gather3A_59 : vector<16xf32>
    %bitcast_convert_type3A = tpu.bitcast %add3A_60 : vector<16xf32> -> vector<16xi32>
    %broadcast_in_dim3A_61 = arith.constant 1597463007 : i32
    %broadcast_in_dim3A_62 = vector.broadcast %broadcast_in_dim3A_61 : i32 to vector<16xi32>
    %broadcast_in_dim3A_63 = arith.constant 1 : i32
    %broadcast_in_dim3A_64 = vector.broadcast %broadcast_in_dim3A_63 : i32 to vector<16xi32>
    %shift_right_arithmetic3A = arith.shrsi %bitcast_convert_type3A, %broadcast_in_dim3A_64 : vector<16xi32>
    %sub3A = arith.subi %broadcast_in_dim3A_62, %shift_right_arithmetic3A : vector<16xi32>
    %bitcast_convert_type3A_65 = tpu.bitcast %sub3A : vector<16xi32> -> vector<16xf32>
    %mul3A_66 = arith.constant 5.000000e-01 : f32
    %mul3A_67 = vector.broadcast %mul3A_66 : f32 to vector<16xf32>
    %mul3A_68 = arith.mulf %mul3A_67, %add3A_60 : vector<16xf32>
    %mul3A_69 = arith.mulf %mul3A_68, %bitcast_convert_type3A_65 : vector<16xf32>
    %mul3A_70 = arith.mulf %mul3A_69, %bitcast_convert_type3A_65 : vector<16xf32>
    %sub3A_71 = arith.constant 1.500000e+00 : f32
    %sub3A_72 = vector.broadcast %sub3A_71 : f32 to vector<16xf32>
    %sub3A_73 = arith.subf %sub3A_72, %mul3A_70 : vector<16xf32>
    %mul3A_74 = arith.mulf %bitcast_convert_type3A_65, %sub3A_73 : vector<16xf32>
    %mul3A_75 = arith.constant 5.000000e-01 : f32
    %mul3A_76 = vector.broadcast %mul3A_75 : f32 to vector<16xf32>
    %mul3A_77 = arith.mulf %mul3A_76, %add3A_60 : vector<16xf32>
    %mul3A_78 = arith.mulf %mul3A_77, %mul3A_74 : vector<16xf32>
    %mul3A_79 = arith.mulf %mul3A_78, %mul3A_74 : vector<16xf32>
    %sub3A_80 = arith.constant 1.500000e+00 : f32
    %sub3A_81 = vector.broadcast %sub3A_80 : f32 to vector<16xf32>
    %sub3A_82 = arith.subf %sub3A_81, %mul3A_79 : vector<16xf32>
    %mul3A_83 = arith.mulf %mul3A_74, %sub3A_82 : vector<16xf32>
    %mul3A_84 = arith.constant 5.000000e-01 : f32
    %mul3A_85 = vector.broadcast %mul3A_84 : f32 to vector<16xf32>
    %mul3A_86 = arith.mulf %mul3A_85, %add3A_60 : vector<16xf32>
    %mul3A_87 = arith.mulf %mul3A_86, %mul3A_83 : vector<16xf32>
    %mul3A_88 = arith.mulf %mul3A_87, %mul3A_83 : vector<16xf32>
    %sub3A_89 = arith.constant 1.500000e+00 : f32
    %sub3A_90 = vector.broadcast %sub3A_89 : f32 to vector<16xf32>
    %sub3A_91 = arith.subf %sub3A_90, %mul3A_88 : vector<16xf32>
    %mul3A_92 = arith.mulf %mul3A_83, %sub3A_91 : vector<16xf32>
    %xor3A_93 = arith.constant 8 : i32
    %xor3A_94 = vector.broadcast %xor3A_93 : i32 to vector<16xi32>
    %xor3A_95 = arith.xori %iota3A, %xor3A_94 : vector<16xi32>
    %lt3A_96 = arith.constant 0 : i32
    %lt3A_97 = vector.broadcast %lt3A_96 : i32 to vector<16xi32>
    %lt3A_98 = arith.cmpi slt, %xor3A_95, %lt3A_97 : vector<16xi32>
    %add3A_99 = arith.constant 16 : i32
    %add3A_100 = vector.broadcast %add3A_99 : i32 to vector<16xi32>
    %add3A_101 = arith.addi %xor3A_95, %add3A_100 : vector<16xi32>
    %select_n3A_102 = arith.select %lt3A_98, %add3A_101, %xor3A_95 : vector<16xi1>, vector<16xi32>
    %broadcast_in_dim3A_103 = vector.shape_cast %select_n3A_102 : vector<16xi32> to vector<16x1xi32>
    %gather3A_104 = vector.shape_cast %broadcast_in_dim3A_103 : vector<16x1xi32> to vector<16xi32>
    %gather3A_105 = tpu.dynamic_gather %scan3A_7#1[%gather3A_104] in [0] : vector<16xf32>, vector<16xi32> -> vector<16xf32>
    %add3A_106 = arith.addf %scan3A_7#1, %gather3A_105 : vector<16xf32>
    %xor3A_107 = arith.constant 4 : i32
    %xor3A_108 = vector.broadcast %xor3A_107 : i32 to vector<16xi32>
    %xor3A_109 = arith.xori %iota3A, %xor3A_108 : vector<16xi32>
    %lt3A_110 = arith.constant 0 : i32
    %lt3A_111 = vector.broadcast %lt3A_110 : i32 to vector<16xi32>
    %lt3A_112 = arith.cmpi slt, %xor3A_109, %lt3A_111 : vector<16xi32>
    %add3A_113 = arith.constant 16 : i32
    %add3A_114 = vector.broadcast %add3A_113 : i32 to vector<16xi32>
    %add3A_115 = arith.addi %xor3A_109, %add3A_114 : vector<16xi32>
    %select_n3A_116 = arith.select %lt3A_112, %add3A_115, %xor3A_109 : vector<16xi1>, vector<16xi32>
    %broadcast_in_dim3A_117 = vector.shape_cast %select_n3A_116 : vector<16xi32> to vector<16x1xi32>
    %gather3A_118 = vector.shape_cast %broadcast_in_dim3A_117 : vector<16x1xi32> to vector<16xi32>
    %gather3A_119 = tpu.dynamic_gather %add3A_106[%gather3A_118] in [0] : vector<16xf32>, vector<16xi32> -> vector<16xf32>
    %add3A_120 = arith.addf %add3A_106, %gather3A_119 : vector<16xf32>
    %xor3A_121 = arith.constant 2 : i32
    %xor3A_122 = vector.broadcast %xor3A_121 : i32 to vector<16xi32>
    %xor3A_123 = arith.xori %iota3A, %xor3A_122 : vector<16xi32>
    %lt3A_124 = arith.constant 0 : i32
    %lt3A_125 = vector.broadcast %lt3A_124 : i32 to vector<16xi32>
    %lt3A_126 = arith.cmpi slt, %xor3A_123, %lt3A_125 : vector<16xi32>
    %add3A_127 = arith.constant 16 : i32
    %add3A_128 = vector.broadcast %add3A_127 : i32 to vector<16xi32>
    %add3A_129 = arith.addi %xor3A_123, %add3A_128 : vector<16xi32>
    %select_n3A_130 = arith.select %lt3A_126, %add3A_129, %xor3A_123 : vector<16xi1>, vector<16xi32>
    %broadcast_in_dim3A_131 = vector.shape_cast %select_n3A_130 : vector<16xi32> to vector<16x1xi32>
    %gather3A_132 = vector.shape_cast %broadcast_in_dim3A_131 : vector<16x1xi32> to vector<16xi32>
    %gather3A_133 = tpu.dynamic_gather %add3A_120[%gather3A_132] in [0] : vector<16xf32>, vector<16xi32> -> vector<16xf32>
    %add3A_134 = arith.addf %add3A_120, %gather3A_133 : vector<16xf32>
    %xor3A_135 = arith.constant 1 : i32
    %xor3A_136 = vector.broadcast %xor3A_135 : i32 to vector<16xi32>
    %xor3A_137 = arith.xori %iota3A, %xor3A_136 : vector<16xi32>
    %lt3A_138 = arith.constant 0 : i32
    %lt3A_139 = vector.broadcast %lt3A_138 : i32 to vector<16xi32>
    %lt3A_140 = arith.cmpi slt, %xor3A_137, %lt3A_139 : vector<16xi32>
    %add3A_141 = arith.constant 16 : i32
    %add3A_142 = vector.broadcast %add3A_141 : i32 to vector<16xi32>
    %add3A_143 = arith.addi %xor3A_137, %add3A_142 : vector<16xi32>
    %select_n3A_144 = arith.select %lt3A_140, %add3A_143, %xor3A_137 : vector<16xi1>, vector<16xi32>
    %broadcast_in_dim3A_145 = vector.shape_cast %select_n3A_144 : vector<16xi32> to vector<16x1xi32>
    %gather3A_146 = vector.shape_cast %broadcast_in_dim3A_145 : vector<16x1xi32> to vector<16xi32>
    %gather3A_147 = tpu.dynamic_gather %add3A_134[%gather3A_146] in [0] : vector<16xf32>, vector<16xi32> -> vector<16xf32>
    %add3A_148 = arith.addf %add3A_134, %gather3A_147 : vector<16xf32>
    %bitcast_convert_type3A_149 = tpu.bitcast %add3A_148 : vector<16xf32> -> vector<16xi32>
    %broadcast_in_dim3A_150 = arith.constant 1597463007 : i32
    %broadcast_in_dim3A_151 = vector.broadcast %broadcast_in_dim3A_150 : i32 to vector<16xi32>
    %broadcast_in_dim3A_152 = arith.constant 1 : i32
    %broadcast_in_dim3A_153 = vector.broadcast %broadcast_in_dim3A_152 : i32 to vector<16xi32>
    %shift_right_arithmetic3A_154 = arith.shrsi %bitcast_convert_type3A_149, %broadcast_in_dim3A_153 : vector<16xi32>
    %sub3A_155 = arith.subi %broadcast_in_dim3A_151, %shift_right_arithmetic3A_154 : vector<16xi32>
    %bitcast_convert_type3A_156 = tpu.bitcast %sub3A_155 : vector<16xi32> -> vector<16xf32>
    %mul3A_157 = arith.constant 5.000000e-01 : f32
    %mul3A_158 = vector.broadcast %mul3A_157 : f32 to vector<16xf32>
    %mul3A_159 = arith.mulf %mul3A_158, %add3A_148 : vector<16xf32>
    %mul3A_160 = arith.mulf %mul3A_159, %bitcast_convert_type3A_156 : vector<16xf32>
    %mul3A_161 = arith.mulf %mul3A_160, %bitcast_convert_type3A_156 : vector<16xf32>
    %sub3A_162 = arith.constant 1.500000e+00 : f32
    %sub3A_163 = vector.broadcast %sub3A_162 : f32 to vector<16xf32>
    %sub3A_164 = arith.subf %sub3A_163, %mul3A_161 : vector<16xf32>
    %mul3A_165 = arith.mulf %bitcast_convert_type3A_156, %sub3A_164 : vector<16xf32>
    %mul3A_166 = arith.constant 5.000000e-01 : f32
    %mul3A_167 = vector.broadcast %mul3A_166 : f32 to vector<16xf32>
    %mul3A_168 = arith.mulf %mul3A_167, %add3A_148 : vector<16xf32>
    %mul3A_169 = arith.mulf %mul3A_168, %mul3A_165 : vector<16xf32>
    %mul3A_170 = arith.mulf %mul3A_169, %mul3A_165 : vector<16xf32>
    %sub3A_171 = arith.constant 1.500000e+00 : f32
    %sub3A_172 = vector.broadcast %sub3A_171 : f32 to vector<16xf32>
    %sub3A_173 = arith.subf %sub3A_172, %mul3A_170 : vector<16xf32>
    %mul3A_174 = arith.mulf %mul3A_165, %sub3A_173 : vector<16xf32>
    %mul3A_175 = arith.constant 5.000000e-01 : f32
    %mul3A_176 = vector.broadcast %mul3A_175 : f32 to vector<16xf32>
    %mul3A_177 = arith.mulf %mul3A_176, %add3A_148 : vector<16xf32>
    %mul3A_178 = arith.mulf %mul3A_177, %mul3A_174 : vector<16xf32>
    %mul3A_179 = arith.mulf %mul3A_178, %mul3A_174 : vector<16xf32>
    %sub3A_180 = arith.constant 1.500000e+00 : f32
    %sub3A_181 = vector.broadcast %sub3A_180 : f32 to vector<16xf32>
    %sub3A_182 = arith.subf %sub3A_181, %mul3A_179 : vector<16xf32>
    %mul3A_183 = arith.mulf %mul3A_174, %sub3A_182 : vector<16xf32>
    %xor3A_184 = arith.constant 8 : i32
    %xor3A_185 = vector.broadcast %xor3A_184 : i32 to vector<16xi32>
    %xor3A_186 = arith.xori %iota3A, %xor3A_185 : vector<16xi32>
    %lt3A_187 = arith.constant 0 : i32
    %lt3A_188 = vector.broadcast %lt3A_187 : i32 to vector<16xi32>
    %lt3A_189 = arith.cmpi slt, %xor3A_186, %lt3A_188 : vector<16xi32>
    %add3A_190 = arith.constant 16 : i32
    %add3A_191 = vector.broadcast %add3A_190 : i32 to vector<16xi32>
    %add3A_192 = arith.addi %xor3A_186, %add3A_191 : vector<16xi32>
    %select_n3A_193 = arith.select %lt3A_189, %add3A_192, %xor3A_186 : vector<16xi1>, vector<16xi32>
    %broadcast_in_dim3A_194 = vector.shape_cast %select_n3A_193 : vector<16xi32> to vector<16x1xi32>
    %gather3A_195 = vector.shape_cast %broadcast_in_dim3A_194 : vector<16x1xi32> to vector<16xi32>
    %gather3A_196 = tpu.dynamic_gather %scan3A_7#2[%gather3A_195] in [0] : vector<16xf32>, vector<16xi32> -> vector<16xf32>
    %add3A_197 = arith.addf %scan3A_7#2, %gather3A_196 : vector<16xf32>
    %xor3A_198 = arith.constant 4 : i32
    %xor3A_199 = vector.broadcast %xor3A_198 : i32 to vector<16xi32>
    %xor3A_200 = arith.xori %iota3A, %xor3A_199 : vector<16xi32>
    %lt3A_201 = arith.constant 0 : i32
    %lt3A_202 = vector.broadcast %lt3A_201 : i32 to vector<16xi32>
    %lt3A_203 = arith.cmpi slt, %xor3A_200, %lt3A_202 : vector<16xi32>
    %add3A_204 = arith.constant 16 : i32
    %add3A_205 = vector.broadcast %add3A_204 : i32 to vector<16xi32>
    %add3A_206 = arith.addi %xor3A_200, %add3A_205 : vector<16xi32>
    %select_n3A_207 = arith.select %lt3A_203, %add3A_206, %xor3A_200 : vector<16xi1>, vector<16xi32>
    %broadcast_in_dim3A_208 = vector.shape_cast %select_n3A_207 : vector<16xi32> to vector<16x1xi32>
    %gather3A_209 = vector.shape_cast %broadcast_in_dim3A_208 : vector<16x1xi32> to vector<16xi32>
    %gather3A_210 = tpu.dynamic_gather %add3A_197[%gather3A_209] in [0] : vector<16xf32>, vector<16xi32> -> vector<16xf32>
    %add3A_211 = arith.addf %add3A_197, %gather3A_210 : vector<16xf32>
    %xor3A_212 = arith.constant 2 : i32
    %xor3A_213 = vector.broadcast %xor3A_212 : i32 to vector<16xi32>
    %xor3A_214 = arith.xori %iota3A, %xor3A_213 : vector<16xi32>
    %lt3A_215 = arith.constant 0 : i32
    %lt3A_216 = vector.broadcast %lt3A_215 : i32 to vector<16xi32>
    %lt3A_217 = arith.cmpi slt, %xor3A_214, %lt3A_216 : vector<16xi32>
    %add3A_218 = arith.constant 16 : i32
    %add3A_219 = vector.broadcast %add3A_218 : i32 to vector<16xi32>
    %add3A_220 = arith.addi %xor3A_214, %add3A_219 : vector<16xi32>
    %select_n3A_221 = arith.select %lt3A_217, %add3A_220, %xor3A_214 : vector<16xi1>, vector<16xi32>
    %broadcast_in_dim3A_222 = vector.shape_cast %select_n3A_221 : vector<16xi32> to vector<16x1xi32>
    %gather3A_223 = vector.shape_cast %broadcast_in_dim3A_222 : vector<16x1xi32> to vector<16xi32>
    %gather3A_224 = tpu.dynamic_gather %add3A_211[%gather3A_223] in [0] : vector<16xf32>, vector<16xi32> -> vector<16xf32>
    %add3A_225 = arith.addf %add3A_211, %gather3A_224 : vector<16xf32>
    %xor3A_226 = arith.constant 1 : i32
    %xor3A_227 = vector.broadcast %xor3A_226 : i32 to vector<16xi32>
    %xor3A_228 = arith.xori %iota3A, %xor3A_227 : vector<16xi32>
    %lt3A_229 = arith.constant 0 : i32
    %lt3A_230 = vector.broadcast %lt3A_229 : i32 to vector<16xi32>
    %lt3A_231 = arith.cmpi slt, %xor3A_228, %lt3A_230 : vector<16xi32>
    %add3A_232 = arith.constant 16 : i32
    %add3A_233 = vector.broadcast %add3A_232 : i32 to vector<16xi32>
    %add3A_234 = arith.addi %xor3A_228, %add3A_233 : vector<16xi32>
    %select_n3A_235 = arith.select %lt3A_231, %add3A_234, %xor3A_228 : vector<16xi1>, vector<16xi32>
    %broadcast_in_dim3A_236 = vector.shape_cast %select_n3A_235 : vector<16xi32> to vector<16x1xi32>
    %gather3A_237 = vector.shape_cast %broadcast_in_dim3A_236 : vector<16x1xi32> to vector<16xi32>
    %gather3A_238 = tpu.dynamic_gather %add3A_225[%gather3A_237] in [0] : vector<16xf32>, vector<16xi32> -> vector<16xf32>
    %add3A_239 = arith.addf %add3A_225, %gather3A_238 : vector<16xf32>
    %bitcast_convert_type3A_240 = tpu.bitcast %add3A_239 : vector<16xf32> -> vector<16xi32>
    %broadcast_in_dim3A_241 = arith.constant 1597463007 : i32
    %broadcast_in_dim3A_242 = vector.broadcast %broadcast_in_dim3A_241 : i32 to vector<16xi32>
    %broadcast_in_dim3A_243 = arith.constant 1 : i32
    %broadcast_in_dim3A_244 = vector.broadcast %broadcast_in_dim3A_243 : i32 to vector<16xi32>
    %shift_right_arithmetic3A_245 = arith.shrsi %bitcast_convert_type3A_240, %broadcast_in_dim3A_244 : vector<16xi32>
    %sub3A_246 = arith.subi %broadcast_in_dim3A_242, %shift_right_arithmetic3A_245 : vector<16xi32>
    %bitcast_convert_type3A_247 = tpu.bitcast %sub3A_246 : vector<16xi32> -> vector<16xf32>
    %mul3A_248 = arith.constant 5.000000e-01 : f32
    %mul3A_249 = vector.broadcast %mul3A_248 : f32 to vector<16xf32>
    %mul3A_250 = arith.mulf %mul3A_249, %add3A_239 : vector<16xf32>
    %mul3A_251 = arith.mulf %mul3A_250, %bitcast_convert_type3A_247 : vector<16xf32>
    %mul3A_252 = arith.mulf %mul3A_251, %bitcast_convert_type3A_247 : vector<16xf32>
    %sub3A_253 = arith.constant 1.500000e+00 : f32
    %sub3A_254 = vector.broadcast %sub3A_253 : f32 to vector<16xf32>
    %sub3A_255 = arith.subf %sub3A_254, %mul3A_252 : vector<16xf32>
    %mul3A_256 = arith.mulf %bitcast_convert_type3A_247, %sub3A_255 : vector<16xf32>
    %mul3A_257 = arith.constant 5.000000e-01 : f32
    %mul3A_258 = vector.broadcast %mul3A_257 : f32 to vector<16xf32>
    %mul3A_259 = arith.mulf %mul3A_258, %add3A_239 : vector<16xf32>
    %mul3A_260 = arith.mulf %mul3A_259, %mul3A_256 : vector<16xf32>
    %mul3A_261 = arith.mulf %mul3A_260, %mul3A_256 : vector<16xf32>
    %sub3A_262 = arith.constant 1.500000e+00 : f32
    %sub3A_263 = vector.broadcast %sub3A_262 : f32 to vector<16xf32>
    %sub3A_264 = arith.subf %sub3A_263, %mul3A_261 : vector<16xf32>
    %mul3A_265 = arith.mulf %mul3A_256, %sub3A_264 : vector<16xf32>
    %mul3A_266 = arith.constant 5.000000e-01 : f32
    %mul3A_267 = vector.broadcast %mul3A_266 : f32 to vector<16xf32>
    %mul3A_268 = arith.mulf %mul3A_267, %add3A_239 : vector<16xf32>
    %mul3A_269 = arith.mulf %mul3A_268, %mul3A_265 : vector<16xf32>
    %mul3A_270 = arith.mulf %mul3A_269, %mul3A_265 : vector<16xf32>
    %sub3A_271 = arith.constant 1.500000e+00 : f32
    %sub3A_272 = vector.broadcast %sub3A_271 : f32 to vector<16xf32>
    %sub3A_273 = arith.subf %sub3A_272, %mul3A_270 : vector<16xf32>
    %mul3A_274 = arith.mulf %mul3A_265, %sub3A_273 : vector<16xf32>
    %scan3A_275 = arith.constant 0 : i32
    %scan3A_276 = arith.constant 0 : i32
    %scan3A_277 = arith.constant 64 : i32
    %scan3A_278 = arith.addi %scan3A_276, %scan3A_277 : i32
    %scan3A_279 = arith.constant 1 : i32
    scf.for %scan3A_328 = %scan3A_276 to %scan3A_278 step %scan3A_279  : i32 {
      %mul3A_329 = arith.constant 16 : i32
      %mul3A_330 = arith.muli %scan3A_328, %mul3A_329 : i32
      %multiple_of3A_331 = tpu.assume_multiple %mul3A_330, 16 : i32
      %get3A = arith.constant 0 : i32
      %get3A_332 = arith.index_cast %get3A : i32 to index
      %get3A_333 = arith.index_cast %multiple_of3A_331 : i32 to index
      %get3A_334 = tpu.vector_load %arg11[%get3A_332, %get3A_333] {strides = array<i32>} : memref<3x1024xf32, #tpu.memory_space<vmem>>, vector<1x16xf32>,
      %get3A_335 = vector.shape_cast %get3A_334 : vector<1x16xf32> to vector<16xf32>
      %mul3A_336 = arith.mulf %get3A_335, %mul3A_92 : vector<16xf32>
      %swap3A = arith.constant 0 : i32
      %swap3A_337 = arith.index_cast %swap3A : i32 to index
      %swap3A_338 = arith.index_cast %multiple_of3A_331 : i32 to index
      %swap3A_339 = tpu.vector_load %arg11[%swap3A_337, %swap3A_338] {strides = array<i32>} : memref<3x1024xf32, #tpu.memory_space<vmem>>, vector<1x16xf32>,
      %swap3A_340 = vector.shape_cast %swap3A_339 : vector<1x16xf32> to vector<16xf32>
      %swap3A_341 = vector.shape_cast %mul3A_336 : vector<16xf32> to vector<1x16xf32>
      tpu.vector_store %arg11[%swap3A_337, %swap3A_338], %swap3A_341 {strides = array<i32>} : memref<3x1024xf32, #tpu.memory_space<vmem>>, vector<1x16xf32>,
      %get3A_342 = arith.constant 1 : i32
      %get3A_343 = arith.index_cast %get3A_342 : i32 to index
      %get3A_344 = arith.index_cast %multiple_of3A_331 : i32 to index
      %get3A_345 = tpu.vector_load %arg11[%get3A_343, %get3A_344] {strides = array<i32>} : memref<3x1024xf32, #tpu.memory_space<vmem>>, vector<1x16xf32>,
      %get3A_346 = vector.shape_cast %get3A_345 : vector<1x16xf32> to vector<16xf32>
      %mul3A_347 = arith.mulf %get3A_346, %mul3A_183 : vector<16xf32>
      %swap3A_348 = arith.constant 1 : i32
      %swap3A_349 = arith.index_cast %swap3A_348 : i32 to index
      %swap3A_350 = arith.index_cast %multiple_of3A_331 : i32 to index
      %swap3A_351 = tpu.vector_load %arg11[%swap3A_349, %swap3A_350] {strides = array<i32>} : memref<3x1024xf32, #tpu.memory_space<vmem>>, vector<1x16xf32>,
      %swap3A_352 = vector.shape_cast %swap3A_351 : vector<1x16xf32> to vector<16xf32>
      %swap3A_353 = vector.shape_cast %mul3A_347 : vector<16xf32> to vector<1x16xf32>
      tpu.vector_store %arg11[%swap3A_349, %swap3A_350], %swap3A_353 {strides = array<i32>} : memref<3x1024xf32, #tpu.memory_space<vmem>>, vector<1x16xf32>,
      %get3A_354 = arith.constant 2 : i32
      %get3A_355 = arith.index_cast %get3A_354 : i32 to index
      %get3A_356 = arith.index_cast %multiple_of3A_331 : i32 to index
      %get3A_357 = tpu.vector_load %arg11[%get3A_355, %get3A_356] {strides = array<i32>} : memref<3x1024xf32, #tpu.memory_space<vmem>>, vector<1x16xf32>,
      %get3A_358 = vector.shape_cast %get3A_357 : vector<1x16xf32> to vector<16xf32>
      %mul3A_359 = arith.mulf %get3A_358, %mul3A_274 : vector<16xf32>
      %swap3A_360 = arith.constant 2 : i32
      %swap3A_361 = arith.index_cast %swap3A_360 : i32 to index
      %swap3A_362 = arith.index_cast %multiple_of3A_331 : i32 to index
      %swap3A_363 = tpu.vector_load %arg11[%swap3A_361, %swap3A_362] {strides = array<i32>} : memref<3x1024xf32, #tpu.memory_space<vmem>>, vector<1x16xf32>,
      %swap3A_364 = vector.shape_cast %swap3A_363 : vector<1x16xf32> to vector<16xf32>
      %swap3A_365 = vector.shape_cast %mul3A_359 : vector<16xf32> to vector<1x16xf32>
      tpu.vector_store %arg11[%swap3A_361, %swap3A_362], %swap3A_365 {strides = array<i32>} : memref<3x1024xf32, #tpu.memory_space<vmem>>, vector<1x16xf32>,
    }
    %scan3A_280 = arith.constant 64 : i32
    %broadcast_in_dim3A_281 = arith.constant 16 : i32
    %broadcast_in_dim3A_282 = vector.broadcast %broadcast_in_dim3A_281 : i32 to vector<16xi32>
    %add3A_283 = arith.constant 0 : i32
    %add3A_284 = arith.addi %multiple_of3A, %add3A_283 : i32
    %dma_start3A = arith.constant 0 : i32
    %dma_start3A_285 = arith.constant 0 : i32
    %dma_start3A_286 = arith.constant 0 : i32
    %dma_start3A_287 = tpu.memref_slice %arg12[%dma_start3A, %dma_start3A_285, %dma_start3A_286] : memref<2x8x1024xf32, #tpu.memory_space<vmem>> -> memref<1x8x1024xf32, #tpu.memory_space<vmem>>
    %dma_start3A_288 = tpu.memref_squeeze %dma_start3A_287 : memref<1x8x1024xf32, #tpu.memory_space<vmem>> -> memref<8x1024xf32, #tpu.memory_space<vmem>>
    %dma_start3A_289 = arith.constant 0 : i32
    %dma_start3A_290 = tpu.memref_slice %arg9[%dma_start3A_289] : memref<512xi32, #tpu.memory_space<vmem>> -> memref<8xi32, #tpu.memory_space<vmem>>
    %dma_start3A_291 = arith.constant 0 : i32
    %dma_start3A_292 = arith.constant 0 : i32
    %dma_start3A_293 = tpu.memref_slice %arg4[%dma_start3A_291, %dma_start3A_292] : memref<100000x1024xf32, #tpu.memory_space<hbm>> -> memref<100000x1024xf32, #tpu.memory_space<hbm>>
    tpu.enqueue_indirect_dma source(%dma_start3A_293 : memref<100000x1024xf32, #tpu.memory_space<hbm>>) target(%dma_start3A_288 : memref<8x1024xf32, #tpu.memory_space<vmem>>) offsets(%dma_start3A_290 : memref<8xi32, #tpu.memory_space<vmem>>) semaphore(%arg16 : memref<!tpu.dma_semaphore, #tpu.memory_space<semaphore_mem>>)
    %dma_start3A_294 = arith.constant 0 : i32
    %dma_start3A_295 = arith.constant 0 : i32
    %dma_start3A_296 = arith.constant 0 : i32
    %dma_start3A_297 = tpu.memref_slice %arg13[%dma_start3A_294, %dma_start3A_295, %dma_start3A_296] : memref<2x8x1024xf32, #tpu.memory_space<vmem>> -> memref<1x8x1024xf32, #tpu.memory_space<vmem>>
    %dma_start3A_298 = tpu.memref_squeeze %dma_start3A_297 : memref<1x8x1024xf32, #tpu.memory_space<vmem>> -> memref<8x1024xf32, #tpu.memory_space<vmem>>
    %dma_start3A_299 = arith.constant 0 : i32
    %dma_start3A_300 = tpu.memref_slice %arg2[%add3A_284, %dma_start3A_299] : memref<16384x1024xf32, #tpu.memory_space<hbm>> -> memref<8x1024xf32, #tpu.memory_space<hbm>>
    %dma_start3A_301 = arith.constant 0 : i32
    %dma_start3A_302 = arith.constant 0 : i32
    %dma_start3A_303 = tpu.memref_slice %arg13[%dma_start3A_294, %dma_start3A_301, %dma_start3A_302] : memref<2x8x1024xf32, #tpu.memory_space<vmem>> -> memref<1x8x1024xf32, #tpu.memory_space<vmem>>
    %dma_start3A_304 = tpu.memref_squeeze %dma_start3A_303 : memref<1x8x1024xf32, #tpu.memory_space<vmem>> -> memref<8x1024xf32, #tpu.memory_space<vmem>>
    %dma_start3A_305 = arith.constant 0 : i32
    %dma_start3A_306 = tpu.memref_slice %arg2[%add3A_284, %dma_start3A_305] : memref<16384x1024xf32, #tpu.memory_space<hbm>> -> memref<8x1024xf32, #tpu.memory_space<hbm>>
    tpu.enqueue_dma source(%dma_start3A_306 : memref<8x1024xf32, #tpu.memory_space<hbm>>) target(%dma_start3A_304 : memref<8x1024xf32, #tpu.memory_space<vmem>>) target_semaphore(%arg16 : memref<!tpu.dma_semaphore, #tpu.memory_space<semaphore_mem>>)
    %dma_start3A_307 = arith.constant 0 : i32
    %dma_start3A_308 = arith.constant 0 : i32
    %dma_start3A_309 = arith.constant 0 : i32
    %dma_start3A_310 = tpu.memref_slice %arg14[%dma_start3A_307, %dma_start3A_308, %dma_start3A_309] : memref<2x8x1024xf32, #tpu.memory_space<vmem>> -> memref<1x8x1024xf32, #tpu.memory_space<vmem>>
    %dma_start3A_311 = tpu.memref_squeeze %dma_start3A_310 : memref<1x8x1024xf32, #tpu.memory_space<vmem>> -> memref<8x1024xf32, #tpu.memory_space<vmem>>
    %dma_start3A_312 = arith.constant 0 : i32
    %dma_start3A_313 = tpu.memref_slice %arg3[%add3A_284, %dma_start3A_312] : memref<16384x1024xf32, #tpu.memory_space<hbm>> -> memref<8x1024xf32, #tpu.memory_space<hbm>>
    %dma_start3A_314 = arith.constant 0 : i32
    %dma_start3A_315 = arith.constant 0 : i32
    %dma_start3A_316 = tpu.memref_slice %arg14[%dma_start3A_307, %dma_start3A_314, %dma_start3A_315] : memref<2x8x1024xf32, #tpu.memory_space<vmem>> -> memref<1x8x1024xf32, #tpu.memory_space<vmem>>
    %dma_start3A_317 = tpu.memref_squeeze %dma_start3A_316 : memref<1x8x1024xf32, #tpu.memory_space<vmem>> -> memref<8x1024xf32, #tpu.memory_space<vmem>>
    %dma_start3A_318 = arith.constant 0 : i32
    %dma_start3A_319 = tpu.memref_slice %arg3[%add3A_284, %dma_start3A_318] : memref<16384x1024xf32, #tpu.memory_space<hbm>> -> memref<8x1024xf32, #tpu.memory_space<hbm>>
    tpu.enqueue_dma source(%dma_start3A_319 : memref<8x1024xf32, #tpu.memory_space<hbm>>) target(%dma_start3A_317 : memref<8x1024xf32, #tpu.memory_space<vmem>>) target_semaphore(%arg16 : memref<!tpu.dma_semaphore, #tpu.memory_space<semaphore_mem>>)
    %scan3A_320 = arith.constant 0 : i32
    %scan3A_321 = arith.constant 0 : i32
    %scan3A_322 = arith.constant 32 : i32
    %scan3A_323 = arith.addi %scan3A_321, %scan3A_322 : i32
    %scan3A_324 = arith.constant 1 : i32
    scf.for %scan3A_328 = %scan3A_321 to %scan3A_323 step %scan3A_324  : i32 {
      %mul3A_329 = arith.constant 2 : i32
      %mul3A_330 = arith.muli %scan3A_328, %mul3A_329 : i32
      %add3A_331 = arith.constant 1 : i32
      %add3A_332 = arith.addi %mul3A_330, %add3A_331 : i32
      %mul3A_333 = arith.constant 8 : i32
      %mul3A_334 = arith.muli %add3A_332, %mul3A_333 : i32
      %add3A_335 = arith.addi %multiple_of3A, %mul3A_334 : i32
      %mul3A_336 = arith.constant 8 : i32
      %mul3A_337 = arith.muli %add3A_332, %mul3A_336 : i32
      %dma_start3A_338 = arith.constant 1 : i32
      %dma_start3A_339 = arith.constant 0 : i32
      %dma_start3A_340 = arith.constant 0 : i32
      %dma_start3A_341 = tpu.memref_slice %arg12[%dma_start3A_338, %dma_start3A_339, %dma_start3A_340] : memref<2x8x1024xf32, #tpu.memory_space<vmem>> -> memref<1x8x1024xf32, #tpu.memory_space<vmem>>
      %dma_start3A_342 = tpu.memref_squeeze %dma_start3A_341 : memref<1x8x1024xf32, #tpu.memory_space<vmem>> -> memref<8x1024xf32, #tpu.memory_space<vmem>>
      %dma_start3A_343 = tpu.memref_slice %arg9[%mul3A_337] : memref<512xi32, #tpu.memory_space<vmem>> -> memref<8xi32, #tpu.memory_space<vmem>>
      %dma_start3A_344 = arith.constant 0 : i32
      %dma_start3A_345 = arith.constant 0 : i32
      %dma_start3A_346 = tpu.memref_slice %arg4[%dma_start3A_344, %dma_start3A_345] : memref<100000x1024xf32, #tpu.memory_space<hbm>> -> memref<100000x1024xf32, #tpu.memory_space<hbm>>
      tpu.enqueue_indirect_dma source(%dma_start3A_346 : memref<100000x1024xf32, #tpu.memory_space<hbm>>) target(%dma_start3A_342 : memref<8x1024xf32, #tpu.memory_space<vmem>>) offsets(%dma_start3A_343 : memref<8xi32, #tpu.memory_space<vmem>>) semaphore(%arg17 : memref<!tpu.dma_semaphore, #tpu.memory_space<semaphore_mem>>)
      %dma_start3A_347 = arith.constant 1 : i32
      %dma_start3A_348 = arith.constant 0 : i32
      %dma_start3A_349 = arith.constant 0 : i32
      %dma_start3A_350 = tpu.memref_slice %arg13[%dma_start3A_347, %dma_start3A_348, %dma_start3A_349] : memref<2x8x1024xf32, #tpu.memory_space<vmem>> -> memref<1x8x1024xf32, #tpu.memory_space<vmem>>
      %dma_start3A_351 = tpu.memref_squeeze %dma_start3A_350 : memref<1x8x1024xf32, #tpu.memory_space<vmem>> -> memref<8x1024xf32, #tpu.memory_space<vmem>>
      %dma_start3A_352 = arith.constant 0 : i32
      %dma_start3A_353 = tpu.memref_slice %arg2[%add3A_335, %dma_start3A_352] : memref<16384x1024xf32, #tpu.memory_space<hbm>> -> memref<8x1024xf32, #tpu.memory_space<hbm>>
      %dma_start3A_354 = arith.constant 0 : i32
      %dma_start3A_355 = arith.constant 0 : i32
      %dma_start3A_356 = tpu.memref_slice %arg13[%dma_start3A_347, %dma_start3A_354, %dma_start3A_355] : memref<2x8x1024xf32, #tpu.memory_space<vmem>> -> memref<1x8x1024xf32, #tpu.memory_space<vmem>>
      %dma_start3A_357 = tpu.memref_squeeze %dma_start3A_356 : memref<1x8x1024xf32, #tpu.memory_space<vmem>> -> memref<8x1024xf32, #tpu.memory_space<vmem>>
      %dma_start3A_358 = arith.constant 0 : i32
      %dma_start3A_359 = tpu.memref_slice %arg2[%add3A_335, %dma_start3A_358] : memref<16384x1024xf32, #tpu.memory_space<hbm>> -> memref<8x1024xf32, #tpu.memory_space<hbm>>
      tpu.enqueue_dma source(%dma_start3A_359 : memref<8x1024xf32, #tpu.memory_space<hbm>>) target(%dma_start3A_357 : memref<8x1024xf32, #tpu.memory_space<vmem>>) target_semaphore(%arg17 : memref<!tpu.dma_semaphore, #tpu.memory_space<semaphore_mem>>)
      %dma_start3A_360 = arith.constant 1 : i32
      %dma_start3A_361 = arith.constant 0 : i32
      %dma_start3A_362 = arith.constant 0 : i32
      %dma_start3A_363 = tpu.memref_slice %arg14[%dma_start3A_360, %dma_start3A_361, %dma_start3A_362] : memref<2x8x1024xf32, #tpu.memory_space<vmem>> -> memref<1x8x1024xf32, #tpu.memory_space<vmem>>
      %dma_start3A_364 = tpu.memref_squeeze %dma_start3A_363 : memref<1x8x1024xf32, #tpu.memory_space<vmem>> -> memref<8x1024xf32, #tpu.memory_space<vmem>>
      %dma_start3A_365 = arith.constant 0 : i32
      %dma_start3A_366 = tpu.memref_slice %arg3[%add3A_335, %dma_start3A_365] : memref<16384x1024xf32, #tpu.memory_space<hbm>> -> memref<8x1024xf32, #tpu.memory_space<hbm>>
      %dma_start3A_367 = arith.constant 0 : i32
      %dma_start3A_368 = arith.constant 0 : i32
      %dma_start3A_369 = tpu.memref_slice %arg14[%dma_start3A_360, %dma_start3A_367, %dma_start3A_368] : memref<2x8x1024xf32, #tpu.memory_space<vmem>> -> memref<1x8x1024xf32, #tpu.memory_space<vmem>>
      %dma_start3A_370 = tpu.memref_squeeze %dma_start3A_369 : memref<1x8x1024xf32, #tpu.memory_space<vmem>> -> memref<8x1024xf32, #tpu.memory_space<vmem>>
      %dma_start3A_371 = arith.constant 0 : i32
      %dma_start3A_372 = tpu.memref_slice %arg3[%add3A_335, %dma_start3A_371] : memref<16384x1024xf32, #tpu.memory_space<hbm>> -> memref<8x1024xf32, #tpu.memory_space<hbm>>
      tpu.enqueue_dma source(%dma_start3A_372 : memref<8x1024xf32, #tpu.memory_space<hbm>>) target(%dma_start3A_370 : memref<8x1024xf32, #tpu.memory_space<vmem>>) target_semaphore(%arg17 : memref<!tpu.dma_semaphore, #tpu.memory_space<semaphore_mem>>)
      %mul3A_373 = arith.constant 8 : i32
      %mul3A_374 = arith.muli %mul3A_330, %mul3A_373 : i32
      %add3A_375 = arith.addi %multiple_of3A, %mul3A_374 : i32
      %mul3A_376 = arith.constant 8 : i32
      %mul3A_377 = arith.muli %mul3A_330, %mul3A_376 : i32
      %dma_wait3A = arith.constant 0 : i32
      %dma_wait3A_378 = arith.constant 0 : i32
      %dma_wait3A_379 = arith.constant 0 : i32
      %dma_wait3A_380 = tpu.memref_slice %arg12[%dma_wait3A, %dma_wait3A_378, %dma_wait3A_379] : memref<2x8x1024xf32, #tpu.memory_space<vmem>> -> memref<1x8x1024xf32, #tpu.memory_space<vmem>>
      %dma_wait3A_381 = tpu.memref_squeeze %dma_wait3A_380 : memref<1x8x1024xf32, #tpu.memory_space<vmem>> -> memref<8x1024xf32, #tpu.memory_space<vmem>>
      %dma_wait3A_382 = tpu.memref_slice %arg9[%mul3A_377] : memref<512xi32, #tpu.memory_space<vmem>> -> memref<8xi32, #tpu.memory_space<vmem>>
      %dma_wait3A_383 = arith.constant 0 : i32
      %dma_wait3A_384 = arith.constant 0 : i32
      %dma_wait3A_385 = tpu.memref_slice %arg4[%dma_wait3A_383, %dma_wait3A_384] : memref<100000x1024xf32, #tpu.memory_space<hbm>> -> memref<100000x1024xf32, #tpu.memory_space<hbm>>
      tpu.wait_indirect_dma semaphore(%arg16 : memref<!tpu.dma_semaphore, #tpu.memory_space<semaphore_mem>>) src(%dma_wait3A_385 : memref<100000x1024xf32, #tpu.memory_space<hbm>>) dst(%dma_wait3A_381 : memref<8x1024xf32, #tpu.memory_space<vmem>>)
      %dma_wait3A_386 = arith.constant 0 : i32
      %dma_wait3A_387 = arith.constant 0 : i32
      %dma_wait3A_388 = arith.constant 0 : i32
      %dma_wait3A_389 = tpu.memref_slice %arg13[%dma_wait3A_386, %dma_wait3A_387, %dma_wait3A_388] : memref<2x8x1024xf32, #tpu.memory_space<vmem>> -> memref<1x8x1024xf32, #tpu.memory_space<vmem>>
      %dma_wait3A_390 = tpu.memref_squeeze %dma_wait3A_389 : memref<1x8x1024xf32, #tpu.memory_space<vmem>> -> memref<8x1024xf32, #tpu.memory_space<vmem>>
      %dma_wait3A_391 = arith.constant 0 : i32
      %dma_wait3A_392 = tpu.memref_slice %arg2[%add3A_375, %dma_wait3A_391] : memref<16384x1024xf32, #tpu.memory_space<hbm>> -> memref<8x1024xf32, #tpu.memory_space<hbm>>
      %dma_wait3A_393 = arith.constant 0 : i32
      %dma_wait3A_394 = arith.constant 0 : i32
      %dma_wait3A_395 = tpu.memref_slice %arg13[%dma_wait3A_386, %dma_wait3A_393, %dma_wait3A_394] : memref<2x8x1024xf32, #tpu.memory_space<vmem>> -> memref<1x8x1024xf32, #tpu.memory_space<vmem>>
      %dma_wait3A_396 = tpu.memref_squeeze %dma_wait3A_395 : memref<1x8x1024xf32, #tpu.memory_space<vmem>> -> memref<8x1024xf32, #tpu.memory_space<vmem>>
      %dma_wait3A_397 = arith.constant 0 : i32
      %dma_wait3A_398 = tpu.memref_slice %arg2[%add3A_375, %dma_wait3A_397] : memref<16384x1024xf32, #tpu.memory_space<hbm>> -> memref<8x1024xf32, #tpu.memory_space<hbm>>
      tpu.wait_dma2 semaphore(%arg16 : memref<!tpu.dma_semaphore, #tpu.memory_space<semaphore_mem>>) src(%dma_wait3A_398 : memref<8x1024xf32, #tpu.memory_space<hbm>>) dst(%dma_wait3A_396 : memref<8x1024xf32, #tpu.memory_space<vmem>>)
      %dma_wait3A_399 = arith.constant 0 : i32
      %dma_wait3A_400 = arith.constant 0 : i32
      %dma_wait3A_401 = arith.constant 0 : i32
      %dma_wait3A_402 = tpu.memref_slice %arg14[%dma_wait3A_399, %dma_wait3A_400, %dma_wait3A_401] : memref<2x8x1024xf32, #tpu.memory_space<vmem>> -> memref<1x8x1024xf32, #tpu.memory_space<vmem>>
      %dma_wait3A_403 = tpu.memref_squeeze %dma_wait3A_402 : memref<1x8x1024xf32, #tpu.memory_space<vmem>> -> memref<8x1024xf32, #tpu.memory_space<vmem>>
      %dma_wait3A_404 = arith.constant 0 : i32
      %dma_wait3A_405 = tpu.memref_slice %arg3[%add3A_375, %dma_wait3A_404] : memref<16384x1024xf32, #tpu.memory_space<hbm>> -> memref<8x1024xf32, #tpu.memory_space<hbm>>
      %dma_wait3A_406 = arith.constant 0 : i32
      %dma_wait3A_407 = arith.constant 0 : i32
      %dma_wait3A_408 = tpu.memref_slice %arg14[%dma_wait3A_399, %dma_wait3A_406, %dma_wait3A_407] : memref<2x8x1024xf32, #tpu.memory_space<vmem>> -> memref<1x8x1024xf32, #tpu.memory_space<vmem>>
      %dma_wait3A_409 = tpu.memref_squeeze %dma_wait3A_408 : memref<1x8x1024xf32, #tpu.memory_space<vmem>> -> memref<8x1024xf32, #tpu.memory_space<vmem>>
      %dma_wait3A_410 = arith.constant 0 : i32
      %dma_wait3A_411 = tpu.memref_slice %arg3[%add3A_375, %dma_wait3A_410] : memref<16384x1024xf32, #tpu.memory_space<hbm>> -> memref<8x1024xf32, #tpu.memory_space<hbm>>
      tpu.wait_dma2 semaphore(%arg16 : memref<!tpu.dma_semaphore, #tpu.memory_space<semaphore_mem>>) src(%dma_wait3A_411 : memref<8x1024xf32, #tpu.memory_space<hbm>>) dst(%dma_wait3A_409 : memref<8x1024xf32, #tpu.memory_space<vmem>>)
      %parallel_loop3A = arith.constant 0 : i32
      %parallel_loop3A_412 = arith.constant 64 : i32
      %parallel_loop3A_413 = arith.constant 1 : i32
      %parallel_loop3A_414 = arith.constant 0 : i32
      %parallel_loop3A_415 = arith.constant 0 : i32
      %parallel_loop3A_416 = arith.constant 0 : i32
      %parallel_loop3A_417:32 = scf.for %parallel_loop3A_2186 = %parallel_loop3A to %parallel_loop3A_412 step %parallel_loop3A_413 iter_args(%parallel_loop3A_2187 = %broadcast_in_dim3A_3, %parallel_loop3A_2188 = %broadcast_in_dim3A_3, %parallel_loop3A_2189 = %broadcast_in_dim3A_3, %parallel_loop3A_2190 = %broadcast_in_dim3A_3, %parallel_loop3A_2191 = %broadcast_in_dim3A_3, %parallel_loop3A_2192 = %broadcast_in_dim3A_3, %parallel_loop3A_2193 = %broadcast_in_dim3A_3, %parallel_loop3A_2194 = %broadcast_in_dim3A_3, %parallel_loop3A_2195 = %broadcast_in_dim3A_3, %parallel_loop3A_2196 = %broadcast_in_dim3A_3, %parallel_loop3A_2197 = %broadcast_in_dim3A_3, %parallel_loop3A_2198 = %broadcast_in_dim3A_3, %parallel_loop3A_2199 = %broadcast_in_dim3A_3, %parallel_loop3A_2200 = %broadcast_in_dim3A_3, %parallel_loop3A_2201 = %broadcast_in_dim3A_3, %parallel_loop3A_2202 = %broadcast_in_dim3A_3, %parallel_loop3A_2203 = %broadcast_in_dim3A_3, %parallel_loop3A_2204 = %broadcast_in_dim3A_3, %parallel_loop3A_2205 = %broadcast_in_dim3A_3, %parallel_loop3A_2206 = %broadcast_in_dim3A_3, %parallel_loop3A_2207 = %broadcast_in_dim3A_3, %parallel_loop3A_2208 = %broadcast_in_dim3A_3, %parallel_loop3A_2209 = %broadcast_in_dim3A_3, %parallel_loop3A_2210 = %broadcast_in_dim3A_3, %parallel_loop3A_2211 = %broadcast_in_dim3A_3, %parallel_loop3A_2212 = %broadcast_in_dim3A_3, %parallel_loop3A_2213 = %broadcast_in_dim3A_3, %parallel_loop3A_2214 = %broadcast_in_dim3A_3, %parallel_loop3A_2215 = %broadcast_in_dim3A_3, %parallel_loop3A_2216 = %broadcast_in_dim3A_3, %parallel_loop3A_2217 = %broadcast_in_dim3A_3, %parallel_loop3A_2218 = %broadcast_in_dim3A_3) -> (vector<16xf32>, vector<16xf32>, vector<16xf32>, vector<16xf32>, vector<16xf32>, vector<16xf32>, vector<16xf32>, vector<16xf32>, vector<16xf32>, vector<16xf32>, vector<16xf32>, vector<16xf32>, vector<16xf32>, vector<16xf32>, vector<16xf32>, vector<16xf32>, vector<16xf32>, vector<16xf32>, vector<16xf32>, vector<16xf32>, vector<16xf32>, vector<16xf32>, vector<16xf32>, vector<16xf32>, vector<16xf32>, vector<16xf32>, vector<16xf32>, vector<16xf32>, vector<16xf32>, vector<16xf32>, vector<16xf32>, vector<16xf32>)  : i32 {
        %parallel_loop3A_2219 = arith.constant 16 : i32
        %parallel_loop3A_2220 = arith.muli %parallel_loop3A_2186, %parallel_loop3A_2219 : i32
        %parallel_loop3A_2221 = tpu.assume_multiple %parallel_loop3A_2220, 16 : i32
        %parallel_loop3A_2222 = arith.constant 0 : i32
        %parallel_loop3A_2223 = arith.index_cast %parallel_loop3A_2222 : i32 to index
        %parallel_loop3A_2224 = arith.index_cast %parallel_loop3A_2221 : i32 to index
        %parallel_loop3A_2225 = tpu.vector_load %arg10[%parallel_loop3A_2223, %parallel_loop3A_2224] {strides = array<i32>} : memref<3x1024xf32, #tpu.memory_space<vmem>>, vector<1x16xf32>,
        %parallel_loop3A_2226 = vector.shape_cast %parallel_loop3A_2225 : vector<1x16xf32> to vector<16xf32>
        %parallel_loop3A_2227 = arith.constant 1 : i32
        %parallel_loop3A_2228 = arith.index_cast %parallel_loop3A_2227 : i32 to index
        %parallel_loop3A_2229 = arith.index_cast %parallel_loop3A_2221 : i32 to index
        %parallel_loop3A_2230 = tpu.vector_load %arg10[%parallel_loop3A_2228, %parallel_loop3A_2229] {strides = array<i32>} : memref<3x1024xf32, #tpu.memory_space<vmem>>, vector<1x16xf32>,
        %parallel_loop3A_2231 = vector.shape_cast %parallel_loop3A_2230 : vector<1x16xf32> to vector<16xf32>
        %parallel_loop3A_2232 = arith.constant 2 : i32
        %parallel_loop3A_2233 = arith.index_cast %parallel_loop3A_2232 : i32 to index
        %parallel_loop3A_2234 = arith.index_cast %parallel_loop3A_2221 : i32 to index
        %parallel_loop3A_2235 = tpu.vector_load %arg10[%parallel_loop3A_2233, %parallel_loop3A_2234] {strides = array<i32>} : memref<3x1024xf32, #tpu.memory_space<vmem>>, vector<1x16xf32>,
        %parallel_loop3A_2236 = vector.shape_cast %parallel_loop3A_2235 : vector<1x16xf32> to vector<16xf32>
        %parallel_loop3A_2237 = arith.constant 0 : i32
        %parallel_loop3A_2238 = arith.index_cast %parallel_loop3A_2237 : i32 to index
        %parallel_loop3A_2239 = arith.index_cast %parallel_loop3A_2221 : i32 to index
        %parallel_loop3A_2240 = tpu.vector_load %arg11[%parallel_loop3A_2238, %parallel_loop3A_2239] {strides = array<i32>} : memref<3x1024xf32, #tpu.memory_space<vmem>>, vector<1x16xf32>,
        %parallel_loop3A_2241 = vector.shape_cast %parallel_loop3A_2240 : vector<1x16xf32> to vector<16xf32>
        %parallel_loop3A_2242 = arith.constant 1 : i32
        %parallel_loop3A_2243 = arith.index_cast %parallel_loop3A_2242 : i32 to index
        %parallel_loop3A_2244 = arith.index_cast %parallel_loop3A_2221 : i32 to index
        %parallel_loop3A_2245 = tpu.vector_load %arg11[%parallel_loop3A_2243, %parallel_loop3A_2244] {strides = array<i32>} : memref<3x1024xf32, #tpu.memory_space<vmem>>, vector<1x16xf32>,
        %parallel_loop3A_2246 = vector.shape_cast %parallel_loop3A_2245 : vector<1x16xf32> to vector<16xf32>
        %parallel_loop3A_2247 = arith.constant 2 : i32
        %parallel_loop3A_2248 = arith.index_cast %parallel_loop3A_2247 : i32 to index
        %parallel_loop3A_2249 = arith.index_cast %parallel_loop3A_2221 : i32 to index
        %parallel_loop3A_2250 = tpu.vector_load %arg11[%parallel_loop3A_2248, %parallel_loop3A_2249] {strides = array<i32>} : memref<3x1024xf32, #tpu.memory_space<vmem>>, vector<1x16xf32>,
        %parallel_loop3A_2251 = vector.shape_cast %parallel_loop3A_2250 : vector<1x16xf32> to vector<16xf32>
        %parallel_loop3A_2252 = arith.constant 0 : i32
        %parallel_loop3A_2253 = arith.constant 0 : i32
        %parallel_loop3A_2254 = arith.constant 0 : i32
        %parallel_loop3A_2255 = tpu.memref_slice %arg13[%parallel_loop3A_414, %parallel_loop3A_2253, %parallel_loop3A_2254] : memref<2x8x1024xf32, #tpu.memory_space<vmem>> -> memref<1x8x1024xf32, #tpu.memory_space<vmem>>
        %parallel_loop3A_2256 = tpu.memref_squeeze %parallel_loop3A_2255 : memref<1x8x1024xf32, #tpu.memory_space<vmem>> -> memref<8x1024xf32, #tpu.memory_space<vmem>>
        %parallel_loop3A_2257 = arith.index_cast %parallel_loop3A_2252 : i32 to index
        %parallel_loop3A_2258 = arith.index_cast %parallel_loop3A_2221 : i32 to index
        %parallel_loop3A_2259 = tpu.vector_load %parallel_loop3A_2256[%parallel_loop3A_2257, %parallel_loop3A_2258] {strides = array<i32>} : memref<8x1024xf32, #tpu.memory_space<vmem>>, vector<1x16xf32>,
        %parallel_loop3A_2260 = vector.shape_cast %parallel_loop3A_2259 : vector<1x16xf32> to vector<16xf32>
        %parallel_loop3A_2261 = arith.mulf %parallel_loop3A_2260, %parallel_loop3A_2226 : vector<16xf32>
        %parallel_loop3A_2262 = arith.constant 0 : i32
        %parallel_loop3A_2263 = arith.constant 0 : i32
        %parallel_loop3A_2264 = arith.constant 0 : i32
        %parallel_loop3A_2265 = tpu.memref_slice %arg14[%parallel_loop3A_415, %parallel_loop3A_2263, %parallel_loop3A_2264] : memref<2x8x1024xf32, #tpu.memory_space<vmem>> -> memref<1x8x1024xf32, #tpu.memory_space<vmem>>
        %parallel_loop3A_2266 = tpu.memref_squeeze %parallel_loop3A_2265 : memref<1x8x1024xf32, #tpu.memory_space<vmem>> -> memref<8x1024xf32, #tpu.memory_space<vmem>>
        %parallel_loop3A_2267 = arith.index_cast %parallel_loop3A_2262 : i32 to index
        %parallel_loop3A_2268 = arith.index_cast %parallel_loop3A_2221 : i32 to index
        %parallel_loop3A_2269 = tpu.vector_load %parallel_loop3A_2266[%parallel_loop3A_2267, %parallel_loop3A_2268] {strides = array<i32>} : memref<8x1024xf32, #tpu.memory_space<vmem>>, vector<1x16xf32>,
        %parallel_loop3A_2270 = vector.shape_cast %parallel_loop3A_2269 : vector<1x16xf32> to vector<16xf32>
        %parallel_loop3A_2271 = arith.mulf %parallel_loop3A_2270, %parallel_loop3A_2231 : vector<16xf32>
        %parallel_loop3A_2272 = arith.addf %parallel_loop3A_2261, %parallel_loop3A_2271 : vector<16xf32>
        %parallel_loop3A_2273 = arith.constant 0 : i32
        %parallel_loop3A_2274 = arith.constant 0 : i32
        %parallel_loop3A_2275 = arith.constant 0 : i32
        %parallel_loop3A_2276 = tpu.memref_slice %arg12[%parallel_loop3A_416, %parallel_loop3A_2274, %parallel_loop3A_2275] : memref<2x8x1024xf32, #tpu.memory_space<vmem>> -> memref<1x8x1024xf32, #tpu.memory_space<vmem>>
        %parallel_loop3A_2277 = tpu.memref_squeeze %parallel_loop3A_2276 : memref<1x8x1024xf32, #tpu.memory_space<vmem>> -> memref<8x1024xf32, #tpu.memory_space<vmem>>
        %parallel_loop3A_2278 = arith.index_cast %parallel_loop3A_2273 : i32 to index
        %parallel_loop3A_2279 = arith.index_cast %parallel_loop3A_2221 : i32 to index
        %parallel_loop3A_2280 = tpu.vector_load %parallel_loop3A_2277[%parallel_loop3A_2278, %parallel_loop3A_2279] {strides = array<i32>} : memref<8x1024xf32, #tpu.memory_space<vmem>>, vector<1x16xf32>,
        %parallel_loop3A_2281 = vector.shape_cast %parallel_loop3A_2280 : vector<1x16xf32> to vector<16xf32>
        %parallel_loop3A_2282 = arith.mulf %parallel_loop3A_2281, %parallel_loop3A_2236 : vector<16xf32>
        %parallel_loop3A_2283 = arith.addf %parallel_loop3A_2272, %parallel_loop3A_2282 : vector<16xf32>
        %parallel_loop3A_2284 = math.exp %parallel_loop3A_2283 : vector<16xf32>
        %parallel_loop3A_2285 = arith.constant 1.000000e+00 : f32
        %parallel_loop3A_2286 = vector.broadcast %parallel_loop3A_2285 : f32 to vector<16xf32>
        %parallel_loop3A_2287 = arith.addf %parallel_loop3A_2284, %parallel_loop3A_2286 : vector<16xf32>
        %parallel_loop3A_2288 = arith.constant 2.000000e+00 : f32
        %parallel_loop3A_2289 = vector.broadcast %parallel_loop3A_2288 : f32 to vector<16xf32>
        %parallel_loop3A_2290 = arith.divf %parallel_loop3A_2289, %parallel_loop3A_2287 : vector<16xf32>
        %parallel_loop3A_2291 = arith.constant 1.000000e+00 : f32
        %parallel_loop3A_2292 = vector.broadcast %parallel_loop3A_2291 : f32 to vector<16xf32>
        %parallel_loop3A_2293 = arith.subf %parallel_loop3A_2292, %parallel_loop3A_2290 : vector<16xf32>
        %parallel_loop3A_2294 = arith.mulf %parallel_loop3A_2293, %parallel_loop3A_2293 : vector<16xf32>
        %parallel_loop3A_2295 = arith.addf %parallel_loop3A_2187, %parallel_loop3A_2294 : vector<16xf32>
        %parallel_loop3A_2296 = arith.mulf %parallel_loop3A_2293, %parallel_loop3A_2241 : vector<16xf32>
        %parallel_loop3A_2297 = arith.addf %parallel_loop3A_2188, %parallel_loop3A_2296 : vector<16xf32>
        %parallel_loop3A_2298 = arith.mulf %parallel_loop3A_2293, %parallel_loop3A_2246 : vector<16xf32>
        %parallel_loop3A_2299 = arith.addf %parallel_loop3A_2189, %parallel_loop3A_2298 : vector<16xf32>
        %parallel_loop3A_2300 = arith.mulf %parallel_loop3A_2293, %parallel_loop3A_2251 : vector<16xf32>
        %parallel_loop3A_2301 = arith.addf %parallel_loop3A_2190, %parallel_loop3A_2300 : vector<16xf32>
        %parallel_loop3A_2302 = arith.constant 1 : i32
        %parallel_loop3A_2303 = arith.constant 0 : i32
        %parallel_loop3A_2304 = arith.constant 0 : i32
        %parallel_loop3A_2305 = tpu.memref_slice %arg13[%parallel_loop3A_414, %parallel_loop3A_2303, %parallel_loop3A_2304] : memref<2x8x1024xf32, #tpu.memory_space<vmem>> -> memref<1x8x1024xf32, #tpu.memory_space<vmem>>
        %parallel_loop3A_2306 = tpu.memref_squeeze %parallel_loop3A_2305 : memref<1x8x1024xf32, #tpu.memory_space<vmem>> -> memref<8x1024xf32, #tpu.memory_space<vmem>>
        %parallel_loop3A_2307 = arith.index_cast %parallel_loop3A_2302 : i32 to index
        %parallel_loop3A_2308 = arith.index_cast %parallel_loop3A_2221 : i32 to index
        %parallel_loop3A_2309 = tpu.vector_load %parallel_loop3A_2306[%parallel_loop3A_2307, %parallel_loop3A_2308] {strides = array<i32>} : memref<8x1024xf32, #tpu.memory_space<vmem>>, vector<1x16xf32>,
        %parallel_loop3A_2310 = vector.shape_cast %parallel_loop3A_2309 : vector<1x16xf32> to vector<16xf32>
        %parallel_loop3A_2311 = arith.mulf %parallel_loop3A_2310, %parallel_loop3A_2226 : vector<16xf32>
        %parallel_loop3A_2312 = arith.constant 1 : i32
        %parallel_loop3A_2313 = arith.constant 0 : i32
        %parallel_loop3A_2314 = arith.constant 0 : i32
        %parallel_loop3A_2315 = tpu.memref_slice %arg14[%parallel_loop3A_415, %parallel_loop3A_2313, %parallel_loop3A_2314] : memref<2x8x1024xf32, #tpu.memory_space<vmem>> -> memref<1x8x1024xf32, #tpu.memory_space<vmem>>
        %parallel_loop3A_2316 = tpu.memref_squeeze %parallel_loop3A_2315 : memref<1x8x1024xf32, #tpu.memory_space<vmem>> -> memref<8x1024xf32, #tpu.memory_space<vmem>>
        %parallel_loop3A_2317 = arith.index_cast %parallel_loop3A_2312 : i32 to index
        %parallel_loop3A_2318 = arith.index_cast %parallel_loop3A_2221 : i32 to index
        %parallel_loop3A_2319 = tpu.vector_load %parallel_loop3A_2316[%parallel_loop3A_2317, %parallel_loop3A_2318] {strides = array<i32>} : memref<8x1024xf32, #tpu.memory_space<vmem>>, vector<1x16xf32>,
        %parallel_loop3A_2320 = vector.shape_cast %parallel_loop3A_2319 : vector<1x16xf32> to vector<16xf32>
        %parallel_loop3A_2321 = arith.mulf %parallel_loop3A_2320, %parallel_loop3A_2231 : vector<16xf32>
        %parallel_loop3A_2322 = arith.addf %parallel_loop3A_2311, %parallel_loop3A_2321 : vector<16xf32>
        %parallel_loop3A_2323 = arith.constant 1 : i32
        %parallel_loop3A_2324 = arith.constant 0 : i32
        %parallel_loop3A_2325 = arith.constant 0 : i32
        %parallel_loop3A_2326 = tpu.memref_slice %arg12[%parallel_loop3A_416, %parallel_loop3A_2324, %parallel_loop3A_2325] : memref<2x8x1024xf32, #tpu.memory_space<vmem>> -> memref<1x8x1024xf32, #tpu.memory_space<vmem>>
        %parallel_loop3A_2327 = tpu.memref_squeeze %parallel_loop3A_2326 : memref<1x8x1024xf32, #tpu.memory_space<vmem>> -> memref<8x1024xf32, #tpu.memory_space<vmem>>
        %parallel_loop3A_2328 = arith.index_cast %parallel_loop3A_2323 : i32 to index
        %parallel_loop3A_2329 = arith.index_cast %parallel_loop3A_2221 : i32 to index
        %parallel_loop3A_2330 = tpu.vector_load %parallel_loop3A_2327[%parallel_loop3A_2328, %parallel_loop3A_2329] {strides = array<i32>} : memref<8x1024xf32, #tpu.memory_space<vmem>>, vector<1x16xf32>,
        %parallel_loop3A_2331 = vector.shape_cast %parallel_loop3A_2330 : vector<1x16xf32> to vector<16xf32>
        %parallel_loop3A_2332 = arith.mulf %parallel_loop3A_2331, %parallel_loop3A_2236 : vector<16xf32>
        %parallel_loop3A_2333 = arith.addf %parallel_loop3A_2322, %parallel_loop3A_2332 : vector<16xf32>
        %parallel_loop3A_2334 = math.exp %parallel_loop3A_2333 : vector<16xf32>
        %parallel_loop3A_2335 = arith.constant 1.000000e+00 : f32
        %parallel_loop3A_2336 = vector.broadcast %parallel_loop3A_2335 : f32 to vector<16xf32>
        %parallel_loop3A_2337 = arith.addf %parallel_loop3A_2334, %parallel_loop3A_2336 : vector<16xf32>
        %parallel_loop3A_2338 = arith.constant 2.000000e+00 : f32
        %parallel_loop3A_2339 = vector.broadcast %parallel_loop3A_2338 : f32 to vector<16xf32>
        %parallel_loop3A_2340 = arith.divf %parallel_loop3A_2339, %parallel_loop3A_2337 : vector<16xf32>
        %parallel_loop3A_2341 = arith.constant 1.000000e+00 : f32
        %parallel_loop3A_2342 = vector.broadcast %parallel_loop3A_2341 : f32 to vector<16xf32>
        %parallel_loop3A_2343 = arith.subf %parallel_loop3A_2342, %parallel_loop3A_2340 : vector<16xf32>
        %parallel_loop3A_2344 = arith.mulf %parallel_loop3A_2343, %parallel_loop3A_2343 : vector<16xf32>
        %parallel_loop3A_2345 = arith.addf %parallel_loop3A_2191, %parallel_loop3A_2344 : vector<16xf32>
        %parallel_loop3A_2346 = arith.mulf %parallel_loop3A_2343, %parallel_loop3A_2241 : vector<16xf32>
        %parallel_loop3A_2347 = arith.addf %parallel_loop3A_2192, %parallel_loop3A_2346 : vector<16xf32>
        %parallel_loop3A_2348 = arith.mulf %parallel_loop3A_2343, %parallel_loop3A_2246 : vector<16xf32>
        %parallel_loop3A_2349 = arith.addf %parallel_loop3A_2193, %parallel_loop3A_2348 : vector<16xf32>
        %parallel_loop3A_2350 = arith.mulf %parallel_loop3A_2343, %parallel_loop3A_2251 : vector<16xf32>
        %parallel_loop3A_2351 = arith.addf %parallel_loop3A_2194, %parallel_loop3A_2350 : vector<16xf32>
        %parallel_loop3A_2352 = arith.constant 2 : i32
        %parallel_loop3A_2353 = arith.constant 0 : i32
        %parallel_loop3A_2354 = arith.constant 0 : i32
        %parallel_loop3A_2355 = tpu.memref_slice %arg13[%parallel_loop3A_414, %parallel_loop3A_2353, %parallel_loop3A_2354] : memref<2x8x1024xf32, #tpu.memory_space<vmem>> -> memref<1x8x1024xf32, #tpu.memory_space<vmem>>
        %parallel_loop3A_2356 = tpu.memref_squeeze %parallel_loop3A_2355 : memref<1x8x1024xf32, #tpu.memory_space<vmem>> -> memref<8x1024xf32, #tpu.memory_space<vmem>>
        %parallel_loop3A_2357 = arith.index_cast %parallel_loop3A_2352 : i32 to index
        %parallel_loop3A_2358 = arith.index_cast %parallel_loop3A_2221 : i32 to index
        %parallel_loop3A_2359 = tpu.vector_load %parallel_loop3A_2356[%parallel_loop3A_2357, %parallel_loop3A_2358] {strides = array<i32>} : memref<8x1024xf32, #tpu.memory_space<vmem>>, vector<1x16xf32>,
        %parallel_loop3A_2360 = vector.shape_cast %parallel_loop3A_2359 : vector<1x16xf32> to vector<16xf32>
        %parallel_loop3A_2361 = arith.mulf %parallel_loop3A_2360, %parallel_loop3A_2226 : vector<16xf32>
        %parallel_loop3A_2362 = arith.constant 2 : i32
        %parallel_loop3A_2363 = arith.constant 0 : i32
        %parallel_loop3A_2364 = arith.constant 0 : i32
        %parallel_loop3A_2365 = tpu.memref_slice %arg14[%parallel_loop3A_415, %parallel_loop3A_2363, %parallel_loop3A_2364] : memref<2x8x1024xf32, #tpu.memory_space<vmem>> -> memref<1x8x1024xf32, #tpu.memory_space<vmem>>
        %parallel_loop3A_2366 = tpu.memref_squeeze %parallel_loop3A_2365 : memref<1x8x1024xf32, #tpu.memory_space<vmem>> -> memref<8x1024xf32, #tpu.memory_space<vmem>>
        %parallel_loop3A_2367 = arith.index_cast %parallel_loop3A_2362 : i32 to index
        %parallel_loop3A_2368 = arith.index_cast %parallel_loop3A_2221 : i32 to index
        %parallel_loop3A_2369 = tpu.vector_load %parallel_loop3A_2366[%parallel_loop3A_2367, %parallel_loop3A_2368] {strides = array<i32>} : memref<8x1024xf32, #tpu.memory_space<vmem>>, vector<1x16xf32>,
        %parallel_loop3A_2370 = vector.shape_cast %parallel_loop3A_2369 : vector<1x16xf32> to vector<16xf32>
        %parallel_loop3A_2371 = arith.mulf %parallel_loop3A_2370, %parallel_loop3A_2231 : vector<16xf32>
        %parallel_loop3A_2372 = arith.addf %parallel_loop3A_2361, %parallel_loop3A_2371 : vector<16xf32>
        %parallel_loop3A_2373 = arith.constant 2 : i32
        %parallel_loop3A_2374 = arith.constant 0 : i32
        %parallel_loop3A_2375 = arith.constant 0 : i32
        %parallel_loop3A_2376 = tpu.memref_slice %arg12[%parallel_loop3A_416, %parallel_loop3A_2374, %parallel_loop3A_2375] : memref<2x8x1024xf32, #tpu.memory_space<vmem>> -> memref<1x8x1024xf32, #tpu.memory_space<vmem>>
        %parallel_loop3A_2377 = tpu.memref_squeeze %parallel_loop3A_2376 : memref<1x8x1024xf32, #tpu.memory_space<vmem>> -> memref<8x1024xf32, #tpu.memory_space<vmem>>
        %parallel_loop3A_2378 = arith.index_cast %parallel_loop3A_2373 : i32 to index
        %parallel_loop3A_2379 = arith.index_cast %parallel_loop3A_2221 : i32 to index
        %parallel_loop3A_2380 = tpu.vector_load %parallel_loop3A_2377[%parallel_loop3A_2378, %parallel_loop3A_2379] {strides = array<i32>} : memref<8x1024xf32, #tpu.memory_space<vmem>>, vector<1x16xf32>,
        %parallel_loop3A_2381 = vector.shape_cast %parallel_loop3A_2380 : vector<1x16xf32> to vector<16xf32>
        %parallel_loop3A_2382 = arith.mulf %parallel_loop3A_2381, %parallel_loop3A_2236 : vector<16xf32>
        %parallel_loop3A_2383 = arith.addf %parallel_loop3A_2372, %parallel_loop3A_2382 : vector<16xf32>
        %parallel_loop3A_2384 = math.exp %parallel_loop3A_2383 : vector<16xf32>
        %parallel_loop3A_2385 = arith.constant 1.000000e+00 : f32
        %parallel_loop3A_2386 = vector.broadcast %parallel_loop3A_2385 : f32 to vector<16xf32>
        %parallel_loop3A_2387 = arith.addf %parallel_loop3A_2384, %parallel_loop3A_2386 : vector<16xf32>
        %parallel_loop3A_2388 = arith.constant 2.000000e+00 : f32
        %parallel_loop3A_2389 = vector.broadcast %parallel_loop3A_2388 : f32 to vector<16xf32>
        %parallel_loop3A_2390 = arith.divf %parallel_loop3A_2389, %parallel_loop3A_2387 : vector<16xf32>
        %parallel_loop3A_2391 = arith.constant 1.000000e+00 : f32
        %parallel_loop3A_2392 = vector.broadcast %parallel_loop3A_2391 : f32 to vector<16xf32>
        %parallel_loop3A_2393 = arith.subf %parallel_loop3A_2392, %parallel_loop3A_2390 : vector<16xf32>
        %parallel_loop3A_2394 = arith.mulf %parallel_loop3A_2393, %parallel_loop3A_2393 : vector<16xf32>
        %parallel_loop3A_2395 = arith.addf %parallel_loop3A_2195, %parallel_loop3A_2394 : vector<16xf32>
        %parallel_loop3A_2396 = arith.mulf %parallel_loop3A_2393, %parallel_loop3A_2241 : vector<16xf32>
        %parallel_loop3A_2397 = arith.addf %parallel_loop3A_2196, %parallel_loop3A_2396 : vector<16xf32>
        %parallel_loop3A_2398 = arith.mulf %parallel_loop3A_2393, %parallel_loop3A_2246 : vector<16xf32>
        %parallel_loop3A_2399 = arith.addf %parallel_loop3A_2197, %parallel_loop3A_2398 : vector<16xf32>
        %parallel_loop3A_2400 = arith.mulf %parallel_loop3A_2393, %parallel_loop3A_2251 : vector<16xf32>
        %parallel_loop3A_2401 = arith.addf %parallel_loop3A_2198, %parallel_loop3A_2400 : vector<16xf32>
        %parallel_loop3A_2402 = arith.constant 3 : i32
        %parallel_loop3A_2403 = arith.constant 0 : i32
        %parallel_loop3A_2404 = arith.constant 0 : i32
        %parallel_loop3A_2405 = tpu.memref_slice %arg13[%parallel_loop3A_414, %parallel_loop3A_2403, %parallel_loop3A_2404] : memref<2x8x1024xf32, #tpu.memory_space<vmem>> -> memref<1x8x1024xf32, #tpu.memory_space<vmem>>
        %parallel_loop3A_2406 = tpu.memref_squeeze %parallel_loop3A_2405 : memref<1x8x1024xf32, #tpu.memory_space<vmem>> -> memref<8x1024xf32, #tpu.memory_space<vmem>>
        %parallel_loop3A_2407 = arith.index_cast %parallel_loop3A_2402 : i32 to index
        %parallel_loop3A_2408 = arith.index_cast %parallel_loop3A_2221 : i32 to index
        %parallel_loop3A_2409 = tpu.vector_load %parallel_loop3A_2406[%parallel_loop3A_2407, %parallel_loop3A_2408] {strides = array<i32>} : memref<8x1024xf32, #tpu.memory_space<vmem>>, vector<1x16xf32>,
        %parallel_loop3A_2410 = vector.shape_cast %parallel_loop3A_2409 : vector<1x16xf32> to vector<16xf32>
        %parallel_loop3A_2411 = arith.mulf %parallel_loop3A_2410, %parallel_loop3A_2226 : vector<16xf32>
        %parallel_loop3A_2412 = arith.constant 3 : i32
        %parallel_loop3A_2413 = arith.constant 0 : i32
        %parallel_loop3A_2414 = arith.constant 0 : i32
        %parallel_loop3A_2415 = tpu.memref_slice %arg14[%parallel_loop3A_415, %parallel_loop3A_2413, %parallel_loop3A_2414] : memref<2x8x1024xf32, #tpu.memory_space<vmem>> -> memref<1x8x1024xf32, #tpu.memory_space<vmem>>
        %parallel_loop3A_2416 = tpu.memref_squeeze %parallel_loop3A_2415 : memref<1x8x1024xf32, #tpu.memory_space<vmem>> -> memref<8x1024xf32, #tpu.memory_space<vmem>>
        %parallel_loop3A_2417 = arith.index_cast %parallel_loop3A_2412 : i32 to index
        %parallel_loop3A_2418 = arith.index_cast %parallel_loop3A_2221 : i32 to index
        %parallel_loop3A_2419 = tpu.vector_load %parallel_loop3A_2416[%parallel_loop3A_2417, %parallel_loop3A_2418] {strides = array<i32>} : memref<8x1024xf32, #tpu.memory_space<vmem>>, vector<1x16xf32>,
        %parallel_loop3A_2420 = vector.shape_cast %parallel_loop3A_2419 : vector<1x16xf32> to vector<16xf32>
        %parallel_loop3A_2421 = arith.mulf %parallel_loop3A_2420, %parallel_loop3A_2231 : vector<16xf32>
        %parallel_loop3A_2422 = arith.addf %parallel_loop3A_2411, %parallel_loop3A_2421 : vector<16xf32>
        %parallel_loop3A_2423 = arith.constant 3 : i32
        %parallel_loop3A_2424 = arith.constant 0 : i32
        %parallel_loop3A_2425 = arith.constant 0 : i32
        %parallel_loop3A_2426 = tpu.memref_slice %arg12[%parallel_loop3A_416, %parallel_loop3A_2424, %parallel_loop3A_2425] : memref<2x8x1024xf32, #tpu.memory_space<vmem>> -> memref<1x8x1024xf32, #tpu.memory_space<vmem>>
        %parallel_loop3A_2427 = tpu.memref_squeeze %parallel_loop3A_2426 : memref<1x8x1024xf32, #tpu.memory_space<vmem>> -> memref<8x1024xf32, #tpu.memory_space<vmem>>
        %parallel_loop3A_2428 = arith.index_cast %parallel_loop3A_2423 : i32 to index
        %parallel_loop3A_2429 = arith.index_cast %parallel_loop3A_2221 : i32 to index
        %parallel_loop3A_2430 = tpu.vector_load %parallel_loop3A_2427[%parallel_loop3A_2428, %parallel_loop3A_2429] {strides = array<i32>} : memref<8x1024xf32, #tpu.memory_space<vmem>>, vector<1x16xf32>,
        %parallel_loop3A_2431 = vector.shape_cast %parallel_loop3A_2430 : vector<1x16xf32> to vector<16xf32>
        %parallel_loop3A_2432 = arith.mulf %parallel_loop3A_2431, %parallel_loop3A_2236 : vector<16xf32>
        %parallel_loop3A_2433 = arith.addf %parallel_loop3A_2422, %parallel_loop3A_2432 : vector<16xf32>
        %parallel_loop3A_2434 = math.exp %parallel_loop3A_2433 : vector<16xf32>
        %parallel_loop3A_2435 = arith.constant 1.000000e+00 : f32
        %parallel_loop3A_2436 = vector.broadcast %parallel_loop3A_2435 : f32 to vector<16xf32>
        %parallel_loop3A_2437 = arith.addf %parallel_loop3A_2434, %parallel_loop3A_2436 : vector<16xf32>
        %parallel_loop3A_2438 = arith.constant 2.000000e+00 : f32
        %parallel_loop3A_2439 = vector.broadcast %parallel_loop3A_2438 : f32 to vector<16xf32>
        %parallel_loop3A_2440 = arith.divf %parallel_loop3A_2439, %parallel_loop3A_2437 : vector<16xf32>
        %parallel_loop3A_2441 = arith.constant 1.000000e+00 : f32
        %parallel_loop3A_2442 = vector.broadcast %parallel_loop3A_2441 : f32 to vector<16xf32>
        %parallel_loop3A_2443 = arith.subf %parallel_loop3A_2442, %parallel_loop3A_2440 : vector<16xf32>
        %parallel_loop3A_2444 = arith.mulf %parallel_loop3A_2443, %parallel_loop3A_2443 : vector<16xf32>
        %parallel_loop3A_2445 = arith.addf %parallel_loop3A_2199, %parallel_loop3A_2444 : vector<16xf32>
        %parallel_loop3A_2446 = arith.mulf %parallel_loop3A_2443, %parallel_loop3A_2241 : vector<16xf32>
        %parallel_loop3A_2447 = arith.addf %parallel_loop3A_2200, %parallel_loop3A_2446 : vector<16xf32>
        %parallel_loop3A_2448 = arith.mulf %parallel_loop3A_2443, %parallel_loop3A_2246 : vector<16xf32>
        %parallel_loop3A_2449 = arith.addf %parallel_loop3A_2201, %parallel_loop3A_2448 : vector<16xf32>
        %parallel_loop3A_2450 = arith.mulf %parallel_loop3A_2443, %parallel_loop3A_2251 : vector<16xf32>
        %parallel_loop3A_2451 = arith.addf %parallel_loop3A_2202, %parallel_loop3A_2450 : vector<16xf32>
        %parallel_loop3A_2452 = arith.constant 4 : i32
        %parallel_loop3A_2453 = arith.constant 0 : i32
        %parallel_loop3A_2454 = arith.constant 0 : i32
        %parallel_loop3A_2455 = tpu.memref_slice %arg13[%parallel_loop3A_414, %parallel_loop3A_2453, %parallel_loop3A_2454] : memref<2x8x1024xf32, #tpu.memory_space<vmem>> -> memref<1x8x1024xf32, #tpu.memory_space<vmem>>
        %parallel_loop3A_2456 = tpu.memref_squeeze %parallel_loop3A_2455 : memref<1x8x1024xf32, #tpu.memory_space<vmem>> -> memref<8x1024xf32, #tpu.memory_space<vmem>>
        %parallel_loop3A_2457 = arith.index_cast %parallel_loop3A_2452 : i32 to index
        %parallel_loop3A_2458 = arith.index_cast %parallel_loop3A_2221 : i32 to index
        %parallel_loop3A_2459 = tpu.vector_load %parallel_loop3A_2456[%parallel_loop3A_2457, %parallel_loop3A_2458] {strides = array<i32>} : memref<8x1024xf32, #tpu.memory_space<vmem>>, vector<1x16xf32>,
        %parallel_loop3A_2460 = vector.shape_cast %parallel_loop3A_2459 : vector<1x16xf32> to vector<16xf32>
        %parallel_loop3A_2461 = arith.mulf %parallel_loop3A_2460, %parallel_loop3A_2226 : vector<16xf32>
        %parallel_loop3A_2462 = arith.constant 4 : i32
        %parallel_loop3A_2463 = arith.constant 0 : i32
        %parallel_loop3A_2464 = arith.constant 0 : i32
        %parallel_loop3A_2465 = tpu.memref_slice %arg14[%parallel_loop3A_415, %parallel_loop3A_2463, %parallel_loop3A_2464] : memref<2x8x1024xf32, #tpu.memory_space<vmem>> -> memref<1x8x1024xf32, #tpu.memory_space<vmem>>
        %parallel_loop3A_2466 = tpu.memref_squeeze %parallel_loop3A_2465 : memref<1x8x1024xf32, #tpu.memory_space<vmem>> -> memref<8x1024xf32, #tpu.memory_space<vmem>>
        %parallel_loop3A_2467 = arith.index_cast %parallel_loop3A_2462 : i32 to index
        %parallel_loop3A_2468 = arith.index_cast %parallel_loop3A_2221 : i32 to index
        %parallel_loop3A_2469 = tpu.vector_load %parallel_loop3A_2466[%parallel_loop3A_2467, %parallel_loop3A_2468] {strides = array<i32>} : memref<8x1024xf32, #tpu.memory_space<vmem>>, vector<1x16xf32>,
        %parallel_loop3A_2470 = vector.shape_cast %parallel_loop3A_2469 : vector<1x16xf32> to vector<16xf32>
        %parallel_loop3A_2471 = arith.mulf %parallel_loop3A_2470, %parallel_loop3A_2231 : vector<16xf32>
        %parallel_loop3A_2472 = arith.addf %parallel_loop3A_2461, %parallel_loop3A_2471 : vector<16xf32>
        %parallel_loop3A_2473 = arith.constant 4 : i32
        %parallel_loop3A_2474 = arith.constant 0 : i32
        %parallel_loop3A_2475 = arith.constant 0 : i32
        %parallel_loop3A_2476 = tpu.memref_slice %arg12[%parallel_loop3A_416, %parallel_loop3A_2474, %parallel_loop3A_2475] : memref<2x8x1024xf32, #tpu.memory_space<vmem>> -> memref<1x8x1024xf32, #tpu.memory_space<vmem>>
        %parallel_loop3A_2477 = tpu.memref_squeeze %parallel_loop3A_2476 : memref<1x8x1024xf32, #tpu.memory_space<vmem>> -> memref<8x1024xf32, #tpu.memory_space<vmem>>
        %parallel_loop3A_2478 = arith.index_cast %parallel_loop3A_2473 : i32 to index
        %parallel_loop3A_2479 = arith.index_cast %parallel_loop3A_2221 : i32 to index
        %parallel_loop3A_2480 = tpu.vector_load %parallel_loop3A_2477[%parallel_loop3A_2478, %parallel_loop3A_2479] {strides = array<i32>} : memref<8x1024xf32, #tpu.memory_space<vmem>>, vector<1x16xf32>,
        %parallel_loop3A_2481 = vector.shape_cast %parallel_loop3A_2480 : vector<1x16xf32> to vector<16xf32>
        %parallel_loop3A_2482 = arith.mulf %parallel_loop3A_2481, %parallel_loop3A_2236 : vector<16xf32>
        %parallel_loop3A_2483 = arith.addf %parallel_loop3A_2472, %parallel_loop3A_2482 : vector<16xf32>
        %parallel_loop3A_2484 = math.exp %parallel_loop3A_2483 : vector<16xf32>
        %parallel_loop3A_2485 = arith.constant 1.000000e+00 : f32
        %parallel_loop3A_2486 = vector.broadcast %parallel_loop3A_2485 : f32 to vector<16xf32>
        %parallel_loop3A_2487 = arith.addf %parallel_loop3A_2484, %parallel_loop3A_2486 : vector<16xf32>
        %parallel_loop3A_2488 = arith.constant 2.000000e+00 : f32
        %parallel_loop3A_2489 = vector.broadcast %parallel_loop3A_2488 : f32 to vector<16xf32>
        %parallel_loop3A_2490 = arith.divf %parallel_loop3A_2489, %parallel_loop3A_2487 : vector<16xf32>
        %parallel_loop3A_2491 = arith.constant 1.000000e+00 : f32
        %parallel_loop3A_2492 = vector.broadcast %parallel_loop3A_2491 : f32 to vector<16xf32>
        %parallel_loop3A_2493 = arith.subf %parallel_loop3A_2492, %parallel_loop3A_2490 : vector<16xf32>
        %parallel_loop3A_2494 = arith.mulf %parallel_loop3A_2493, %parallel_loop3A_2493 : vector<16xf32>
        %parallel_loop3A_2495 = arith.addf %parallel_loop3A_2203, %parallel_loop3A_2494 : vector<16xf32>
        %parallel_loop3A_2496 = arith.mulf %parallel_loop3A_2493, %parallel_loop3A_2241 : vector<16xf32>
        %parallel_loop3A_2497 = arith.addf %parallel_loop3A_2204, %parallel_loop3A_2496 : vector<16xf32>
        %parallel_loop3A_2498 = arith.mulf %parallel_loop3A_2493, %parallel_loop3A_2246 : vector<16xf32>
        %parallel_loop3A_2499 = arith.addf %parallel_loop3A_2205, %parallel_loop3A_2498 : vector<16xf32>
        %parallel_loop3A_2500 = arith.mulf %parallel_loop3A_2493, %parallel_loop3A_2251 : vector<16xf32>
        %parallel_loop3A_2501 = arith.addf %parallel_loop3A_2206, %parallel_loop3A_2500 : vector<16xf32>
        %parallel_loop3A_2502 = arith.constant 5 : i32
        %parallel_loop3A_2503 = arith.constant 0 : i32
        %parallel_loop3A_2504 = arith.constant 0 : i32
        %parallel_loop3A_2505 = tpu.memref_slice %arg13[%parallel_loop3A_414, %parallel_loop3A_2503, %parallel_loop3A_2504] : memref<2x8x1024xf32, #tpu.memory_space<vmem>> -> memref<1x8x1024xf32, #tpu.memory_space<vmem>>
        %parallel_loop3A_2506 = tpu.memref_squeeze %parallel_loop3A_2505 : memref<1x8x1024xf32, #tpu.memory_space<vmem>> -> memref<8x1024xf32, #tpu.memory_space<vmem>>
        %parallel_loop3A_2507 = arith.index_cast %parallel_loop3A_2502 : i32 to index
        %parallel_loop3A_2508 = arith.index_cast %parallel_loop3A_2221 : i32 to index
        %parallel_loop3A_2509 = tpu.vector_load %parallel_loop3A_2506[%parallel_loop3A_2507, %parallel_loop3A_2508] {strides = array<i32>} : memref<8x1024xf32, #tpu.memory_space<vmem>>, vector<1x16xf32>,
        %parallel_loop3A_2510 = vector.shape_cast %parallel_loop3A_2509 : vector<1x16xf32> to vector<16xf32>
        %parallel_loop3A_2511 = arith.mulf %parallel_loop3A_2510, %parallel_loop3A_2226 : vector<16xf32>
        %parallel_loop3A_2512 = arith.constant 5 : i32
        %parallel_loop3A_2513 = arith.constant 0 : i32
        %parallel_loop3A_2514 = arith.constant 0 : i32
        %parallel_loop3A_2515 = tpu.memref_slice %arg14[%parallel_loop3A_415, %parallel_loop3A_2513, %parallel_loop3A_2514] : memref<2x8x1024xf32, #tpu.memory_space<vmem>> -> memref<1x8x1024xf32, #tpu.memory_space<vmem>>
        %parallel_loop3A_2516 = tpu.memref_squeeze %parallel_loop3A_2515 : memref<1x8x1024xf32, #tpu.memory_space<vmem>> -> memref<8x1024xf32, #tpu.memory_space<vmem>>
        %parallel_loop3A_2517 = arith.index_cast %parallel_loop3A_2512 : i32 to index
        %parallel_loop3A_2518 = arith.index_cast %parallel_loop3A_2221 : i32 to index
        %parallel_loop3A_2519 = tpu.vector_load %parallel_loop3A_2516[%parallel_loop3A_2517, %parallel_loop3A_2518] {strides = array<i32>} : memref<8x1024xf32, #tpu.memory_space<vmem>>, vector<1x16xf32>,
        %parallel_loop3A_2520 = vector.shape_cast %parallel_loop3A_2519 : vector<1x16xf32> to vector<16xf32>
        %parallel_loop3A_2521 = arith.mulf %parallel_loop3A_2520, %parallel_loop3A_2231 : vector<16xf32>
        %parallel_loop3A_2522 = arith.addf %parallel_loop3A_2511, %parallel_loop3A_2521 : vector<16xf32>
        %parallel_loop3A_2523 = arith.constant 5 : i32
        %parallel_loop3A_2524 = arith.constant 0 : i32
        %parallel_loop3A_2525 = arith.constant 0 : i32
        %parallel_loop3A_2526 = tpu.memref_slice %arg12[%parallel_loop3A_416, %parallel_loop3A_2524, %parallel_loop3A_2525] : memref<2x8x1024xf32, #tpu.memory_space<vmem>> -> memref<1x8x1024xf32, #tpu.memory_space<vmem>>
        %parallel_loop3A_2527 = tpu.memref_squeeze %parallel_loop3A_2526 : memref<1x8x1024xf32, #tpu.memory_space<vmem>> -> memref<8x1024xf32, #tpu.memory_space<vmem>>
        %parallel_loop3A_2528 = arith.index_cast %parallel_loop3A_2523 : i32 to index
        %parallel_loop3A_2529 = arith.index_cast %parallel_loop3A_2221 : i32 to index
        %parallel_loop3A_2530 = tpu.vector_load %parallel_loop3A_2527[%parallel_loop3A_2528, %parallel_loop3A_2529] {strides = array<i32>} : memref<8x1024xf32, #tpu.memory_space<vmem>>, vector<1x16xf32>,
        %parallel_loop3A_2531 = vector.shape_cast %parallel_loop3A_2530 : vector<1x16xf32> to vector<16xf32>
        %parallel_loop3A_2532 = arith.mulf %parallel_loop3A_2531, %parallel_loop3A_2236 : vector<16xf32>
        %parallel_loop3A_2533 = arith.addf %parallel_loop3A_2522, %parallel_loop3A_2532 : vector<16xf32>
        %parallel_loop3A_2534 = math.exp %parallel_loop3A_2533 : vector<16xf32>
        %parallel_loop3A_2535 = arith.constant 1.000000e+00 : f32
        %parallel_loop3A_2536 = vector.broadcast %parallel_loop3A_2535 : f32 to vector<16xf32>
        %parallel_loop3A_2537 = arith.addf %parallel_loop3A_2534, %parallel_loop3A_2536 : vector<16xf32>
        %parallel_loop3A_2538 = arith.constant 2.000000e+00 : f32
        %parallel_loop3A_2539 = vector.broadcast %parallel_loop3A_2538 : f32 to vector<16xf32>
        %parallel_loop3A_2540 = arith.divf %parallel_loop3A_2539, %parallel_loop3A_2537 : vector<16xf32>
        %parallel_loop3A_2541 = arith.constant 1.000000e+00 : f32
        %parallel_loop3A_2542 = vector.broadcast %parallel_loop3A_2541 : f32 to vector<16xf32>
        %parallel_loop3A_2543 = arith.subf %parallel_loop3A_2542, %parallel_loop3A_2540 : vector<16xf32>
        %parallel_loop3A_2544 = arith.mulf %parallel_loop3A_2543, %parallel_loop3A_2543 : vector<16xf32>
        %parallel_loop3A_2545 = arith.addf %parallel_loop3A_2207, %parallel_loop3A_2544 : vector<16xf32>
        %parallel_loop3A_2546 = arith.mulf %parallel_loop3A_2543, %parallel_loop3A_2241 : vector<16xf32>
        %parallel_loop3A_2547 = arith.addf %parallel_loop3A_2208, %parallel_loop3A_2546 : vector<16xf32>
        %parallel_loop3A_2548 = arith.mulf %parallel_loop3A_2543, %parallel_loop3A_2246 : vector<16xf32>
        %parallel_loop3A_2549 = arith.addf %parallel_loop3A_2209, %parallel_loop3A_2548 : vector<16xf32>
        %parallel_loop3A_2550 = arith.mulf %parallel_loop3A_2543, %parallel_loop3A_2251 : vector<16xf32>
        %parallel_loop3A_2551 = arith.addf %parallel_loop3A_2210, %parallel_loop3A_2550 : vector<16xf32>
        %parallel_loop3A_2552 = arith.constant 6 : i32
        %parallel_loop3A_2553 = arith.constant 0 : i32
        %parallel_loop3A_2554 = arith.constant 0 : i32
        %parallel_loop3A_2555 = tpu.memref_slice %arg13[%parallel_loop3A_414, %parallel_loop3A_2553, %parallel_loop3A_2554] : memref<2x8x1024xf32, #tpu.memory_space<vmem>> -> memref<1x8x1024xf32, #tpu.memory_space<vmem>>
        %parallel_loop3A_2556 = tpu.memref_squeeze %parallel_loop3A_2555 : memref<1x8x1024xf32, #tpu.memory_space<vmem>> -> memref<8x1024xf32, #tpu.memory_space<vmem>>
        %parallel_loop3A_2557 = arith.index_cast %parallel_loop3A_2552 : i32 to index
        %parallel_loop3A_2558 = arith.index_cast %parallel_loop3A_2221 : i32 to index
        %parallel_loop3A_2559 = tpu.vector_load %parallel_loop3A_2556[%parallel_loop3A_2557, %parallel_loop3A_2558] {strides = array<i32>} : memref<8x1024xf32, #tpu.memory_space<vmem>>, vector<1x16xf32>,
        %parallel_loop3A_2560 = vector.shape_cast %parallel_loop3A_2559 : vector<1x16xf32> to vector<16xf32>
        %parallel_loop3A_2561 = arith.mulf %parallel_loop3A_2560, %parallel_loop3A_2226 : vector<16xf32>
        %parallel_loop3A_2562 = arith.constant 6 : i32
        %parallel_loop3A_2563 = arith.constant 0 : i32
        %parallel_loop3A_2564 = arith.constant 0 : i32
        %parallel_loop3A_2565 = tpu.memref_slice %arg14[%parallel_loop3A_415, %parallel_loop3A_2563, %parallel_loop3A_2564] : memref<2x8x1024xf32, #tpu.memory_space<vmem>> -> memref<1x8x1024xf32, #tpu.memory_space<vmem>>
        %parallel_loop3A_2566 = tpu.memref_squeeze %parallel_loop3A_2565 : memref<1x8x1024xf32, #tpu.memory_space<vmem>> -> memref<8x1024xf32, #tpu.memory_space<vmem>>
        %parallel_loop3A_2567 = arith.index_cast %parallel_loop3A_2562 : i32 to index
        %parallel_loop3A_2568 = arith.index_cast %parallel_loop3A_2221 : i32 to index
        %parallel_loop3A_2569 = tpu.vector_load %parallel_loop3A_2566[%parallel_loop3A_2567, %parallel_loop3A_2568] {strides = array<i32>} : memref<8x1024xf32, #tpu.memory_space<vmem>>, vector<1x16xf32>,
        %parallel_loop3A_2570 = vector.shape_cast %parallel_loop3A_2569 : vector<1x16xf32> to vector<16xf32>
        %parallel_loop3A_2571 = arith.mulf %parallel_loop3A_2570, %parallel_loop3A_2231 : vector<16xf32>
        %parallel_loop3A_2572 = arith.addf %parallel_loop3A_2561, %parallel_loop3A_2571 : vector<16xf32>
        %parallel_loop3A_2573 = arith.constant 6 : i32
        %parallel_loop3A_2574 = arith.constant 0 : i32
        %parallel_loop3A_2575 = arith.constant 0 : i32
        %parallel_loop3A_2576 = tpu.memref_slice %arg12[%parallel_loop3A_416, %parallel_loop3A_2574, %parallel_loop3A_2575] : memref<2x8x1024xf32, #tpu.memory_space<vmem>> -> memref<1x8x1024xf32, #tpu.memory_space<vmem>>
        %parallel_loop3A_2577 = tpu.memref_squeeze %parallel_loop3A_2576 : memref<1x8x1024xf32, #tpu.memory_space<vmem>> -> memref<8x1024xf32, #tpu.memory_space<vmem>>
        %parallel_loop3A_2578 = arith.index_cast %parallel_loop3A_2573 : i32 to index
        %parallel_loop3A_2579 = arith.index_cast %parallel_loop3A_2221 : i32 to index
        %parallel_loop3A_2580 = tpu.vector_load %parallel_loop3A_2577[%parallel_loop3A_2578, %parallel_loop3A_2579] {strides = array<i32>} : memref<8x1024xf32, #tpu.memory_space<vmem>>, vector<1x16xf32>,
        %parallel_loop3A_2581 = vector.shape_cast %parallel_loop3A_2580 : vector<1x16xf32> to vector<16xf32>
        %parallel_loop3A_2582 = arith.mulf %parallel_loop3A_2581, %parallel_loop3A_2236 : vector<16xf32>
        %parallel_loop3A_2583 = arith.addf %parallel_loop3A_2572, %parallel_loop3A_2582 : vector<16xf32>
        %parallel_loop3A_2584 = math.exp %parallel_loop3A_2583 : vector<16xf32>
        %parallel_loop3A_2585 = arith.constant 1.000000e+00 : f32
        %parallel_loop3A_2586 = vector.broadcast %parallel_loop3A_2585 : f32 to vector<16xf32>
        %parallel_loop3A_2587 = arith.addf %parallel_loop3A_2584, %parallel_loop3A_2586 : vector<16xf32>
        %parallel_loop3A_2588 = arith.constant 2.000000e+00 : f32
        %parallel_loop3A_2589 = vector.broadcast %parallel_loop3A_2588 : f32 to vector<16xf32>
        %parallel_loop3A_2590 = arith.divf %parallel_loop3A_2589, %parallel_loop3A_2587 : vector<16xf32>
        %parallel_loop3A_2591 = arith.constant 1.000000e+00 : f32
        %parallel_loop3A_2592 = vector.broadcast %parallel_loop3A_2591 : f32 to vector<16xf32>
        %parallel_loop3A_2593 = arith.subf %parallel_loop3A_2592, %parallel_loop3A_2590 : vector<16xf32>
        %parallel_loop3A_2594 = arith.mulf %parallel_loop3A_2593, %parallel_loop3A_2593 : vector<16xf32>
        %parallel_loop3A_2595 = arith.addf %parallel_loop3A_2211, %parallel_loop3A_2594 : vector<16xf32>
        %parallel_loop3A_2596 = arith.mulf %parallel_loop3A_2593, %parallel_loop3A_2241 : vector<16xf32>
        %parallel_loop3A_2597 = arith.addf %parallel_loop3A_2212, %parallel_loop3A_2596 : vector<16xf32>
        %parallel_loop3A_2598 = arith.mulf %parallel_loop3A_2593, %parallel_loop3A_2246 : vector<16xf32>
        %parallel_loop3A_2599 = arith.addf %parallel_loop3A_2213, %parallel_loop3A_2598 : vector<16xf32>
        %parallel_loop3A_2600 = arith.mulf %parallel_loop3A_2593, %parallel_loop3A_2251 : vector<16xf32>
        %parallel_loop3A_2601 = arith.addf %parallel_loop3A_2214, %parallel_loop3A_2600 : vector<16xf32>
        %parallel_loop3A_2602 = arith.constant 7 : i32
        %parallel_loop3A_2603 = arith.constant 0 : i32
        %parallel_loop3A_2604 = arith.constant 0 : i32
        %parallel_loop3A_2605 = tpu.memref_slice %arg13[%parallel_loop3A_414, %parallel_loop3A_2603, %parallel_loop3A_2604] : memref<2x8x1024xf32, #tpu.memory_space<vmem>> -> memref<1x8x1024xf32, #tpu.memory_space<vmem>>
        %parallel_loop3A_2606 = tpu.memref_squeeze %parallel_loop3A_2605 : memref<1x8x1024xf32, #tpu.memory_space<vmem>> -> memref<8x1024xf32, #tpu.memory_space<vmem>>
        %parallel_loop3A_2607 = arith.index_cast %parallel_loop3A_2602 : i32 to index
        %parallel_loop3A_2608 = arith.index_cast %parallel_loop3A_2221 : i32 to index
        %parallel_loop3A_2609 = tpu.vector_load %parallel_loop3A_2606[%parallel_loop3A_2607, %parallel_loop3A_2608] {strides = array<i32>} : memref<8x1024xf32, #tpu.memory_space<vmem>>, vector<1x16xf32>,
        %parallel_loop3A_2610 = vector.shape_cast %parallel_loop3A_2609 : vector<1x16xf32> to vector<16xf32>
        %parallel_loop3A_2611 = arith.mulf %parallel_loop3A_2610, %parallel_loop3A_2226 : vector<16xf32>
        %parallel_loop3A_2612 = arith.constant 7 : i32
        %parallel_loop3A_2613 = arith.constant 0 : i32
        %parallel_loop3A_2614 = arith.constant 0 : i32
        %parallel_loop3A_2615 = tpu.memref_slice %arg14[%parallel_loop3A_415, %parallel_loop3A_2613, %parallel_loop3A_2614] : memref<2x8x1024xf32, #tpu.memory_space<vmem>> -> memref<1x8x1024xf32, #tpu.memory_space<vmem>>
        %parallel_loop3A_2616 = tpu.memref_squeeze %parallel_loop3A_2615 : memref<1x8x1024xf32, #tpu.memory_space<vmem>> -> memref<8x1024xf32, #tpu.memory_space<vmem>>
        %parallel_loop3A_2617 = arith.index_cast %parallel_loop3A_2612 : i32 to index
        %parallel_loop3A_2618 = arith.index_cast %parallel_loop3A_2221 : i32 to index
        %parallel_loop3A_2619 = tpu.vector_load %parallel_loop3A_2616[%parallel_loop3A_2617, %parallel_loop3A_2618] {strides = array<i32>} : memref<8x1024xf32, #tpu.memory_space<vmem>>, vector<1x16xf32>,
        %parallel_loop3A_2620 = vector.shape_cast %parallel_loop3A_2619 : vector<1x16xf32> to vector<16xf32>
        %parallel_loop3A_2621 = arith.mulf %parallel_loop3A_2620, %parallel_loop3A_2231 : vector<16xf32>
        %parallel_loop3A_2622 = arith.addf %parallel_loop3A_2611, %parallel_loop3A_2621 : vector<16xf32>
        %parallel_loop3A_2623 = arith.constant 7 : i32
        %parallel_loop3A_2624 = arith.constant 0 : i32
        %parallel_loop3A_2625 = arith.constant 0 : i32
        %parallel_loop3A_2626 = tpu.memref_slice %arg12[%parallel_loop3A_416, %parallel_loop3A_2624, %parallel_loop3A_2625] : memref<2x8x1024xf32, #tpu.memory_space<vmem>> -> memref<1x8x1024xf32, #tpu.memory_space<vmem>>
        %parallel_loop3A_2627 = tpu.memref_squeeze %parallel_loop3A_2626 : memref<1x8x1024xf32, #tpu.memory_space<vmem>> -> memref<8x1024xf32, #tpu.memory_space<vmem>>
        %parallel_loop3A_2628 = arith.index_cast %parallel_loop3A_2623 : i32 to index
        %parallel_loop3A_2629 = arith.index_cast %parallel_loop3A_2221 : i32 to index
        %parallel_loop3A_2630 = tpu.vector_load %parallel_loop3A_2627[%parallel_loop3A_2628, %parallel_loop3A_2629] {strides = array<i32>} : memref<8x1024xf32, #tpu.memory_space<vmem>>, vector<1x16xf32>,
        %parallel_loop3A_2631 = vector.shape_cast %parallel_loop3A_2630 : vector<1x16xf32> to vector<16xf32>
        %parallel_loop3A_2632 = arith.mulf %parallel_loop3A_2631, %parallel_loop3A_2236 : vector<16xf32>
        %parallel_loop3A_2633 = arith.addf %parallel_loop3A_2622, %parallel_loop3A_2632 : vector<16xf32>
        %parallel_loop3A_2634 = math.exp %parallel_loop3A_2633 : vector<16xf32>
        %parallel_loop3A_2635 = arith.constant 1.000000e+00 : f32
        %parallel_loop3A_2636 = vector.broadcast %parallel_loop3A_2635 : f32 to vector<16xf32>
        %parallel_loop3A_2637 = arith.addf %parallel_loop3A_2634, %parallel_loop3A_2636 : vector<16xf32>
        %parallel_loop3A_2638 = arith.constant 2.000000e+00 : f32
        %parallel_loop3A_2639 = vector.broadcast %parallel_loop3A_2638 : f32 to vector<16xf32>
        %parallel_loop3A_2640 = arith.divf %parallel_loop3A_2639, %parallel_loop3A_2637 : vector<16xf32>
        %parallel_loop3A_2641 = arith.constant 1.000000e+00 : f32
        %parallel_loop3A_2642 = vector.broadcast %parallel_loop3A_2641 : f32 to vector<16xf32>
        %parallel_loop3A_2643 = arith.subf %parallel_loop3A_2642, %parallel_loop3A_2640 : vector<16xf32>
        %parallel_loop3A_2644 = arith.mulf %parallel_loop3A_2643, %parallel_loop3A_2643 : vector<16xf32>
        %parallel_loop3A_2645 = arith.addf %parallel_loop3A_2215, %parallel_loop3A_2644 : vector<16xf32>
        %parallel_loop3A_2646 = arith.mulf %parallel_loop3A_2643, %parallel_loop3A_2241 : vector<16xf32>
        %parallel_loop3A_2647 = arith.addf %parallel_loop3A_2216, %parallel_loop3A_2646 : vector<16xf32>
        %parallel_loop3A_2648 = arith.mulf %parallel_loop3A_2643, %parallel_loop3A_2246 : vector<16xf32>
        %parallel_loop3A_2649 = arith.addf %parallel_loop3A_2217, %parallel_loop3A_2648 : vector<16xf32>
        %parallel_loop3A_2650 = arith.mulf %parallel_loop3A_2643, %parallel_loop3A_2251 : vector<16xf32>
        %parallel_loop3A_2651 = arith.addf %parallel_loop3A_2218, %parallel_loop3A_2650 : vector<16xf32>
        scf.yield %parallel_loop3A_2295, %parallel_loop3A_2297, %parallel_loop3A_2299, %parallel_loop3A_2301, %parallel_loop3A_2345, %parallel_loop3A_2347, %parallel_loop3A_2349, %parallel_loop3A_2351, %parallel_loop3A_2395, %parallel_loop3A_2397, %parallel_loop3A_2399, %parallel_loop3A_2401, %parallel_loop3A_2445, %parallel_loop3A_2447, %parallel_loop3A_2449, %parallel_loop3A_2451, %parallel_loop3A_2495, %parallel_loop3A_2497, %parallel_loop3A_2499, %parallel_loop3A_2501, %parallel_loop3A_2545, %parallel_loop3A_2547, %parallel_loop3A_2549, %parallel_loop3A_2551, %parallel_loop3A_2595, %parallel_loop3A_2597, %parallel_loop3A_2599, %parallel_loop3A_2601, %parallel_loop3A_2645, %parallel_loop3A_2647, %parallel_loop3A_2649, %parallel_loop3A_2651 : vector<16xf32>, vector<16xf32>, vector<16xf32>, vector<16xf32>, vector<16xf32>, vector<16xf32>, vector<16xf32>, vector<16xf32>, vector<16xf32>, vector<16xf32>, vector<16xf32>, vector<16xf32>, vector<16xf32>, vector<16xf32>, vector<16xf32>, vector<16xf32>, vector<16xf32>, vector<16xf32>, vector<16xf32>, vector<16xf32>, vector<16xf32>, vector<16xf32>, vector<16xf32>, vector<16xf32>, vector<16xf32>, vector<16xf32>, vector<16xf32>, vector<16xf32>, vector<16xf32>, vector<16xf32>, vector<16xf32>, vector<16xf32>
      } {sc.loop_unroll_factor = 1 : i64, sc.parallel_access}
      %and3A = arith.constant 1 : i32
      %and3A_418 = vector.broadcast %and3A : i32 to vector<16xi32>
      %and3A_419 = arith.andi %iota3A, %and3A_418 : vector<16xi32>
      %ne3A = arith.constant 0 : i32
      %ne3A_420 = vector.broadcast %ne3A : i32 to vector<16xi32>
      %ne3A_421 = arith.cmpi ne, %and3A_419, %ne3A_420 : vector<16xi32>
      %select_n3A_422 = arith.select %ne3A_421, %parallel_loop3A_417#4, %parallel_loop3A_417#0 : vector<16xi1>, vector<16xf32>
      %select_n3A_423 = arith.select %ne3A_421, %parallel_loop3A_417#0, %parallel_loop3A_417#4 : vector<16xi1>, vector<16xf32>
      %xor3A_424 = arith.constant 1 : i32
      %xor3A_425 = vector.broadcast %xor3A_424 : i32 to vector<16xi32>
      %xor3A_426 = arith.xori %iota3A, %xor3A_425 : vector<16xi32>
      %lt3A_427 = arith.constant 0 : i32
      %lt3A_428 = vector.broadcast %lt3A_427 : i32 to vector<16xi32>
      %lt3A_429 = arith.cmpi slt, %xor3A_426, %lt3A_428 : vector<16xi32>
      %add3A_430 = arith.constant 16 : i32
      %add3A_431 = vector.broadcast %add3A_430 : i32 to vector<16xi32>
      %add3A_432 = arith.addi %xor3A_426, %add3A_431 : vector<16xi32>
      %select_n3A_433 = arith.select %lt3A_429, %add3A_432, %xor3A_426 : vector<16xi1>, vector<16xi32>
      %broadcast_in_dim3A_434 = vector.shape_cast %select_n3A_433 : vector<16xi32> to vector<16x1xi32>
      %gather3A_435 = vector.shape_cast %broadcast_in_dim3A_434 : vector<16x1xi32> to vector<16xi32>
      %gather3A_436 = tpu.dynamic_gather %select_n3A_423[%gather3A_435] in [0] : vector<16xf32>, vector<16xi32> -> vector<16xf32>
      %add3A_437 = arith.addf %select_n3A_422, %gather3A_436 : vector<16xf32>
      %and3A_438 = arith.constant 1 : i32
      %and3A_439 = vector.broadcast %and3A_438 : i32 to vector<16xi32>
      %and3A_440 = arith.andi %iota3A, %and3A_439 : vector<16xi32>
      %ne3A_441 = arith.constant 0 : i32
      %ne3A_442 = vector.broadcast %ne3A_441 : i32 to vector<16xi32>
      %ne3A_443 = arith.cmpi ne, %and3A_440, %ne3A_442 : vector<16xi32>
      %select_n3A_444 = arith.select %ne3A_443, %parallel_loop3A_417#12, %parallel_loop3A_417#8 : vector<16xi1>, vector<16xf32>
      %select_n3A_445 = arith.select %ne3A_443, %parallel_loop3A_417#8, %parallel_loop3A_417#12 : vector<16xi1>, vector<16xf32>
      %xor3A_446 = arith.constant 1 : i32
      %xor3A_447 = vector.broadcast %xor3A_446 : i32 to vector<16xi32>
      %xor3A_448 = arith.xori %iota3A, %xor3A_447 : vector<16xi32>
      %lt3A_449 = arith.constant 0 : i32
      %lt3A_450 = vector.broadcast %lt3A_449 : i32 to vector<16xi32>
      %lt3A_451 = arith.cmpi slt, %xor3A_448, %lt3A_450 : vector<16xi32>
      %add3A_452 = arith.constant 16 : i32
      %add3A_453 = vector.broadcast %add3A_452 : i32 to vector<16xi32>
      %add3A_454 = arith.addi %xor3A_448, %add3A_453 : vector<16xi32>
      %select_n3A_455 = arith.select %lt3A_451, %add3A_454, %xor3A_448 : vector<16xi1>, vector<16xi32>
      %broadcast_in_dim3A_456 = vector.shape_cast %select_n3A_455 : vector<16xi32> to vector<16x1xi32>
      %gather3A_457 = vector.shape_cast %broadcast_in_dim3A_456 : vector<16x1xi32> to vector<16xi32>
      %gather3A_458 = tpu.dynamic_gather %select_n3A_445[%gather3A_457] in [0] : vector<16xf32>, vector<16xi32> -> vector<16xf32>
      %add3A_459 = arith.addf %select_n3A_444, %gather3A_458 : vector<16xf32>
      %and3A_460 = arith.constant 1 : i32
      %and3A_461 = vector.broadcast %and3A_460 : i32 to vector<16xi32>
      %and3A_462 = arith.andi %iota3A, %and3A_461 : vector<16xi32>
      %ne3A_463 = arith.constant 0 : i32
      %ne3A_464 = vector.broadcast %ne3A_463 : i32 to vector<16xi32>
      %ne3A_465 = arith.cmpi ne, %and3A_462, %ne3A_464 : vector<16xi32>
      %select_n3A_466 = arith.select %ne3A_465, %parallel_loop3A_417#20, %parallel_loop3A_417#16 : vector<16xi1>, vector<16xf32>
      %select_n3A_467 = arith.select %ne3A_465, %parallel_loop3A_417#16, %parallel_loop3A_417#20 : vector<16xi1>, vector<16xf32>
      %xor3A_468 = arith.constant 1 : i32
      %xor3A_469 = vector.broadcast %xor3A_468 : i32 to vector<16xi32>
      %xor3A_470 = arith.xori %iota3A, %xor3A_469 : vector<16xi32>
      %lt3A_471 = arith.constant 0 : i32
      %lt3A_472 = vector.broadcast %lt3A_471 : i32 to vector<16xi32>
      %lt3A_473 = arith.cmpi slt, %xor3A_470, %lt3A_472 : vector<16xi32>
      %add3A_474 = arith.constant 16 : i32
      %add3A_475 = vector.broadcast %add3A_474 : i32 to vector<16xi32>
      %add3A_476 = arith.addi %xor3A_470, %add3A_475 : vector<16xi32>
      %select_n3A_477 = arith.select %lt3A_473, %add3A_476, %xor3A_470 : vector<16xi1>, vector<16xi32>
      %broadcast_in_dim3A_478 = vector.shape_cast %select_n3A_477 : vector<16xi32> to vector<16x1xi32>
      %gather3A_479 = vector.shape_cast %broadcast_in_dim3A_478 : vector<16x1xi32> to vector<16xi32>
      %gather3A_480 = tpu.dynamic_gather %select_n3A_467[%gather3A_479] in [0] : vector<16xf32>, vector<16xi32> -> vector<16xf32>
      %add3A_481 = arith.addf %select_n3A_466, %gather3A_480 : vector<16xf32>
      %and3A_482 = arith.constant 1 : i32
      %and3A_483 = vector.broadcast %and3A_482 : i32 to vector<16xi32>
      %and3A_484 = arith.andi %iota3A, %and3A_483 : vector<16xi32>
      %ne3A_485 = arith.constant 0 : i32
      %ne3A_486 = vector.broadcast %ne3A_485 : i32 to vector<16xi32>
      %ne3A_487 = arith.cmpi ne, %and3A_484, %ne3A_486 : vector<16xi32>
      %select_n3A_488 = arith.select %ne3A_487, %parallel_loop3A_417#28, %parallel_loop3A_417#24 : vector<16xi1>, vector<16xf32>
      %select_n3A_489 = arith.select %ne3A_487, %parallel_loop3A_417#24, %parallel_loop3A_417#28 : vector<16xi1>, vector<16xf32>
      %xor3A_490 = arith.constant 1 : i32
      %xor3A_491 = vector.broadcast %xor3A_490 : i32 to vector<16xi32>
      %xor3A_492 = arith.xori %iota3A, %xor3A_491 : vector<16xi32>
      %lt3A_493 = arith.constant 0 : i32
      %lt3A_494 = vector.broadcast %lt3A_493 : i32 to vector<16xi32>
      %lt3A_495 = arith.cmpi slt, %xor3A_492, %lt3A_494 : vector<16xi32>
      %add3A_496 = arith.constant 16 : i32
      %add3A_497 = vector.broadcast %add3A_496 : i32 to vector<16xi32>
      %add3A_498 = arith.addi %xor3A_492, %add3A_497 : vector<16xi32>
      %select_n3A_499 = arith.select %lt3A_495, %add3A_498, %xor3A_492 : vector<16xi1>, vector<16xi32>
      %broadcast_in_dim3A_500 = vector.shape_cast %select_n3A_499 : vector<16xi32> to vector<16x1xi32>
      %gather3A_501 = vector.shape_cast %broadcast_in_dim3A_500 : vector<16x1xi32> to vector<16xi32>
      %gather3A_502 = tpu.dynamic_gather %select_n3A_489[%gather3A_501] in [0] : vector<16xf32>, vector<16xi32> -> vector<16xf32>
      %add3A_503 = arith.addf %select_n3A_488, %gather3A_502 : vector<16xf32>
      %and3A_504 = arith.constant 2 : i32
      %and3A_505 = vector.broadcast %and3A_504 : i32 to vector<16xi32>
      %and3A_506 = arith.andi %iota3A, %and3A_505 : vector<16xi32>
      %ne3A_507 = arith.constant 0 : i32
      %ne3A_508 = vector.broadcast %ne3A_507 : i32 to vector<16xi32>
      %ne3A_509 = arith.cmpi ne, %and3A_506, %ne3A_508 : vector<16xi32>
      %select_n3A_510 = arith.select %ne3A_509, %add3A_459, %add3A_437 : vector<16xi1>, vector<16xf32>
      %select_n3A_511 = arith.select %ne3A_509, %add3A_437, %add3A_459 : vector<16xi1>, vector<16xf32>
      %xor3A_512 = arith.constant 2 : i32
      %xor3A_513 = vector.broadcast %xor3A_512 : i32 to vector<16xi32>
      %xor3A_514 = arith.xori %iota3A, %xor3A_513 : vector<16xi32>
      %lt3A_515 = arith.constant 0 : i32
      %lt3A_516 = vector.broadcast %lt3A_515 : i32 to vector<16xi32>
      %lt3A_517 = arith.cmpi slt, %xor3A_514, %lt3A_516 : vector<16xi32>
      %add3A_518 = arith.constant 16 : i32
      %add3A_519 = vector.broadcast %add3A_518 : i32 to vector<16xi32>
      %add3A_520 = arith.addi %xor3A_514, %add3A_519 : vector<16xi32>
      %select_n3A_521 = arith.select %lt3A_517, %add3A_520, %xor3A_514 : vector<16xi1>, vector<16xi32>
      %broadcast_in_dim3A_522 = vector.shape_cast %select_n3A_521 : vector<16xi32> to vector<16x1xi32>
      %gather3A_523 = vector.shape_cast %broadcast_in_dim3A_522 : vector<16x1xi32> to vector<16xi32>
      %gather3A_524 = tpu.dynamic_gather %select_n3A_511[%gather3A_523] in [0] : vector<16xf32>, vector<16xi32> -> vector<16xf32>
      %add3A_525 = arith.addf %select_n3A_510, %gather3A_524 : vector<16xf32>
      %and3A_526 = arith.constant 2 : i32
      %and3A_527 = vector.broadcast %and3A_526 : i32 to vector<16xi32>
      %and3A_528 = arith.andi %iota3A, %and3A_527 : vector<16xi32>
      %ne3A_529 = arith.constant 0 : i32
      %ne3A_530 = vector.broadcast %ne3A_529 : i32 to vector<16xi32>
      %ne3A_531 = arith.cmpi ne, %and3A_528, %ne3A_530 : vector<16xi32>
      %select_n3A_532 = arith.select %ne3A_531, %add3A_503, %add3A_481 : vector<16xi1>, vector<16xf32>
      %select_n3A_533 = arith.select %ne3A_531, %add3A_481, %add3A_503 : vector<16xi1>, vector<16xf32>
      %xor3A_534 = arith.constant 2 : i32
      %xor3A_535 = vector.broadcast %xor3A_534 : i32 to vector<16xi32>
      %xor3A_536 = arith.xori %iota3A, %xor3A_535 : vector<16xi32>
      %lt3A_537 = arith.constant 0 : i32
      %lt3A_538 = vector.broadcast %lt3A_537 : i32 to vector<16xi32>
      %lt3A_539 = arith.cmpi slt, %xor3A_536, %lt3A_538 : vector<16xi32>
      %add3A_540 = arith.constant 16 : i32
      %add3A_541 = vector.broadcast %add3A_540 : i32 to vector<16xi32>
      %add3A_542 = arith.addi %xor3A_536, %add3A_541 : vector<16xi32>
      %select_n3A_543 = arith.select %lt3A_539, %add3A_542, %xor3A_536 : vector<16xi1>, vector<16xi32>
      %broadcast_in_dim3A_544 = vector.shape_cast %select_n3A_543 : vector<16xi32> to vector<16x1xi32>
      %gather3A_545 = vector.shape_cast %broadcast_in_dim3A_544 : vector<16x1xi32> to vector<16xi32>
      %gather3A_546 = tpu.dynamic_gather %select_n3A_533[%gather3A_545] in [0] : vector<16xf32>, vector<16xi32> -> vector<16xf32>
      %add3A_547 = arith.addf %select_n3A_532, %gather3A_546 : vector<16xf32>
      %and3A_548 = arith.constant 4 : i32
      %and3A_549 = vector.broadcast %and3A_548 : i32 to vector<16xi32>
      %and3A_550 = arith.andi %iota3A, %and3A_549 : vector<16xi32>
      %ne3A_551 = arith.constant 0 : i32
      %ne3A_552 = vector.broadcast %ne3A_551 : i32 to vector<16xi32>
      %ne3A_553 = arith.cmpi ne, %and3A_550, %ne3A_552 : vector<16xi32>
      %select_n3A_554 = arith.select %ne3A_553, %add3A_547, %add3A_525 : vector<16xi1>, vector<16xf32>
      %select_n3A_555 = arith.select %ne3A_553, %add3A_525, %add3A_547 : vector<16xi1>, vector<16xf32>
      %xor3A_556 = arith.constant 4 : i32
      %xor3A_557 = vector.broadcast %xor3A_556 : i32 to vector<16xi32>
      %xor3A_558 = arith.xori %iota3A, %xor3A_557 : vector<16xi32>
      %lt3A_559 = arith.constant 0 : i32
      %lt3A_560 = vector.broadcast %lt3A_559 : i32 to vector<16xi32>
      %lt3A_561 = arith.cmpi slt, %xor3A_558, %lt3A_560 : vector<16xi32>
      %add3A_562 = arith.constant 16 : i32
      %add3A_563 = vector.broadcast %add3A_562 : i32 to vector<16xi32>
      %add3A_564 = arith.addi %xor3A_558, %add3A_563 : vector<16xi32>
      %select_n3A_565 = arith.select %lt3A_561, %add3A_564, %xor3A_558 : vector<16xi1>, vector<16xi32>
      %broadcast_in_dim3A_566 = vector.shape_cast %select_n3A_565 : vector<16xi32> to vector<16x1xi32>
      %gather3A_567 = vector.shape_cast %broadcast_in_dim3A_566 : vector<16x1xi32> to vector<16xi32>
      %gather3A_568 = tpu.dynamic_gather %select_n3A_555[%gather3A_567] in [0] : vector<16xf32>, vector<16xi32> -> vector<16xf32>
      %add3A_569 = arith.addf %select_n3A_554, %gather3A_568 : vector<16xf32>
      %xor3A_570 = arith.constant 8 : i32
      %xor3A_571 = vector.broadcast %xor3A_570 : i32 to vector<16xi32>
      %xor3A_572 = arith.xori %iota3A, %xor3A_571 : vector<16xi32>
      %lt3A_573 = arith.constant 0 : i32
      %lt3A_574 = vector.broadcast %lt3A_573 : i32 to vector<16xi32>
      %lt3A_575 = arith.cmpi slt, %xor3A_572, %lt3A_574 : vector<16xi32>
      %add3A_576 = arith.constant 16 : i32
      %add3A_577 = vector.broadcast %add3A_576 : i32 to vector<16xi32>
      %add3A_578 = arith.addi %xor3A_572, %add3A_577 : vector<16xi32>
      %select_n3A_579 = arith.select %lt3A_575, %add3A_578, %xor3A_572 : vector<16xi1>, vector<16xi32>
      %broadcast_in_dim3A_580 = vector.shape_cast %select_n3A_579 : vector<16xi32> to vector<16x1xi32>
      %gather3A_581 = vector.shape_cast %broadcast_in_dim3A_580 : vector<16x1xi32> to vector<16xi32>
      %gather3A_582 = tpu.dynamic_gather %add3A_569[%gather3A_581] in [0] : vector<16xf32>, vector<16xi32> -> vector<16xf32>
      %add3A_583 = arith.addf %add3A_569, %gather3A_582 : vector<16xf32>
      %bitcast_convert_type3A_584 = tpu.bitcast %add3A_583 : vector<16xf32> -> vector<16xi32>
      %broadcast_in_dim3A_585 = arith.constant 1597463007 : i32
      %broadcast_in_dim3A_586 = vector.broadcast %broadcast_in_dim3A_585 : i32 to vector<16xi32>
      %broadcast_in_dim3A_587 = arith.constant 1 : i32
      %broadcast_in_dim3A_588 = vector.broadcast %broadcast_in_dim3A_587 : i32 to vector<16xi32>
      %shift_right_arithmetic3A_589 = arith.shrsi %bitcast_convert_type3A_584, %broadcast_in_dim3A_588 : vector<16xi32>
      %sub3A_590 = arith.subi %broadcast_in_dim3A_586, %shift_right_arithmetic3A_589 : vector<16xi32>
      %bitcast_convert_type3A_591 = tpu.bitcast %sub3A_590 : vector<16xi32> -> vector<16xf32>
      %mul3A_592 = arith.constant 5.000000e-01 : f32
      %mul3A_593 = vector.broadcast %mul3A_592 : f32 to vector<16xf32>
      %mul3A_594 = arith.mulf %mul3A_593, %add3A_583 : vector<16xf32>
      %mul3A_595 = arith.mulf %mul3A_594, %bitcast_convert_type3A_591 : vector<16xf32>
      %mul3A_596 = arith.mulf %mul3A_595, %bitcast_convert_type3A_591 : vector<16xf32>
      %sub3A_597 = arith.constant 1.500000e+00 : f32
      %sub3A_598 = vector.broadcast %sub3A_597 : f32 to vector<16xf32>
      %sub3A_599 = arith.subf %sub3A_598, %mul3A_596 : vector<16xf32>
      %mul3A_600 = arith.mulf %bitcast_convert_type3A_591, %sub3A_599 : vector<16xf32>
      %mul3A_601 = arith.constant 5.000000e-01 : f32
      %mul3A_602 = vector.broadcast %mul3A_601 : f32 to vector<16xf32>
      %mul3A_603 = arith.mulf %mul3A_602, %add3A_583 : vector<16xf32>
      %mul3A_604 = arith.mulf %mul3A_603, %mul3A_600 : vector<16xf32>
      %mul3A_605 = arith.mulf %mul3A_604, %mul3A_600 : vector<16xf32>
      %sub3A_606 = arith.constant 1.500000e+00 : f32
      %sub3A_607 = vector.broadcast %sub3A_606 : f32 to vector<16xf32>
      %sub3A_608 = arith.subf %sub3A_607, %mul3A_605 : vector<16xf32>
      %mul3A_609 = arith.mulf %mul3A_600, %sub3A_608 : vector<16xf32>
      %mul3A_610 = arith.constant 5.000000e-01 : f32
      %mul3A_611 = vector.broadcast %mul3A_610 : f32 to vector<16xf32>
      %mul3A_612 = arith.mulf %mul3A_611, %add3A_583 : vector<16xf32>
      %mul3A_613 = arith.mulf %mul3A_612, %mul3A_609 : vector<16xf32>
      %mul3A_614 = arith.mulf %mul3A_613, %mul3A_609 : vector<16xf32>
      %sub3A_615 = arith.constant 1.500000e+00 : f32
      %sub3A_616 = vector.broadcast %sub3A_615 : f32 to vector<16xf32>
      %sub3A_617 = arith.subf %sub3A_616, %mul3A_614 : vector<16xf32>
      %mul3A_618 = arith.mulf %mul3A_609, %sub3A_617 : vector<16xf32>
      %and3A_619 = arith.constant 1 : i32
      %and3A_620 = vector.broadcast %and3A_619 : i32 to vector<16xi32>
      %and3A_621 = arith.andi %iota3A, %and3A_620 : vector<16xi32>
      %ne3A_622 = arith.constant 0 : i32
      %ne3A_623 = vector.broadcast %ne3A_622 : i32 to vector<16xi32>
      %ne3A_624 = arith.cmpi ne, %and3A_621, %ne3A_623 : vector<16xi32>
      %select_n3A_625 = arith.select %ne3A_624, %parallel_loop3A_417#5, %parallel_loop3A_417#1 : vector<16xi1>, vector<16xf32>
      %select_n3A_626 = arith.select %ne3A_624, %parallel_loop3A_417#1, %parallel_loop3A_417#5 : vector<16xi1>, vector<16xf32>
      %xor3A_627 = arith.constant 1 : i32
      %xor3A_628 = vector.broadcast %xor3A_627 : i32 to vector<16xi32>
      %xor3A_629 = arith.xori %iota3A, %xor3A_628 : vector<16xi32>
      %lt3A_630 = arith.constant 0 : i32
      %lt3A_631 = vector.broadcast %lt3A_630 : i32 to vector<16xi32>
      %lt3A_632 = arith.cmpi slt, %xor3A_629, %lt3A_631 : vector<16xi32>
      %add3A_633 = arith.constant 16 : i32
      %add3A_634 = vector.broadcast %add3A_633 : i32 to vector<16xi32>
      %add3A_635 = arith.addi %xor3A_629, %add3A_634 : vector<16xi32>
      %select_n3A_636 = arith.select %lt3A_632, %add3A_635, %xor3A_629 : vector<16xi1>, vector<16xi32>
      %broadcast_in_dim3A_637 = vector.shape_cast %select_n3A_636 : vector<16xi32> to vector<16x1xi32>
      %gather3A_638 = vector.shape_cast %broadcast_in_dim3A_637 : vector<16x1xi32> to vector<16xi32>
      %gather3A_639 = tpu.dynamic_gather %select_n3A_626[%gather3A_638] in [0] : vector<16xf32>, vector<16xi32> -> vector<16xf32>
      %add3A_640 = arith.addf %select_n3A_625, %gather3A_639 : vector<16xf32>
      %and3A_641 = arith.constant 1 : i32
      %and3A_642 = vector.broadcast %and3A_641 : i32 to vector<16xi32>
      %and3A_643 = arith.andi %iota3A, %and3A_642 : vector<16xi32>
      %ne3A_644 = arith.constant 0 : i32
      %ne3A_645 = vector.broadcast %ne3A_644 : i32 to vector<16xi32>
      %ne3A_646 = arith.cmpi ne, %and3A_643, %ne3A_645 : vector<16xi32>
      %select_n3A_647 = arith.select %ne3A_646, %parallel_loop3A_417#13, %parallel_loop3A_417#9 : vector<16xi1>, vector<16xf32>
      %select_n3A_648 = arith.select %ne3A_646, %parallel_loop3A_417#9, %parallel_loop3A_417#13 : vector<16xi1>, vector<16xf32>
      %xor3A_649 = arith.constant 1 : i32
      %xor3A_650 = vector.broadcast %xor3A_649 : i32 to vector<16xi32>
      %xor3A_651 = arith.xori %iota3A, %xor3A_650 : vector<16xi32>
      %lt3A_652 = arith.constant 0 : i32
      %lt3A_653 = vector.broadcast %lt3A_652 : i32 to vector<16xi32>
      %lt3A_654 = arith.cmpi slt, %xor3A_651, %lt3A_653 : vector<16xi32>
      %add3A_655 = arith.constant 16 : i32
      %add3A_656 = vector.broadcast %add3A_655 : i32 to vector<16xi32>
      %add3A_657 = arith.addi %xor3A_651, %add3A_656 : vector<16xi32>
      %select_n3A_658 = arith.select %lt3A_654, %add3A_657, %xor3A_651 : vector<16xi1>, vector<16xi32>
      %broadcast_in_dim3A_659 = vector.shape_cast %select_n3A_658 : vector<16xi32> to vector<16x1xi32>
      %gather3A_660 = vector.shape_cast %broadcast_in_dim3A_659 : vector<16x1xi32> to vector<16xi32>
      %gather3A_661 = tpu.dynamic_gather %select_n3A_648[%gather3A_660] in [0] : vector<16xf32>, vector<16xi32> -> vector<16xf32>
      %add3A_662 = arith.addf %select_n3A_647, %gather3A_661 : vector<16xf32>
      %and3A_663 = arith.constant 1 : i32
      %and3A_664 = vector.broadcast %and3A_663 : i32 to vector<16xi32>
      %and3A_665 = arith.andi %iota3A, %and3A_664 : vector<16xi32>
      %ne3A_666 = arith.constant 0 : i32
      %ne3A_667 = vector.broadcast %ne3A_666 : i32 to vector<16xi32>
      %ne3A_668 = arith.cmpi ne, %and3A_665, %ne3A_667 : vector<16xi32>
      %select_n3A_669 = arith.select %ne3A_668, %parallel_loop3A_417#21, %parallel_loop3A_417#17 : vector<16xi1>, vector<16xf32>
      %select_n3A_670 = arith.select %ne3A_668, %parallel_loop3A_417#17, %parallel_loop3A_417#21 : vector<16xi1>, vector<16xf32>
      %xor3A_671 = arith.constant 1 : i32
      %xor3A_672 = vector.broadcast %xor3A_671 : i32 to vector<16xi32>
      %xor3A_673 = arith.xori %iota3A, %xor3A_672 : vector<16xi32>
      %lt3A_674 = arith.constant 0 : i32
      %lt3A_675 = vector.broadcast %lt3A_674 : i32 to vector<16xi32>
      %lt3A_676 = arith.cmpi slt, %xor3A_673, %lt3A_675 : vector<16xi32>
      %add3A_677 = arith.constant 16 : i32
      %add3A_678 = vector.broadcast %add3A_677 : i32 to vector<16xi32>
      %add3A_679 = arith.addi %xor3A_673, %add3A_678 : vector<16xi32>
      %select_n3A_680 = arith.select %lt3A_676, %add3A_679, %xor3A_673 : vector<16xi1>, vector<16xi32>
      %broadcast_in_dim3A_681 = vector.shape_cast %select_n3A_680 : vector<16xi32> to vector<16x1xi32>
      %gather3A_682 = vector.shape_cast %broadcast_in_dim3A_681 : vector<16x1xi32> to vector<16xi32>
      %gather3A_683 = tpu.dynamic_gather %select_n3A_670[%gather3A_682] in [0] : vector<16xf32>, vector<16xi32> -> vector<16xf32>
      %add3A_684 = arith.addf %select_n3A_669, %gather3A_683 : vector<16xf32>
      %and3A_685 = arith.constant 1 : i32
      %and3A_686 = vector.broadcast %and3A_685 : i32 to vector<16xi32>
      %and3A_687 = arith.andi %iota3A, %and3A_686 : vector<16xi32>
      %ne3A_688 = arith.constant 0 : i32
      %ne3A_689 = vector.broadcast %ne3A_688 : i32 to vector<16xi32>
      %ne3A_690 = arith.cmpi ne, %and3A_687, %ne3A_689 : vector<16xi32>
      %select_n3A_691 = arith.select %ne3A_690, %parallel_loop3A_417#29, %parallel_loop3A_417#25 : vector<16xi1>, vector<16xf32>
      %select_n3A_692 = arith.select %ne3A_690, %parallel_loop3A_417#25, %parallel_loop3A_417#29 : vector<16xi1>, vector<16xf32>
      %xor3A_693 = arith.constant 1 : i32
      %xor3A_694 = vector.broadcast %xor3A_693 : i32 to vector<16xi32>
      %xor3A_695 = arith.xori %iota3A, %xor3A_694 : vector<16xi32>
      %lt3A_696 = arith.constant 0 : i32
      %lt3A_697 = vector.broadcast %lt3A_696 : i32 to vector<16xi32>
      %lt3A_698 = arith.cmpi slt, %xor3A_695, %lt3A_697 : vector<16xi32>
      %add3A_699 = arith.constant 16 : i32
      %add3A_700 = vector.broadcast %add3A_699 : i32 to vector<16xi32>
      %add3A_701 = arith.addi %xor3A_695, %add3A_700 : vector<16xi32>
      %select_n3A_702 = arith.select %lt3A_698, %add3A_701, %xor3A_695 : vector<16xi1>, vector<16xi32>
      %broadcast_in_dim3A_703 = vector.shape_cast %select_n3A_702 : vector<16xi32> to vector<16x1xi32>
      %gather3A_704 = vector.shape_cast %broadcast_in_dim3A_703 : vector<16x1xi32> to vector<16xi32>
      %gather3A_705 = tpu.dynamic_gather %select_n3A_692[%gather3A_704] in [0] : vector<16xf32>, vector<16xi32> -> vector<16xf32>
      %add3A_706 = arith.addf %select_n3A_691, %gather3A_705 : vector<16xf32>
      %and3A_707 = arith.constant 2 : i32
      %and3A_708 = vector.broadcast %and3A_707 : i32 to vector<16xi32>
      %and3A_709 = arith.andi %iota3A, %and3A_708 : vector<16xi32>
      %ne3A_710 = arith.constant 0 : i32
      %ne3A_711 = vector.broadcast %ne3A_710 : i32 to vector<16xi32>
      %ne3A_712 = arith.cmpi ne, %and3A_709, %ne3A_711 : vector<16xi32>
      %select_n3A_713 = arith.select %ne3A_712, %add3A_662, %add3A_640 : vector<16xi1>, vector<16xf32>
      %select_n3A_714 = arith.select %ne3A_712, %add3A_640, %add3A_662 : vector<16xi1>, vector<16xf32>
      %xor3A_715 = arith.constant 2 : i32
      %xor3A_716 = vector.broadcast %xor3A_715 : i32 to vector<16xi32>
      %xor3A_717 = arith.xori %iota3A, %xor3A_716 : vector<16xi32>
      %lt3A_718 = arith.constant 0 : i32
      %lt3A_719 = vector.broadcast %lt3A_718 : i32 to vector<16xi32>
      %lt3A_720 = arith.cmpi slt, %xor3A_717, %lt3A_719 : vector<16xi32>
      %add3A_721 = arith.constant 16 : i32
      %add3A_722 = vector.broadcast %add3A_721 : i32 to vector<16xi32>
      %add3A_723 = arith.addi %xor3A_717, %add3A_722 : vector<16xi32>
      %select_n3A_724 = arith.select %lt3A_720, %add3A_723, %xor3A_717 : vector<16xi1>, vector<16xi32>
      %broadcast_in_dim3A_725 = vector.shape_cast %select_n3A_724 : vector<16xi32> to vector<16x1xi32>
      %gather3A_726 = vector.shape_cast %broadcast_in_dim3A_725 : vector<16x1xi32> to vector<16xi32>
      %gather3A_727 = tpu.dynamic_gather %select_n3A_714[%gather3A_726] in [0] : vector<16xf32>, vector<16xi32> -> vector<16xf32>
      %add3A_728 = arith.addf %select_n3A_713, %gather3A_727 : vector<16xf32>
      %and3A_729 = arith.constant 2 : i32
      %and3A_730 = vector.broadcast %and3A_729 : i32 to vector<16xi32>
      %and3A_731 = arith.andi %iota3A, %and3A_730 : vector<16xi32>
      %ne3A_732 = arith.constant 0 : i32
      %ne3A_733 = vector.broadcast %ne3A_732 : i32 to vector<16xi32>
      %ne3A_734 = arith.cmpi ne, %and3A_731, %ne3A_733 : vector<16xi32>
      %select_n3A_735 = arith.select %ne3A_734, %add3A_706, %add3A_684 : vector<16xi1>, vector<16xf32>
      %select_n3A_736 = arith.select %ne3A_734, %add3A_684, %add3A_706 : vector<16xi1>, vector<16xf32>
      %xor3A_737 = arith.constant 2 : i32
      %xor3A_738 = vector.broadcast %xor3A_737 : i32 to vector<16xi32>
      %xor3A_739 = arith.xori %iota3A, %xor3A_738 : vector<16xi32>
      %lt3A_740 = arith.constant 0 : i32
      %lt3A_741 = vector.broadcast %lt3A_740 : i32 to vector<16xi32>
      %lt3A_742 = arith.cmpi slt, %xor3A_739, %lt3A_741 : vector<16xi32>
      %add3A_743 = arith.constant 16 : i32
      %add3A_744 = vector.broadcast %add3A_743 : i32 to vector<16xi32>
      %add3A_745 = arith.addi %xor3A_739, %add3A_744 : vector<16xi32>
      %select_n3A_746 = arith.select %lt3A_742, %add3A_745, %xor3A_739 : vector<16xi1>, vector<16xi32>
      %broadcast_in_dim3A_747 = vector.shape_cast %select_n3A_746 : vector<16xi32> to vector<16x1xi32>
      %gather3A_748 = vector.shape_cast %broadcast_in_dim3A_747 : vector<16x1xi32> to vector<16xi32>
      %gather3A_749 = tpu.dynamic_gather %select_n3A_736[%gather3A_748] in [0] : vector<16xf32>, vector<16xi32> -> vector<16xf32>
      %add3A_750 = arith.addf %select_n3A_735, %gather3A_749 : vector<16xf32>
      %and3A_751 = arith.constant 4 : i32
      %and3A_752 = vector.broadcast %and3A_751 : i32 to vector<16xi32>
      %and3A_753 = arith.andi %iota3A, %and3A_752 : vector<16xi32>
      %ne3A_754 = arith.constant 0 : i32
      %ne3A_755 = vector.broadcast %ne3A_754 : i32 to vector<16xi32>
      %ne3A_756 = arith.cmpi ne, %and3A_753, %ne3A_755 : vector<16xi32>
      %select_n3A_757 = arith.select %ne3A_756, %add3A_750, %add3A_728 : vector<16xi1>, vector<16xf32>
      %select_n3A_758 = arith.select %ne3A_756, %add3A_728, %add3A_750 : vector<16xi1>, vector<16xf32>
      %xor3A_759 = arith.constant 4 : i32
      %xor3A_760 = vector.broadcast %xor3A_759 : i32 to vector<16xi32>
      %xor3A_761 = arith.xori %iota3A, %xor3A_760 : vector<16xi32>
      %lt3A_762 = arith.constant 0 : i32
      %lt3A_763 = vector.broadcast %lt3A_762 : i32 to vector<16xi32>
      %lt3A_764 = arith.cmpi slt, %xor3A_761, %lt3A_763 : vector<16xi32>
      %add3A_765 = arith.constant 16 : i32
      %add3A_766 = vector.broadcast %add3A_765 : i32 to vector<16xi32>
      %add3A_767 = arith.addi %xor3A_761, %add3A_766 : vector<16xi32>
      %select_n3A_768 = arith.select %lt3A_764, %add3A_767, %xor3A_761 : vector<16xi1>, vector<16xi32>
      %broadcast_in_dim3A_769 = vector.shape_cast %select_n3A_768 : vector<16xi32> to vector<16x1xi32>
      %gather3A_770 = vector.shape_cast %broadcast_in_dim3A_769 : vector<16x1xi32> to vector<16xi32>
      %gather3A_771 = tpu.dynamic_gather %select_n3A_758[%gather3A_770] in [0] : vector<16xf32>, vector<16xi32> -> vector<16xf32>
      %add3A_772 = arith.addf %select_n3A_757, %gather3A_771 : vector<16xf32>
      %xor3A_773 = arith.constant 8 : i32
      %xor3A_774 = vector.broadcast %xor3A_773 : i32 to vector<16xi32>
      %xor3A_775 = arith.xori %iota3A, %xor3A_774 : vector<16xi32>
      %lt3A_776 = arith.constant 0 : i32
      %lt3A_777 = vector.broadcast %lt3A_776 : i32 to vector<16xi32>
      %lt3A_778 = arith.cmpi slt, %xor3A_775, %lt3A_777 : vector<16xi32>
      %add3A_779 = arith.constant 16 : i32
      %add3A_780 = vector.broadcast %add3A_779 : i32 to vector<16xi32>
      %add3A_781 = arith.addi %xor3A_775, %add3A_780 : vector<16xi32>
      %select_n3A_782 = arith.select %lt3A_778, %add3A_781, %xor3A_775 : vector<16xi1>, vector<16xi32>
      %broadcast_in_dim3A_783 = vector.shape_cast %select_n3A_782 : vector<16xi32> to vector<16x1xi32>
      %gather3A_784 = vector.shape_cast %broadcast_in_dim3A_783 : vector<16x1xi32> to vector<16xi32>
      %gather3A_785 = tpu.dynamic_gather %add3A_772[%gather3A_784] in [0] : vector<16xf32>, vector<16xi32> -> vector<16xf32>
      %add3A_786 = arith.addf %add3A_772, %gather3A_785 : vector<16xf32>
      %mul3A_787 = arith.mulf %add3A_786, %mul3A_618 : vector<16xf32>
      %and3A_788 = arith.constant 1 : i32
      %and3A_789 = vector.broadcast %and3A_788 : i32 to vector<16xi32>
      %and3A_790 = arith.andi %iota3A, %and3A_789 : vector<16xi32>
      %ne3A_791 = arith.constant 0 : i32
      %ne3A_792 = vector.broadcast %ne3A_791 : i32 to vector<16xi32>
      %ne3A_793 = arith.cmpi ne, %and3A_790, %ne3A_792 : vector<16xi32>
      %select_n3A_794 = arith.select %ne3A_793, %parallel_loop3A_417#6, %parallel_loop3A_417#2 : vector<16xi1>, vector<16xf32>
      %select_n3A_795 = arith.select %ne3A_793, %parallel_loop3A_417#2, %parallel_loop3A_417#6 : vector<16xi1>, vector<16xf32>
      %xor3A_796 = arith.constant 1 : i32
      %xor3A_797 = vector.broadcast %xor3A_796 : i32 to vector<16xi32>
      %xor3A_798 = arith.xori %iota3A, %xor3A_797 : vector<16xi32>
      %lt3A_799 = arith.constant 0 : i32
      %lt3A_800 = vector.broadcast %lt3A_799 : i32 to vector<16xi32>
      %lt3A_801 = arith.cmpi slt, %xor3A_798, %lt3A_800 : vector<16xi32>
      %add3A_802 = arith.constant 16 : i32
      %add3A_803 = vector.broadcast %add3A_802 : i32 to vector<16xi32>
      %add3A_804 = arith.addi %xor3A_798, %add3A_803 : vector<16xi32>
      %select_n3A_805 = arith.select %lt3A_801, %add3A_804, %xor3A_798 : vector<16xi1>, vector<16xi32>
      %broadcast_in_dim3A_806 = vector.shape_cast %select_n3A_805 : vector<16xi32> to vector<16x1xi32>
      %gather3A_807 = vector.shape_cast %broadcast_in_dim3A_806 : vector<16x1xi32> to vector<16xi32>
      %gather3A_808 = tpu.dynamic_gather %select_n3A_795[%gather3A_807] in [0] : vector<16xf32>, vector<16xi32> -> vector<16xf32>
      %add3A_809 = arith.addf %select_n3A_794, %gather3A_808 : vector<16xf32>
      %and3A_810 = arith.constant 1 : i32
      %and3A_811 = vector.broadcast %and3A_810 : i32 to vector<16xi32>
      %and3A_812 = arith.andi %iota3A, %and3A_811 : vector<16xi32>
      %ne3A_813 = arith.constant 0 : i32
      %ne3A_814 = vector.broadcast %ne3A_813 : i32 to vector<16xi32>
      %ne3A_815 = arith.cmpi ne, %and3A_812, %ne3A_814 : vector<16xi32>
      %select_n3A_816 = arith.select %ne3A_815, %parallel_loop3A_417#14, %parallel_loop3A_417#10 : vector<16xi1>, vector<16xf32>
      %select_n3A_817 = arith.select %ne3A_815, %parallel_loop3A_417#10, %parallel_loop3A_417#14 : vector<16xi1>, vector<16xf32>
      %xor3A_818 = arith.constant 1 : i32
      %xor3A_819 = vector.broadcast %xor3A_818 : i32 to vector<16xi32>
      %xor3A_820 = arith.xori %iota3A, %xor3A_819 : vector<16xi32>
      %lt3A_821 = arith.constant 0 : i32
      %lt3A_822 = vector.broadcast %lt3A_821 : i32 to vector<16xi32>
      %lt3A_823 = arith.cmpi slt, %xor3A_820, %lt3A_822 : vector<16xi32>
      %add3A_824 = arith.constant 16 : i32
      %add3A_825 = vector.broadcast %add3A_824 : i32 to vector<16xi32>
      %add3A_826 = arith.addi %xor3A_820, %add3A_825 : vector<16xi32>
      %select_n3A_827 = arith.select %lt3A_823, %add3A_826, %xor3A_820 : vector<16xi1>, vector<16xi32>
      %broadcast_in_dim3A_828 = vector.shape_cast %select_n3A_827 : vector<16xi32> to vector<16x1xi32>
      %gather3A_829 = vector.shape_cast %broadcast_in_dim3A_828 : vector<16x1xi32> to vector<16xi32>
      %gather3A_830 = tpu.dynamic_gather %select_n3A_817[%gather3A_829] in [0] : vector<16xf32>, vector<16xi32> -> vector<16xf32>
      %add3A_831 = arith.addf %select_n3A_816, %gather3A_830 : vector<16xf32>
      %and3A_832 = arith.constant 1 : i32
      %and3A_833 = vector.broadcast %and3A_832 : i32 to vector<16xi32>
      %and3A_834 = arith.andi %iota3A, %and3A_833 : vector<16xi32>
      %ne3A_835 = arith.constant 0 : i32
      %ne3A_836 = vector.broadcast %ne3A_835 : i32 to vector<16xi32>
      %ne3A_837 = arith.cmpi ne, %and3A_834, %ne3A_836 : vector<16xi32>
      %select_n3A_838 = arith.select %ne3A_837, %parallel_loop3A_417#22, %parallel_loop3A_417#18 : vector<16xi1>, vector<16xf32>
      %select_n3A_839 = arith.select %ne3A_837, %parallel_loop3A_417#18, %parallel_loop3A_417#22 : vector<16xi1>, vector<16xf32>
      %xor3A_840 = arith.constant 1 : i32
      %xor3A_841 = vector.broadcast %xor3A_840 : i32 to vector<16xi32>
      %xor3A_842 = arith.xori %iota3A, %xor3A_841 : vector<16xi32>
      %lt3A_843 = arith.constant 0 : i32
      %lt3A_844 = vector.broadcast %lt3A_843 : i32 to vector<16xi32>
      %lt3A_845 = arith.cmpi slt, %xor3A_842, %lt3A_844 : vector<16xi32>
      %add3A_846 = arith.constant 16 : i32
      %add3A_847 = vector.broadcast %add3A_846 : i32 to vector<16xi32>
      %add3A_848 = arith.addi %xor3A_842, %add3A_847 : vector<16xi32>
      %select_n3A_849 = arith.select %lt3A_845, %add3A_848, %xor3A_842 : vector<16xi1>, vector<16xi32>
      %broadcast_in_dim3A_850 = vector.shape_cast %select_n3A_849 : vector<16xi32> to vector<16x1xi32>
      %gather3A_851 = vector.shape_cast %broadcast_in_dim3A_850 : vector<16x1xi32> to vector<16xi32>
      %gather3A_852 = tpu.dynamic_gather %select_n3A_839[%gather3A_851] in [0] : vector<16xf32>, vector<16xi32> -> vector<16xf32>
      %add3A_853 = arith.addf %select_n3A_838, %gather3A_852 : vector<16xf32>
      %and3A_854 = arith.constant 1 : i32
      %and3A_855 = vector.broadcast %and3A_854 : i32 to vector<16xi32>
      %and3A_856 = arith.andi %iota3A, %and3A_855 : vector<16xi32>
      %ne3A_857 = arith.constant 0 : i32
      %ne3A_858 = vector.broadcast %ne3A_857 : i32 to vector<16xi32>
      %ne3A_859 = arith.cmpi ne, %and3A_856, %ne3A_858 : vector<16xi32>
      %select_n3A_860 = arith.select %ne3A_859, %parallel_loop3A_417#30, %parallel_loop3A_417#26 : vector<16xi1>, vector<16xf32>
      %select_n3A_861 = arith.select %ne3A_859, %parallel_loop3A_417#26, %parallel_loop3A_417#30 : vector<16xi1>, vector<16xf32>
      %xor3A_862 = arith.constant 1 : i32
      %xor3A_863 = vector.broadcast %xor3A_862 : i32 to vector<16xi32>
      %xor3A_864 = arith.xori %iota3A, %xor3A_863 : vector<16xi32>
      %lt3A_865 = arith.constant 0 : i32
      %lt3A_866 = vector.broadcast %lt3A_865 : i32 to vector<16xi32>
      %lt3A_867 = arith.cmpi slt, %xor3A_864, %lt3A_866 : vector<16xi32>
      %add3A_868 = arith.constant 16 : i32
      %add3A_869 = vector.broadcast %add3A_868 : i32 to vector<16xi32>
      %add3A_870 = arith.addi %xor3A_864, %add3A_869 : vector<16xi32>
      %select_n3A_871 = arith.select %lt3A_867, %add3A_870, %xor3A_864 : vector<16xi1>, vector<16xi32>
      %broadcast_in_dim3A_872 = vector.shape_cast %select_n3A_871 : vector<16xi32> to vector<16x1xi32>
      %gather3A_873 = vector.shape_cast %broadcast_in_dim3A_872 : vector<16x1xi32> to vector<16xi32>
      %gather3A_874 = tpu.dynamic_gather %select_n3A_861[%gather3A_873] in [0] : vector<16xf32>, vector<16xi32> -> vector<16xf32>
      %add3A_875 = arith.addf %select_n3A_860, %gather3A_874 : vector<16xf32>
      %and3A_876 = arith.constant 2 : i32
      %and3A_877 = vector.broadcast %and3A_876 : i32 to vector<16xi32>
      %and3A_878 = arith.andi %iota3A, %and3A_877 : vector<16xi32>
      %ne3A_879 = arith.constant 0 : i32
      %ne3A_880 = vector.broadcast %ne3A_879 : i32 to vector<16xi32>
      %ne3A_881 = arith.cmpi ne, %and3A_878, %ne3A_880 : vector<16xi32>
      %select_n3A_882 = arith.select %ne3A_881, %add3A_831, %add3A_809 : vector<16xi1>, vector<16xf32>
      %select_n3A_883 = arith.select %ne3A_881, %add3A_809, %add3A_831 : vector<16xi1>, vector<16xf32>
      %xor3A_884 = arith.constant 2 : i32
      %xor3A_885 = vector.broadcast %xor3A_884 : i32 to vector<16xi32>
      %xor3A_886 = arith.xori %iota3A, %xor3A_885 : vector<16xi32>
      %lt3A_887 = arith.constant 0 : i32
      %lt3A_888 = vector.broadcast %lt3A_887 : i32 to vector<16xi32>
      %lt3A_889 = arith.cmpi slt, %xor3A_886, %lt3A_888 : vector<16xi32>
      %add3A_890 = arith.constant 16 : i32
      %add3A_891 = vector.broadcast %add3A_890 : i32 to vector<16xi32>
      %add3A_892 = arith.addi %xor3A_886, %add3A_891 : vector<16xi32>
      %select_n3A_893 = arith.select %lt3A_889, %add3A_892, %xor3A_886 : vector<16xi1>, vector<16xi32>
      %broadcast_in_dim3A_894 = vector.shape_cast %select_n3A_893 : vector<16xi32> to vector<16x1xi32>
      %gather3A_895 = vector.shape_cast %broadcast_in_dim3A_894 : vector<16x1xi32> to vector<16xi32>
      %gather3A_896 = tpu.dynamic_gather %select_n3A_883[%gather3A_895] in [0] : vector<16xf32>, vector<16xi32> -> vector<16xf32>
      %add3A_897 = arith.addf %select_n3A_882, %gather3A_896 : vector<16xf32>
      %and3A_898 = arith.constant 2 : i32
      %and3A_899 = vector.broadcast %and3A_898 : i32 to vector<16xi32>
      %and3A_900 = arith.andi %iota3A, %and3A_899 : vector<16xi32>
      %ne3A_901 = arith.constant 0 : i32
      %ne3A_902 = vector.broadcast %ne3A_901 : i32 to vector<16xi32>
      %ne3A_903 = arith.cmpi ne, %and3A_900, %ne3A_902 : vector<16xi32>
      %select_n3A_904 = arith.select %ne3A_903, %add3A_875, %add3A_853 : vector<16xi1>, vector<16xf32>
      %select_n3A_905 = arith.select %ne3A_903, %add3A_853, %add3A_875 : vector<16xi1>, vector<16xf32>
      %xor3A_906 = arith.constant 2 : i32
      %xor3A_907 = vector.broadcast %xor3A_906 : i32 to vector<16xi32>
      %xor3A_908 = arith.xori %iota3A, %xor3A_907 : vector<16xi32>
      %lt3A_909 = arith.constant 0 : i32
      %lt3A_910 = vector.broadcast %lt3A_909 : i32 to vector<16xi32>
      %lt3A_911 = arith.cmpi slt, %xor3A_908, %lt3A_910 : vector<16xi32>
      %add3A_912 = arith.constant 16 : i32
      %add3A_913 = vector.broadcast %add3A_912 : i32 to vector<16xi32>
      %add3A_914 = arith.addi %xor3A_908, %add3A_913 : vector<16xi32>
      %select_n3A_915 = arith.select %lt3A_911, %add3A_914, %xor3A_908 : vector<16xi1>, vector<16xi32>
      %broadcast_in_dim3A_916 = vector.shape_cast %select_n3A_915 : vector<16xi32> to vector<16x1xi32>
      %gather3A_917 = vector.shape_cast %broadcast_in_dim3A_916 : vector<16x1xi32> to vector<16xi32>
      %gather3A_918 = tpu.dynamic_gather %select_n3A_905[%gather3A_917] in [0] : vector<16xf32>, vector<16xi32> -> vector<16xf32>
      %add3A_919 = arith.addf %select_n3A_904, %gather3A_918 : vector<16xf32>
      %and3A_920 = arith.constant 4 : i32
      %and3A_921 = vector.broadcast %and3A_920 : i32 to vector<16xi32>
      %and3A_922 = arith.andi %iota3A, %and3A_921 : vector<16xi32>
      %ne3A_923 = arith.constant 0 : i32
      %ne3A_924 = vector.broadcast %ne3A_923 : i32 to vector<16xi32>
      %ne3A_925 = arith.cmpi ne, %and3A_922, %ne3A_924 : vector<16xi32>
      %select_n3A_926 = arith.select %ne3A_925, %add3A_919, %add3A_897 : vector<16xi1>, vector<16xf32>
      %select_n3A_927 = arith.select %ne3A_925, %add3A_897, %add3A_919 : vector<16xi1>, vector<16xf32>
      %xor3A_928 = arith.constant 4 : i32
      %xor3A_929 = vector.broadcast %xor3A_928 : i32 to vector<16xi32>
      %xor3A_930 = arith.xori %iota3A, %xor3A_929 : vector<16xi32>
      %lt3A_931 = arith.constant 0 : i32
      %lt3A_932 = vector.broadcast %lt3A_931 : i32 to vector<16xi32>
      %lt3A_933 = arith.cmpi slt, %xor3A_930, %lt3A_932 : vector<16xi32>
      %add3A_934 = arith.constant 16 : i32
      %add3A_935 = vector.broadcast %add3A_934 : i32 to vector<16xi32>
      %add3A_936 = arith.addi %xor3A_930, %add3A_935 : vector<16xi32>
      %select_n3A_937 = arith.select %lt3A_933, %add3A_936, %xor3A_930 : vector<16xi1>, vector<16xi32>
      %broadcast_in_dim3A_938 = vector.shape_cast %select_n3A_937 : vector<16xi32> to vector<16x1xi32>
      %gather3A_939 = vector.shape_cast %broadcast_in_dim3A_938 : vector<16x1xi32> to vector<16xi32>
      %gather3A_940 = tpu.dynamic_gather %select_n3A_927[%gather3A_939] in [0] : vector<16xf32>, vector<16xi32> -> vector<16xf32>
      %add3A_941 = arith.addf %select_n3A_926, %gather3A_940 : vector<16xf32>
      %xor3A_942 = arith.constant 8 : i32
      %xor3A_943 = vector.broadcast %xor3A_942 : i32 to vector<16xi32>
      %xor3A_944 = arith.xori %iota3A, %xor3A_943 : vector<16xi32>
      %lt3A_945 = arith.constant 0 : i32
      %lt3A_946 = vector.broadcast %lt3A_945 : i32 to vector<16xi32>
      %lt3A_947 = arith.cmpi slt, %xor3A_944, %lt3A_946 : vector<16xi32>
      %add3A_948 = arith.constant 16 : i32
      %add3A_949 = vector.broadcast %add3A_948 : i32 to vector<16xi32>
      %add3A_950 = arith.addi %xor3A_944, %add3A_949 : vector<16xi32>
      %select_n3A_951 = arith.select %lt3A_947, %add3A_950, %xor3A_944 : vector<16xi1>, vector<16xi32>
      %broadcast_in_dim3A_952 = vector.shape_cast %select_n3A_951 : vector<16xi32> to vector<16x1xi32>
      %gather3A_953 = vector.shape_cast %broadcast_in_dim3A_952 : vector<16x1xi32> to vector<16xi32>
      %gather3A_954 = tpu.dynamic_gather %add3A_941[%gather3A_953] in [0] : vector<16xf32>, vector<16xi32> -> vector<16xf32>
      %add3A_955 = arith.addf %add3A_941, %gather3A_954 : vector<16xf32>
      %mul3A_956 = arith.mulf %add3A_955, %mul3A_618 : vector<16xf32>
      %and3A_957 = arith.constant 1 : i32
      %and3A_958 = vector.broadcast %and3A_957 : i32 to vector<16xi32>
      %and3A_959 = arith.andi %iota3A, %and3A_958 : vector<16xi32>
      %ne3A_960 = arith.constant 0 : i32
      %ne3A_961 = vector.broadcast %ne3A_960 : i32 to vector<16xi32>
      %ne3A_962 = arith.cmpi ne, %and3A_959, %ne3A_961 : vector<16xi32>
      %select_n3A_963 = arith.select %ne3A_962, %parallel_loop3A_417#7, %parallel_loop3A_417#3 : vector<16xi1>, vector<16xf32>
      %select_n3A_964 = arith.select %ne3A_962, %parallel_loop3A_417#3, %parallel_loop3A_417#7 : vector<16xi1>, vector<16xf32>
      %xor3A_965 = arith.constant 1 : i32
      %xor3A_966 = vector.broadcast %xor3A_965 : i32 to vector<16xi32>
      %xor3A_967 = arith.xori %iota3A, %xor3A_966 : vector<16xi32>
      %lt3A_968 = arith.constant 0 : i32
      %lt3A_969 = vector.broadcast %lt3A_968 : i32 to vector<16xi32>
      %lt3A_970 = arith.cmpi slt, %xor3A_967, %lt3A_969 : vector<16xi32>
      %add3A_971 = arith.constant 16 : i32
      %add3A_972 = vector.broadcast %add3A_971 : i32 to vector<16xi32>
      %add3A_973 = arith.addi %xor3A_967, %add3A_972 : vector<16xi32>
      %select_n3A_974 = arith.select %lt3A_970, %add3A_973, %xor3A_967 : vector<16xi1>, vector<16xi32>
      %broadcast_in_dim3A_975 = vector.shape_cast %select_n3A_974 : vector<16xi32> to vector<16x1xi32>
      %gather3A_976 = vector.shape_cast %broadcast_in_dim3A_975 : vector<16x1xi32> to vector<16xi32>
      %gather3A_977 = tpu.dynamic_gather %select_n3A_964[%gather3A_976] in [0] : vector<16xf32>, vector<16xi32> -> vector<16xf32>
      %add3A_978 = arith.addf %select_n3A_963, %gather3A_977 : vector<16xf32>
      %and3A_979 = arith.constant 1 : i32
      %and3A_980 = vector.broadcast %and3A_979 : i32 to vector<16xi32>
      %and3A_981 = arith.andi %iota3A, %and3A_980 : vector<16xi32>
      %ne3A_982 = arith.constant 0 : i32
      %ne3A_983 = vector.broadcast %ne3A_982 : i32 to vector<16xi32>
      %ne3A_984 = arith.cmpi ne, %and3A_981, %ne3A_983 : vector<16xi32>
      %select_n3A_985 = arith.select %ne3A_984, %parallel_loop3A_417#15, %parallel_loop3A_417#11 : vector<16xi1>, vector<16xf32>
      %select_n3A_986 = arith.select %ne3A_984, %parallel_loop3A_417#11, %parallel_loop3A_417#15 : vector<16xi1>, vector<16xf32>
      %xor3A_987 = arith.constant 1 : i32
      %xor3A_988 = vector.broadcast %xor3A_987 : i32 to vector<16xi32>
      %xor3A_989 = arith.xori %iota3A, %xor3A_988 : vector<16xi32>
      %lt3A_990 = arith.constant 0 : i32
      %lt3A_991 = vector.broadcast %lt3A_990 : i32 to vector<16xi32>
      %lt3A_992 = arith.cmpi slt, %xor3A_989, %lt3A_991 : vector<16xi32>
      %add3A_993 = arith.constant 16 : i32
      %add3A_994 = vector.broadcast %add3A_993 : i32 to vector<16xi32>
      %add3A_995 = arith.addi %xor3A_989, %add3A_994 : vector<16xi32>
      %select_n3A_996 = arith.select %lt3A_992, %add3A_995, %xor3A_989 : vector<16xi1>, vector<16xi32>
      %broadcast_in_dim3A_997 = vector.shape_cast %select_n3A_996 : vector<16xi32> to vector<16x1xi32>
      %gather3A_998 = vector.shape_cast %broadcast_in_dim3A_997 : vector<16x1xi32> to vector<16xi32>
      %gather3A_999 = tpu.dynamic_gather %select_n3A_986[%gather3A_998] in [0] : vector<16xf32>, vector<16xi32> -> vector<16xf32>
      %add3A_1000 = arith.addf %select_n3A_985, %gather3A_999 : vector<16xf32>
      %and3A_1001 = arith.constant 1 : i32
      %and3A_1002 = vector.broadcast %and3A_1001 : i32 to vector<16xi32>
      %and3A_1003 = arith.andi %iota3A, %and3A_1002 : vector<16xi32>
      %ne3A_1004 = arith.constant 0 : i32
      %ne3A_1005 = vector.broadcast %ne3A_1004 : i32 to vector<16xi32>
      %ne3A_1006 = arith.cmpi ne, %and3A_1003, %ne3A_1005 : vector<16xi32>
      %select_n3A_1007 = arith.select %ne3A_1006, %parallel_loop3A_417#23, %parallel_loop3A_417#19 : vector<16xi1>, vector<16xf32>
      %select_n3A_1008 = arith.select %ne3A_1006, %parallel_loop3A_417#19, %parallel_loop3A_417#23 : vector<16xi1>, vector<16xf32>
      %xor3A_1009 = arith.constant 1 : i32
      %xor3A_1010 = vector.broadcast %xor3A_1009 : i32 to vector<16xi32>
      %xor3A_1011 = arith.xori %iota3A, %xor3A_1010 : vector<16xi32>
      %lt3A_1012 = arith.constant 0 : i32
      %lt3A_1013 = vector.broadcast %lt3A_1012 : i32 to vector<16xi32>
      %lt3A_1014 = arith.cmpi slt, %xor3A_1011, %lt3A_1013 : vector<16xi32>
      %add3A_1015 = arith.constant 16 : i32
      %add3A_1016 = vector.broadcast %add3A_1015 : i32 to vector<16xi32>
      %add3A_1017 = arith.addi %xor3A_1011, %add3A_1016 : vector<16xi32>
      %select_n3A_1018 = arith.select %lt3A_1014, %add3A_1017, %xor3A_1011 : vector<16xi1>, vector<16xi32>
      %broadcast_in_dim3A_1019 = vector.shape_cast %select_n3A_1018 : vector<16xi32> to vector<16x1xi32>
      %gather3A_1020 = vector.shape_cast %broadcast_in_dim3A_1019 : vector<16x1xi32> to vector<16xi32>
      %gather3A_1021 = tpu.dynamic_gather %select_n3A_1008[%gather3A_1020] in [0] : vector<16xf32>, vector<16xi32> -> vector<16xf32>
      %add3A_1022 = arith.addf %select_n3A_1007, %gather3A_1021 : vector<16xf32>
      %and3A_1023 = arith.constant 1 : i32
      %and3A_1024 = vector.broadcast %and3A_1023 : i32 to vector<16xi32>
      %and3A_1025 = arith.andi %iota3A, %and3A_1024 : vector<16xi32>
      %ne3A_1026 = arith.constant 0 : i32
      %ne3A_1027 = vector.broadcast %ne3A_1026 : i32 to vector<16xi32>
      %ne3A_1028 = arith.cmpi ne, %and3A_1025, %ne3A_1027 : vector<16xi32>
      %select_n3A_1029 = arith.select %ne3A_1028, %parallel_loop3A_417#31, %parallel_loop3A_417#27 : vector<16xi1>, vector<16xf32>
      %select_n3A_1030 = arith.select %ne3A_1028, %parallel_loop3A_417#27, %parallel_loop3A_417#31 : vector<16xi1>, vector<16xf32>
      %xor3A_1031 = arith.constant 1 : i32
      %xor3A_1032 = vector.broadcast %xor3A_1031 : i32 to vector<16xi32>
      %xor3A_1033 = arith.xori %iota3A, %xor3A_1032 : vector<16xi32>
      %lt3A_1034 = arith.constant 0 : i32
      %lt3A_1035 = vector.broadcast %lt3A_1034 : i32 to vector<16xi32>
      %lt3A_1036 = arith.cmpi slt, %xor3A_1033, %lt3A_1035 : vector<16xi32>
      %add3A_1037 = arith.constant 16 : i32
      %add3A_1038 = vector.broadcast %add3A_1037 : i32 to vector<16xi32>
      %add3A_1039 = arith.addi %xor3A_1033, %add3A_1038 : vector<16xi32>
      %select_n3A_1040 = arith.select %lt3A_1036, %add3A_1039, %xor3A_1033 : vector<16xi1>, vector<16xi32>
      %broadcast_in_dim3A_1041 = vector.shape_cast %select_n3A_1040 : vector<16xi32> to vector<16x1xi32>
      %gather3A_1042 = vector.shape_cast %broadcast_in_dim3A_1041 : vector<16x1xi32> to vector<16xi32>
      %gather3A_1043 = tpu.dynamic_gather %select_n3A_1030[%gather3A_1042] in [0] : vector<16xf32>, vector<16xi32> -> vector<16xf32>
      %add3A_1044 = arith.addf %select_n3A_1029, %gather3A_1043 : vector<16xf32>
      %and3A_1045 = arith.constant 2 : i32
      %and3A_1046 = vector.broadcast %and3A_1045 : i32 to vector<16xi32>
      %and3A_1047 = arith.andi %iota3A, %and3A_1046 : vector<16xi32>
      %ne3A_1048 = arith.constant 0 : i32
      %ne3A_1049 = vector.broadcast %ne3A_1048 : i32 to vector<16xi32>
      %ne3A_1050 = arith.cmpi ne, %and3A_1047, %ne3A_1049 : vector<16xi32>
      %select_n3A_1051 = arith.select %ne3A_1050, %add3A_1000, %add3A_978 : vector<16xi1>, vector<16xf32>
      %select_n3A_1052 = arith.select %ne3A_1050, %add3A_978, %add3A_1000 : vector<16xi1>, vector<16xf32>
      %xor3A_1053 = arith.constant 2 : i32
      %xor3A_1054 = vector.broadcast %xor3A_1053 : i32 to vector<16xi32>
      %xor3A_1055 = arith.xori %iota3A, %xor3A_1054 : vector<16xi32>
      %lt3A_1056 = arith.constant 0 : i32
      %lt3A_1057 = vector.broadcast %lt3A_1056 : i32 to vector<16xi32>
      %lt3A_1058 = arith.cmpi slt, %xor3A_1055, %lt3A_1057 : vector<16xi32>
      %add3A_1059 = arith.constant 16 : i32
      %add3A_1060 = vector.broadcast %add3A_1059 : i32 to vector<16xi32>
      %add3A_1061 = arith.addi %xor3A_1055, %add3A_1060 : vector<16xi32>
      %select_n3A_1062 = arith.select %lt3A_1058, %add3A_1061, %xor3A_1055 : vector<16xi1>, vector<16xi32>
      %broadcast_in_dim3A_1063 = vector.shape_cast %select_n3A_1062 : vector<16xi32> to vector<16x1xi32>
      %gather3A_1064 = vector.shape_cast %broadcast_in_dim3A_1063 : vector<16x1xi32> to vector<16xi32>
      %gather3A_1065 = tpu.dynamic_gather %select_n3A_1052[%gather3A_1064] in [0] : vector<16xf32>, vector<16xi32> -> vector<16xf32>
      %add3A_1066 = arith.addf %select_n3A_1051, %gather3A_1065 : vector<16xf32>
      %and3A_1067 = arith.constant 2 : i32
      %and3A_1068 = vector.broadcast %and3A_1067 : i32 to vector<16xi32>
      %and3A_1069 = arith.andi %iota3A, %and3A_1068 : vector<16xi32>
      %ne3A_1070 = arith.constant 0 : i32
      %ne3A_1071 = vector.broadcast %ne3A_1070 : i32 to vector<16xi32>
      %ne3A_1072 = arith.cmpi ne, %and3A_1069, %ne3A_1071 : vector<16xi32>
      %select_n3A_1073 = arith.select %ne3A_1072, %add3A_1044, %add3A_1022 : vector<16xi1>, vector<16xf32>
      %select_n3A_1074 = arith.select %ne3A_1072, %add3A_1022, %add3A_1044 : vector<16xi1>, vector<16xf32>
      %xor3A_1075 = arith.constant 2 : i32
      %xor3A_1076 = vector.broadcast %xor3A_1075 : i32 to vector<16xi32>
      %xor3A_1077 = arith.xori %iota3A, %xor3A_1076 : vector<16xi32>
      %lt3A_1078 = arith.constant 0 : i32
      %lt3A_1079 = vector.broadcast %lt3A_1078 : i32 to vector<16xi32>
      %lt3A_1080 = arith.cmpi slt, %xor3A_1077, %lt3A_1079 : vector<16xi32>
      %add3A_1081 = arith.constant 16 : i32
      %add3A_1082 = vector.broadcast %add3A_1081 : i32 to vector<16xi32>
      %add3A_1083 = arith.addi %xor3A_1077, %add3A_1082 : vector<16xi32>
      %select_n3A_1084 = arith.select %lt3A_1080, %add3A_1083, %xor3A_1077 : vector<16xi1>, vector<16xi32>
      %broadcast_in_dim3A_1085 = vector.shape_cast %select_n3A_1084 : vector<16xi32> to vector<16x1xi32>
      %gather3A_1086 = vector.shape_cast %broadcast_in_dim3A_1085 : vector<16x1xi32> to vector<16xi32>
      %gather3A_1087 = tpu.dynamic_gather %select_n3A_1074[%gather3A_1086] in [0] : vector<16xf32>, vector<16xi32> -> vector<16xf32>
      %add3A_1088 = arith.addf %select_n3A_1073, %gather3A_1087 : vector<16xf32>
      %and3A_1089 = arith.constant 4 : i32
      %and3A_1090 = vector.broadcast %and3A_1089 : i32 to vector<16xi32>
      %and3A_1091 = arith.andi %iota3A, %and3A_1090 : vector<16xi32>
      %ne3A_1092 = arith.constant 0 : i32
      %ne3A_1093 = vector.broadcast %ne3A_1092 : i32 to vector<16xi32>
      %ne3A_1094 = arith.cmpi ne, %and3A_1091, %ne3A_1093 : vector<16xi32>
      %select_n3A_1095 = arith.select %ne3A_1094, %add3A_1088, %add3A_1066 : vector<16xi1>, vector<16xf32>
      %select_n3A_1096 = arith.select %ne3A_1094, %add3A_1066, %add3A_1088 : vector<16xi1>, vector<16xf32>
      %xor3A_1097 = arith.constant 4 : i32
      %xor3A_1098 = vector.broadcast %xor3A_1097 : i32 to vector<16xi32>
      %xor3A_1099 = arith.xori %iota3A, %xor3A_1098 : vector<16xi32>
      %lt3A_1100 = arith.constant 0 : i32
      %lt3A_1101 = vector.broadcast %lt3A_1100 : i32 to vector<16xi32>
      %lt3A_1102 = arith.cmpi slt, %xor3A_1099, %lt3A_1101 : vector<16xi32>
      %add3A_1103 = arith.constant 16 : i32
      %add3A_1104 = vector.broadcast %add3A_1103 : i32 to vector<16xi32>
      %add3A_1105 = arith.addi %xor3A_1099, %add3A_1104 : vector<16xi32>
      %select_n3A_1106 = arith.select %lt3A_1102, %add3A_1105, %xor3A_1099 : vector<16xi1>, vector<16xi32>
      %broadcast_in_dim3A_1107 = vector.shape_cast %select_n3A_1106 : vector<16xi32> to vector<16x1xi32>
      %gather3A_1108 = vector.shape_cast %broadcast_in_dim3A_1107 : vector<16x1xi32> to vector<16xi32>
      %gather3A_1109 = tpu.dynamic_gather %select_n3A_1096[%gather3A_1108] in [0] : vector<16xf32>, vector<16xi32> -> vector<16xf32>
      %add3A_1110 = arith.addf %select_n3A_1095, %gather3A_1109 : vector<16xf32>
      %xor3A_1111 = arith.constant 8 : i32
      %xor3A_1112 = vector.broadcast %xor3A_1111 : i32 to vector<16xi32>
      %xor3A_1113 = arith.xori %iota3A, %xor3A_1112 : vector<16xi32>
      %lt3A_1114 = arith.constant 0 : i32
      %lt3A_1115 = vector.broadcast %lt3A_1114 : i32 to vector<16xi32>
      %lt3A_1116 = arith.cmpi slt, %xor3A_1113, %lt3A_1115 : vector<16xi32>
      %add3A_1117 = arith.constant 16 : i32
      %add3A_1118 = vector.broadcast %add3A_1117 : i32 to vector<16xi32>
      %add3A_1119 = arith.addi %xor3A_1113, %add3A_1118 : vector<16xi32>
      %select_n3A_1120 = arith.select %lt3A_1116, %add3A_1119, %xor3A_1113 : vector<16xi1>, vector<16xi32>
      %broadcast_in_dim3A_1121 = vector.shape_cast %select_n3A_1120 : vector<16xi32> to vector<16x1xi32>
      %gather3A_1122 = vector.shape_cast %broadcast_in_dim3A_1121 : vector<16x1xi32> to vector<16xi32>
      %gather3A_1123 = tpu.dynamic_gather %add3A_1110[%gather3A_1122] in [0] : vector<16xf32>, vector<16xi32> -> vector<16xf32>
      %add3A_1124 = arith.addf %add3A_1110, %gather3A_1123 : vector<16xf32>
      %mul3A_1125 = arith.mulf %add3A_1124, %mul3A_618 : vector<16xf32>
      %add3A_1126 = arith.constant 2 : i32
      %add3A_1127 = arith.addi %mul3A_330, %add3A_1126 : i32
      %lt3A_1128 = arith.constant 64 : i32
      %lt3A_1129 = arith.cmpi slt, %add3A_1127, %lt3A_1128 : i32
      %convert_element_type3A = arith.extui %lt3A_1129 : i1 to i32
      %cond3A = arith.constant 0 : i32
      %cond3A_1130 = arith.cmpi ne, %convert_element_type3A, %cond3A : i32
      scf.if %cond3A_1130 {
        %add3A_2186 = arith.constant 2 : i32
        %add3A_2187 = arith.addi %mul3A_330, %add3A_2186 : i32
        %mul3A_2188 = arith.constant 8 : i32
        %mul3A_2189 = arith.muli %add3A_2187, %mul3A_2188 : i32
        %add3A_2190 = arith.addi %multiple_of3A, %mul3A_2189 : i32
        %mul3A_2191 = arith.constant 8 : i32
        %mul3A_2192 = arith.muli %add3A_2187, %mul3A_2191 : i32
        %dma_start3A_2193 = arith.constant 0 : i32
        %dma_start3A_2194 = arith.constant 0 : i32
        %dma_start3A_2195 = arith.constant 0 : i32
        %dma_start3A_2196 = tpu.memref_slice %arg12[%dma_start3A_2193, %dma_start3A_2194, %dma_start3A_2195] : memref<2x8x1024xf32, #tpu.memory_space<vmem>> -> memref<1x8x1024xf32, #tpu.memory_space<vmem>>
        %dma_start3A_2197 = tpu.memref_squeeze %dma_start3A_2196 : memref<1x8x1024xf32, #tpu.memory_space<vmem>> -> memref<8x1024xf32, #tpu.memory_space<vmem>>
        %dma_start3A_2198 = tpu.memref_slice %arg9[%mul3A_2192] : memref<512xi32, #tpu.memory_space<vmem>> -> memref<8xi32, #tpu.memory_space<vmem>>
        %dma_start3A_2199 = arith.constant 0 : i32
        %dma_start3A_2200 = arith.constant 0 : i32
        %dma_start3A_2201 = tpu.memref_slice %arg4[%dma_start3A_2199, %dma_start3A_2200] : memref<100000x1024xf32, #tpu.memory_space<hbm>> -> memref<100000x1024xf32, #tpu.memory_space<hbm>>
        tpu.enqueue_indirect_dma source(%dma_start3A_2201 : memref<100000x1024xf32, #tpu.memory_space<hbm>>) target(%dma_start3A_2197 : memref<8x1024xf32, #tpu.memory_space<vmem>>) offsets(%dma_start3A_2198 : memref<8xi32, #tpu.memory_space<vmem>>) semaphore(%arg16 : memref<!tpu.dma_semaphore, #tpu.memory_space<semaphore_mem>>)
        %dma_start3A_2202 = arith.constant 0 : i32
        %dma_start3A_2203 = arith.constant 0 : i32
        %dma_start3A_2204 = arith.constant 0 : i32
        %dma_start3A_2205 = tpu.memref_slice %arg13[%dma_start3A_2202, %dma_start3A_2203, %dma_start3A_2204] : memref<2x8x1024xf32, #tpu.memory_space<vmem>> -> memref<1x8x1024xf32, #tpu.memory_space<vmem>>
        %dma_start3A_2206 = tpu.memref_squeeze %dma_start3A_2205 : memref<1x8x1024xf32, #tpu.memory_space<vmem>> -> memref<8x1024xf32, #tpu.memory_space<vmem>>
        %dma_start3A_2207 = arith.constant 0 : i32
        %dma_start3A_2208 = tpu.memref_slice %arg2[%add3A_2190, %dma_start3A_2207] : memref<16384x1024xf32, #tpu.memory_space<hbm>> -> memref<8x1024xf32, #tpu.memory_space<hbm>>
        %dma_start3A_2209 = arith.constant 0 : i32
        %dma_start3A_2210 = arith.constant 0 : i32
        %dma_start3A_2211 = tpu.memref_slice %arg13[%dma_start3A_2202, %dma_start3A_2209, %dma_start3A_2210] : memref<2x8x1024xf32, #tpu.memory_space<vmem>> -> memref<1x8x1024xf32, #tpu.memory_space<vmem>>
        %dma_start3A_2212 = tpu.memref_squeeze %dma_start3A_2211 : memref<1x8x1024xf32, #tpu.memory_space<vmem>> -> memref<8x1024xf32, #tpu.memory_space<vmem>>
        %dma_start3A_2213 = arith.constant 0 : i32
        %dma_start3A_2214 = tpu.memref_slice %arg2[%add3A_2190, %dma_start3A_2213] : memref<16384x1024xf32, #tpu.memory_space<hbm>> -> memref<8x1024xf32, #tpu.memory_space<hbm>>
        tpu.enqueue_dma source(%dma_start3A_2214 : memref<8x1024xf32, #tpu.memory_space<hbm>>) target(%dma_start3A_2212 : memref<8x1024xf32, #tpu.memory_space<vmem>>) target_semaphore(%arg16 : memref<!tpu.dma_semaphore, #tpu.memory_space<semaphore_mem>>)
        %dma_start3A_2215 = arith.constant 0 : i32
        %dma_start3A_2216 = arith.constant 0 : i32
        %dma_start3A_2217 = arith.constant 0 : i32
        %dma_start3A_2218 = tpu.memref_slice %arg14[%dma_start3A_2215, %dma_start3A_2216, %dma_start3A_2217] : memref<2x8x1024xf32, #tpu.memory_space<vmem>> -> memref<1x8x1024xf32, #tpu.memory_space<vmem>>
        %dma_start3A_2219 = tpu.memref_squeeze %dma_start3A_2218 : memref<1x8x1024xf32, #tpu.memory_space<vmem>> -> memref<8x1024xf32, #tpu.memory_space<vmem>>
        %dma_start3A_2220 = arith.constant 0 : i32
        %dma_start3A_2221 = tpu.memref_slice %arg3[%add3A_2190, %dma_start3A_2220] : memref<16384x1024xf32, #tpu.memory_space<hbm>> -> memref<8x1024xf32, #tpu.memory_space<hbm>>
        %dma_start3A_2222 = arith.constant 0 : i32
        %dma_start3A_2223 = arith.constant 0 : i32
        %dma_start3A_2224 = tpu.memref_slice %arg14[%dma_start3A_2215, %dma_start3A_2222, %dma_start3A_2223] : memref<2x8x1024xf32, #tpu.memory_space<vmem>> -> memref<1x8x1024xf32, #tpu.memory_space<vmem>>
        %dma_start3A_2225 = tpu.memref_squeeze %dma_start3A_2224 : memref<1x8x1024xf32, #tpu.memory_space<vmem>> -> memref<8x1024xf32, #tpu.memory_space<vmem>>
        %dma_start3A_2226 = arith.constant 0 : i32
        %dma_start3A_2227 = tpu.memref_slice %arg3[%add3A_2190, %dma_start3A_2226] : memref<16384x1024xf32, #tpu.memory_space<hbm>> -> memref<8x1024xf32, #tpu.memory_space<hbm>>
        tpu.enqueue_dma source(%dma_start3A_2227 : memref<8x1024xf32, #tpu.memory_space<hbm>>) target(%dma_start3A_2225 : memref<8x1024xf32, #tpu.memory_space<vmem>>) target_semaphore(%arg16 : memref<!tpu.dma_semaphore, #tpu.memory_space<semaphore_mem>>)
      } else {
      }
      %add3A_1131 = arith.constant 1 : i32
      %add3A_1132 = arith.addi %mul3A_330, %add3A_1131 : i32
      %mul3A_1133 = arith.constant 8 : i32
      %mul3A_1134 = arith.muli %add3A_1132, %mul3A_1133 : i32
      %add3A_1135 = arith.addi %multiple_of3A, %mul3A_1134 : i32
      %mul3A_1136 = arith.constant 8 : i32
      %mul3A_1137 = arith.muli %add3A_1132, %mul3A_1136 : i32
      %dma_wait3A_1138 = arith.constant 1 : i32
      %dma_wait3A_1139 = arith.constant 0 : i32
      %dma_wait3A_1140 = arith.constant 0 : i32
      %dma_wait3A_1141 = tpu.memref_slice %arg12[%dma_wait3A_1138, %dma_wait3A_1139, %dma_wait3A_1140] : memref<2x8x1024xf32, #tpu.memory_space<vmem>> -> memref<1x8x1024xf32, #tpu.memory_space<vmem>>
      %dma_wait3A_1142 = tpu.memref_squeeze %dma_wait3A_1141 : memref<1x8x1024xf32, #tpu.memory_space<vmem>> -> memref<8x1024xf32, #tpu.memory_space<vmem>>
      %dma_wait3A_1143 = tpu.memref_slice %arg9[%mul3A_1137] : memref<512xi32, #tpu.memory_space<vmem>> -> memref<8xi32, #tpu.memory_space<vmem>>
      %dma_wait3A_1144 = arith.constant 0 : i32
      %dma_wait3A_1145 = arith.constant 0 : i32
      %dma_wait3A_1146 = tpu.memref_slice %arg4[%dma_wait3A_1144, %dma_wait3A_1145] : memref<100000x1024xf32, #tpu.memory_space<hbm>> -> memref<100000x1024xf32, #tpu.memory_space<hbm>>
      tpu.wait_indirect_dma semaphore(%arg17 : memref<!tpu.dma_semaphore, #tpu.memory_space<semaphore_mem>>) src(%dma_wait3A_1146 : memref<100000x1024xf32, #tpu.memory_space<hbm>>) dst(%dma_wait3A_1142 : memref<8x1024xf32, #tpu.memory_space<vmem>>)
      %dma_wait3A_1147 = arith.constant 1 : i32
      %dma_wait3A_1148 = arith.constant 0 : i32
      %dma_wait3A_1149 = arith.constant 0 : i32
      %dma_wait3A_1150 = tpu.memref_slice %arg13[%dma_wait3A_1147, %dma_wait3A_1148, %dma_wait3A_1149] : memref<2x8x1024xf32, #tpu.memory_space<vmem>> -> memref<1x8x1024xf32, #tpu.memory_space<vmem>>
      %dma_wait3A_1151 = tpu.memref_squeeze %dma_wait3A_1150 : memref<1x8x1024xf32, #tpu.memory_space<vmem>> -> memref<8x1024xf32, #tpu.memory_space<vmem>>
      %dma_wait3A_1152 = arith.constant 0 : i32
      %dma_wait3A_1153 = tpu.memref_slice %arg2[%add3A_1135, %dma_wait3A_1152] : memref<16384x1024xf32, #tpu.memory_space<hbm>> -> memref<8x1024xf32, #tpu.memory_space<hbm>>
      %dma_wait3A_1154 = arith.constant 0 : i32
      %dma_wait3A_1155 = arith.constant 0 : i32
      %dma_wait3A_1156 = tpu.memref_slice %arg13[%dma_wait3A_1147, %dma_wait3A_1154, %dma_wait3A_1155] : memref<2x8x1024xf32, #tpu.memory_space<vmem>> -> memref<1x8x1024xf32, #tpu.memory_space<vmem>>
      %dma_wait3A_1157 = tpu.memref_squeeze %dma_wait3A_1156 : memref<1x8x1024xf32, #tpu.memory_space<vmem>> -> memref<8x1024xf32, #tpu.memory_space<vmem>>
      %dma_wait3A_1158 = arith.constant 0 : i32
      %dma_wait3A_1159 = tpu.memref_slice %arg2[%add3A_1135, %dma_wait3A_1158] : memref<16384x1024xf32, #tpu.memory_space<hbm>> -> memref<8x1024xf32, #tpu.memory_space<hbm>>
      tpu.wait_dma2 semaphore(%arg17 : memref<!tpu.dma_semaphore, #tpu.memory_space<semaphore_mem>>) src(%dma_wait3A_1159 : memref<8x1024xf32, #tpu.memory_space<hbm>>) dst(%dma_wait3A_1157 : memref<8x1024xf32, #tpu.memory_space<vmem>>)
      %dma_wait3A_1160 = arith.constant 1 : i32
      %dma_wait3A_1161 = arith.constant 0 : i32
      %dma_wait3A_1162 = arith.constant 0 : i32
      %dma_wait3A_1163 = tpu.memref_slice %arg14[%dma_wait3A_1160, %dma_wait3A_1161, %dma_wait3A_1162] : memref<2x8x1024xf32, #tpu.memory_space<vmem>> -> memref<1x8x1024xf32, #tpu.memory_space<vmem>>
      %dma_wait3A_1164 = tpu.memref_squeeze %dma_wait3A_1163 : memref<1x8x1024xf32, #tpu.memory_space<vmem>> -> memref<8x1024xf32, #tpu.memory_space<vmem>>
      %dma_wait3A_1165 = arith.constant 0 : i32
      %dma_wait3A_1166 = tpu.memref_slice %arg3[%add3A_1135, %dma_wait3A_1165] : memref<16384x1024xf32, #tpu.memory_space<hbm>> -> memref<8x1024xf32, #tpu.memory_space<hbm>>
      %dma_wait3A_1167 = arith.constant 0 : i32
      %dma_wait3A_1168 = arith.constant 0 : i32
      %dma_wait3A_1169 = tpu.memref_slice %arg14[%dma_wait3A_1160, %dma_wait3A_1167, %dma_wait3A_1168] : memref<2x8x1024xf32, #tpu.memory_space<vmem>> -> memref<1x8x1024xf32, #tpu.memory_space<vmem>>
      %dma_wait3A_1170 = tpu.memref_squeeze %dma_wait3A_1169 : memref<1x8x1024xf32, #tpu.memory_space<vmem>> -> memref<8x1024xf32, #tpu.memory_space<vmem>>
      %dma_wait3A_1171 = arith.constant 0 : i32
      %dma_wait3A_1172 = tpu.memref_slice %arg3[%add3A_1135, %dma_wait3A_1171] : memref<16384x1024xf32, #tpu.memory_space<hbm>> -> memref<8x1024xf32, #tpu.memory_space<hbm>>
      tpu.wait_dma2 semaphore(%arg17 : memref<!tpu.dma_semaphore, #tpu.memory_space<semaphore_mem>>) src(%dma_wait3A_1172 : memref<8x1024xf32, #tpu.memory_space<hbm>>) dst(%dma_wait3A_1170 : memref<8x1024xf32, #tpu.memory_space<vmem>>)
      %add3A_1173 = arith.constant 1 : i32
      %add3A_1174 = arith.addi %mul3A_330, %add3A_1173 : i32
      %parallel_loop3A_1175 = arith.constant 0 : i32
      %parallel_loop3A_1176 = arith.constant 64 : i32
      %parallel_loop3A_1177 = arith.constant 1 : i32
      %parallel_loop3A_1178 = arith.constant 1 : i32
      %parallel_loop3A_1179 = arith.constant 1 : i32
      %parallel_loop3A_1180 = arith.constant 1 : i32
      %parallel_loop3A_1181:32 = scf.for %parallel_loop3A_2186 = %parallel_loop3A_1175 to %parallel_loop3A_1176 step %parallel_loop3A_1177 iter_args(%parallel_loop3A_2187 = %broadcast_in_dim3A_3, %parallel_loop3A_2188 = %broadcast_in_dim3A_3, %parallel_loop3A_2189 = %broadcast_in_dim3A_3, %parallel_loop3A_2190 = %broadcast_in_dim3A_3, %parallel_loop3A_2191 = %broadcast_in_dim3A_3, %parallel_loop3A_2192 = %broadcast_in_dim3A_3, %parallel_loop3A_2193 = %broadcast_in_dim3A_3, %parallel_loop3A_2194 = %broadcast_in_dim3A_3, %parallel_loop3A_2195 = %broadcast_in_dim3A_3, %parallel_loop3A_2196 = %broadcast_in_dim3A_3, %parallel_loop3A_2197 = %broadcast_in_dim3A_3, %parallel_loop3A_2198 = %broadcast_in_dim3A_3, %parallel_loop3A_2199 = %broadcast_in_dim3A_3, %parallel_loop3A_2200 = %broadcast_in_dim3A_3, %parallel_loop3A_2201 = %broadcast_in_dim3A_3, %parallel_loop3A_2202 = %broadcast_in_dim3A_3, %parallel_loop3A_2203 = %broadcast_in_dim3A_3, %parallel_loop3A_2204 = %broadcast_in_dim3A_3, %parallel_loop3A_2205 = %broadcast_in_dim3A_3, %parallel_loop3A_2206 = %broadcast_in_dim3A_3, %parallel_loop3A_2207 = %broadcast_in_dim3A_3, %parallel_loop3A_2208 = %broadcast_in_dim3A_3, %parallel_loop3A_2209 = %broadcast_in_dim3A_3, %parallel_loop3A_2210 = %broadcast_in_dim3A_3, %parallel_loop3A_2211 = %broadcast_in_dim3A_3, %parallel_loop3A_2212 = %broadcast_in_dim3A_3, %parallel_loop3A_2213 = %broadcast_in_dim3A_3, %parallel_loop3A_2214 = %broadcast_in_dim3A_3, %parallel_loop3A_2215 = %broadcast_in_dim3A_3, %parallel_loop3A_2216 = %broadcast_in_dim3A_3, %parallel_loop3A_2217 = %broadcast_in_dim3A_3, %parallel_loop3A_2218 = %broadcast_in_dim3A_3) -> (vector<16xf32>, vector<16xf32>, vector<16xf32>, vector<16xf32>, vector<16xf32>, vector<16xf32>, vector<16xf32>, vector<16xf32>, vector<16xf32>, vector<16xf32>, vector<16xf32>, vector<16xf32>, vector<16xf32>, vector<16xf32>, vector<16xf32>, vector<16xf32>, vector<16xf32>, vector<16xf32>, vector<16xf32>, vector<16xf32>, vector<16xf32>, vector<16xf32>, vector<16xf32>, vector<16xf32>, vector<16xf32>, vector<16xf32>, vector<16xf32>, vector<16xf32>, vector<16xf32>, vector<16xf32>, vector<16xf32>, vector<16xf32>)  : i32 {
        %parallel_loop3A_2219 = arith.constant 16 : i32
        %parallel_loop3A_2220 = arith.muli %parallel_loop3A_2186, %parallel_loop3A_2219 : i32
        %parallel_loop3A_2221 = tpu.assume_multiple %parallel_loop3A_2220, 16 : i32
        %parallel_loop3A_2222 = arith.constant 0 : i32
        %parallel_loop3A_2223 = arith.index_cast %parallel_loop3A_2222 : i32 to index
        %parallel_loop3A_2224 = arith.index_cast %parallel_loop3A_2221 : i32 to index
        %parallel_loop3A_2225 = tpu.vector_load %arg10[%parallel_loop3A_2223, %parallel_loop3A_2224] {strides = array<i32>} : memref<3x1024xf32, #tpu.memory_space<vmem>>, vector<1x16xf32>,
        %parallel_loop3A_2226 = vector.shape_cast %parallel_loop3A_2225 : vector<1x16xf32> to vector<16xf32>
        %parallel_loop3A_2227 = arith.constant 1 : i32
        %parallel_loop3A_2228 = arith.index_cast %parallel_loop3A_2227 : i32 to index
        %parallel_loop3A_2229 = arith.index_cast %parallel_loop3A_2221 : i32 to index
        %parallel_loop3A_2230 = tpu.vector_load %arg10[%parallel_loop3A_2228, %parallel_loop3A_2229] {strides = array<i32>} : memref<3x1024xf32, #tpu.memory_space<vmem>>, vector<1x16xf32>,
        %parallel_loop3A_2231 = vector.shape_cast %parallel_loop3A_2230 : vector<1x16xf32> to vector<16xf32>
        %parallel_loop3A_2232 = arith.constant 2 : i32
        %parallel_loop3A_2233 = arith.index_cast %parallel_loop3A_2232 : i32 to index
        %parallel_loop3A_2234 = arith.index_cast %parallel_loop3A_2221 : i32 to index
        %parallel_loop3A_2235 = tpu.vector_load %arg10[%parallel_loop3A_2233, %parallel_loop3A_2234] {strides = array<i32>} : memref<3x1024xf32, #tpu.memory_space<vmem>>, vector<1x16xf32>,
        %parallel_loop3A_2236 = vector.shape_cast %parallel_loop3A_2235 : vector<1x16xf32> to vector<16xf32>
        %parallel_loop3A_2237 = arith.constant 0 : i32
        %parallel_loop3A_2238 = arith.index_cast %parallel_loop3A_2237 : i32 to index
        %parallel_loop3A_2239 = arith.index_cast %parallel_loop3A_2221 : i32 to index
        %parallel_loop3A_2240 = tpu.vector_load %arg11[%parallel_loop3A_2238, %parallel_loop3A_2239] {strides = array<i32>} : memref<3x1024xf32, #tpu.memory_space<vmem>>, vector<1x16xf32>,
        %parallel_loop3A_2241 = vector.shape_cast %parallel_loop3A_2240 : vector<1x16xf32> to vector<16xf32>
        %parallel_loop3A_2242 = arith.constant 1 : i32
        %parallel_loop3A_2243 = arith.index_cast %parallel_loop3A_2242 : i32 to index
        %parallel_loop3A_2244 = arith.index_cast %parallel_loop3A_2221 : i32 to index
        %parallel_loop3A_2245 = tpu.vector_load %arg11[%parallel_loop3A_2243, %parallel_loop3A_2244] {strides = array<i32>} : memref<3x1024xf32, #tpu.memory_space<vmem>>, vector<1x16xf32>,
        %parallel_loop3A_2246 = vector.shape_cast %parallel_loop3A_2245 : vector<1x16xf32> to vector<16xf32>
        %parallel_loop3A_2247 = arith.constant 2 : i32
        %parallel_loop3A_2248 = arith.index_cast %parallel_loop3A_2247 : i32 to index
        %parallel_loop3A_2249 = arith.index_cast %parallel_loop3A_2221 : i32 to index
        %parallel_loop3A_2250 = tpu.vector_load %arg11[%parallel_loop3A_2248, %parallel_loop3A_2249] {strides = array<i32>} : memref<3x1024xf32, #tpu.memory_space<vmem>>, vector<1x16xf32>,
        %parallel_loop3A_2251 = vector.shape_cast %parallel_loop3A_2250 : vector<1x16xf32> to vector<16xf32>
        %parallel_loop3A_2252 = arith.constant 0 : i32
        %parallel_loop3A_2253 = arith.constant 0 : i32
        %parallel_loop3A_2254 = arith.constant 0 : i32
        %parallel_loop3A_2255 = tpu.memref_slice %arg13[%parallel_loop3A_1178, %parallel_loop3A_2253, %parallel_loop3A_2254] : memref<2x8x1024xf32, #tpu.memory_space<vmem>> -> memref<1x8x1024xf32, #tpu.memory_space<vmem>>
        %parallel_loop3A_2256 = tpu.memref_squeeze %parallel_loop3A_2255 : memref<1x8x1024xf32, #tpu.memory_space<vmem>> -> memref<8x1024xf32, #tpu.memory_space<vmem>>
        %parallel_loop3A_2257 = arith.index_cast %parallel_loop3A_2252 : i32 to index
        %parallel_loop3A_2258 = arith.index_cast %parallel_loop3A_2221 : i32 to index
        %parallel_loop3A_2259 = tpu.vector_load %parallel_loop3A_2256[%parallel_loop3A_2257, %parallel_loop3A_2258] {strides = array<i32>} : memref<8x1024xf32, #tpu.memory_space<vmem>>, vector<1x16xf32>,
        %parallel_loop3A_2260 = vector.shape_cast %parallel_loop3A_2259 : vector<1x16xf32> to vector<16xf32>
        %parallel_loop3A_2261 = arith.mulf %parallel_loop3A_2260, %parallel_loop3A_2226 : vector<16xf32>
        %parallel_loop3A_2262 = arith.constant 0 : i32
        %parallel_loop3A_2263 = arith.constant 0 : i32
        %parallel_loop3A_2264 = arith.constant 0 : i32
        %parallel_loop3A_2265 = tpu.memref_slice %arg14[%parallel_loop3A_1179, %parallel_loop3A_2263, %parallel_loop3A_2264] : memref<2x8x1024xf32, #tpu.memory_space<vmem>> -> memref<1x8x1024xf32, #tpu.memory_space<vmem>>
        %parallel_loop3A_2266 = tpu.memref_squeeze %parallel_loop3A_2265 : memref<1x8x1024xf32, #tpu.memory_space<vmem>> -> memref<8x1024xf32, #tpu.memory_space<vmem>>
        %parallel_loop3A_2267 = arith.index_cast %parallel_loop3A_2262 : i32 to index
        %parallel_loop3A_2268 = arith.index_cast %parallel_loop3A_2221 : i32 to index
        %parallel_loop3A_2269 = tpu.vector_load %parallel_loop3A_2266[%parallel_loop3A_2267, %parallel_loop3A_2268] {strides = array<i32>} : memref<8x1024xf32, #tpu.memory_space<vmem>>, vector<1x16xf32>,
        %parallel_loop3A_2270 = vector.shape_cast %parallel_loop3A_2269 : vector<1x16xf32> to vector<16xf32>
        %parallel_loop3A_2271 = arith.mulf %parallel_loop3A_2270, %parallel_loop3A_2231 : vector<16xf32>
        %parallel_loop3A_2272 = arith.addf %parallel_loop3A_2261, %parallel_loop3A_2271 : vector<16xf32>
        %parallel_loop3A_2273 = arith.constant 0 : i32
        %parallel_loop3A_2274 = arith.constant 0 : i32
        %parallel_loop3A_2275 = arith.constant 0 : i32
        %parallel_loop3A_2276 = tpu.memref_slice %arg12[%parallel_loop3A_1180, %parallel_loop3A_2274, %parallel_loop3A_2275] : memref<2x8x1024xf32, #tpu.memory_space<vmem>> -> memref<1x8x1024xf32, #tpu.memory_space<vmem>>
        %parallel_loop3A_2277 = tpu.memref_squeeze %parallel_loop3A_2276 : memref<1x8x1024xf32, #tpu.memory_space<vmem>> -> memref<8x1024xf32, #tpu.memory_space<vmem>>
        %parallel_loop3A_2278 = arith.index_cast %parallel_loop3A_2273 : i32 to index
        %parallel_loop3A_2279 = arith.index_cast %parallel_loop3A_2221 : i32 to index
        %parallel_loop3A_2280 = tpu.vector_load %parallel_loop3A_2277[%parallel_loop3A_2278, %parallel_loop3A_2279] {strides = array<i32>} : memref<8x1024xf32, #tpu.memory_space<vmem>>, vector<1x16xf32>,
        %parallel_loop3A_2281 = vector.shape_cast %parallel_loop3A_2280 : vector<1x16xf32> to vector<16xf32>
        %parallel_loop3A_2282 = arith.mulf %parallel_loop3A_2281, %parallel_loop3A_2236 : vector<16xf32>
        %parallel_loop3A_2283 = arith.addf %parallel_loop3A_2272, %parallel_loop3A_2282 : vector<16xf32>
        %parallel_loop3A_2284 = math.exp %parallel_loop3A_2283 : vector<16xf32>
        %parallel_loop3A_2285 = arith.constant 1.000000e+00 : f32
        %parallel_loop3A_2286 = vector.broadcast %parallel_loop3A_2285 : f32 to vector<16xf32>
        %parallel_loop3A_2287 = arith.addf %parallel_loop3A_2284, %parallel_loop3A_2286 : vector<16xf32>
        %parallel_loop3A_2288 = arith.constant 2.000000e+00 : f32
        %parallel_loop3A_2289 = vector.broadcast %parallel_loop3A_2288 : f32 to vector<16xf32>
        %parallel_loop3A_2290 = arith.divf %parallel_loop3A_2289, %parallel_loop3A_2287 : vector<16xf32>
        %parallel_loop3A_2291 = arith.constant 1.000000e+00 : f32
        %parallel_loop3A_2292 = vector.broadcast %parallel_loop3A_2291 : f32 to vector<16xf32>
        %parallel_loop3A_2293 = arith.subf %parallel_loop3A_2292, %parallel_loop3A_2290 : vector<16xf32>
        %parallel_loop3A_2294 = arith.mulf %parallel_loop3A_2293, %parallel_loop3A_2293 : vector<16xf32>
        %parallel_loop3A_2295 = arith.addf %parallel_loop3A_2187, %parallel_loop3A_2294 : vector<16xf32>
        %parallel_loop3A_2296 = arith.mulf %parallel_loop3A_2293, %parallel_loop3A_2241 : vector<16xf32>
        %parallel_loop3A_2297 = arith.addf %parallel_loop3A_2188, %parallel_loop3A_2296 : vector<16xf32>
        %parallel_loop3A_2298 = arith.mulf %parallel_loop3A_2293, %parallel_loop3A_2246 : vector<16xf32>
        %parallel_loop3A_2299 = arith.addf %parallel_loop3A_2189, %parallel_loop3A_2298 : vector<16xf32>
        %parallel_loop3A_2300 = arith.mulf %parallel_loop3A_2293, %parallel_loop3A_2251 : vector<16xf32>
        %parallel_loop3A_2301 = arith.addf %parallel_loop3A_2190, %parallel_loop3A_2300 : vector<16xf32>
        %parallel_loop3A_2302 = arith.constant 1 : i32
        %parallel_loop3A_2303 = arith.constant 0 : i32
        %parallel_loop3A_2304 = arith.constant 0 : i32
        %parallel_loop3A_2305 = tpu.memref_slice %arg13[%parallel_loop3A_1178, %parallel_loop3A_2303, %parallel_loop3A_2304] : memref<2x8x1024xf32, #tpu.memory_space<vmem>> -> memref<1x8x1024xf32, #tpu.memory_space<vmem>>
        %parallel_loop3A_2306 = tpu.memref_squeeze %parallel_loop3A_2305 : memref<1x8x1024xf32, #tpu.memory_space<vmem>> -> memref<8x1024xf32, #tpu.memory_space<vmem>>
        %parallel_loop3A_2307 = arith.index_cast %parallel_loop3A_2302 : i32 to index
        %parallel_loop3A_2308 = arith.index_cast %parallel_loop3A_2221 : i32 to index
        %parallel_loop3A_2309 = tpu.vector_load %parallel_loop3A_2306[%parallel_loop3A_2307, %parallel_loop3A_2308] {strides = array<i32>} : memref<8x1024xf32, #tpu.memory_space<vmem>>, vector<1x16xf32>,
        %parallel_loop3A_2310 = vector.shape_cast %parallel_loop3A_2309 : vector<1x16xf32> to vector<16xf32>
        %parallel_loop3A_2311 = arith.mulf %parallel_loop3A_2310, %parallel_loop3A_2226 : vector<16xf32>
        %parallel_loop3A_2312 = arith.constant 1 : i32
        %parallel_loop3A_2313 = arith.constant 0 : i32
        %parallel_loop3A_2314 = arith.constant 0 : i32
        %parallel_loop3A_2315 = tpu.memref_slice %arg14[%parallel_loop3A_1179, %parallel_loop3A_2313, %parallel_loop3A_2314] : memref<2x8x1024xf32, #tpu.memory_space<vmem>> -> memref<1x8x1024xf32, #tpu.memory_space<vmem>>
        %parallel_loop3A_2316 = tpu.memref_squeeze %parallel_loop3A_2315 : memref<1x8x1024xf32, #tpu.memory_space<vmem>> -> memref<8x1024xf32, #tpu.memory_space<vmem>>
        %parallel_loop3A_2317 = arith.index_cast %parallel_loop3A_2312 : i32 to index
        %parallel_loop3A_2318 = arith.index_cast %parallel_loop3A_2221 : i32 to index
        %parallel_loop3A_2319 = tpu.vector_load %parallel_loop3A_2316[%parallel_loop3A_2317, %parallel_loop3A_2318] {strides = array<i32>} : memref<8x1024xf32, #tpu.memory_space<vmem>>, vector<1x16xf32>,
        %parallel_loop3A_2320 = vector.shape_cast %parallel_loop3A_2319 : vector<1x16xf32> to vector<16xf32>
        %parallel_loop3A_2321 = arith.mulf %parallel_loop3A_2320, %parallel_loop3A_2231 : vector<16xf32>
        %parallel_loop3A_2322 = arith.addf %parallel_loop3A_2311, %parallel_loop3A_2321 : vector<16xf32>
        %parallel_loop3A_2323 = arith.constant 1 : i32
        %parallel_loop3A_2324 = arith.constant 0 : i32
        %parallel_loop3A_2325 = arith.constant 0 : i32
        %parallel_loop3A_2326 = tpu.memref_slice %arg12[%parallel_loop3A_1180, %parallel_loop3A_2324, %parallel_loop3A_2325] : memref<2x8x1024xf32, #tpu.memory_space<vmem>> -> memref<1x8x1024xf32, #tpu.memory_space<vmem>>
        %parallel_loop3A_2327 = tpu.memref_squeeze %parallel_loop3A_2326 : memref<1x8x1024xf32, #tpu.memory_space<vmem>> -> memref<8x1024xf32, #tpu.memory_space<vmem>>
        %parallel_loop3A_2328 = arith.index_cast %parallel_loop3A_2323 : i32 to index
        %parallel_loop3A_2329 = arith.index_cast %parallel_loop3A_2221 : i32 to index
        %parallel_loop3A_2330 = tpu.vector_load %parallel_loop3A_2327[%parallel_loop3A_2328, %parallel_loop3A_2329] {strides = array<i32>} : memref<8x1024xf32, #tpu.memory_space<vmem>>, vector<1x16xf32>,
        %parallel_loop3A_2331 = vector.shape_cast %parallel_loop3A_2330 : vector<1x16xf32> to vector<16xf32>
        %parallel_loop3A_2332 = arith.mulf %parallel_loop3A_2331, %parallel_loop3A_2236 : vector<16xf32>
        %parallel_loop3A_2333 = arith.addf %parallel_loop3A_2322, %parallel_loop3A_2332 : vector<16xf32>
        %parallel_loop3A_2334 = math.exp %parallel_loop3A_2333 : vector<16xf32>
        %parallel_loop3A_2335 = arith.constant 1.000000e+00 : f32
        %parallel_loop3A_2336 = vector.broadcast %parallel_loop3A_2335 : f32 to vector<16xf32>
        %parallel_loop3A_2337 = arith.addf %parallel_loop3A_2334, %parallel_loop3A_2336 : vector<16xf32>
        %parallel_loop3A_2338 = arith.constant 2.000000e+00 : f32
        %parallel_loop3A_2339 = vector.broadcast %parallel_loop3A_2338 : f32 to vector<16xf32>
        %parallel_loop3A_2340 = arith.divf %parallel_loop3A_2339, %parallel_loop3A_2337 : vector<16xf32>
        %parallel_loop3A_2341 = arith.constant 1.000000e+00 : f32
        %parallel_loop3A_2342 = vector.broadcast %parallel_loop3A_2341 : f32 to vector<16xf32>
        %parallel_loop3A_2343 = arith.subf %parallel_loop3A_2342, %parallel_loop3A_2340 : vector<16xf32>
        %parallel_loop3A_2344 = arith.mulf %parallel_loop3A_2343, %parallel_loop3A_2343 : vector<16xf32>
        %parallel_loop3A_2345 = arith.addf %parallel_loop3A_2191, %parallel_loop3A_2344 : vector<16xf32>
        %parallel_loop3A_2346 = arith.mulf %parallel_loop3A_2343, %parallel_loop3A_2241 : vector<16xf32>
        %parallel_loop3A_2347 = arith.addf %parallel_loop3A_2192, %parallel_loop3A_2346 : vector<16xf32>
        %parallel_loop3A_2348 = arith.mulf %parallel_loop3A_2343, %parallel_loop3A_2246 : vector<16xf32>
        %parallel_loop3A_2349 = arith.addf %parallel_loop3A_2193, %parallel_loop3A_2348 : vector<16xf32>
        %parallel_loop3A_2350 = arith.mulf %parallel_loop3A_2343, %parallel_loop3A_2251 : vector<16xf32>
        %parallel_loop3A_2351 = arith.addf %parallel_loop3A_2194, %parallel_loop3A_2350 : vector<16xf32>
        %parallel_loop3A_2352 = arith.constant 2 : i32
        %parallel_loop3A_2353 = arith.constant 0 : i32
        %parallel_loop3A_2354 = arith.constant 0 : i32
        %parallel_loop3A_2355 = tpu.memref_slice %arg13[%parallel_loop3A_1178, %parallel_loop3A_2353, %parallel_loop3A_2354] : memref<2x8x1024xf32, #tpu.memory_space<vmem>> -> memref<1x8x1024xf32, #tpu.memory_space<vmem>>
        %parallel_loop3A_2356 = tpu.memref_squeeze %parallel_loop3A_2355 : memref<1x8x1024xf32, #tpu.memory_space<vmem>> -> memref<8x1024xf32, #tpu.memory_space<vmem>>
        %parallel_loop3A_2357 = arith.index_cast %parallel_loop3A_2352 : i32 to index
        %parallel_loop3A_2358 = arith.index_cast %parallel_loop3A_2221 : i32 to index
        %parallel_loop3A_2359 = tpu.vector_load %parallel_loop3A_2356[%parallel_loop3A_2357, %parallel_loop3A_2358] {strides = array<i32>} : memref<8x1024xf32, #tpu.memory_space<vmem>>, vector<1x16xf32>,
        %parallel_loop3A_2360 = vector.shape_cast %parallel_loop3A_2359 : vector<1x16xf32> to vector<16xf32>
        %parallel_loop3A_2361 = arith.mulf %parallel_loop3A_2360, %parallel_loop3A_2226 : vector<16xf32>
        %parallel_loop3A_2362 = arith.constant 2 : i32
        %parallel_loop3A_2363 = arith.constant 0 : i32
        %parallel_loop3A_2364 = arith.constant 0 : i32
        %parallel_loop3A_2365 = tpu.memref_slice %arg14[%parallel_loop3A_1179, %parallel_loop3A_2363, %parallel_loop3A_2364] : memref<2x8x1024xf32, #tpu.memory_space<vmem>> -> memref<1x8x1024xf32, #tpu.memory_space<vmem>>
        %parallel_loop3A_2366 = tpu.memref_squeeze %parallel_loop3A_2365 : memref<1x8x1024xf32, #tpu.memory_space<vmem>> -> memref<8x1024xf32, #tpu.memory_space<vmem>>
        %parallel_loop3A_2367 = arith.index_cast %parallel_loop3A_2362 : i32 to index
        %parallel_loop3A_2368 = arith.index_cast %parallel_loop3A_2221 : i32 to index
        %parallel_loop3A_2369 = tpu.vector_load %parallel_loop3A_2366[%parallel_loop3A_2367, %parallel_loop3A_2368] {strides = array<i32>} : memref<8x1024xf32, #tpu.memory_space<vmem>>, vector<1x16xf32>,
        %parallel_loop3A_2370 = vector.shape_cast %parallel_loop3A_2369 : vector<1x16xf32> to vector<16xf32>
        %parallel_loop3A_2371 = arith.mulf %parallel_loop3A_2370, %parallel_loop3A_2231 : vector<16xf32>
        %parallel_loop3A_2372 = arith.addf %parallel_loop3A_2361, %parallel_loop3A_2371 : vector<16xf32>
        %parallel_loop3A_2373 = arith.constant 2 : i32
        %parallel_loop3A_2374 = arith.constant 0 : i32
        %parallel_loop3A_2375 = arith.constant 0 : i32
        %parallel_loop3A_2376 = tpu.memref_slice %arg12[%parallel_loop3A_1180, %parallel_loop3A_2374, %parallel_loop3A_2375] : memref<2x8x1024xf32, #tpu.memory_space<vmem>> -> memref<1x8x1024xf32, #tpu.memory_space<vmem>>
        %parallel_loop3A_2377 = tpu.memref_squeeze %parallel_loop3A_2376 : memref<1x8x1024xf32, #tpu.memory_space<vmem>> -> memref<8x1024xf32, #tpu.memory_space<vmem>>
        %parallel_loop3A_2378 = arith.index_cast %parallel_loop3A_2373 : i32 to index
        %parallel_loop3A_2379 = arith.index_cast %parallel_loop3A_2221 : i32 to index
        %parallel_loop3A_2380 = tpu.vector_load %parallel_loop3A_2377[%parallel_loop3A_2378, %parallel_loop3A_2379] {strides = array<i32>} : memref<8x1024xf32, #tpu.memory_space<vmem>>, vector<1x16xf32>,
        %parallel_loop3A_2381 = vector.shape_cast %parallel_loop3A_2380 : vector<1x16xf32> to vector<16xf32>
        %parallel_loop3A_2382 = arith.mulf %parallel_loop3A_2381, %parallel_loop3A_2236 : vector<16xf32>
        %parallel_loop3A_2383 = arith.addf %parallel_loop3A_2372, %parallel_loop3A_2382 : vector<16xf32>
        %parallel_loop3A_2384 = math.exp %parallel_loop3A_2383 : vector<16xf32>
        %parallel_loop3A_2385 = arith.constant 1.000000e+00 : f32
        %parallel_loop3A_2386 = vector.broadcast %parallel_loop3A_2385 : f32 to vector<16xf32>
        %parallel_loop3A_2387 = arith.addf %parallel_loop3A_2384, %parallel_loop3A_2386 : vector<16xf32>
        %parallel_loop3A_2388 = arith.constant 2.000000e+00 : f32
        %parallel_loop3A_2389 = vector.broadcast %parallel_loop3A_2388 : f32 to vector<16xf32>
        %parallel_loop3A_2390 = arith.divf %parallel_loop3A_2389, %parallel_loop3A_2387 : vector<16xf32>
        %parallel_loop3A_2391 = arith.constant 1.000000e+00 : f32
        %parallel_loop3A_2392 = vector.broadcast %parallel_loop3A_2391 : f32 to vector<16xf32>
        %parallel_loop3A_2393 = arith.subf %parallel_loop3A_2392, %parallel_loop3A_2390 : vector<16xf32>
        %parallel_loop3A_2394 = arith.mulf %parallel_loop3A_2393, %parallel_loop3A_2393 : vector<16xf32>
        %parallel_loop3A_2395 = arith.addf %parallel_loop3A_2195, %parallel_loop3A_2394 : vector<16xf32>
        %parallel_loop3A_2396 = arith.mulf %parallel_loop3A_2393, %parallel_loop3A_2241 : vector<16xf32>
        %parallel_loop3A_2397 = arith.addf %parallel_loop3A_2196, %parallel_loop3A_2396 : vector<16xf32>
        %parallel_loop3A_2398 = arith.mulf %parallel_loop3A_2393, %parallel_loop3A_2246 : vector<16xf32>
        %parallel_loop3A_2399 = arith.addf %parallel_loop3A_2197, %parallel_loop3A_2398 : vector<16xf32>
        %parallel_loop3A_2400 = arith.mulf %parallel_loop3A_2393, %parallel_loop3A_2251 : vector<16xf32>
        %parallel_loop3A_2401 = arith.addf %parallel_loop3A_2198, %parallel_loop3A_2400 : vector<16xf32>
        %parallel_loop3A_2402 = arith.constant 3 : i32
        %parallel_loop3A_2403 = arith.constant 0 : i32
        %parallel_loop3A_2404 = arith.constant 0 : i32
        %parallel_loop3A_2405 = tpu.memref_slice %arg13[%parallel_loop3A_1178, %parallel_loop3A_2403, %parallel_loop3A_2404] : memref<2x8x1024xf32, #tpu.memory_space<vmem>> -> memref<1x8x1024xf32, #tpu.memory_space<vmem>>
        %parallel_loop3A_2406 = tpu.memref_squeeze %parallel_loop3A_2405 : memref<1x8x1024xf32, #tpu.memory_space<vmem>> -> memref<8x1024xf32, #tpu.memory_space<vmem>>
        %parallel_loop3A_2407 = arith.index_cast %parallel_loop3A_2402 : i32 to index
        %parallel_loop3A_2408 = arith.index_cast %parallel_loop3A_2221 : i32 to index
        %parallel_loop3A_2409 = tpu.vector_load %parallel_loop3A_2406[%parallel_loop3A_2407, %parallel_loop3A_2408] {strides = array<i32>} : memref<8x1024xf32, #tpu.memory_space<vmem>>, vector<1x16xf32>,
        %parallel_loop3A_2410 = vector.shape_cast %parallel_loop3A_2409 : vector<1x16xf32> to vector<16xf32>
        %parallel_loop3A_2411 = arith.mulf %parallel_loop3A_2410, %parallel_loop3A_2226 : vector<16xf32>
        %parallel_loop3A_2412 = arith.constant 3 : i32
        %parallel_loop3A_2413 = arith.constant 0 : i32
        %parallel_loop3A_2414 = arith.constant 0 : i32
        %parallel_loop3A_2415 = tpu.memref_slice %arg14[%parallel_loop3A_1179, %parallel_loop3A_2413, %parallel_loop3A_2414] : memref<2x8x1024xf32, #tpu.memory_space<vmem>> -> memref<1x8x1024xf32, #tpu.memory_space<vmem>>
        %parallel_loop3A_2416 = tpu.memref_squeeze %parallel_loop3A_2415 : memref<1x8x1024xf32, #tpu.memory_space<vmem>> -> memref<8x1024xf32, #tpu.memory_space<vmem>>
        %parallel_loop3A_2417 = arith.index_cast %parallel_loop3A_2412 : i32 to index
        %parallel_loop3A_2418 = arith.index_cast %parallel_loop3A_2221 : i32 to index
        %parallel_loop3A_2419 = tpu.vector_load %parallel_loop3A_2416[%parallel_loop3A_2417, %parallel_loop3A_2418] {strides = array<i32>} : memref<8x1024xf32, #tpu.memory_space<vmem>>, vector<1x16xf32>,
        %parallel_loop3A_2420 = vector.shape_cast %parallel_loop3A_2419 : vector<1x16xf32> to vector<16xf32>
        %parallel_loop3A_2421 = arith.mulf %parallel_loop3A_2420, %parallel_loop3A_2231 : vector<16xf32>
        %parallel_loop3A_2422 = arith.addf %parallel_loop3A_2411, %parallel_loop3A_2421 : vector<16xf32>
        %parallel_loop3A_2423 = arith.constant 3 : i32
        %parallel_loop3A_2424 = arith.constant 0 : i32
        %parallel_loop3A_2425 = arith.constant 0 : i32
        %parallel_loop3A_2426 = tpu.memref_slice %arg12[%parallel_loop3A_1180, %parallel_loop3A_2424, %parallel_loop3A_2425] : memref<2x8x1024xf32, #tpu.memory_space<vmem>> -> memref<1x8x1024xf32, #tpu.memory_space<vmem>>
        %parallel_loop3A_2427 = tpu.memref_squeeze %parallel_loop3A_2426 : memref<1x8x1024xf32, #tpu.memory_space<vmem>> -> memref<8x1024xf32, #tpu.memory_space<vmem>>
        %parallel_loop3A_2428 = arith.index_cast %parallel_loop3A_2423 : i32 to index
        %parallel_loop3A_2429 = arith.index_cast %parallel_loop3A_2221 : i32 to index
        %parallel_loop3A_2430 = tpu.vector_load %parallel_loop3A_2427[%parallel_loop3A_2428, %parallel_loop3A_2429] {strides = array<i32>} : memref<8x1024xf32, #tpu.memory_space<vmem>>, vector<1x16xf32>,
        %parallel_loop3A_2431 = vector.shape_cast %parallel_loop3A_2430 : vector<1x16xf32> to vector<16xf32>
        %parallel_loop3A_2432 = arith.mulf %parallel_loop3A_2431, %parallel_loop3A_2236 : vector<16xf32>
        %parallel_loop3A_2433 = arith.addf %parallel_loop3A_2422, %parallel_loop3A_2432 : vector<16xf32>
        %parallel_loop3A_2434 = math.exp %parallel_loop3A_2433 : vector<16xf32>
        %parallel_loop3A_2435 = arith.constant 1.000000e+00 : f32
        %parallel_loop3A_2436 = vector.broadcast %parallel_loop3A_2435 : f32 to vector<16xf32>
        %parallel_loop3A_2437 = arith.addf %parallel_loop3A_2434, %parallel_loop3A_2436 : vector<16xf32>
        %parallel_loop3A_2438 = arith.constant 2.000000e+00 : f32
        %parallel_loop3A_2439 = vector.broadcast %parallel_loop3A_2438 : f32 to vector<16xf32>
        %parallel_loop3A_2440 = arith.divf %parallel_loop3A_2439, %parallel_loop3A_2437 : vector<16xf32>
        %parallel_loop3A_2441 = arith.constant 1.000000e+00 : f32
        %parallel_loop3A_2442 = vector.broadcast %parallel_loop3A_2441 : f32 to vector<16xf32>
        %parallel_loop3A_2443 = arith.subf %parallel_loop3A_2442, %parallel_loop3A_2440 : vector<16xf32>
        %parallel_loop3A_2444 = arith.mulf %parallel_loop3A_2443, %parallel_loop3A_2443 : vector<16xf32>
        %parallel_loop3A_2445 = arith.addf %parallel_loop3A_2199, %parallel_loop3A_2444 : vector<16xf32>
        %parallel_loop3A_2446 = arith.mulf %parallel_loop3A_2443, %parallel_loop3A_2241 : vector<16xf32>
        %parallel_loop3A_2447 = arith.addf %parallel_loop3A_2200, %parallel_loop3A_2446 : vector<16xf32>
        %parallel_loop3A_2448 = arith.mulf %parallel_loop3A_2443, %parallel_loop3A_2246 : vector<16xf32>
        %parallel_loop3A_2449 = arith.addf %parallel_loop3A_2201, %parallel_loop3A_2448 : vector<16xf32>
        %parallel_loop3A_2450 = arith.mulf %parallel_loop3A_2443, %parallel_loop3A_2251 : vector<16xf32>
        %parallel_loop3A_2451 = arith.addf %parallel_loop3A_2202, %parallel_loop3A_2450 : vector<16xf32>
        %parallel_loop3A_2452 = arith.constant 4 : i32
        %parallel_loop3A_2453 = arith.constant 0 : i32
        %parallel_loop3A_2454 = arith.constant 0 : i32
        %parallel_loop3A_2455 = tpu.memref_slice %arg13[%parallel_loop3A_1178, %parallel_loop3A_2453, %parallel_loop3A_2454] : memref<2x8x1024xf32, #tpu.memory_space<vmem>> -> memref<1x8x1024xf32, #tpu.memory_space<vmem>>
        %parallel_loop3A_2456 = tpu.memref_squeeze %parallel_loop3A_2455 : memref<1x8x1024xf32, #tpu.memory_space<vmem>> -> memref<8x1024xf32, #tpu.memory_space<vmem>>
        %parallel_loop3A_2457 = arith.index_cast %parallel_loop3A_2452 : i32 to index
        %parallel_loop3A_2458 = arith.index_cast %parallel_loop3A_2221 : i32 to index
        %parallel_loop3A_2459 = tpu.vector_load %parallel_loop3A_2456[%parallel_loop3A_2457, %parallel_loop3A_2458] {strides = array<i32>} : memref<8x1024xf32, #tpu.memory_space<vmem>>, vector<1x16xf32>,
        %parallel_loop3A_2460 = vector.shape_cast %parallel_loop3A_2459 : vector<1x16xf32> to vector<16xf32>
        %parallel_loop3A_2461 = arith.mulf %parallel_loop3A_2460, %parallel_loop3A_2226 : vector<16xf32>
        %parallel_loop3A_2462 = arith.constant 4 : i32
        %parallel_loop3A_2463 = arith.constant 0 : i32
        %parallel_loop3A_2464 = arith.constant 0 : i32
        %parallel_loop3A_2465 = tpu.memref_slice %arg14[%parallel_loop3A_1179, %parallel_loop3A_2463, %parallel_loop3A_2464] : memref<2x8x1024xf32, #tpu.memory_space<vmem>> -> memref<1x8x1024xf32, #tpu.memory_space<vmem>>
        %parallel_loop3A_2466 = tpu.memref_squeeze %parallel_loop3A_2465 : memref<1x8x1024xf32, #tpu.memory_space<vmem>> -> memref<8x1024xf32, #tpu.memory_space<vmem>>
        %parallel_loop3A_2467 = arith.index_cast %parallel_loop3A_2462 : i32 to index
        %parallel_loop3A_2468 = arith.index_cast %parallel_loop3A_2221 : i32 to index
        %parallel_loop3A_2469 = tpu.vector_load %parallel_loop3A_2466[%parallel_loop3A_2467, %parallel_loop3A_2468] {strides = array<i32>} : memref<8x1024xf32, #tpu.memory_space<vmem>>, vector<1x16xf32>,
        %parallel_loop3A_2470 = vector.shape_cast %parallel_loop3A_2469 : vector<1x16xf32> to vector<16xf32>
        %parallel_loop3A_2471 = arith.mulf %parallel_loop3A_2470, %parallel_loop3A_2231 : vector<16xf32>
        %parallel_loop3A_2472 = arith.addf %parallel_loop3A_2461, %parallel_loop3A_2471 : vector<16xf32>
        %parallel_loop3A_2473 = arith.constant 4 : i32
        %parallel_loop3A_2474 = arith.constant 0 : i32
        %parallel_loop3A_2475 = arith.constant 0 : i32
        %parallel_loop3A_2476 = tpu.memref_slice %arg12[%parallel_loop3A_1180, %parallel_loop3A_2474, %parallel_loop3A_2475] : memref<2x8x1024xf32, #tpu.memory_space<vmem>> -> memref<1x8x1024xf32, #tpu.memory_space<vmem>>
        %parallel_loop3A_2477 = tpu.memref_squeeze %parallel_loop3A_2476 : memref<1x8x1024xf32, #tpu.memory_space<vmem>> -> memref<8x1024xf32, #tpu.memory_space<vmem>>
        %parallel_loop3A_2478 = arith.index_cast %parallel_loop3A_2473 : i32 to index
        %parallel_loop3A_2479 = arith.index_cast %parallel_loop3A_2221 : i32 to index
        %parallel_loop3A_2480 = tpu.vector_load %parallel_loop3A_2477[%parallel_loop3A_2478, %parallel_loop3A_2479] {strides = array<i32>} : memref<8x1024xf32, #tpu.memory_space<vmem>>, vector<1x16xf32>,
        %parallel_loop3A_2481 = vector.shape_cast %parallel_loop3A_2480 : vector<1x16xf32> to vector<16xf32>
        %parallel_loop3A_2482 = arith.mulf %parallel_loop3A_2481, %parallel_loop3A_2236 : vector<16xf32>
        %parallel_loop3A_2483 = arith.addf %parallel_loop3A_2472, %parallel_loop3A_2482 : vector<16xf32>
        %parallel_loop3A_2484 = math.exp %parallel_loop3A_2483 : vector<16xf32>
        %parallel_loop3A_2485 = arith.constant 1.000000e+00 : f32
        %parallel_loop3A_2486 = vector.broadcast %parallel_loop3A_2485 : f32 to vector<16xf32>
        %parallel_loop3A_2487 = arith.addf %parallel_loop3A_2484, %parallel_loop3A_2486 : vector<16xf32>
        %parallel_loop3A_2488 = arith.constant 2.000000e+00 : f32
        %parallel_loop3A_2489 = vector.broadcast %parallel_loop3A_2488 : f32 to vector<16xf32>
        %parallel_loop3A_2490 = arith.divf %parallel_loop3A_2489, %parallel_loop3A_2487 : vector<16xf32>
        %parallel_loop3A_2491 = arith.constant 1.000000e+00 : f32
        %parallel_loop3A_2492 = vector.broadcast %parallel_loop3A_2491 : f32 to vector<16xf32>
        %parallel_loop3A_2493 = arith.subf %parallel_loop3A_2492, %parallel_loop3A_2490 : vector<16xf32>
        %parallel_loop3A_2494 = arith.mulf %parallel_loop3A_2493, %parallel_loop3A_2493 : vector<16xf32>
        %parallel_loop3A_2495 = arith.addf %parallel_loop3A_2203, %parallel_loop3A_2494 : vector<16xf32>
        %parallel_loop3A_2496 = arith.mulf %parallel_loop3A_2493, %parallel_loop3A_2241 : vector<16xf32>
        %parallel_loop3A_2497 = arith.addf %parallel_loop3A_2204, %parallel_loop3A_2496 : vector<16xf32>
        %parallel_loop3A_2498 = arith.mulf %parallel_loop3A_2493, %parallel_loop3A_2246 : vector<16xf32>
        %parallel_loop3A_2499 = arith.addf %parallel_loop3A_2205, %parallel_loop3A_2498 : vector<16xf32>
        %parallel_loop3A_2500 = arith.mulf %parallel_loop3A_2493, %parallel_loop3A_2251 : vector<16xf32>
        %parallel_loop3A_2501 = arith.addf %parallel_loop3A_2206, %parallel_loop3A_2500 : vector<16xf32>
        %parallel_loop3A_2502 = arith.constant 5 : i32
        %parallel_loop3A_2503 = arith.constant 0 : i32
        %parallel_loop3A_2504 = arith.constant 0 : i32
        %parallel_loop3A_2505 = tpu.memref_slice %arg13[%parallel_loop3A_1178, %parallel_loop3A_2503, %parallel_loop3A_2504] : memref<2x8x1024xf32, #tpu.memory_space<vmem>> -> memref<1x8x1024xf32, #tpu.memory_space<vmem>>
        %parallel_loop3A_2506 = tpu.memref_squeeze %parallel_loop3A_2505 : memref<1x8x1024xf32, #tpu.memory_space<vmem>> -> memref<8x1024xf32, #tpu.memory_space<vmem>>
        %parallel_loop3A_2507 = arith.index_cast %parallel_loop3A_2502 : i32 to index
        %parallel_loop3A_2508 = arith.index_cast %parallel_loop3A_2221 : i32 to index
        %parallel_loop3A_2509 = tpu.vector_load %parallel_loop3A_2506[%parallel_loop3A_2507, %parallel_loop3A_2508] {strides = array<i32>} : memref<8x1024xf32, #tpu.memory_space<vmem>>, vector<1x16xf32>,
        %parallel_loop3A_2510 = vector.shape_cast %parallel_loop3A_2509 : vector<1x16xf32> to vector<16xf32>
        %parallel_loop3A_2511 = arith.mulf %parallel_loop3A_2510, %parallel_loop3A_2226 : vector<16xf32>
        %parallel_loop3A_2512 = arith.constant 5 : i32
        %parallel_loop3A_2513 = arith.constant 0 : i32
        %parallel_loop3A_2514 = arith.constant 0 : i32
        %parallel_loop3A_2515 = tpu.memref_slice %arg14[%parallel_loop3A_1179, %parallel_loop3A_2513, %parallel_loop3A_2514] : memref<2x8x1024xf32, #tpu.memory_space<vmem>> -> memref<1x8x1024xf32, #tpu.memory_space<vmem>>
        %parallel_loop3A_2516 = tpu.memref_squeeze %parallel_loop3A_2515 : memref<1x8x1024xf32, #tpu.memory_space<vmem>> -> memref<8x1024xf32, #tpu.memory_space<vmem>>
        %parallel_loop3A_2517 = arith.index_cast %parallel_loop3A_2512 : i32 to index
        %parallel_loop3A_2518 = arith.index_cast %parallel_loop3A_2221 : i32 to index
        %parallel_loop3A_2519 = tpu.vector_load %parallel_loop3A_2516[%parallel_loop3A_2517, %parallel_loop3A_2518] {strides = array<i32>} : memref<8x1024xf32, #tpu.memory_space<vmem>>, vector<1x16xf32>,
        %parallel_loop3A_2520 = vector.shape_cast %parallel_loop3A_2519 : vector<1x16xf32> to vector<16xf32>
        %parallel_loop3A_2521 = arith.mulf %parallel_loop3A_2520, %parallel_loop3A_2231 : vector<16xf32>
        %parallel_loop3A_2522 = arith.addf %parallel_loop3A_2511, %parallel_loop3A_2521 : vector<16xf32>
        %parallel_loop3A_2523 = arith.constant 5 : i32
        %parallel_loop3A_2524 = arith.constant 0 : i32
        %parallel_loop3A_2525 = arith.constant 0 : i32
        %parallel_loop3A_2526 = tpu.memref_slice %arg12[%parallel_loop3A_1180, %parallel_loop3A_2524, %parallel_loop3A_2525] : memref<2x8x1024xf32, #tpu.memory_space<vmem>> -> memref<1x8x1024xf32, #tpu.memory_space<vmem>>
        %parallel_loop3A_2527 = tpu.memref_squeeze %parallel_loop3A_2526 : memref<1x8x1024xf32, #tpu.memory_space<vmem>> -> memref<8x1024xf32, #tpu.memory_space<vmem>>
        %parallel_loop3A_2528 = arith.index_cast %parallel_loop3A_2523 : i32 to index
        %parallel_loop3A_2529 = arith.index_cast %parallel_loop3A_2221 : i32 to index
        %parallel_loop3A_2530 = tpu.vector_load %parallel_loop3A_2527[%parallel_loop3A_2528, %parallel_loop3A_2529] {strides = array<i32>} : memref<8x1024xf32, #tpu.memory_space<vmem>>, vector<1x16xf32>,
        %parallel_loop3A_2531 = vector.shape_cast %parallel_loop3A_2530 : vector<1x16xf32> to vector<16xf32>
        %parallel_loop3A_2532 = arith.mulf %parallel_loop3A_2531, %parallel_loop3A_2236 : vector<16xf32>
        %parallel_loop3A_2533 = arith.addf %parallel_loop3A_2522, %parallel_loop3A_2532 : vector<16xf32>
        %parallel_loop3A_2534 = math.exp %parallel_loop3A_2533 : vector<16xf32>
        %parallel_loop3A_2535 = arith.constant 1.000000e+00 : f32
        %parallel_loop3A_2536 = vector.broadcast %parallel_loop3A_2535 : f32 to vector<16xf32>
        %parallel_loop3A_2537 = arith.addf %parallel_loop3A_2534, %parallel_loop3A_2536 : vector<16xf32>
        %parallel_loop3A_2538 = arith.constant 2.000000e+00 : f32
        %parallel_loop3A_2539 = vector.broadcast %parallel_loop3A_2538 : f32 to vector<16xf32>
        %parallel_loop3A_2540 = arith.divf %parallel_loop3A_2539, %parallel_loop3A_2537 : vector<16xf32>
        %parallel_loop3A_2541 = arith.constant 1.000000e+00 : f32
        %parallel_loop3A_2542 = vector.broadcast %parallel_loop3A_2541 : f32 to vector<16xf32>
        %parallel_loop3A_2543 = arith.subf %parallel_loop3A_2542, %parallel_loop3A_2540 : vector<16xf32>
        %parallel_loop3A_2544 = arith.mulf %parallel_loop3A_2543, %parallel_loop3A_2543 : vector<16xf32>
        %parallel_loop3A_2545 = arith.addf %parallel_loop3A_2207, %parallel_loop3A_2544 : vector<16xf32>
        %parallel_loop3A_2546 = arith.mulf %parallel_loop3A_2543, %parallel_loop3A_2241 : vector<16xf32>
        %parallel_loop3A_2547 = arith.addf %parallel_loop3A_2208, %parallel_loop3A_2546 : vector<16xf32>
        %parallel_loop3A_2548 = arith.mulf %parallel_loop3A_2543, %parallel_loop3A_2246 : vector<16xf32>
        %parallel_loop3A_2549 = arith.addf %parallel_loop3A_2209, %parallel_loop3A_2548 : vector<16xf32>
        %parallel_loop3A_2550 = arith.mulf %parallel_loop3A_2543, %parallel_loop3A_2251 : vector<16xf32>
        %parallel_loop3A_2551 = arith.addf %parallel_loop3A_2210, %parallel_loop3A_2550 : vector<16xf32>
        %parallel_loop3A_2552 = arith.constant 6 : i32
        %parallel_loop3A_2553 = arith.constant 0 : i32
        %parallel_loop3A_2554 = arith.constant 0 : i32
        %parallel_loop3A_2555 = tpu.memref_slice %arg13[%parallel_loop3A_1178, %parallel_loop3A_2553, %parallel_loop3A_2554] : memref<2x8x1024xf32, #tpu.memory_space<vmem>> -> memref<1x8x1024xf32, #tpu.memory_space<vmem>>
        %parallel_loop3A_2556 = tpu.memref_squeeze %parallel_loop3A_2555 : memref<1x8x1024xf32, #tpu.memory_space<vmem>> -> memref<8x1024xf32, #tpu.memory_space<vmem>>
        %parallel_loop3A_2557 = arith.index_cast %parallel_loop3A_2552 : i32 to index
        %parallel_loop3A_2558 = arith.index_cast %parallel_loop3A_2221 : i32 to index
        %parallel_loop3A_2559 = tpu.vector_load %parallel_loop3A_2556[%parallel_loop3A_2557, %parallel_loop3A_2558] {strides = array<i32>} : memref<8x1024xf32, #tpu.memory_space<vmem>>, vector<1x16xf32>,
        %parallel_loop3A_2560 = vector.shape_cast %parallel_loop3A_2559 : vector<1x16xf32> to vector<16xf32>
        %parallel_loop3A_2561 = arith.mulf %parallel_loop3A_2560, %parallel_loop3A_2226 : vector<16xf32>
        %parallel_loop3A_2562 = arith.constant 6 : i32
        %parallel_loop3A_2563 = arith.constant 0 : i32
        %parallel_loop3A_2564 = arith.constant 0 : i32
        %parallel_loop3A_2565 = tpu.memref_slice %arg14[%parallel_loop3A_1179, %parallel_loop3A_2563, %parallel_loop3A_2564] : memref<2x8x1024xf32, #tpu.memory_space<vmem>> -> memref<1x8x1024xf32, #tpu.memory_space<vmem>>
        %parallel_loop3A_2566 = tpu.memref_squeeze %parallel_loop3A_2565 : memref<1x8x1024xf32, #tpu.memory_space<vmem>> -> memref<8x1024xf32, #tpu.memory_space<vmem>>
        %parallel_loop3A_2567 = arith.index_cast %parallel_loop3A_2562 : i32 to index
        %parallel_loop3A_2568 = arith.index_cast %parallel_loop3A_2221 : i32 to index
        %parallel_loop3A_2569 = tpu.vector_load %parallel_loop3A_2566[%parallel_loop3A_2567, %parallel_loop3A_2568] {strides = array<i32>} : memref<8x1024xf32, #tpu.memory_space<vmem>>, vector<1x16xf32>,
        %parallel_loop3A_2570 = vector.shape_cast %parallel_loop3A_2569 : vector<1x16xf32> to vector<16xf32>
        %parallel_loop3A_2571 = arith.mulf %parallel_loop3A_2570, %parallel_loop3A_2231 : vector<16xf32>
        %parallel_loop3A_2572 = arith.addf %parallel_loop3A_2561, %parallel_loop3A_2571 : vector<16xf32>
        %parallel_loop3A_2573 = arith.constant 6 : i32
        %parallel_loop3A_2574 = arith.constant 0 : i32
        %parallel_loop3A_2575 = arith.constant 0 : i32
        %parallel_loop3A_2576 = tpu.memref_slice %arg12[%parallel_loop3A_1180, %parallel_loop3A_2574, %parallel_loop3A_2575] : memref<2x8x1024xf32, #tpu.memory_space<vmem>> -> memref<1x8x1024xf32, #tpu.memory_space<vmem>>
        %parallel_loop3A_2577 = tpu.memref_squeeze %parallel_loop3A_2576 : memref<1x8x1024xf32, #tpu.memory_space<vmem>> -> memref<8x1024xf32, #tpu.memory_space<vmem>>
        %parallel_loop3A_2578 = arith.index_cast %parallel_loop3A_2573 : i32 to index
        %parallel_loop3A_2579 = arith.index_cast %parallel_loop3A_2221 : i32 to index
        %parallel_loop3A_2580 = tpu.vector_load %parallel_loop3A_2577[%parallel_loop3A_2578, %parallel_loop3A_2579] {strides = array<i32>} : memref<8x1024xf32, #tpu.memory_space<vmem>>, vector<1x16xf32>,
        %parallel_loop3A_2581 = vector.shape_cast %parallel_loop3A_2580 : vector<1x16xf32> to vector<16xf32>
        %parallel_loop3A_2582 = arith.mulf %parallel_loop3A_2581, %parallel_loop3A_2236 : vector<16xf32>
        %parallel_loop3A_2583 = arith.addf %parallel_loop3A_2572, %parallel_loop3A_2582 : vector<16xf32>
        %parallel_loop3A_2584 = math.exp %parallel_loop3A_2583 : vector<16xf32>
        %parallel_loop3A_2585 = arith.constant 1.000000e+00 : f32
        %parallel_loop3A_2586 = vector.broadcast %parallel_loop3A_2585 : f32 to vector<16xf32>
        %parallel_loop3A_2587 = arith.addf %parallel_loop3A_2584, %parallel_loop3A_2586 : vector<16xf32>
        %parallel_loop3A_2588 = arith.constant 2.000000e+00 : f32
        %parallel_loop3A_2589 = vector.broadcast %parallel_loop3A_2588 : f32 to vector<16xf32>
        %parallel_loop3A_2590 = arith.divf %parallel_loop3A_2589, %parallel_loop3A_2587 : vector<16xf32>
        %parallel_loop3A_2591 = arith.constant 1.000000e+00 : f32
        %parallel_loop3A_2592 = vector.broadcast %parallel_loop3A_2591 : f32 to vector<16xf32>
        %parallel_loop3A_2593 = arith.subf %parallel_loop3A_2592, %parallel_loop3A_2590 : vector<16xf32>
        %parallel_loop3A_2594 = arith.mulf %parallel_loop3A_2593, %parallel_loop3A_2593 : vector<16xf32>
        %parallel_loop3A_2595 = arith.addf %parallel_loop3A_2211, %parallel_loop3A_2594 : vector<16xf32>
        %parallel_loop3A_2596 = arith.mulf %parallel_loop3A_2593, %parallel_loop3A_2241 : vector<16xf32>
        %parallel_loop3A_2597 = arith.addf %parallel_loop3A_2212, %parallel_loop3A_2596 : vector<16xf32>
        %parallel_loop3A_2598 = arith.mulf %parallel_loop3A_2593, %parallel_loop3A_2246 : vector<16xf32>
        %parallel_loop3A_2599 = arith.addf %parallel_loop3A_2213, %parallel_loop3A_2598 : vector<16xf32>
        %parallel_loop3A_2600 = arith.mulf %parallel_loop3A_2593, %parallel_loop3A_2251 : vector<16xf32>
        %parallel_loop3A_2601 = arith.addf %parallel_loop3A_2214, %parallel_loop3A_2600 : vector<16xf32>
        %parallel_loop3A_2602 = arith.constant 7 : i32
        %parallel_loop3A_2603 = arith.constant 0 : i32
        %parallel_loop3A_2604 = arith.constant 0 : i32
        %parallel_loop3A_2605 = tpu.memref_slice %arg13[%parallel_loop3A_1178, %parallel_loop3A_2603, %parallel_loop3A_2604] : memref<2x8x1024xf32, #tpu.memory_space<vmem>> -> memref<1x8x1024xf32, #tpu.memory_space<vmem>>
        %parallel_loop3A_2606 = tpu.memref_squeeze %parallel_loop3A_2605 : memref<1x8x1024xf32, #tpu.memory_space<vmem>> -> memref<8x1024xf32, #tpu.memory_space<vmem>>
        %parallel_loop3A_2607 = arith.index_cast %parallel_loop3A_2602 : i32 to index
        %parallel_loop3A_2608 = arith.index_cast %parallel_loop3A_2221 : i32 to index
        %parallel_loop3A_2609 = tpu.vector_load %parallel_loop3A_2606[%parallel_loop3A_2607, %parallel_loop3A_2608] {strides = array<i32>} : memref<8x1024xf32, #tpu.memory_space<vmem>>, vector<1x16xf32>,
        %parallel_loop3A_2610 = vector.shape_cast %parallel_loop3A_2609 : vector<1x16xf32> to vector<16xf32>
        %parallel_loop3A_2611 = arith.mulf %parallel_loop3A_2610, %parallel_loop3A_2226 : vector<16xf32>
        %parallel_loop3A_2612 = arith.constant 7 : i32
        %parallel_loop3A_2613 = arith.constant 0 : i32
        %parallel_loop3A_2614 = arith.constant 0 : i32
        %parallel_loop3A_2615 = tpu.memref_slice %arg14[%parallel_loop3A_1179, %parallel_loop3A_2613, %parallel_loop3A_2614] : memref<2x8x1024xf32, #tpu.memory_space<vmem>> -> memref<1x8x1024xf32, #tpu.memory_space<vmem>>
        %parallel_loop3A_2616 = tpu.memref_squeeze %parallel_loop3A_2615 : memref<1x8x1024xf32, #tpu.memory_space<vmem>> -> memref<8x1024xf32, #tpu.memory_space<vmem>>
        %parallel_loop3A_2617 = arith.index_cast %parallel_loop3A_2612 : i32 to index
        %parallel_loop3A_2618 = arith.index_cast %parallel_loop3A_2221 : i32 to index
        %parallel_loop3A_2619 = tpu.vector_load %parallel_loop3A_2616[%parallel_loop3A_2617, %parallel_loop3A_2618] {strides = array<i32>} : memref<8x1024xf32, #tpu.memory_space<vmem>>, vector<1x16xf32>,
        %parallel_loop3A_2620 = vector.shape_cast %parallel_loop3A_2619 : vector<1x16xf32> to vector<16xf32>
        %parallel_loop3A_2621 = arith.mulf %parallel_loop3A_2620, %parallel_loop3A_2231 : vector<16xf32>
        %parallel_loop3A_2622 = arith.addf %parallel_loop3A_2611, %parallel_loop3A_2621 : vector<16xf32>
        %parallel_loop3A_2623 = arith.constant 7 : i32
        %parallel_loop3A_2624 = arith.constant 0 : i32
        %parallel_loop3A_2625 = arith.constant 0 : i32
        %parallel_loop3A_2626 = tpu.memref_slice %arg12[%parallel_loop3A_1180, %parallel_loop3A_2624, %parallel_loop3A_2625] : memref<2x8x1024xf32, #tpu.memory_space<vmem>> -> memref<1x8x1024xf32, #tpu.memory_space<vmem>>
        %parallel_loop3A_2627 = tpu.memref_squeeze %parallel_loop3A_2626 : memref<1x8x1024xf32, #tpu.memory_space<vmem>> -> memref<8x1024xf32, #tpu.memory_space<vmem>>
        %parallel_loop3A_2628 = arith.index_cast %parallel_loop3A_2623 : i32 to index
        %parallel_loop3A_2629 = arith.index_cast %parallel_loop3A_2221 : i32 to index
        %parallel_loop3A_2630 = tpu.vector_load %parallel_loop3A_2627[%parallel_loop3A_2628, %parallel_loop3A_2629] {strides = array<i32>} : memref<8x1024xf32, #tpu.memory_space<vmem>>, vector<1x16xf32>,
        %parallel_loop3A_2631 = vector.shape_cast %parallel_loop3A_2630 : vector<1x16xf32> to vector<16xf32>
        %parallel_loop3A_2632 = arith.mulf %parallel_loop3A_2631, %parallel_loop3A_2236 : vector<16xf32>
        %parallel_loop3A_2633 = arith.addf %parallel_loop3A_2622, %parallel_loop3A_2632 : vector<16xf32>
        %parallel_loop3A_2634 = math.exp %parallel_loop3A_2633 : vector<16xf32>
        %parallel_loop3A_2635 = arith.constant 1.000000e+00 : f32
        %parallel_loop3A_2636 = vector.broadcast %parallel_loop3A_2635 : f32 to vector<16xf32>
        %parallel_loop3A_2637 = arith.addf %parallel_loop3A_2634, %parallel_loop3A_2636 : vector<16xf32>
        %parallel_loop3A_2638 = arith.constant 2.000000e+00 : f32
        %parallel_loop3A_2639 = vector.broadcast %parallel_loop3A_2638 : f32 to vector<16xf32>
        %parallel_loop3A_2640 = arith.divf %parallel_loop3A_2639, %parallel_loop3A_2637 : vector<16xf32>
        %parallel_loop3A_2641 = arith.constant 1.000000e+00 : f32
        %parallel_loop3A_2642 = vector.broadcast %parallel_loop3A_2641 : f32 to vector<16xf32>
        %parallel_loop3A_2643 = arith.subf %parallel_loop3A_2642, %parallel_loop3A_2640 : vector<16xf32>
        %parallel_loop3A_2644 = arith.mulf %parallel_loop3A_2643, %parallel_loop3A_2643 : vector<16xf32>
        %parallel_loop3A_2645 = arith.addf %parallel_loop3A_2215, %parallel_loop3A_2644 : vector<16xf32>
        %parallel_loop3A_2646 = arith.mulf %parallel_loop3A_2643, %parallel_loop3A_2241 : vector<16xf32>
        %parallel_loop3A_2647 = arith.addf %parallel_loop3A_2216, %parallel_loop3A_2646 : vector<16xf32>
        %parallel_loop3A_2648 = arith.mulf %parallel_loop3A_2643, %parallel_loop3A_2246 : vector<16xf32>
        %parallel_loop3A_2649 = arith.addf %parallel_loop3A_2217, %parallel_loop3A_2648 : vector<16xf32>
        %parallel_loop3A_2650 = arith.mulf %parallel_loop3A_2643, %parallel_loop3A_2251 : vector<16xf32>
        %parallel_loop3A_2651 = arith.addf %parallel_loop3A_2218, %parallel_loop3A_2650 : vector<16xf32>
        scf.yield %parallel_loop3A_2295, %parallel_loop3A_2297, %parallel_loop3A_2299, %parallel_loop3A_2301, %parallel_loop3A_2345, %parallel_loop3A_2347, %parallel_loop3A_2349, %parallel_loop3A_2351, %parallel_loop3A_2395, %parallel_loop3A_2397, %parallel_loop3A_2399, %parallel_loop3A_2401, %parallel_loop3A_2445, %parallel_loop3A_2447, %parallel_loop3A_2449, %parallel_loop3A_2451, %parallel_loop3A_2495, %parallel_loop3A_2497, %parallel_loop3A_2499, %parallel_loop3A_2501, %parallel_loop3A_2545, %parallel_loop3A_2547, %parallel_loop3A_2549, %parallel_loop3A_2551, %parallel_loop3A_2595, %parallel_loop3A_2597, %parallel_loop3A_2599, %parallel_loop3A_2601, %parallel_loop3A_2645, %parallel_loop3A_2647, %parallel_loop3A_2649, %parallel_loop3A_2651 : vector<16xf32>, vector<16xf32>, vector<16xf32>, vector<16xf32>, vector<16xf32>, vector<16xf32>, vector<16xf32>, vector<16xf32>, vector<16xf32>, vector<16xf32>, vector<16xf32>, vector<16xf32>, vector<16xf32>, vector<16xf32>, vector<16xf32>, vector<16xf32>, vector<16xf32>, vector<16xf32>, vector<16xf32>, vector<16xf32>, vector<16xf32>, vector<16xf32>, vector<16xf32>, vector<16xf32>, vector<16xf32>, vector<16xf32>, vector<16xf32>, vector<16xf32>, vector<16xf32>, vector<16xf32>, vector<16xf32>, vector<16xf32>
      } {sc.loop_unroll_factor = 1 : i64, sc.parallel_access}
      %and3A_1182 = arith.constant 1 : i32
      %and3A_1183 = vector.broadcast %and3A_1182 : i32 to vector<16xi32>
      %and3A_1184 = arith.andi %iota3A, %and3A_1183 : vector<16xi32>
      %ne3A_1185 = arith.constant 0 : i32
      %ne3A_1186 = vector.broadcast %ne3A_1185 : i32 to vector<16xi32>
      %ne3A_1187 = arith.cmpi ne, %and3A_1184, %ne3A_1186 : vector<16xi32>
      %select_n3A_1188 = arith.select %ne3A_1187, %parallel_loop3A_1181#4, %parallel_loop3A_1181#0 : vector<16xi1>, vector<16xf32>
      %select_n3A_1189 = arith.select %ne3A_1187, %parallel_loop3A_1181#0, %parallel_loop3A_1181#4 : vector<16xi1>, vector<16xf32>
      %xor3A_1190 = arith.constant 1 : i32
      %xor3A_1191 = vector.broadcast %xor3A_1190 : i32 to vector<16xi32>
      %xor3A_1192 = arith.xori %iota3A, %xor3A_1191 : vector<16xi32>
      %lt3A_1193 = arith.constant 0 : i32
      %lt3A_1194 = vector.broadcast %lt3A_1193 : i32 to vector<16xi32>
      %lt3A_1195 = arith.cmpi slt, %xor3A_1192, %lt3A_1194 : vector<16xi32>
      %add3A_1196 = arith.constant 16 : i32
      %add3A_1197 = vector.broadcast %add3A_1196 : i32 to vector<16xi32>
      %add3A_1198 = arith.addi %xor3A_1192, %add3A_1197 : vector<16xi32>
      %select_n3A_1199 = arith.select %lt3A_1195, %add3A_1198, %xor3A_1192 : vector<16xi1>, vector<16xi32>
      %broadcast_in_dim3A_1200 = vector.shape_cast %select_n3A_1199 : vector<16xi32> to vector<16x1xi32>
      %gather3A_1201 = vector.shape_cast %broadcast_in_dim3A_1200 : vector<16x1xi32> to vector<16xi32>
      %gather3A_1202 = tpu.dynamic_gather %select_n3A_1189[%gather3A_1201] in [0] : vector<16xf32>, vector<16xi32> -> vector<16xf32>
      %add3A_1203 = arith.addf %select_n3A_1188, %gather3A_1202 : vector<16xf32>
      %and3A_1204 = arith.constant 1 : i32
      %and3A_1205 = vector.broadcast %and3A_1204 : i32 to vector<16xi32>
      %and3A_1206 = arith.andi %iota3A, %and3A_1205 : vector<16xi32>
      %ne3A_1207 = arith.constant 0 : i32
      %ne3A_1208 = vector.broadcast %ne3A_1207 : i32 to vector<16xi32>
      %ne3A_1209 = arith.cmpi ne, %and3A_1206, %ne3A_1208 : vector<16xi32>
      %select_n3A_1210 = arith.select %ne3A_1209, %parallel_loop3A_1181#12, %parallel_loop3A_1181#8 : vector<16xi1>, vector<16xf32>
      %select_n3A_1211 = arith.select %ne3A_1209, %parallel_loop3A_1181#8, %parallel_loop3A_1181#12 : vector<16xi1>, vector<16xf32>
      %xor3A_1212 = arith.constant 1 : i32
      %xor3A_1213 = vector.broadcast %xor3A_1212 : i32 to vector<16xi32>
      %xor3A_1214 = arith.xori %iota3A, %xor3A_1213 : vector<16xi32>
      %lt3A_1215 = arith.constant 0 : i32
      %lt3A_1216 = vector.broadcast %lt3A_1215 : i32 to vector<16xi32>
      %lt3A_1217 = arith.cmpi slt, %xor3A_1214, %lt3A_1216 : vector<16xi32>
      %add3A_1218 = arith.constant 16 : i32
      %add3A_1219 = vector.broadcast %add3A_1218 : i32 to vector<16xi32>
      %add3A_1220 = arith.addi %xor3A_1214, %add3A_1219 : vector<16xi32>
      %select_n3A_1221 = arith.select %lt3A_1217, %add3A_1220, %xor3A_1214 : vector<16xi1>, vector<16xi32>
      %broadcast_in_dim3A_1222 = vector.shape_cast %select_n3A_1221 : vector<16xi32> to vector<16x1xi32>
      %gather3A_1223 = vector.shape_cast %broadcast_in_dim3A_1222 : vector<16x1xi32> to vector<16xi32>
      %gather3A_1224 = tpu.dynamic_gather %select_n3A_1211[%gather3A_1223] in [0] : vector<16xf32>, vector<16xi32> -> vector<16xf32>
      %add3A_1225 = arith.addf %select_n3A_1210, %gather3A_1224 : vector<16xf32>
      %and3A_1226 = arith.constant 1 : i32
      %and3A_1227 = vector.broadcast %and3A_1226 : i32 to vector<16xi32>
      %and3A_1228 = arith.andi %iota3A, %and3A_1227 : vector<16xi32>
      %ne3A_1229 = arith.constant 0 : i32
      %ne3A_1230 = vector.broadcast %ne3A_1229 : i32 to vector<16xi32>
      %ne3A_1231 = arith.cmpi ne, %and3A_1228, %ne3A_1230 : vector<16xi32>
      %select_n3A_1232 = arith.select %ne3A_1231, %parallel_loop3A_1181#20, %parallel_loop3A_1181#16 : vector<16xi1>, vector<16xf32>
      %select_n3A_1233 = arith.select %ne3A_1231, %parallel_loop3A_1181#16, %parallel_loop3A_1181#20 : vector<16xi1>, vector<16xf32>
      %xor3A_1234 = arith.constant 1 : i32
      %xor3A_1235 = vector.broadcast %xor3A_1234 : i32 to vector<16xi32>
      %xor3A_1236 = arith.xori %iota3A, %xor3A_1235 : vector<16xi32>
      %lt3A_1237 = arith.constant 0 : i32
      %lt3A_1238 = vector.broadcast %lt3A_1237 : i32 to vector<16xi32>
      %lt3A_1239 = arith.cmpi slt, %xor3A_1236, %lt3A_1238 : vector<16xi32>
      %add3A_1240 = arith.constant 16 : i32
      %add3A_1241 = vector.broadcast %add3A_1240 : i32 to vector<16xi32>
      %add3A_1242 = arith.addi %xor3A_1236, %add3A_1241 : vector<16xi32>
      %select_n3A_1243 = arith.select %lt3A_1239, %add3A_1242, %xor3A_1236 : vector<16xi1>, vector<16xi32>
      %broadcast_in_dim3A_1244 = vector.shape_cast %select_n3A_1243 : vector<16xi32> to vector<16x1xi32>
      %gather3A_1245 = vector.shape_cast %broadcast_in_dim3A_1244 : vector<16x1xi32> to vector<16xi32>
      %gather3A_1246 = tpu.dynamic_gather %select_n3A_1233[%gather3A_1245] in [0] : vector<16xf32>, vector<16xi32> -> vector<16xf32>
      %add3A_1247 = arith.addf %select_n3A_1232, %gather3A_1246 : vector<16xf32>
      %and3A_1248 = arith.constant 1 : i32
      %and3A_1249 = vector.broadcast %and3A_1248 : i32 to vector<16xi32>
      %and3A_1250 = arith.andi %iota3A, %and3A_1249 : vector<16xi32>
      %ne3A_1251 = arith.constant 0 : i32
      %ne3A_1252 = vector.broadcast %ne3A_1251 : i32 to vector<16xi32>
      %ne3A_1253 = arith.cmpi ne, %and3A_1250, %ne3A_1252 : vector<16xi32>
      %select_n3A_1254 = arith.select %ne3A_1253, %parallel_loop3A_1181#28, %parallel_loop3A_1181#24 : vector<16xi1>, vector<16xf32>
      %select_n3A_1255 = arith.select %ne3A_1253, %parallel_loop3A_1181#24, %parallel_loop3A_1181#28 : vector<16xi1>, vector<16xf32>
      %xor3A_1256 = arith.constant 1 : i32
      %xor3A_1257 = vector.broadcast %xor3A_1256 : i32 to vector<16xi32>
      %xor3A_1258 = arith.xori %iota3A, %xor3A_1257 : vector<16xi32>
      %lt3A_1259 = arith.constant 0 : i32
      %lt3A_1260 = vector.broadcast %lt3A_1259 : i32 to vector<16xi32>
      %lt3A_1261 = arith.cmpi slt, %xor3A_1258, %lt3A_1260 : vector<16xi32>
      %add3A_1262 = arith.constant 16 : i32
      %add3A_1263 = vector.broadcast %add3A_1262 : i32 to vector<16xi32>
      %add3A_1264 = arith.addi %xor3A_1258, %add3A_1263 : vector<16xi32>
      %select_n3A_1265 = arith.select %lt3A_1261, %add3A_1264, %xor3A_1258 : vector<16xi1>, vector<16xi32>
      %broadcast_in_dim3A_1266 = vector.shape_cast %select_n3A_1265 : vector<16xi32> to vector<16x1xi32>
      %gather3A_1267 = vector.shape_cast %broadcast_in_dim3A_1266 : vector<16x1xi32> to vector<16xi32>
      %gather3A_1268 = tpu.dynamic_gather %select_n3A_1255[%gather3A_1267] in [0] : vector<16xf32>, vector<16xi32> -> vector<16xf32>
      %add3A_1269 = arith.addf %select_n3A_1254, %gather3A_1268 : vector<16xf32>
      %and3A_1270 = arith.constant 2 : i32
      %and3A_1271 = vector.broadcast %and3A_1270 : i32 to vector<16xi32>
      %and3A_1272 = arith.andi %iota3A, %and3A_1271 : vector<16xi32>
      %ne3A_1273 = arith.constant 0 : i32
      %ne3A_1274 = vector.broadcast %ne3A_1273 : i32 to vector<16xi32>
      %ne3A_1275 = arith.cmpi ne, %and3A_1272, %ne3A_1274 : vector<16xi32>
      %select_n3A_1276 = arith.select %ne3A_1275, %add3A_1225, %add3A_1203 : vector<16xi1>, vector<16xf32>
      %select_n3A_1277 = arith.select %ne3A_1275, %add3A_1203, %add3A_1225 : vector<16xi1>, vector<16xf32>
      %xor3A_1278 = arith.constant 2 : i32
      %xor3A_1279 = vector.broadcast %xor3A_1278 : i32 to vector<16xi32>
      %xor3A_1280 = arith.xori %iota3A, %xor3A_1279 : vector<16xi32>
      %lt3A_1281 = arith.constant 0 : i32
      %lt3A_1282 = vector.broadcast %lt3A_1281 : i32 to vector<16xi32>
      %lt3A_1283 = arith.cmpi slt, %xor3A_1280, %lt3A_1282 : vector<16xi32>
      %add3A_1284 = arith.constant 16 : i32
      %add3A_1285 = vector.broadcast %add3A_1284 : i32 to vector<16xi32>
      %add3A_1286 = arith.addi %xor3A_1280, %add3A_1285 : vector<16xi32>
      %select_n3A_1287 = arith.select %lt3A_1283, %add3A_1286, %xor3A_1280 : vector<16xi1>, vector<16xi32>
      %broadcast_in_dim3A_1288 = vector.shape_cast %select_n3A_1287 : vector<16xi32> to vector<16x1xi32>
      %gather3A_1289 = vector.shape_cast %broadcast_in_dim3A_1288 : vector<16x1xi32> to vector<16xi32>
      %gather3A_1290 = tpu.dynamic_gather %select_n3A_1277[%gather3A_1289] in [0] : vector<16xf32>, vector<16xi32> -> vector<16xf32>
      %add3A_1291 = arith.addf %select_n3A_1276, %gather3A_1290 : vector<16xf32>
      %and3A_1292 = arith.constant 2 : i32
      %and3A_1293 = vector.broadcast %and3A_1292 : i32 to vector<16xi32>
      %and3A_1294 = arith.andi %iota3A, %and3A_1293 : vector<16xi32>
      %ne3A_1295 = arith.constant 0 : i32
      %ne3A_1296 = vector.broadcast %ne3A_1295 : i32 to vector<16xi32>
      %ne3A_1297 = arith.cmpi ne, %and3A_1294, %ne3A_1296 : vector<16xi32>
      %select_n3A_1298 = arith.select %ne3A_1297, %add3A_1269, %add3A_1247 : vector<16xi1>, vector<16xf32>
      %select_n3A_1299 = arith.select %ne3A_1297, %add3A_1247, %add3A_1269 : vector<16xi1>, vector<16xf32>
      %xor3A_1300 = arith.constant 2 : i32
      %xor3A_1301 = vector.broadcast %xor3A_1300 : i32 to vector<16xi32>
      %xor3A_1302 = arith.xori %iota3A, %xor3A_1301 : vector<16xi32>
      %lt3A_1303 = arith.constant 0 : i32
      %lt3A_1304 = vector.broadcast %lt3A_1303 : i32 to vector<16xi32>
      %lt3A_1305 = arith.cmpi slt, %xor3A_1302, %lt3A_1304 : vector<16xi32>
      %add3A_1306 = arith.constant 16 : i32
      %add3A_1307 = vector.broadcast %add3A_1306 : i32 to vector<16xi32>
      %add3A_1308 = arith.addi %xor3A_1302, %add3A_1307 : vector<16xi32>
      %select_n3A_1309 = arith.select %lt3A_1305, %add3A_1308, %xor3A_1302 : vector<16xi1>, vector<16xi32>
      %broadcast_in_dim3A_1310 = vector.shape_cast %select_n3A_1309 : vector<16xi32> to vector<16x1xi32>
      %gather3A_1311 = vector.shape_cast %broadcast_in_dim3A_1310 : vector<16x1xi32> to vector<16xi32>
      %gather3A_1312 = tpu.dynamic_gather %select_n3A_1299[%gather3A_1311] in [0] : vector<16xf32>, vector<16xi32> -> vector<16xf32>
      %add3A_1313 = arith.addf %select_n3A_1298, %gather3A_1312 : vector<16xf32>
      %and3A_1314 = arith.constant 4 : i32
      %and3A_1315 = vector.broadcast %and3A_1314 : i32 to vector<16xi32>
      %and3A_1316 = arith.andi %iota3A, %and3A_1315 : vector<16xi32>
      %ne3A_1317 = arith.constant 0 : i32
      %ne3A_1318 = vector.broadcast %ne3A_1317 : i32 to vector<16xi32>
      %ne3A_1319 = arith.cmpi ne, %and3A_1316, %ne3A_1318 : vector<16xi32>
      %select_n3A_1320 = arith.select %ne3A_1319, %add3A_1313, %add3A_1291 : vector<16xi1>, vector<16xf32>
      %select_n3A_1321 = arith.select %ne3A_1319, %add3A_1291, %add3A_1313 : vector<16xi1>, vector<16xf32>
      %xor3A_1322 = arith.constant 4 : i32
      %xor3A_1323 = vector.broadcast %xor3A_1322 : i32 to vector<16xi32>
      %xor3A_1324 = arith.xori %iota3A, %xor3A_1323 : vector<16xi32>
      %lt3A_1325 = arith.constant 0 : i32
      %lt3A_1326 = vector.broadcast %lt3A_1325 : i32 to vector<16xi32>
      %lt3A_1327 = arith.cmpi slt, %xor3A_1324, %lt3A_1326 : vector<16xi32>
      %add3A_1328 = arith.constant 16 : i32
      %add3A_1329 = vector.broadcast %add3A_1328 : i32 to vector<16xi32>
      %add3A_1330 = arith.addi %xor3A_1324, %add3A_1329 : vector<16xi32>
      %select_n3A_1331 = arith.select %lt3A_1327, %add3A_1330, %xor3A_1324 : vector<16xi1>, vector<16xi32>
      %broadcast_in_dim3A_1332 = vector.shape_cast %select_n3A_1331 : vector<16xi32> to vector<16x1xi32>
      %gather3A_1333 = vector.shape_cast %broadcast_in_dim3A_1332 : vector<16x1xi32> to vector<16xi32>
      %gather3A_1334 = tpu.dynamic_gather %select_n3A_1321[%gather3A_1333] in [0] : vector<16xf32>, vector<16xi32> -> vector<16xf32>
      %add3A_1335 = arith.addf %select_n3A_1320, %gather3A_1334 : vector<16xf32>
      %xor3A_1336 = arith.constant 8 : i32
      %xor3A_1337 = vector.broadcast %xor3A_1336 : i32 to vector<16xi32>
      %xor3A_1338 = arith.xori %iota3A, %xor3A_1337 : vector<16xi32>
      %lt3A_1339 = arith.constant 0 : i32
      %lt3A_1340 = vector.broadcast %lt3A_1339 : i32 to vector<16xi32>
      %lt3A_1341 = arith.cmpi slt, %xor3A_1338, %lt3A_1340 : vector<16xi32>
      %add3A_1342 = arith.constant 16 : i32
      %add3A_1343 = vector.broadcast %add3A_1342 : i32 to vector<16xi32>
      %add3A_1344 = arith.addi %xor3A_1338, %add3A_1343 : vector<16xi32>
      %select_n3A_1345 = arith.select %lt3A_1341, %add3A_1344, %xor3A_1338 : vector<16xi1>, vector<16xi32>
      %broadcast_in_dim3A_1346 = vector.shape_cast %select_n3A_1345 : vector<16xi32> to vector<16x1xi32>
      %gather3A_1347 = vector.shape_cast %broadcast_in_dim3A_1346 : vector<16x1xi32> to vector<16xi32>
      %gather3A_1348 = tpu.dynamic_gather %add3A_1335[%gather3A_1347] in [0] : vector<16xf32>, vector<16xi32> -> vector<16xf32>
      %add3A_1349 = arith.addf %add3A_1335, %gather3A_1348 : vector<16xf32>
      %bitcast_convert_type3A_1350 = tpu.bitcast %add3A_1349 : vector<16xf32> -> vector<16xi32>
      %broadcast_in_dim3A_1351 = arith.constant 1597463007 : i32
      %broadcast_in_dim3A_1352 = vector.broadcast %broadcast_in_dim3A_1351 : i32 to vector<16xi32>
      %broadcast_in_dim3A_1353 = arith.constant 1 : i32
      %broadcast_in_dim3A_1354 = vector.broadcast %broadcast_in_dim3A_1353 : i32 to vector<16xi32>
      %shift_right_arithmetic3A_1355 = arith.shrsi %bitcast_convert_type3A_1350, %broadcast_in_dim3A_1354 : vector<16xi32>
      %sub3A_1356 = arith.subi %broadcast_in_dim3A_1352, %shift_right_arithmetic3A_1355 : vector<16xi32>
      %bitcast_convert_type3A_1357 = tpu.bitcast %sub3A_1356 : vector<16xi32> -> vector<16xf32>
      %mul3A_1358 = arith.constant 5.000000e-01 : f32
      %mul3A_1359 = vector.broadcast %mul3A_1358 : f32 to vector<16xf32>
      %mul3A_1360 = arith.mulf %mul3A_1359, %add3A_1349 : vector<16xf32>
      %mul3A_1361 = arith.mulf %mul3A_1360, %bitcast_convert_type3A_1357 : vector<16xf32>
      %mul3A_1362 = arith.mulf %mul3A_1361, %bitcast_convert_type3A_1357 : vector<16xf32>
      %sub3A_1363 = arith.constant 1.500000e+00 : f32
      %sub3A_1364 = vector.broadcast %sub3A_1363 : f32 to vector<16xf32>
      %sub3A_1365 = arith.subf %sub3A_1364, %mul3A_1362 : vector<16xf32>
      %mul3A_1366 = arith.mulf %bitcast_convert_type3A_1357, %sub3A_1365 : vector<16xf32>
      %mul3A_1367 = arith.constant 5.000000e-01 : f32
      %mul3A_1368 = vector.broadcast %mul3A_1367 : f32 to vector<16xf32>
      %mul3A_1369 = arith.mulf %mul3A_1368, %add3A_1349 : vector<16xf32>
      %mul3A_1370 = arith.mulf %mul3A_1369, %mul3A_1366 : vector<16xf32>
      %mul3A_1371 = arith.mulf %mul3A_1370, %mul3A_1366 : vector<16xf32>
      %sub3A_1372 = arith.constant 1.500000e+00 : f32
      %sub3A_1373 = vector.broadcast %sub3A_1372 : f32 to vector<16xf32>
      %sub3A_1374 = arith.subf %sub3A_1373, %mul3A_1371 : vector<16xf32>
      %mul3A_1375 = arith.mulf %mul3A_1366, %sub3A_1374 : vector<16xf32>
      %mul3A_1376 = arith.constant 5.000000e-01 : f32
      %mul3A_1377 = vector.broadcast %mul3A_1376 : f32 to vector<16xf32>
      %mul3A_1378 = arith.mulf %mul3A_1377, %add3A_1349 : vector<16xf32>
      %mul3A_1379 = arith.mulf %mul3A_1378, %mul3A_1375 : vector<16xf32>
      %mul3A_1380 = arith.mulf %mul3A_1379, %mul3A_1375 : vector<16xf32>
      %sub3A_1381 = arith.constant 1.500000e+00 : f32
      %sub3A_1382 = vector.broadcast %sub3A_1381 : f32 to vector<16xf32>
      %sub3A_1383 = arith.subf %sub3A_1382, %mul3A_1380 : vector<16xf32>
      %mul3A_1384 = arith.mulf %mul3A_1375, %sub3A_1383 : vector<16xf32>
      %and3A_1385 = arith.constant 1 : i32
      %and3A_1386 = vector.broadcast %and3A_1385 : i32 to vector<16xi32>
      %and3A_1387 = arith.andi %iota3A, %and3A_1386 : vector<16xi32>
      %ne3A_1388 = arith.constant 0 : i32
      %ne3A_1389 = vector.broadcast %ne3A_1388 : i32 to vector<16xi32>
      %ne3A_1390 = arith.cmpi ne, %and3A_1387, %ne3A_1389 : vector<16xi32>
      %select_n3A_1391 = arith.select %ne3A_1390, %parallel_loop3A_1181#5, %parallel_loop3A_1181#1 : vector<16xi1>, vector<16xf32>
      %select_n3A_1392 = arith.select %ne3A_1390, %parallel_loop3A_1181#1, %parallel_loop3A_1181#5 : vector<16xi1>, vector<16xf32>
      %xor3A_1393 = arith.constant 1 : i32
      %xor3A_1394 = vector.broadcast %xor3A_1393 : i32 to vector<16xi32>
      %xor3A_1395 = arith.xori %iota3A, %xor3A_1394 : vector<16xi32>
      %lt3A_1396 = arith.constant 0 : i32
      %lt3A_1397 = vector.broadcast %lt3A_1396 : i32 to vector<16xi32>
      %lt3A_1398 = arith.cmpi slt, %xor3A_1395, %lt3A_1397 : vector<16xi32>
      %add3A_1399 = arith.constant 16 : i32
      %add3A_1400 = vector.broadcast %add3A_1399 : i32 to vector<16xi32>
      %add3A_1401 = arith.addi %xor3A_1395, %add3A_1400 : vector<16xi32>
      %select_n3A_1402 = arith.select %lt3A_1398, %add3A_1401, %xor3A_1395 : vector<16xi1>, vector<16xi32>
      %broadcast_in_dim3A_1403 = vector.shape_cast %select_n3A_1402 : vector<16xi32> to vector<16x1xi32>
      %gather3A_1404 = vector.shape_cast %broadcast_in_dim3A_1403 : vector<16x1xi32> to vector<16xi32>
      %gather3A_1405 = tpu.dynamic_gather %select_n3A_1392[%gather3A_1404] in [0] : vector<16xf32>, vector<16xi32> -> vector<16xf32>
      %add3A_1406 = arith.addf %select_n3A_1391, %gather3A_1405 : vector<16xf32>
      %and3A_1407 = arith.constant 1 : i32
      %and3A_1408 = vector.broadcast %and3A_1407 : i32 to vector<16xi32>
      %and3A_1409 = arith.andi %iota3A, %and3A_1408 : vector<16xi32>
      %ne3A_1410 = arith.constant 0 : i32
      %ne3A_1411 = vector.broadcast %ne3A_1410 : i32 to vector<16xi32>
      %ne3A_1412 = arith.cmpi ne, %and3A_1409, %ne3A_1411 : vector<16xi32>
      %select_n3A_1413 = arith.select %ne3A_1412, %parallel_loop3A_1181#13, %parallel_loop3A_1181#9 : vector<16xi1>, vector<16xf32>
      %select_n3A_1414 = arith.select %ne3A_1412, %parallel_loop3A_1181#9, %parallel_loop3A_1181#13 : vector<16xi1>, vector<16xf32>
      %xor3A_1415 = arith.constant 1 : i32
      %xor3A_1416 = vector.broadcast %xor3A_1415 : i32 to vector<16xi32>
      %xor3A_1417 = arith.xori %iota3A, %xor3A_1416 : vector<16xi32>
      %lt3A_1418 = arith.constant 0 : i32
      %lt3A_1419 = vector.broadcast %lt3A_1418 : i32 to vector<16xi32>
      %lt3A_1420 = arith.cmpi slt, %xor3A_1417, %lt3A_1419 : vector<16xi32>
      %add3A_1421 = arith.constant 16 : i32
      %add3A_1422 = vector.broadcast %add3A_1421 : i32 to vector<16xi32>
      %add3A_1423 = arith.addi %xor3A_1417, %add3A_1422 : vector<16xi32>
      %select_n3A_1424 = arith.select %lt3A_1420, %add3A_1423, %xor3A_1417 : vector<16xi1>, vector<16xi32>
      %broadcast_in_dim3A_1425 = vector.shape_cast %select_n3A_1424 : vector<16xi32> to vector<16x1xi32>
      %gather3A_1426 = vector.shape_cast %broadcast_in_dim3A_1425 : vector<16x1xi32> to vector<16xi32>
      %gather3A_1427 = tpu.dynamic_gather %select_n3A_1414[%gather3A_1426] in [0] : vector<16xf32>, vector<16xi32> -> vector<16xf32>
      %add3A_1428 = arith.addf %select_n3A_1413, %gather3A_1427 : vector<16xf32>
      %and3A_1429 = arith.constant 1 : i32
      %and3A_1430 = vector.broadcast %and3A_1429 : i32 to vector<16xi32>
      %and3A_1431 = arith.andi %iota3A, %and3A_1430 : vector<16xi32>
      %ne3A_1432 = arith.constant 0 : i32
      %ne3A_1433 = vector.broadcast %ne3A_1432 : i32 to vector<16xi32>
      %ne3A_1434 = arith.cmpi ne, %and3A_1431, %ne3A_1433 : vector<16xi32>
      %select_n3A_1435 = arith.select %ne3A_1434, %parallel_loop3A_1181#21, %parallel_loop3A_1181#17 : vector<16xi1>, vector<16xf32>
      %select_n3A_1436 = arith.select %ne3A_1434, %parallel_loop3A_1181#17, %parallel_loop3A_1181#21 : vector<16xi1>, vector<16xf32>
      %xor3A_1437 = arith.constant 1 : i32
      %xor3A_1438 = vector.broadcast %xor3A_1437 : i32 to vector<16xi32>
      %xor3A_1439 = arith.xori %iota3A, %xor3A_1438 : vector<16xi32>
      %lt3A_1440 = arith.constant 0 : i32
      %lt3A_1441 = vector.broadcast %lt3A_1440 : i32 to vector<16xi32>
      %lt3A_1442 = arith.cmpi slt, %xor3A_1439, %lt3A_1441 : vector<16xi32>
      %add3A_1443 = arith.constant 16 : i32
      %add3A_1444 = vector.broadcast %add3A_1443 : i32 to vector<16xi32>
      %add3A_1445 = arith.addi %xor3A_1439, %add3A_1444 : vector<16xi32>
      %select_n3A_1446 = arith.select %lt3A_1442, %add3A_1445, %xor3A_1439 : vector<16xi1>, vector<16xi32>
      %broadcast_in_dim3A_1447 = vector.shape_cast %select_n3A_1446 : vector<16xi32> to vector<16x1xi32>
      %gather3A_1448 = vector.shape_cast %broadcast_in_dim3A_1447 : vector<16x1xi32> to vector<16xi32>
      %gather3A_1449 = tpu.dynamic_gather %select_n3A_1436[%gather3A_1448] in [0] : vector<16xf32>, vector<16xi32> -> vector<16xf32>
      %add3A_1450 = arith.addf %select_n3A_1435, %gather3A_1449 : vector<16xf32>
      %and3A_1451 = arith.constant 1 : i32
      %and3A_1452 = vector.broadcast %and3A_1451 : i32 to vector<16xi32>
      %and3A_1453 = arith.andi %iota3A, %and3A_1452 : vector<16xi32>
      %ne3A_1454 = arith.constant 0 : i32
      %ne3A_1455 = vector.broadcast %ne3A_1454 : i32 to vector<16xi32>
      %ne3A_1456 = arith.cmpi ne, %and3A_1453, %ne3A_1455 : vector<16xi32>
      %select_n3A_1457 = arith.select %ne3A_1456, %parallel_loop3A_1181#29, %parallel_loop3A_1181#25 : vector<16xi1>, vector<16xf32>
      %select_n3A_1458 = arith.select %ne3A_1456, %parallel_loop3A_1181#25, %parallel_loop3A_1181#29 : vector<16xi1>, vector<16xf32>
      %xor3A_1459 = arith.constant 1 : i32
      %xor3A_1460 = vector.broadcast %xor3A_1459 : i32 to vector<16xi32>
      %xor3A_1461 = arith.xori %iota3A, %xor3A_1460 : vector<16xi32>
      %lt3A_1462 = arith.constant 0 : i32
      %lt3A_1463 = vector.broadcast %lt3A_1462 : i32 to vector<16xi32>
      %lt3A_1464 = arith.cmpi slt, %xor3A_1461, %lt3A_1463 : vector<16xi32>
      %add3A_1465 = arith.constant 16 : i32
      %add3A_1466 = vector.broadcast %add3A_1465 : i32 to vector<16xi32>
      %add3A_1467 = arith.addi %xor3A_1461, %add3A_1466 : vector<16xi32>
      %select_n3A_1468 = arith.select %lt3A_1464, %add3A_1467, %xor3A_1461 : vector<16xi1>, vector<16xi32>
      %broadcast_in_dim3A_1469 = vector.shape_cast %select_n3A_1468 : vector<16xi32> to vector<16x1xi32>
      %gather3A_1470 = vector.shape_cast %broadcast_in_dim3A_1469 : vector<16x1xi32> to vector<16xi32>
      %gather3A_1471 = tpu.dynamic_gather %select_n3A_1458[%gather3A_1470] in [0] : vector<16xf32>, vector<16xi32> -> vector<16xf32>
      %add3A_1472 = arith.addf %select_n3A_1457, %gather3A_1471 : vector<16xf32>
      %and3A_1473 = arith.constant 2 : i32
      %and3A_1474 = vector.broadcast %and3A_1473 : i32 to vector<16xi32>
      %and3A_1475 = arith.andi %iota3A, %and3A_1474 : vector<16xi32>
      %ne3A_1476 = arith.constant 0 : i32
      %ne3A_1477 = vector.broadcast %ne3A_1476 : i32 to vector<16xi32>
      %ne3A_1478 = arith.cmpi ne, %and3A_1475, %ne3A_1477 : vector<16xi32>
      %select_n3A_1479 = arith.select %ne3A_1478, %add3A_1428, %add3A_1406 : vector<16xi1>, vector<16xf32>
      %select_n3A_1480 = arith.select %ne3A_1478, %add3A_1406, %add3A_1428 : vector<16xi1>, vector<16xf32>
      %xor3A_1481 = arith.constant 2 : i32
      %xor3A_1482 = vector.broadcast %xor3A_1481 : i32 to vector<16xi32>
      %xor3A_1483 = arith.xori %iota3A, %xor3A_1482 : vector<16xi32>
      %lt3A_1484 = arith.constant 0 : i32
      %lt3A_1485 = vector.broadcast %lt3A_1484 : i32 to vector<16xi32>
      %lt3A_1486 = arith.cmpi slt, %xor3A_1483, %lt3A_1485 : vector<16xi32>
      %add3A_1487 = arith.constant 16 : i32
      %add3A_1488 = vector.broadcast %add3A_1487 : i32 to vector<16xi32>
      %add3A_1489 = arith.addi %xor3A_1483, %add3A_1488 : vector<16xi32>
      %select_n3A_1490 = arith.select %lt3A_1486, %add3A_1489, %xor3A_1483 : vector<16xi1>, vector<16xi32>
      %broadcast_in_dim3A_1491 = vector.shape_cast %select_n3A_1490 : vector<16xi32> to vector<16x1xi32>
      %gather3A_1492 = vector.shape_cast %broadcast_in_dim3A_1491 : vector<16x1xi32> to vector<16xi32>
      %gather3A_1493 = tpu.dynamic_gather %select_n3A_1480[%gather3A_1492] in [0] : vector<16xf32>, vector<16xi32> -> vector<16xf32>
      %add3A_1494 = arith.addf %select_n3A_1479, %gather3A_1493 : vector<16xf32>
      %and3A_1495 = arith.constant 2 : i32
      %and3A_1496 = vector.broadcast %and3A_1495 : i32 to vector<16xi32>
      %and3A_1497 = arith.andi %iota3A, %and3A_1496 : vector<16xi32>
      %ne3A_1498 = arith.constant 0 : i32
      %ne3A_1499 = vector.broadcast %ne3A_1498 : i32 to vector<16xi32>
      %ne3A_1500 = arith.cmpi ne, %and3A_1497, %ne3A_1499 : vector<16xi32>
      %select_n3A_1501 = arith.select %ne3A_1500, %add3A_1472, %add3A_1450 : vector<16xi1>, vector<16xf32>
      %select_n3A_1502 = arith.select %ne3A_1500, %add3A_1450, %add3A_1472 : vector<16xi1>, vector<16xf32>
      %xor3A_1503 = arith.constant 2 : i32
      %xor3A_1504 = vector.broadcast %xor3A_1503 : i32 to vector<16xi32>
      %xor3A_1505 = arith.xori %iota3A, %xor3A_1504 : vector<16xi32>
      %lt3A_1506 = arith.constant 0 : i32
      %lt3A_1507 = vector.broadcast %lt3A_1506 : i32 to vector<16xi32>
      %lt3A_1508 = arith.cmpi slt, %xor3A_1505, %lt3A_1507 : vector<16xi32>
      %add3A_1509 = arith.constant 16 : i32
      %add3A_1510 = vector.broadcast %add3A_1509 : i32 to vector<16xi32>
      %add3A_1511 = arith.addi %xor3A_1505, %add3A_1510 : vector<16xi32>
      %select_n3A_1512 = arith.select %lt3A_1508, %add3A_1511, %xor3A_1505 : vector<16xi1>, vector<16xi32>
      %broadcast_in_dim3A_1513 = vector.shape_cast %select_n3A_1512 : vector<16xi32> to vector<16x1xi32>
      %gather3A_1514 = vector.shape_cast %broadcast_in_dim3A_1513 : vector<16x1xi32> to vector<16xi32>
      %gather3A_1515 = tpu.dynamic_gather %select_n3A_1502[%gather3A_1514] in [0] : vector<16xf32>, vector<16xi32> -> vector<16xf32>
      %add3A_1516 = arith.addf %select_n3A_1501, %gather3A_1515 : vector<16xf32>
      %and3A_1517 = arith.constant 4 : i32
      %and3A_1518 = vector.broadcast %and3A_1517 : i32 to vector<16xi32>
      %and3A_1519 = arith.andi %iota3A, %and3A_1518 : vector<16xi32>
      %ne3A_1520 = arith.constant 0 : i32
      %ne3A_1521 = vector.broadcast %ne3A_1520 : i32 to vector<16xi32>
      %ne3A_1522 = arith.cmpi ne, %and3A_1519, %ne3A_1521 : vector<16xi32>
      %select_n3A_1523 = arith.select %ne3A_1522, %add3A_1516, %add3A_1494 : vector<16xi1>, vector<16xf32>
      %select_n3A_1524 = arith.select %ne3A_1522, %add3A_1494, %add3A_1516 : vector<16xi1>, vector<16xf32>
      %xor3A_1525 = arith.constant 4 : i32
      %xor3A_1526 = vector.broadcast %xor3A_1525 : i32 to vector<16xi32>
      %xor3A_1527 = arith.xori %iota3A, %xor3A_1526 : vector<16xi32>
      %lt3A_1528 = arith.constant 0 : i32
      %lt3A_1529 = vector.broadcast %lt3A_1528 : i32 to vector<16xi32>
      %lt3A_1530 = arith.cmpi slt, %xor3A_1527, %lt3A_1529 : vector<16xi32>
      %add3A_1531 = arith.constant 16 : i32
      %add3A_1532 = vector.broadcast %add3A_1531 : i32 to vector<16xi32>
      %add3A_1533 = arith.addi %xor3A_1527, %add3A_1532 : vector<16xi32>
      %select_n3A_1534 = arith.select %lt3A_1530, %add3A_1533, %xor3A_1527 : vector<16xi1>, vector<16xi32>
      %broadcast_in_dim3A_1535 = vector.shape_cast %select_n3A_1534 : vector<16xi32> to vector<16x1xi32>
      %gather3A_1536 = vector.shape_cast %broadcast_in_dim3A_1535 : vector<16x1xi32> to vector<16xi32>
      %gather3A_1537 = tpu.dynamic_gather %select_n3A_1524[%gather3A_1536] in [0] : vector<16xf32>, vector<16xi32> -> vector<16xf32>
      %add3A_1538 = arith.addf %select_n3A_1523, %gather3A_1537 : vector<16xf32>
      %xor3A_1539 = arith.constant 8 : i32
      %xor3A_1540 = vector.broadcast %xor3A_1539 : i32 to vector<16xi32>
      %xor3A_1541 = arith.xori %iota3A, %xor3A_1540 : vector<16xi32>
      %lt3A_1542 = arith.constant 0 : i32
      %lt3A_1543 = vector.broadcast %lt3A_1542 : i32 to vector<16xi32>
      %lt3A_1544 = arith.cmpi slt, %xor3A_1541, %lt3A_1543 : vector<16xi32>
      %add3A_1545 = arith.constant 16 : i32
      %add3A_1546 = vector.broadcast %add3A_1545 : i32 to vector<16xi32>
      %add3A_1547 = arith.addi %xor3A_1541, %add3A_1546 : vector<16xi32>
      %select_n3A_1548 = arith.select %lt3A_1544, %add3A_1547, %xor3A_1541 : vector<16xi1>, vector<16xi32>
      %broadcast_in_dim3A_1549 = vector.shape_cast %select_n3A_1548 : vector<16xi32> to vector<16x1xi32>
      %gather3A_1550 = vector.shape_cast %broadcast_in_dim3A_1549 : vector<16x1xi32> to vector<16xi32>
      %gather3A_1551 = tpu.dynamic_gather %add3A_1538[%gather3A_1550] in [0] : vector<16xf32>, vector<16xi32> -> vector<16xf32>
      %add3A_1552 = arith.addf %add3A_1538, %gather3A_1551 : vector<16xf32>
      %mul3A_1553 = arith.mulf %add3A_1552, %mul3A_1384 : vector<16xf32>
      %and3A_1554 = arith.constant 1 : i32
      %and3A_1555 = vector.broadcast %and3A_1554 : i32 to vector<16xi32>
      %and3A_1556 = arith.andi %iota3A, %and3A_1555 : vector<16xi32>
      %ne3A_1557 = arith.constant 0 : i32
      %ne3A_1558 = vector.broadcast %ne3A_1557 : i32 to vector<16xi32>
      %ne3A_1559 = arith.cmpi ne, %and3A_1556, %ne3A_1558 : vector<16xi32>
      %select_n3A_1560 = arith.select %ne3A_1559, %parallel_loop3A_1181#6, %parallel_loop3A_1181#2 : vector<16xi1>, vector<16xf32>
      %select_n3A_1561 = arith.select %ne3A_1559, %parallel_loop3A_1181#2, %parallel_loop3A_1181#6 : vector<16xi1>, vector<16xf32>
      %xor3A_1562 = arith.constant 1 : i32
      %xor3A_1563 = vector.broadcast %xor3A_1562 : i32 to vector<16xi32>
      %xor3A_1564 = arith.xori %iota3A, %xor3A_1563 : vector<16xi32>
      %lt3A_1565 = arith.constant 0 : i32
      %lt3A_1566 = vector.broadcast %lt3A_1565 : i32 to vector<16xi32>
      %lt3A_1567 = arith.cmpi slt, %xor3A_1564, %lt3A_1566 : vector<16xi32>
      %add3A_1568 = arith.constant 16 : i32
      %add3A_1569 = vector.broadcast %add3A_1568 : i32 to vector<16xi32>
      %add3A_1570 = arith.addi %xor3A_1564, %add3A_1569 : vector<16xi32>
      %select_n3A_1571 = arith.select %lt3A_1567, %add3A_1570, %xor3A_1564 : vector<16xi1>, vector<16xi32>
      %broadcast_in_dim3A_1572 = vector.shape_cast %select_n3A_1571 : vector<16xi32> to vector<16x1xi32>
      %gather3A_1573 = vector.shape_cast %broadcast_in_dim3A_1572 : vector<16x1xi32> to vector<16xi32>
      %gather3A_1574 = tpu.dynamic_gather %select_n3A_1561[%gather3A_1573] in [0] : vector<16xf32>, vector<16xi32> -> vector<16xf32>
      %add3A_1575 = arith.addf %select_n3A_1560, %gather3A_1574 : vector<16xf32>
      %and3A_1576 = arith.constant 1 : i32
      %and3A_1577 = vector.broadcast %and3A_1576 : i32 to vector<16xi32>
      %and3A_1578 = arith.andi %iota3A, %and3A_1577 : vector<16xi32>
      %ne3A_1579 = arith.constant 0 : i32
      %ne3A_1580 = vector.broadcast %ne3A_1579 : i32 to vector<16xi32>
      %ne3A_1581 = arith.cmpi ne, %and3A_1578, %ne3A_1580 : vector<16xi32>
      %select_n3A_1582 = arith.select %ne3A_1581, %parallel_loop3A_1181#14, %parallel_loop3A_1181#10 : vector<16xi1>, vector<16xf32>
      %select_n3A_1583 = arith.select %ne3A_1581, %parallel_loop3A_1181#10, %parallel_loop3A_1181#14 : vector<16xi1>, vector<16xf32>
      %xor3A_1584 = arith.constant 1 : i32
      %xor3A_1585 = vector.broadcast %xor3A_1584 : i32 to vector<16xi32>
      %xor3A_1586 = arith.xori %iota3A, %xor3A_1585 : vector<16xi32>
      %lt3A_1587 = arith.constant 0 : i32
      %lt3A_1588 = vector.broadcast %lt3A_1587 : i32 to vector<16xi32>
      %lt3A_1589 = arith.cmpi slt, %xor3A_1586, %lt3A_1588 : vector<16xi32>
      %add3A_1590 = arith.constant 16 : i32
      %add3A_1591 = vector.broadcast %add3A_1590 : i32 to vector<16xi32>
      %add3A_1592 = arith.addi %xor3A_1586, %add3A_1591 : vector<16xi32>
      %select_n3A_1593 = arith.select %lt3A_1589, %add3A_1592, %xor3A_1586 : vector<16xi1>, vector<16xi32>
      %broadcast_in_dim3A_1594 = vector.shape_cast %select_n3A_1593 : vector<16xi32> to vector<16x1xi32>
      %gather3A_1595 = vector.shape_cast %broadcast_in_dim3A_1594 : vector<16x1xi32> to vector<16xi32>
      %gather3A_1596 = tpu.dynamic_gather %select_n3A_1583[%gather3A_1595] in [0] : vector<16xf32>, vector<16xi32> -> vector<16xf32>
      %add3A_1597 = arith.addf %select_n3A_1582, %gather3A_1596 : vector<16xf32>
      %and3A_1598 = arith.constant 1 : i32
      %and3A_1599 = vector.broadcast %and3A_1598 : i32 to vector<16xi32>
      %and3A_1600 = arith.andi %iota3A, %and3A_1599 : vector<16xi32>
      %ne3A_1601 = arith.constant 0 : i32
      %ne3A_1602 = vector.broadcast %ne3A_1601 : i32 to vector<16xi32>
      %ne3A_1603 = arith.cmpi ne, %and3A_1600, %ne3A_1602 : vector<16xi32>
      %select_n3A_1604 = arith.select %ne3A_1603, %parallel_loop3A_1181#22, %parallel_loop3A_1181#18 : vector<16xi1>, vector<16xf32>
      %select_n3A_1605 = arith.select %ne3A_1603, %parallel_loop3A_1181#18, %parallel_loop3A_1181#22 : vector<16xi1>, vector<16xf32>
      %xor3A_1606 = arith.constant 1 : i32
      %xor3A_1607 = vector.broadcast %xor3A_1606 : i32 to vector<16xi32>
      %xor3A_1608 = arith.xori %iota3A, %xor3A_1607 : vector<16xi32>
      %lt3A_1609 = arith.constant 0 : i32
      %lt3A_1610 = vector.broadcast %lt3A_1609 : i32 to vector<16xi32>
      %lt3A_1611 = arith.cmpi slt, %xor3A_1608, %lt3A_1610 : vector<16xi32>
      %add3A_1612 = arith.constant 16 : i32
      %add3A_1613 = vector.broadcast %add3A_1612 : i32 to vector<16xi32>
      %add3A_1614 = arith.addi %xor3A_1608, %add3A_1613 : vector<16xi32>
      %select_n3A_1615 = arith.select %lt3A_1611, %add3A_1614, %xor3A_1608 : vector<16xi1>, vector<16xi32>
      %broadcast_in_dim3A_1616 = vector.shape_cast %select_n3A_1615 : vector<16xi32> to vector<16x1xi32>
      %gather3A_1617 = vector.shape_cast %broadcast_in_dim3A_1616 : vector<16x1xi32> to vector<16xi32>
      %gather3A_1618 = tpu.dynamic_gather %select_n3A_1605[%gather3A_1617] in [0] : vector<16xf32>, vector<16xi32> -> vector<16xf32>
      %add3A_1619 = arith.addf %select_n3A_1604, %gather3A_1618 : vector<16xf32>
      %and3A_1620 = arith.constant 1 : i32
      %and3A_1621 = vector.broadcast %and3A_1620 : i32 to vector<16xi32>
      %and3A_1622 = arith.andi %iota3A, %and3A_1621 : vector<16xi32>
      %ne3A_1623 = arith.constant 0 : i32
      %ne3A_1624 = vector.broadcast %ne3A_1623 : i32 to vector<16xi32>
      %ne3A_1625 = arith.cmpi ne, %and3A_1622, %ne3A_1624 : vector<16xi32>
      %select_n3A_1626 = arith.select %ne3A_1625, %parallel_loop3A_1181#30, %parallel_loop3A_1181#26 : vector<16xi1>, vector<16xf32>
      %select_n3A_1627 = arith.select %ne3A_1625, %parallel_loop3A_1181#26, %parallel_loop3A_1181#30 : vector<16xi1>, vector<16xf32>
      %xor3A_1628 = arith.constant 1 : i32
      %xor3A_1629 = vector.broadcast %xor3A_1628 : i32 to vector<16xi32>
      %xor3A_1630 = arith.xori %iota3A, %xor3A_1629 : vector<16xi32>
      %lt3A_1631 = arith.constant 0 : i32
      %lt3A_1632 = vector.broadcast %lt3A_1631 : i32 to vector<16xi32>
      %lt3A_1633 = arith.cmpi slt, %xor3A_1630, %lt3A_1632 : vector<16xi32>
      %add3A_1634 = arith.constant 16 : i32
      %add3A_1635 = vector.broadcast %add3A_1634 : i32 to vector<16xi32>
      %add3A_1636 = arith.addi %xor3A_1630, %add3A_1635 : vector<16xi32>
      %select_n3A_1637 = arith.select %lt3A_1633, %add3A_1636, %xor3A_1630 : vector<16xi1>, vector<16xi32>
      %broadcast_in_dim3A_1638 = vector.shape_cast %select_n3A_1637 : vector<16xi32> to vector<16x1xi32>
      %gather3A_1639 = vector.shape_cast %broadcast_in_dim3A_1638 : vector<16x1xi32> to vector<16xi32>
      %gather3A_1640 = tpu.dynamic_gather %select_n3A_1627[%gather3A_1639] in [0] : vector<16xf32>, vector<16xi32> -> vector<16xf32>
      %add3A_1641 = arith.addf %select_n3A_1626, %gather3A_1640 : vector<16xf32>
      %and3A_1642 = arith.constant 2 : i32
      %and3A_1643 = vector.broadcast %and3A_1642 : i32 to vector<16xi32>
      %and3A_1644 = arith.andi %iota3A, %and3A_1643 : vector<16xi32>
      %ne3A_1645 = arith.constant 0 : i32
      %ne3A_1646 = vector.broadcast %ne3A_1645 : i32 to vector<16xi32>
      %ne3A_1647 = arith.cmpi ne, %and3A_1644, %ne3A_1646 : vector<16xi32>
      %select_n3A_1648 = arith.select %ne3A_1647, %add3A_1597, %add3A_1575 : vector<16xi1>, vector<16xf32>
      %select_n3A_1649 = arith.select %ne3A_1647, %add3A_1575, %add3A_1597 : vector<16xi1>, vector<16xf32>
      %xor3A_1650 = arith.constant 2 : i32
      %xor3A_1651 = vector.broadcast %xor3A_1650 : i32 to vector<16xi32>
      %xor3A_1652 = arith.xori %iota3A, %xor3A_1651 : vector<16xi32>
      %lt3A_1653 = arith.constant 0 : i32
      %lt3A_1654 = vector.broadcast %lt3A_1653 : i32 to vector<16xi32>
      %lt3A_1655 = arith.cmpi slt, %xor3A_1652, %lt3A_1654 : vector<16xi32>
      %add3A_1656 = arith.constant 16 : i32
      %add3A_1657 = vector.broadcast %add3A_1656 : i32 to vector<16xi32>
      %add3A_1658 = arith.addi %xor3A_1652, %add3A_1657 : vector<16xi32>
      %select_n3A_1659 = arith.select %lt3A_1655, %add3A_1658, %xor3A_1652 : vector<16xi1>, vector<16xi32>
      %broadcast_in_dim3A_1660 = vector.shape_cast %select_n3A_1659 : vector<16xi32> to vector<16x1xi32>
      %gather3A_1661 = vector.shape_cast %broadcast_in_dim3A_1660 : vector<16x1xi32> to vector<16xi32>
      %gather3A_1662 = tpu.dynamic_gather %select_n3A_1649[%gather3A_1661] in [0] : vector<16xf32>, vector<16xi32> -> vector<16xf32>
      %add3A_1663 = arith.addf %select_n3A_1648, %gather3A_1662 : vector<16xf32>
      %and3A_1664 = arith.constant 2 : i32
      %and3A_1665 = vector.broadcast %and3A_1664 : i32 to vector<16xi32>
      %and3A_1666 = arith.andi %iota3A, %and3A_1665 : vector<16xi32>
      %ne3A_1667 = arith.constant 0 : i32
      %ne3A_1668 = vector.broadcast %ne3A_1667 : i32 to vector<16xi32>
      %ne3A_1669 = arith.cmpi ne, %and3A_1666, %ne3A_1668 : vector<16xi32>
      %select_n3A_1670 = arith.select %ne3A_1669, %add3A_1641, %add3A_1619 : vector<16xi1>, vector<16xf32>
      %select_n3A_1671 = arith.select %ne3A_1669, %add3A_1619, %add3A_1641 : vector<16xi1>, vector<16xf32>
      %xor3A_1672 = arith.constant 2 : i32
      %xor3A_1673 = vector.broadcast %xor3A_1672 : i32 to vector<16xi32>
      %xor3A_1674 = arith.xori %iota3A, %xor3A_1673 : vector<16xi32>
      %lt3A_1675 = arith.constant 0 : i32
      %lt3A_1676 = vector.broadcast %lt3A_1675 : i32 to vector<16xi32>
      %lt3A_1677 = arith.cmpi slt, %xor3A_1674, %lt3A_1676 : vector<16xi32>
      %add3A_1678 = arith.constant 16 : i32
      %add3A_1679 = vector.broadcast %add3A_1678 : i32 to vector<16xi32>
      %add3A_1680 = arith.addi %xor3A_1674, %add3A_1679 : vector<16xi32>
      %select_n3A_1681 = arith.select %lt3A_1677, %add3A_1680, %xor3A_1674 : vector<16xi1>, vector<16xi32>
      %broadcast_in_dim3A_1682 = vector.shape_cast %select_n3A_1681 : vector<16xi32> to vector<16x1xi32>
      %gather3A_1683 = vector.shape_cast %broadcast_in_dim3A_1682 : vector<16x1xi32> to vector<16xi32>
      %gather3A_1684 = tpu.dynamic_gather %select_n3A_1671[%gather3A_1683] in [0] : vector<16xf32>, vector<16xi32> -> vector<16xf32>
      %add3A_1685 = arith.addf %select_n3A_1670, %gather3A_1684 : vector<16xf32>
      %and3A_1686 = arith.constant 4 : i32
      %and3A_1687 = vector.broadcast %and3A_1686 : i32 to vector<16xi32>
      %and3A_1688 = arith.andi %iota3A, %and3A_1687 : vector<16xi32>
      %ne3A_1689 = arith.constant 0 : i32
      %ne3A_1690 = vector.broadcast %ne3A_1689 : i32 to vector<16xi32>
      %ne3A_1691 = arith.cmpi ne, %and3A_1688, %ne3A_1690 : vector<16xi32>
      %select_n3A_1692 = arith.select %ne3A_1691, %add3A_1685, %add3A_1663 : vector<16xi1>, vector<16xf32>
      %select_n3A_1693 = arith.select %ne3A_1691, %add3A_1663, %add3A_1685 : vector<16xi1>, vector<16xf32>
      %xor3A_1694 = arith.constant 4 : i32
      %xor3A_1695 = vector.broadcast %xor3A_1694 : i32 to vector<16xi32>
      %xor3A_1696 = arith.xori %iota3A, %xor3A_1695 : vector<16xi32>
      %lt3A_1697 = arith.constant 0 : i32
      %lt3A_1698 = vector.broadcast %lt3A_1697 : i32 to vector<16xi32>
      %lt3A_1699 = arith.cmpi slt, %xor3A_1696, %lt3A_1698 : vector<16xi32>
      %add3A_1700 = arith.constant 16 : i32
      %add3A_1701 = vector.broadcast %add3A_1700 : i32 to vector<16xi32>
      %add3A_1702 = arith.addi %xor3A_1696, %add3A_1701 : vector<16xi32>
      %select_n3A_1703 = arith.select %lt3A_1699, %add3A_1702, %xor3A_1696 : vector<16xi1>, vector<16xi32>
      %broadcast_in_dim3A_1704 = vector.shape_cast %select_n3A_1703 : vector<16xi32> to vector<16x1xi32>
      %gather3A_1705 = vector.shape_cast %broadcast_in_dim3A_1704 : vector<16x1xi32> to vector<16xi32>
      %gather3A_1706 = tpu.dynamic_gather %select_n3A_1693[%gather3A_1705] in [0] : vector<16xf32>, vector<16xi32> -> vector<16xf32>
      %add3A_1707 = arith.addf %select_n3A_1692, %gather3A_1706 : vector<16xf32>
      %xor3A_1708 = arith.constant 8 : i32
      %xor3A_1709 = vector.broadcast %xor3A_1708 : i32 to vector<16xi32>
      %xor3A_1710 = arith.xori %iota3A, %xor3A_1709 : vector<16xi32>
      %lt3A_1711 = arith.constant 0 : i32
      %lt3A_1712 = vector.broadcast %lt3A_1711 : i32 to vector<16xi32>
      %lt3A_1713 = arith.cmpi slt, %xor3A_1710, %lt3A_1712 : vector<16xi32>
      %add3A_1714 = arith.constant 16 : i32
      %add3A_1715 = vector.broadcast %add3A_1714 : i32 to vector<16xi32>
      %add3A_1716 = arith.addi %xor3A_1710, %add3A_1715 : vector<16xi32>
      %select_n3A_1717 = arith.select %lt3A_1713, %add3A_1716, %xor3A_1710 : vector<16xi1>, vector<16xi32>
      %broadcast_in_dim3A_1718 = vector.shape_cast %select_n3A_1717 : vector<16xi32> to vector<16x1xi32>
      %gather3A_1719 = vector.shape_cast %broadcast_in_dim3A_1718 : vector<16x1xi32> to vector<16xi32>
      %gather3A_1720 = tpu.dynamic_gather %add3A_1707[%gather3A_1719] in [0] : vector<16xf32>, vector<16xi32> -> vector<16xf32>
      %add3A_1721 = arith.addf %add3A_1707, %gather3A_1720 : vector<16xf32>
      %mul3A_1722 = arith.mulf %add3A_1721, %mul3A_1384 : vector<16xf32>
      %and3A_1723 = arith.constant 1 : i32
      %and3A_1724 = vector.broadcast %and3A_1723 : i32 to vector<16xi32>
      %and3A_1725 = arith.andi %iota3A, %and3A_1724 : vector<16xi32>
      %ne3A_1726 = arith.constant 0 : i32
      %ne3A_1727 = vector.broadcast %ne3A_1726 : i32 to vector<16xi32>
      %ne3A_1728 = arith.cmpi ne, %and3A_1725, %ne3A_1727 : vector<16xi32>
      %select_n3A_1729 = arith.select %ne3A_1728, %parallel_loop3A_1181#7, %parallel_loop3A_1181#3 : vector<16xi1>, vector<16xf32>
      %select_n3A_1730 = arith.select %ne3A_1728, %parallel_loop3A_1181#3, %parallel_loop3A_1181#7 : vector<16xi1>, vector<16xf32>
      %xor3A_1731 = arith.constant 1 : i32
      %xor3A_1732 = vector.broadcast %xor3A_1731 : i32 to vector<16xi32>
      %xor3A_1733 = arith.xori %iota3A, %xor3A_1732 : vector<16xi32>
      %lt3A_1734 = arith.constant 0 : i32
      %lt3A_1735 = vector.broadcast %lt3A_1734 : i32 to vector<16xi32>
      %lt3A_1736 = arith.cmpi slt, %xor3A_1733, %lt3A_1735 : vector<16xi32>
      %add3A_1737 = arith.constant 16 : i32
      %add3A_1738 = vector.broadcast %add3A_1737 : i32 to vector<16xi32>
      %add3A_1739 = arith.addi %xor3A_1733, %add3A_1738 : vector<16xi32>
      %select_n3A_1740 = arith.select %lt3A_1736, %add3A_1739, %xor3A_1733 : vector<16xi1>, vector<16xi32>
      %broadcast_in_dim3A_1741 = vector.shape_cast %select_n3A_1740 : vector<16xi32> to vector<16x1xi32>
      %gather3A_1742 = vector.shape_cast %broadcast_in_dim3A_1741 : vector<16x1xi32> to vector<16xi32>
      %gather3A_1743 = tpu.dynamic_gather %select_n3A_1730[%gather3A_1742] in [0] : vector<16xf32>, vector<16xi32> -> vector<16xf32>
      %add3A_1744 = arith.addf %select_n3A_1729, %gather3A_1743 : vector<16xf32>
      %and3A_1745 = arith.constant 1 : i32
      %and3A_1746 = vector.broadcast %and3A_1745 : i32 to vector<16xi32>
      %and3A_1747 = arith.andi %iota3A, %and3A_1746 : vector<16xi32>
      %ne3A_1748 = arith.constant 0 : i32
      %ne3A_1749 = vector.broadcast %ne3A_1748 : i32 to vector<16xi32>
      %ne3A_1750 = arith.cmpi ne, %and3A_1747, %ne3A_1749 : vector<16xi32>
      %select_n3A_1751 = arith.select %ne3A_1750, %parallel_loop3A_1181#15, %parallel_loop3A_1181#11 : vector<16xi1>, vector<16xf32>
      %select_n3A_1752 = arith.select %ne3A_1750, %parallel_loop3A_1181#11, %parallel_loop3A_1181#15 : vector<16xi1>, vector<16xf32>
      %xor3A_1753 = arith.constant 1 : i32
      %xor3A_1754 = vector.broadcast %xor3A_1753 : i32 to vector<16xi32>
      %xor3A_1755 = arith.xori %iota3A, %xor3A_1754 : vector<16xi32>
      %lt3A_1756 = arith.constant 0 : i32
      %lt3A_1757 = vector.broadcast %lt3A_1756 : i32 to vector<16xi32>
      %lt3A_1758 = arith.cmpi slt, %xor3A_1755, %lt3A_1757 : vector<16xi32>
      %add3A_1759 = arith.constant 16 : i32
      %add3A_1760 = vector.broadcast %add3A_1759 : i32 to vector<16xi32>
      %add3A_1761 = arith.addi %xor3A_1755, %add3A_1760 : vector<16xi32>
      %select_n3A_1762 = arith.select %lt3A_1758, %add3A_1761, %xor3A_1755 : vector<16xi1>, vector<16xi32>
      %broadcast_in_dim3A_1763 = vector.shape_cast %select_n3A_1762 : vector<16xi32> to vector<16x1xi32>
      %gather3A_1764 = vector.shape_cast %broadcast_in_dim3A_1763 : vector<16x1xi32> to vector<16xi32>
      %gather3A_1765 = tpu.dynamic_gather %select_n3A_1752[%gather3A_1764] in [0] : vector<16xf32>, vector<16xi32> -> vector<16xf32>
      %add3A_1766 = arith.addf %select_n3A_1751, %gather3A_1765 : vector<16xf32>
      %and3A_1767 = arith.constant 1 : i32
      %and3A_1768 = vector.broadcast %and3A_1767 : i32 to vector<16xi32>
      %and3A_1769 = arith.andi %iota3A, %and3A_1768 : vector<16xi32>
      %ne3A_1770 = arith.constant 0 : i32
      %ne3A_1771 = vector.broadcast %ne3A_1770 : i32 to vector<16xi32>
      %ne3A_1772 = arith.cmpi ne, %and3A_1769, %ne3A_1771 : vector<16xi32>
      %select_n3A_1773 = arith.select %ne3A_1772, %parallel_loop3A_1181#23, %parallel_loop3A_1181#19 : vector<16xi1>, vector<16xf32>
      %select_n3A_1774 = arith.select %ne3A_1772, %parallel_loop3A_1181#19, %parallel_loop3A_1181#23 : vector<16xi1>, vector<16xf32>
      %xor3A_1775 = arith.constant 1 : i32
      %xor3A_1776 = vector.broadcast %xor3A_1775 : i32 to vector<16xi32>
      %xor3A_1777 = arith.xori %iota3A, %xor3A_1776 : vector<16xi32>
      %lt3A_1778 = arith.constant 0 : i32
      %lt3A_1779 = vector.broadcast %lt3A_1778 : i32 to vector<16xi32>
      %lt3A_1780 = arith.cmpi slt, %xor3A_1777, %lt3A_1779 : vector<16xi32>
      %add3A_1781 = arith.constant 16 : i32
      %add3A_1782 = vector.broadcast %add3A_1781 : i32 to vector<16xi32>
      %add3A_1783 = arith.addi %xor3A_1777, %add3A_1782 : vector<16xi32>
      %select_n3A_1784 = arith.select %lt3A_1780, %add3A_1783, %xor3A_1777 : vector<16xi1>, vector<16xi32>
      %broadcast_in_dim3A_1785 = vector.shape_cast %select_n3A_1784 : vector<16xi32> to vector<16x1xi32>
      %gather3A_1786 = vector.shape_cast %broadcast_in_dim3A_1785 : vector<16x1xi32> to vector<16xi32>
      %gather3A_1787 = tpu.dynamic_gather %select_n3A_1774[%gather3A_1786] in [0] : vector<16xf32>, vector<16xi32> -> vector<16xf32>
      %add3A_1788 = arith.addf %select_n3A_1773, %gather3A_1787 : vector<16xf32>
      %and3A_1789 = arith.constant 1 : i32
      %and3A_1790 = vector.broadcast %and3A_1789 : i32 to vector<16xi32>
      %and3A_1791 = arith.andi %iota3A, %and3A_1790 : vector<16xi32>
      %ne3A_1792 = arith.constant 0 : i32
      %ne3A_1793 = vector.broadcast %ne3A_1792 : i32 to vector<16xi32>
      %ne3A_1794 = arith.cmpi ne, %and3A_1791, %ne3A_1793 : vector<16xi32>
      %select_n3A_1795 = arith.select %ne3A_1794, %parallel_loop3A_1181#31, %parallel_loop3A_1181#27 : vector<16xi1>, vector<16xf32>
      %select_n3A_1796 = arith.select %ne3A_1794, %parallel_loop3A_1181#27, %parallel_loop3A_1181#31 : vector<16xi1>, vector<16xf32>
      %xor3A_1797 = arith.constant 1 : i32
      %xor3A_1798 = vector.broadcast %xor3A_1797 : i32 to vector<16xi32>
      %xor3A_1799 = arith.xori %iota3A, %xor3A_1798 : vector<16xi32>
      %lt3A_1800 = arith.constant 0 : i32
      %lt3A_1801 = vector.broadcast %lt3A_1800 : i32 to vector<16xi32>
      %lt3A_1802 = arith.cmpi slt, %xor3A_1799, %lt3A_1801 : vector<16xi32>
      %add3A_1803 = arith.constant 16 : i32
      %add3A_1804 = vector.broadcast %add3A_1803 : i32 to vector<16xi32>
      %add3A_1805 = arith.addi %xor3A_1799, %add3A_1804 : vector<16xi32>
      %select_n3A_1806 = arith.select %lt3A_1802, %add3A_1805, %xor3A_1799 : vector<16xi1>, vector<16xi32>
      %broadcast_in_dim3A_1807 = vector.shape_cast %select_n3A_1806 : vector<16xi32> to vector<16x1xi32>
      %gather3A_1808 = vector.shape_cast %broadcast_in_dim3A_1807 : vector<16x1xi32> to vector<16xi32>
      %gather3A_1809 = tpu.dynamic_gather %select_n3A_1796[%gather3A_1808] in [0] : vector<16xf32>, vector<16xi32> -> vector<16xf32>
      %add3A_1810 = arith.addf %select_n3A_1795, %gather3A_1809 : vector<16xf32>
      %and3A_1811 = arith.constant 2 : i32
      %and3A_1812 = vector.broadcast %and3A_1811 : i32 to vector<16xi32>
      %and3A_1813 = arith.andi %iota3A, %and3A_1812 : vector<16xi32>
      %ne3A_1814 = arith.constant 0 : i32
      %ne3A_1815 = vector.broadcast %ne3A_1814 : i32 to vector<16xi32>
      %ne3A_1816 = arith.cmpi ne, %and3A_1813, %ne3A_1815 : vector<16xi32>
      %select_n3A_1817 = arith.select %ne3A_1816, %add3A_1766, %add3A_1744 : vector<16xi1>, vector<16xf32>
      %select_n3A_1818 = arith.select %ne3A_1816, %add3A_1744, %add3A_1766 : vector<16xi1>, vector<16xf32>
      %xor3A_1819 = arith.constant 2 : i32
      %xor3A_1820 = vector.broadcast %xor3A_1819 : i32 to vector<16xi32>
      %xor3A_1821 = arith.xori %iota3A, %xor3A_1820 : vector<16xi32>
      %lt3A_1822 = arith.constant 0 : i32
      %lt3A_1823 = vector.broadcast %lt3A_1822 : i32 to vector<16xi32>
      %lt3A_1824 = arith.cmpi slt, %xor3A_1821, %lt3A_1823 : vector<16xi32>
      %add3A_1825 = arith.constant 16 : i32
      %add3A_1826 = vector.broadcast %add3A_1825 : i32 to vector<16xi32>
      %add3A_1827 = arith.addi %xor3A_1821, %add3A_1826 : vector<16xi32>
      %select_n3A_1828 = arith.select %lt3A_1824, %add3A_1827, %xor3A_1821 : vector<16xi1>, vector<16xi32>
      %broadcast_in_dim3A_1829 = vector.shape_cast %select_n3A_1828 : vector<16xi32> to vector<16x1xi32>
      %gather3A_1830 = vector.shape_cast %broadcast_in_dim3A_1829 : vector<16x1xi32> to vector<16xi32>
      %gather3A_1831 = tpu.dynamic_gather %select_n3A_1818[%gather3A_1830] in [0] : vector<16xf32>, vector<16xi32> -> vector<16xf32>
      %add3A_1832 = arith.addf %select_n3A_1817, %gather3A_1831 : vector<16xf32>
      %and3A_1833 = arith.constant 2 : i32
      %and3A_1834 = vector.broadcast %and3A_1833 : i32 to vector<16xi32>
      %and3A_1835 = arith.andi %iota3A, %and3A_1834 : vector<16xi32>
      %ne3A_1836 = arith.constant 0 : i32
      %ne3A_1837 = vector.broadcast %ne3A_1836 : i32 to vector<16xi32>
      %ne3A_1838 = arith.cmpi ne, %and3A_1835, %ne3A_1837 : vector<16xi32>
      %select_n3A_1839 = arith.select %ne3A_1838, %add3A_1810, %add3A_1788 : vector<16xi1>, vector<16xf32>
      %select_n3A_1840 = arith.select %ne3A_1838, %add3A_1788, %add3A_1810 : vector<16xi1>, vector<16xf32>
      %xor3A_1841 = arith.constant 2 : i32
      %xor3A_1842 = vector.broadcast %xor3A_1841 : i32 to vector<16xi32>
      %xor3A_1843 = arith.xori %iota3A, %xor3A_1842 : vector<16xi32>
      %lt3A_1844 = arith.constant 0 : i32
      %lt3A_1845 = vector.broadcast %lt3A_1844 : i32 to vector<16xi32>
      %lt3A_1846 = arith.cmpi slt, %xor3A_1843, %lt3A_1845 : vector<16xi32>
      %add3A_1847 = arith.constant 16 : i32
      %add3A_1848 = vector.broadcast %add3A_1847 : i32 to vector<16xi32>
      %add3A_1849 = arith.addi %xor3A_1843, %add3A_1848 : vector<16xi32>
      %select_n3A_1850 = arith.select %lt3A_1846, %add3A_1849, %xor3A_1843 : vector<16xi1>, vector<16xi32>
      %broadcast_in_dim3A_1851 = vector.shape_cast %select_n3A_1850 : vector<16xi32> to vector<16x1xi32>
      %gather3A_1852 = vector.shape_cast %broadcast_in_dim3A_1851 : vector<16x1xi32> to vector<16xi32>
      %gather3A_1853 = tpu.dynamic_gather %select_n3A_1840[%gather3A_1852] in [0] : vector<16xf32>, vector<16xi32> -> vector<16xf32>
      %add3A_1854 = arith.addf %select_n3A_1839, %gather3A_1853 : vector<16xf32>
      %and3A_1855 = arith.constant 4 : i32
      %and3A_1856 = vector.broadcast %and3A_1855 : i32 to vector<16xi32>
      %and3A_1857 = arith.andi %iota3A, %and3A_1856 : vector<16xi32>
      %ne3A_1858 = arith.constant 0 : i32
      %ne3A_1859 = vector.broadcast %ne3A_1858 : i32 to vector<16xi32>
      %ne3A_1860 = arith.cmpi ne, %and3A_1857, %ne3A_1859 : vector<16xi32>
      %select_n3A_1861 = arith.select %ne3A_1860, %add3A_1854, %add3A_1832 : vector<16xi1>, vector<16xf32>
      %select_n3A_1862 = arith.select %ne3A_1860, %add3A_1832, %add3A_1854 : vector<16xi1>, vector<16xf32>
      %xor3A_1863 = arith.constant 4 : i32
      %xor3A_1864 = vector.broadcast %xor3A_1863 : i32 to vector<16xi32>
      %xor3A_1865 = arith.xori %iota3A, %xor3A_1864 : vector<16xi32>
      %lt3A_1866 = arith.constant 0 : i32
      %lt3A_1867 = vector.broadcast %lt3A_1866 : i32 to vector<16xi32>
      %lt3A_1868 = arith.cmpi slt, %xor3A_1865, %lt3A_1867 : vector<16xi32>
      %add3A_1869 = arith.constant 16 : i32
      %add3A_1870 = vector.broadcast %add3A_1869 : i32 to vector<16xi32>
      %add3A_1871 = arith.addi %xor3A_1865, %add3A_1870 : vector<16xi32>
      %select_n3A_1872 = arith.select %lt3A_1868, %add3A_1871, %xor3A_1865 : vector<16xi1>, vector<16xi32>
      %broadcast_in_dim3A_1873 = vector.shape_cast %select_n3A_1872 : vector<16xi32> to vector<16x1xi32>
      %gather3A_1874 = vector.shape_cast %broadcast_in_dim3A_1873 : vector<16x1xi32> to vector<16xi32>
      %gather3A_1875 = tpu.dynamic_gather %select_n3A_1862[%gather3A_1874] in [0] : vector<16xf32>, vector<16xi32> -> vector<16xf32>
      %add3A_1876 = arith.addf %select_n3A_1861, %gather3A_1875 : vector<16xf32>
      %xor3A_1877 = arith.constant 8 : i32
      %xor3A_1878 = vector.broadcast %xor3A_1877 : i32 to vector<16xi32>
      %xor3A_1879 = arith.xori %iota3A, %xor3A_1878 : vector<16xi32>
      %lt3A_1880 = arith.constant 0 : i32
      %lt3A_1881 = vector.broadcast %lt3A_1880 : i32 to vector<16xi32>
      %lt3A_1882 = arith.cmpi slt, %xor3A_1879, %lt3A_1881 : vector<16xi32>
      %add3A_1883 = arith.constant 16 : i32
      %add3A_1884 = vector.broadcast %add3A_1883 : i32 to vector<16xi32>
      %add3A_1885 = arith.addi %xor3A_1879, %add3A_1884 : vector<16xi32>
      %select_n3A_1886 = arith.select %lt3A_1882, %add3A_1885, %xor3A_1879 : vector<16xi1>, vector<16xi32>
      %broadcast_in_dim3A_1887 = vector.shape_cast %select_n3A_1886 : vector<16xi32> to vector<16x1xi32>
      %gather3A_1888 = vector.shape_cast %broadcast_in_dim3A_1887 : vector<16x1xi32> to vector<16xi32>
      %gather3A_1889 = tpu.dynamic_gather %add3A_1876[%gather3A_1888] in [0] : vector<16xf32>, vector<16xi32> -> vector<16xf32>
      %add3A_1890 = arith.addf %add3A_1876, %gather3A_1889 : vector<16xf32>
      %mul3A_1891 = arith.mulf %add3A_1890, %mul3A_1384 : vector<16xf32>
      %add3A_1892 = arith.constant 0 : i32
      %add3A_1893 = vector.broadcast %add3A_1892 : i32 to vector<16xi32>
      %add3A_1894 = arith.addi %iota3A, %add3A_1893 : vector<16xi32>
      %mul3A_1895 = arith.constant 21846 : i32
      %mul3A_1896 = vector.broadcast %mul3A_1895 : i32 to vector<16xi32>
      %mul3A_1897 = arith.muli %add3A_1894, %mul3A_1896 : vector<16xi32>
      %shift_right_logical3A = arith.shrui %mul3A_1897, %broadcast_in_dim3A_282 : vector<16xi32>
      %mul3A_1898 = arith.constant 3 : i32
      %mul3A_1899 = vector.broadcast %mul3A_1898 : i32 to vector<16xi32>
      %mul3A_1900 = arith.muli %shift_right_logical3A, %mul3A_1899 : vector<16xi32>
      %sub3A_1901 = arith.subi %add3A_1894, %mul3A_1900 : vector<16xi32>
      %eq3A = arith.constant 0 : i32
      %eq3A_1902 = vector.broadcast %eq3A : i32 to vector<16xi32>
      %eq3A_1903 = arith.cmpi eq, %sub3A_1901, %eq3A_1902 : vector<16xi32>
      %lt3A_1904 = arith.constant 0 : i32
      %lt3A_1905 = vector.broadcast %lt3A_1904 : i32 to vector<16xi32>
      %lt3A_1906 = arith.cmpi slt, %shift_right_logical3A, %lt3A_1905 : vector<16xi32>
      %add3A_1907 = arith.constant 16 : i32
      %add3A_1908 = vector.broadcast %add3A_1907 : i32 to vector<16xi32>
      %add3A_1909 = arith.addi %shift_right_logical3A, %add3A_1908 : vector<16xi32>
      %select_n3A_1910 = arith.select %lt3A_1906, %add3A_1909, %shift_right_logical3A : vector<16xi1>, vector<16xi32>
      %broadcast_in_dim3A_1911 = vector.shape_cast %select_n3A_1910 : vector<16xi32> to vector<16x1xi32>
      %gather3A_1912 = vector.shape_cast %broadcast_in_dim3A_1911 : vector<16x1xi32> to vector<16xi32>
      %gather3A_1913 = tpu.dynamic_gather %mul3A_787[%gather3A_1912] in [0] : vector<16xf32>, vector<16xi32> -> vector<16xf32>
      %eq3A_1914 = arith.constant 1 : i32
      %eq3A_1915 = vector.broadcast %eq3A_1914 : i32 to vector<16xi32>
      %eq3A_1916 = arith.cmpi eq, %sub3A_1901, %eq3A_1915 : vector<16xi32>
      %lt3A_1917 = arith.constant 0 : i32
      %lt3A_1918 = vector.broadcast %lt3A_1917 : i32 to vector<16xi32>
      %lt3A_1919 = arith.cmpi slt, %shift_right_logical3A, %lt3A_1918 : vector<16xi32>
      %add3A_1920 = arith.constant 16 : i32
      %add3A_1921 = vector.broadcast %add3A_1920 : i32 to vector<16xi32>
      %add3A_1922 = arith.addi %shift_right_logical3A, %add3A_1921 : vector<16xi32>
      %select_n3A_1923 = arith.select %lt3A_1919, %add3A_1922, %shift_right_logical3A : vector<16xi1>, vector<16xi32>
      %broadcast_in_dim3A_1924 = vector.shape_cast %select_n3A_1923 : vector<16xi32> to vector<16x1xi32>
      %gather3A_1925 = vector.shape_cast %broadcast_in_dim3A_1924 : vector<16x1xi32> to vector<16xi32>
      %gather3A_1926 = tpu.dynamic_gather %mul3A_956[%gather3A_1925] in [0] : vector<16xf32>, vector<16xi32> -> vector<16xf32>
      %lt3A_1927 = arith.constant 0 : i32
      %lt3A_1928 = vector.broadcast %lt3A_1927 : i32 to vector<16xi32>
      %lt3A_1929 = arith.cmpi slt, %shift_right_logical3A, %lt3A_1928 : vector<16xi32>
      %add3A_1930 = arith.constant 16 : i32
      %add3A_1931 = vector.broadcast %add3A_1930 : i32 to vector<16xi32>
      %add3A_1932 = arith.addi %shift_right_logical3A, %add3A_1931 : vector<16xi32>
      %select_n3A_1933 = arith.select %lt3A_1929, %add3A_1932, %shift_right_logical3A : vector<16xi1>, vector<16xi32>
      %broadcast_in_dim3A_1934 = vector.shape_cast %select_n3A_1933 : vector<16xi32> to vector<16x1xi32>
      %gather3A_1935 = vector.shape_cast %broadcast_in_dim3A_1934 : vector<16x1xi32> to vector<16xi32>
      %gather3A_1936 = tpu.dynamic_gather %mul3A_1125[%gather3A_1935] in [0] : vector<16xf32>, vector<16xi32> -> vector<16xf32>
      %select_n3A_1937 = arith.select %eq3A_1916, %gather3A_1926, %gather3A_1936 : vector<16xi1>, vector<16xf32>
      %select_n3A_1938 = arith.select %eq3A_1903, %gather3A_1913, %select_n3A_1937 : vector<16xi1>, vector<16xf32>
      %eq3A_1939 = arith.constant 0 : i32
      %eq3A_1940 = vector.broadcast %eq3A_1939 : i32 to vector<16xi32>
      %eq3A_1941 = arith.cmpi eq, %sub3A_1901, %eq3A_1940 : vector<16xi32>
      %lt3A_1942 = arith.constant 0 : i32
      %lt3A_1943 = vector.broadcast %lt3A_1942 : i32 to vector<16xi32>
      %lt3A_1944 = arith.cmpi slt, %shift_right_logical3A, %lt3A_1943 : vector<16xi32>
      %add3A_1945 = arith.constant 16 : i32
      %add3A_1946 = vector.broadcast %add3A_1945 : i32 to vector<16xi32>
      %add3A_1947 = arith.addi %shift_right_logical3A, %add3A_1946 : vector<16xi32>
      %select_n3A_1948 = arith.select %lt3A_1944, %add3A_1947, %shift_right_logical3A : vector<16xi1>, vector<16xi32>
      %broadcast_in_dim3A_1949 = vector.shape_cast %select_n3A_1948 : vector<16xi32> to vector<16x1xi32>
      %gather3A_1950 = vector.shape_cast %broadcast_in_dim3A_1949 : vector<16x1xi32> to vector<16xi32>
      %gather3A_1951 = tpu.dynamic_gather %mul3A_1553[%gather3A_1950] in [0] : vector<16xf32>, vector<16xi32> -> vector<16xf32>
      %eq3A_1952 = arith.constant 1 : i32
      %eq3A_1953 = vector.broadcast %eq3A_1952 : i32 to vector<16xi32>
      %eq3A_1954 = arith.cmpi eq, %sub3A_1901, %eq3A_1953 : vector<16xi32>
      %lt3A_1955 = arith.constant 0 : i32
      %lt3A_1956 = vector.broadcast %lt3A_1955 : i32 to vector<16xi32>
      %lt3A_1957 = arith.cmpi slt, %shift_right_logical3A, %lt3A_1956 : vector<16xi32>
      %add3A_1958 = arith.constant 16 : i32
      %add3A_1959 = vector.broadcast %add3A_1958 : i32 to vector<16xi32>
      %add3A_1960 = arith.addi %shift_right_logical3A, %add3A_1959 : vector<16xi32>
      %select_n3A_1961 = arith.select %lt3A_1957, %add3A_1960, %shift_right_logical3A : vector<16xi1>, vector<16xi32>
      %broadcast_in_dim3A_1962 = vector.shape_cast %select_n3A_1961 : vector<16xi32> to vector<16x1xi32>
      %gather3A_1963 = vector.shape_cast %broadcast_in_dim3A_1962 : vector<16x1xi32> to vector<16xi32>
      %gather3A_1964 = tpu.dynamic_gather %mul3A_1722[%gather3A_1963] in [0] : vector<16xf32>, vector<16xi32> -> vector<16xf32>
      %lt3A_1965 = arith.constant 0 : i32
      %lt3A_1966 = vector.broadcast %lt3A_1965 : i32 to vector<16xi32>
      %lt3A_1967 = arith.cmpi slt, %shift_right_logical3A, %lt3A_1966 : vector<16xi32>
      %add3A_1968 = arith.constant 16 : i32
      %add3A_1969 = vector.broadcast %add3A_1968 : i32 to vector<16xi32>
      %add3A_1970 = arith.addi %shift_right_logical3A, %add3A_1969 : vector<16xi32>
      %select_n3A_1971 = arith.select %lt3A_1967, %add3A_1970, %shift_right_logical3A : vector<16xi1>, vector<16xi32>
      %broadcast_in_dim3A_1972 = vector.shape_cast %select_n3A_1971 : vector<16xi32> to vector<16x1xi32>
      %gather3A_1973 = vector.shape_cast %broadcast_in_dim3A_1972 : vector<16x1xi32> to vector<16xi32>
      %gather3A_1974 = tpu.dynamic_gather %mul3A_1891[%gather3A_1973] in [0] : vector<16xf32>, vector<16xi32> -> vector<16xf32>
      %select_n3A_1975 = arith.select %eq3A_1954, %gather3A_1964, %gather3A_1974 : vector<16xi1>, vector<16xf32>
      %select_n3A_1976 = arith.select %eq3A_1941, %gather3A_1951, %select_n3A_1975 : vector<16xi1>, vector<16xf32>
      %lt3A_1977 = arith.constant 8 : i32
      %lt3A_1978 = vector.broadcast %lt3A_1977 : i32 to vector<16xi32>
      %lt3A_1979 = arith.cmpi slt, %shift_right_logical3A, %lt3A_1978 : vector<16xi32>
      %select_n3A_1980 = arith.select %lt3A_1979, %select_n3A_1938, %select_n3A_1976 : vector<16xi1>, vector<16xf32>
      %mul3A_1981 = arith.constant 48 : i32
      %mul3A_1982 = arith.muli %scan3A_328, %mul3A_1981 : i32
      %add3A_1983 = arith.constant 0 : i32
      %add3A_1984 = arith.addi %mul3A_1982, %add3A_1983 : i32
      %swap3A = arith.index_cast %add3A_1984 : i32 to index
      %swap3A_1985 = tpu.vector_load %arg15[%swap3A] {strides = array<i32>} : memref<1536xf32, #tpu.memory_space<vmem>>, vector<16xf32>,
      %swap3A_1986 = vector.shape_cast %swap3A_1985 : vector<16xf32> to vector<16xf32>
      %swap3A_1987 = vector.shape_cast %select_n3A_1980 : vector<16xf32> to vector<16xf32>
      tpu.vector_store %arg15[%swap3A], %swap3A_1987 {strides = array<i32>} : memref<1536xf32, #tpu.memory_space<vmem>>, vector<16xf32>,
      %add3A_1988 = arith.constant 16 : i32
      %add3A_1989 = vector.broadcast %add3A_1988 : i32 to vector<16xi32>
      %add3A_1990 = arith.addi %iota3A, %add3A_1989 : vector<16xi32>
      %mul3A_1991 = arith.constant 21846 : i32
      %mul3A_1992 = vector.broadcast %mul3A_1991 : i32 to vector<16xi32>
      %mul3A_1993 = arith.muli %add3A_1990, %mul3A_1992 : vector<16xi32>
      %shift_right_logical3A_1994 = arith.shrui %mul3A_1993, %broadcast_in_dim3A_282 : vector<16xi32>
      %mul3A_1995 = arith.constant 3 : i32
      %mul3A_1996 = vector.broadcast %mul3A_1995 : i32 to vector<16xi32>
      %mul3A_1997 = arith.muli %shift_right_logical3A_1994, %mul3A_1996 : vector<16xi32>
      %sub3A_1998 = arith.subi %add3A_1990, %mul3A_1997 : vector<16xi32>
      %eq3A_1999 = arith.constant 0 : i32
      %eq3A_2000 = vector.broadcast %eq3A_1999 : i32 to vector<16xi32>
      %eq3A_2001 = arith.cmpi eq, %sub3A_1998, %eq3A_2000 : vector<16xi32>
      %lt3A_2002 = arith.constant 0 : i32
      %lt3A_2003 = vector.broadcast %lt3A_2002 : i32 to vector<16xi32>
      %lt3A_2004 = arith.cmpi slt, %shift_right_logical3A_1994, %lt3A_2003 : vector<16xi32>
      %add3A_2005 = arith.constant 16 : i32
      %add3A_2006 = vector.broadcast %add3A_2005 : i32 to vector<16xi32>
      %add3A_2007 = arith.addi %shift_right_logical3A_1994, %add3A_2006 : vector<16xi32>
      %select_n3A_2008 = arith.select %lt3A_2004, %add3A_2007, %shift_right_logical3A_1994 : vector<16xi1>, vector<16xi32>
      %broadcast_in_dim3A_2009 = vector.shape_cast %select_n3A_2008 : vector<16xi32> to vector<16x1xi32>
      %gather3A_2010 = vector.shape_cast %broadcast_in_dim3A_2009 : vector<16x1xi32> to vector<16xi32>
      %gather3A_2011 = tpu.dynamic_gather %mul3A_787[%gather3A_2010] in [0] : vector<16xf32>, vector<16xi32> -> vector<16xf32>
      %eq3A_2012 = arith.constant 1 : i32
      %eq3A_2013 = vector.broadcast %eq3A_2012 : i32 to vector<16xi32>
      %eq3A_2014 = arith.cmpi eq, %sub3A_1998, %eq3A_2013 : vector<16xi32>
      %lt3A_2015 = arith.constant 0 : i32
      %lt3A_2016 = vector.broadcast %lt3A_2015 : i32 to vector<16xi32>
      %lt3A_2017 = arith.cmpi slt, %shift_right_logical3A_1994, %lt3A_2016 : vector<16xi32>
      %add3A_2018 = arith.constant 16 : i32
      %add3A_2019 = vector.broadcast %add3A_2018 : i32 to vector<16xi32>
      %add3A_2020 = arith.addi %shift_right_logical3A_1994, %add3A_2019 : vector<16xi32>
      %select_n3A_2021 = arith.select %lt3A_2017, %add3A_2020, %shift_right_logical3A_1994 : vector<16xi1>, vector<16xi32>
      %broadcast_in_dim3A_2022 = vector.shape_cast %select_n3A_2021 : vector<16xi32> to vector<16x1xi32>
      %gather3A_2023 = vector.shape_cast %broadcast_in_dim3A_2022 : vector<16x1xi32> to vector<16xi32>
      %gather3A_2024 = tpu.dynamic_gather %mul3A_956[%gather3A_2023] in [0] : vector<16xf32>, vector<16xi32> -> vector<16xf32>
      %lt3A_2025 = arith.constant 0 : i32
      %lt3A_2026 = vector.broadcast %lt3A_2025 : i32 to vector<16xi32>
      %lt3A_2027 = arith.cmpi slt, %shift_right_logical3A_1994, %lt3A_2026 : vector<16xi32>
      %add3A_2028 = arith.constant 16 : i32
      %add3A_2029 = vector.broadcast %add3A_2028 : i32 to vector<16xi32>
      %add3A_2030 = arith.addi %shift_right_logical3A_1994, %add3A_2029 : vector<16xi32>
      %select_n3A_2031 = arith.select %lt3A_2027, %add3A_2030, %shift_right_logical3A_1994 : vector<16xi1>, vector<16xi32>
      %broadcast_in_dim3A_2032 = vector.shape_cast %select_n3A_2031 : vector<16xi32> to vector<16x1xi32>
      %gather3A_2033 = vector.shape_cast %broadcast_in_dim3A_2032 : vector<16x1xi32> to vector<16xi32>
      %gather3A_2034 = tpu.dynamic_gather %mul3A_1125[%gather3A_2033] in [0] : vector<16xf32>, vector<16xi32> -> vector<16xf32>
      %select_n3A_2035 = arith.select %eq3A_2014, %gather3A_2024, %gather3A_2034 : vector<16xi1>, vector<16xf32>
      %select_n3A_2036 = arith.select %eq3A_2001, %gather3A_2011, %select_n3A_2035 : vector<16xi1>, vector<16xf32>
      %eq3A_2037 = arith.constant 0 : i32
      %eq3A_2038 = vector.broadcast %eq3A_2037 : i32 to vector<16xi32>
      %eq3A_2039 = arith.cmpi eq, %sub3A_1998, %eq3A_2038 : vector<16xi32>
      %lt3A_2040 = arith.constant 0 : i32
      %lt3A_2041 = vector.broadcast %lt3A_2040 : i32 to vector<16xi32>
      %lt3A_2042 = arith.cmpi slt, %shift_right_logical3A_1994, %lt3A_2041 : vector<16xi32>
      %add3A_2043 = arith.constant 16 : i32
      %add3A_2044 = vector.broadcast %add3A_2043 : i32 to vector<16xi32>
      %add3A_2045 = arith.addi %shift_right_logical3A_1994, %add3A_2044 : vector<16xi32>
      %select_n3A_2046 = arith.select %lt3A_2042, %add3A_2045, %shift_right_logical3A_1994 : vector<16xi1>, vector<16xi32>
      %broadcast_in_dim3A_2047 = vector.shape_cast %select_n3A_2046 : vector<16xi32> to vector<16x1xi32>
      %gather3A_2048 = vector.shape_cast %broadcast_in_dim3A_2047 : vector<16x1xi32> to vector<16xi32>
      %gather3A_2049 = tpu.dynamic_gather %mul3A_1553[%gather3A_2048] in [0] : vector<16xf32>, vector<16xi32> -> vector<16xf32>
      %eq3A_2050 = arith.constant 1 : i32
      %eq3A_2051 = vector.broadcast %eq3A_2050 : i32 to vector<16xi32>
      %eq3A_2052 = arith.cmpi eq, %sub3A_1998, %eq3A_2051 : vector<16xi32>
      %lt3A_2053 = arith.constant 0 : i32
      %lt3A_2054 = vector.broadcast %lt3A_2053 : i32 to vector<16xi32>
      %lt3A_2055 = arith.cmpi slt, %shift_right_logical3A_1994, %lt3A_2054 : vector<16xi32>
      %add3A_2056 = arith.constant 16 : i32
      %add3A_2057 = vector.broadcast %add3A_2056 : i32 to vector<16xi32>
      %add3A_2058 = arith.addi %shift_right_logical3A_1994, %add3A_2057 : vector<16xi32>
      %select_n3A_2059 = arith.select %lt3A_2055, %add3A_2058, %shift_right_logical3A_1994 : vector<16xi1>, vector<16xi32>
      %broadcast_in_dim3A_2060 = vector.shape_cast %select_n3A_2059 : vector<16xi32> to vector<16x1xi32>
      %gather3A_2061 = vector.shape_cast %broadcast_in_dim3A_2060 : vector<16x1xi32> to vector<16xi32>
      %gather3A_2062 = tpu.dynamic_gather %mul3A_1722[%gather3A_2061] in [0] : vector<16xf32>, vector<16xi32> -> vector<16xf32>
      %lt3A_2063 = arith.constant 0 : i32
      %lt3A_2064 = vector.broadcast %lt3A_2063 : i32 to vector<16xi32>
      %lt3A_2065 = arith.cmpi slt, %shift_right_logical3A_1994, %lt3A_2064 : vector<16xi32>
      %add3A_2066 = arith.constant 16 : i32
      %add3A_2067 = vector.broadcast %add3A_2066 : i32 to vector<16xi32>
      %add3A_2068 = arith.addi %shift_right_logical3A_1994, %add3A_2067 : vector<16xi32>
      %select_n3A_2069 = arith.select %lt3A_2065, %add3A_2068, %shift_right_logical3A_1994 : vector<16xi1>, vector<16xi32>
      %broadcast_in_dim3A_2070 = vector.shape_cast %select_n3A_2069 : vector<16xi32> to vector<16x1xi32>
      %gather3A_2071 = vector.shape_cast %broadcast_in_dim3A_2070 : vector<16x1xi32> to vector<16xi32>
      %gather3A_2072 = tpu.dynamic_gather %mul3A_1891[%gather3A_2071] in [0] : vector<16xf32>, vector<16xi32> -> vector<16xf32>
      %select_n3A_2073 = arith.select %eq3A_2052, %gather3A_2062, %gather3A_2072 : vector<16xi1>, vector<16xf32>
      %select_n3A_2074 = arith.select %eq3A_2039, %gather3A_2049, %select_n3A_2073 : vector<16xi1>, vector<16xf32>
      %lt3A_2075 = arith.constant 8 : i32
      %lt3A_2076 = vector.broadcast %lt3A_2075 : i32 to vector<16xi32>
      %lt3A_2077 = arith.cmpi slt, %shift_right_logical3A_1994, %lt3A_2076 : vector<16xi32>
      %select_n3A_2078 = arith.select %lt3A_2077, %select_n3A_2036, %select_n3A_2074 : vector<16xi1>, vector<16xf32>
      %mul3A_2079 = arith.constant 48 : i32
      %mul3A_2080 = arith.muli %scan3A_328, %mul3A_2079 : i32
      %add3A_2081 = arith.constant 16 : i32
      %add3A_2082 = arith.addi %mul3A_2080, %add3A_2081 : i32
      %swap3A_2083 = arith.index_cast %add3A_2082 : i32 to index
      %swap3A_2084 = tpu.vector_load %arg15[%swap3A_2083] {strides = array<i32>} : memref<1536xf32, #tpu.memory_space<vmem>>, vector<16xf32>,
      %swap3A_2085 = vector.shape_cast %swap3A_2084 : vector<16xf32> to vector<16xf32>
      %swap3A_2086 = vector.shape_cast %select_n3A_2078 : vector<16xf32> to vector<16xf32>
      tpu.vector_store %arg15[%swap3A_2083], %swap3A_2086 {strides = array<i32>} : memref<1536xf32, #tpu.memory_space<vmem>>, vector<16xf32>,
      %add3A_2087 = arith.constant 32 : i32
      %add3A_2088 = vector.broadcast %add3A_2087 : i32 to vector<16xi32>
      %add3A_2089 = arith.addi %iota3A, %add3A_2088 : vector<16xi32>
      %mul3A_2090 = arith.constant 21846 : i32
      %mul3A_2091 = vector.broadcast %mul3A_2090 : i32 to vector<16xi32>
      %mul3A_2092 = arith.muli %add3A_2089, %mul3A_2091 : vector<16xi32>
      %shift_right_logical3A_2093 = arith.shrui %mul3A_2092, %broadcast_in_dim3A_282 : vector<16xi32>
      %mul3A_2094 = arith.constant 3 : i32
      %mul3A_2095 = vector.broadcast %mul3A_2094 : i32 to vector<16xi32>
      %mul3A_2096 = arith.muli %shift_right_logical3A_2093, %mul3A_2095 : vector<16xi32>
      %sub3A_2097 = arith.subi %add3A_2089, %mul3A_2096 : vector<16xi32>
      %eq3A_2098 = arith.constant 0 : i32
      %eq3A_2099 = vector.broadcast %eq3A_2098 : i32 to vector<16xi32>
      %eq3A_2100 = arith.cmpi eq, %sub3A_2097, %eq3A_2099 : vector<16xi32>
      %lt3A_2101 = arith.constant 0 : i32
      %lt3A_2102 = vector.broadcast %lt3A_2101 : i32 to vector<16xi32>
      %lt3A_2103 = arith.cmpi slt, %shift_right_logical3A_2093, %lt3A_2102 : vector<16xi32>
      %add3A_2104 = arith.constant 16 : i32
      %add3A_2105 = vector.broadcast %add3A_2104 : i32 to vector<16xi32>
      %add3A_2106 = arith.addi %shift_right_logical3A_2093, %add3A_2105 : vector<16xi32>
      %select_n3A_2107 = arith.select %lt3A_2103, %add3A_2106, %shift_right_logical3A_2093 : vector<16xi1>, vector<16xi32>
      %broadcast_in_dim3A_2108 = vector.shape_cast %select_n3A_2107 : vector<16xi32> to vector<16x1xi32>
      %gather3A_2109 = vector.shape_cast %broadcast_in_dim3A_2108 : vector<16x1xi32> to vector<16xi32>
      %gather3A_2110 = tpu.dynamic_gather %mul3A_787[%gather3A_2109] in [0] : vector<16xf32>, vector<16xi32> -> vector<16xf32>
      %eq3A_2111 = arith.constant 1 : i32
      %eq3A_2112 = vector.broadcast %eq3A_2111 : i32 to vector<16xi32>
      %eq3A_2113 = arith.cmpi eq, %sub3A_2097, %eq3A_2112 : vector<16xi32>
      %lt3A_2114 = arith.constant 0 : i32
      %lt3A_2115 = vector.broadcast %lt3A_2114 : i32 to vector<16xi32>
      %lt3A_2116 = arith.cmpi slt, %shift_right_logical3A_2093, %lt3A_2115 : vector<16xi32>
      %add3A_2117 = arith.constant 16 : i32
      %add3A_2118 = vector.broadcast %add3A_2117 : i32 to vector<16xi32>
      %add3A_2119 = arith.addi %shift_right_logical3A_2093, %add3A_2118 : vector<16xi32>
      %select_n3A_2120 = arith.select %lt3A_2116, %add3A_2119, %shift_right_logical3A_2093 : vector<16xi1>, vector<16xi32>
      %broadcast_in_dim3A_2121 = vector.shape_cast %select_n3A_2120 : vector<16xi32> to vector<16x1xi32>
      %gather3A_2122 = vector.shape_cast %broadcast_in_dim3A_2121 : vector<16x1xi32> to vector<16xi32>
      %gather3A_2123 = tpu.dynamic_gather %mul3A_956[%gather3A_2122] in [0] : vector<16xf32>, vector<16xi32> -> vector<16xf32>
      %lt3A_2124 = arith.constant 0 : i32
      %lt3A_2125 = vector.broadcast %lt3A_2124 : i32 to vector<16xi32>
      %lt3A_2126 = arith.cmpi slt, %shift_right_logical3A_2093, %lt3A_2125 : vector<16xi32>
      %add3A_2127 = arith.constant 16 : i32
      %add3A_2128 = vector.broadcast %add3A_2127 : i32 to vector<16xi32>
      %add3A_2129 = arith.addi %shift_right_logical3A_2093, %add3A_2128 : vector<16xi32>
      %select_n3A_2130 = arith.select %lt3A_2126, %add3A_2129, %shift_right_logical3A_2093 : vector<16xi1>, vector<16xi32>
      %broadcast_in_dim3A_2131 = vector.shape_cast %select_n3A_2130 : vector<16xi32> to vector<16x1xi32>
      %gather3A_2132 = vector.shape_cast %broadcast_in_dim3A_2131 : vector<16x1xi32> to vector<16xi32>
      %gather3A_2133 = tpu.dynamic_gather %mul3A_1125[%gather3A_2132] in [0] : vector<16xf32>, vector<16xi32> -> vector<16xf32>
      %select_n3A_2134 = arith.select %eq3A_2113, %gather3A_2123, %gather3A_2133 : vector<16xi1>, vector<16xf32>
      %select_n3A_2135 = arith.select %eq3A_2100, %gather3A_2110, %select_n3A_2134 : vector<16xi1>, vector<16xf32>
      %eq3A_2136 = arith.constant 0 : i32
      %eq3A_2137 = vector.broadcast %eq3A_2136 : i32 to vector<16xi32>
      %eq3A_2138 = arith.cmpi eq, %sub3A_2097, %eq3A_2137 : vector<16xi32>
      %lt3A_2139 = arith.constant 0 : i32
      %lt3A_2140 = vector.broadcast %lt3A_2139 : i32 to vector<16xi32>
      %lt3A_2141 = arith.cmpi slt, %shift_right_logical3A_2093, %lt3A_2140 : vector<16xi32>
      %add3A_2142 = arith.constant 16 : i32
      %add3A_2143 = vector.broadcast %add3A_2142 : i32 to vector<16xi32>
      %add3A_2144 = arith.addi %shift_right_logical3A_2093, %add3A_2143 : vector<16xi32>
      %select_n3A_2145 = arith.select %lt3A_2141, %add3A_2144, %shift_right_logical3A_2093 : vector<16xi1>, vector<16xi32>
      %broadcast_in_dim3A_2146 = vector.shape_cast %select_n3A_2145 : vector<16xi32> to vector<16x1xi32>
      %gather3A_2147 = vector.shape_cast %broadcast_in_dim3A_2146 : vector<16x1xi32> to vector<16xi32>
      %gather3A_2148 = tpu.dynamic_gather %mul3A_1553[%gather3A_2147] in [0] : vector<16xf32>, vector<16xi32> -> vector<16xf32>
      %eq3A_2149 = arith.constant 1 : i32
      %eq3A_2150 = vector.broadcast %eq3A_2149 : i32 to vector<16xi32>
      %eq3A_2151 = arith.cmpi eq, %sub3A_2097, %eq3A_2150 : vector<16xi32>
      %lt3A_2152 = arith.constant 0 : i32
      %lt3A_2153 = vector.broadcast %lt3A_2152 : i32 to vector<16xi32>
      %lt3A_2154 = arith.cmpi slt, %shift_right_logical3A_2093, %lt3A_2153 : vector<16xi32>
      %add3A_2155 = arith.constant 16 : i32
      %add3A_2156 = vector.broadcast %add3A_2155 : i32 to vector<16xi32>
      %add3A_2157 = arith.addi %shift_right_logical3A_2093, %add3A_2156 : vector<16xi32>
      %select_n3A_2158 = arith.select %lt3A_2154, %add3A_2157, %shift_right_logical3A_2093 : vector<16xi1>, vector<16xi32>
      %broadcast_in_dim3A_2159 = vector.shape_cast %select_n3A_2158 : vector<16xi32> to vector<16x1xi32>
      %gather3A_2160 = vector.shape_cast %broadcast_in_dim3A_2159 : vector<16x1xi32> to vector<16xi32>
      %gather3A_2161 = tpu.dynamic_gather %mul3A_1722[%gather3A_2160] in [0] : vector<16xf32>, vector<16xi32> -> vector<16xf32>
      %lt3A_2162 = arith.constant 0 : i32
      %lt3A_2163 = vector.broadcast %lt3A_2162 : i32 to vector<16xi32>
      %lt3A_2164 = arith.cmpi slt, %shift_right_logical3A_2093, %lt3A_2163 : vector<16xi32>
      %add3A_2165 = arith.constant 16 : i32
      %add3A_2166 = vector.broadcast %add3A_2165 : i32 to vector<16xi32>
      %add3A_2167 = arith.addi %shift_right_logical3A_2093, %add3A_2166 : vector<16xi32>
      %select_n3A_2168 = arith.select %lt3A_2164, %add3A_2167, %shift_right_logical3A_2093 : vector<16xi1>, vector<16xi32>
      %broadcast_in_dim3A_2169 = vector.shape_cast %select_n3A_2168 : vector<16xi32> to vector<16x1xi32>
      %gather3A_2170 = vector.shape_cast %broadcast_in_dim3A_2169 : vector<16x1xi32> to vector<16xi32>
      %gather3A_2171 = tpu.dynamic_gather %mul3A_1891[%gather3A_2170] in [0] : vector<16xf32>, vector<16xi32> -> vector<16xf32>
      %select_n3A_2172 = arith.select %eq3A_2151, %gather3A_2161, %gather3A_2171 : vector<16xi1>, vector<16xf32>
      %select_n3A_2173 = arith.select %eq3A_2138, %gather3A_2148, %select_n3A_2172 : vector<16xi1>, vector<16xf32>
      %lt3A_2174 = arith.constant 8 : i32
      %lt3A_2175 = vector.broadcast %lt3A_2174 : i32 to vector<16xi32>
      %lt3A_2176 = arith.cmpi slt, %shift_right_logical3A_2093, %lt3A_2175 : vector<16xi32>
      %select_n3A_2177 = arith.select %lt3A_2176, %select_n3A_2135, %select_n3A_2173 : vector<16xi1>, vector<16xf32>
      %mul3A_2178 = arith.constant 48 : i32
      %mul3A_2179 = arith.muli %scan3A_328, %mul3A_2178 : i32
      %add3A_2180 = arith.constant 32 : i32
      %add3A_2181 = arith.addi %mul3A_2179, %add3A_2180 : i32
      %swap3A_2182 = arith.index_cast %add3A_2181 : i32 to index
      %swap3A_2183 = tpu.vector_load %arg15[%swap3A_2182] {strides = array<i32>} : memref<1536xf32, #tpu.memory_space<vmem>>, vector<16xf32>,
      %swap3A_2184 = vector.shape_cast %swap3A_2183 : vector<16xf32> to vector<16xf32>
      %swap3A_2185 = vector.shape_cast %select_n3A_2177 : vector<16xf32> to vector<16xf32>
      tpu.vector_store %arg15[%swap3A_2182], %swap3A_2185 {strides = array<i32>} : memref<1536xf32, #tpu.memory_space<vmem>>, vector<16xf32>,
    }
    %scan3A_325 = arith.constant 32 : i32
    %mul3A_326 = arith.constant 3 : i32
    %mul3A_327 = arith.muli %multiple_of3A, %mul3A_326 : i32
    "tpu.region"() ({
      %run_scoped3A = tpu.sem_alloc : memref<!tpu.dma_semaphore, #tpu.memory_space<semaphore_mem>>
      %dma_start3A_328 = tpu.memref_slice %arg8[%mul3A_327] : memref<49152xf32, #tpu.memory_space<hbm>> -> memref<1536xf32, #tpu.memory_space<hbm>>
      %dma_start3A_329 = tpu.memref_slice %arg8[%mul3A_327] : memref<49152xf32, #tpu.memory_space<hbm>> -> memref<1536xf32, #tpu.memory_space<hbm>>
      tpu.enqueue_dma source(%arg15 : memref<1536xf32, #tpu.memory_space<vmem>>) target(%dma_start3A_329 : memref<1536xf32, #tpu.memory_space<hbm>>) target_semaphore(%run_scoped3A : memref<!tpu.dma_semaphore, #tpu.memory_space<semaphore_mem>>)
      %dma_wait3A = tpu.memref_slice %arg8[%mul3A_327] : memref<49152xf32, #tpu.memory_space<hbm>> -> memref<1536xf32, #tpu.memory_space<hbm>>
      %dma_wait3A_330 = tpu.memref_slice %arg8[%mul3A_327] : memref<49152xf32, #tpu.memory_space<hbm>> -> memref<1536xf32, #tpu.memory_space<hbm>>
      tpu.wait_dma2 semaphore(%run_scoped3A : memref<!tpu.dma_semaphore, #tpu.memory_space<semaphore_mem>>) src(%arg15 : memref<1536xf32, #tpu.memory_space<vmem>>) dst(%dma_wait3A_330 : memref<1536xf32, #tpu.memory_space<hbm>>)
      tpu.yield
    }) : () -> ()
    return
  }
}

</mosaic_0001>

<sc_bundles>
// kernel: kernel.3.cloned.1.call-start
scs
__scs_entry_jumppad:
0x0: {  	(pc) =	sbr.rel $0x88, $3  }
0x1: {  	(tag) =	ssettag $0x0;
	lr =	simm.s32 $0x1  }
0x2: {  	[smem:$0x3F9B] =	sst lr;
	_ =	strace $0xD0000000  }
0x3: {  	_ = 	snop  }
0x4: {  	_ = 	snop  }
0x5: {  	_ = 	snop  }
0x6: {  	_ = 	snop  }
0x7: {  	_ = 	snop  }
__scs_overlays_trampoline_lowered:
0x8: {  	[smem:$0x3FAA] =	sst s0  }
0x9: {  	[smem:$0x3FAB] =	sst s1  }
0xa: {  	[smem:$0x3FAC] =	sst s2  }
0xb: {  	[smem:$0x3FAD] =	sst s3  }
0xc: {  	[smem:$0x3FAE] =	sst s4  }
0xd: {  	[smem:$0x3FAF] =	sst s5  }
0xe: {  	[smem:$0x3FB0] =	sst s6  }
0xf: {  	[smem:$0x3FB1] =	sst s7  }
0x10: {  	[smem:$0x3FB2] =	sst s8  }
0x11: {  	[smem:$0x3FB3] =	sst s9;
	s0 =	simm.s32 @!p0 $0x0  }
0x12: {  	s1 =	sld [smem:$0x3F99];
	s0 =	simm.s32 @p0 $0x1  }
0x13: {  	[smem:$0x3FB4] =	sst s0;
	s0 =	simm.s32 @!p1 $0x0  }
0x14: {  	s2 =	sld [smem:$0x3F98];
	s0 =	simm.s32 @p1 $0x1  }
0x15: {  	[smem:$0x3FB5] =	sst s0;
	s0 =	simm.s32 @!p2 $0x0  }
0x16: {  	s3 =	sld [smem:$0x3FDB];
	s0 =	simm.s32 @p2 $0x1  }
0x17: {  	s4 =	simm.s32 $0x1BF5;
	[smem:$0x3FB7] =	sst s0  }
0x18: {  	s0 =	sld [smem:$0x3F9A];
	_ =	swait.ge [sflag:s4], $0x0  }
0x19: {  	s7 =	sld [smem:$0x3F9B]  }
0x1a: {  	s8 =	sadd.s32 $0xFFFFE003, lr  }
0x1b: {  	s9 =	sadd.s32 $0xFFFFFEF7, lr;
	s5 =	simm.s32 $0xFFFFFFFF;
	p2 =	slt.u32 s8, $0xFFFFF086  }
0x1c: {  	p1 =	slt.u32 s9, $0xF7A;
	s5 =	simm.s32 @!p2 $0x0  }
0x1d: {  	s5 =	simm.s32 @p1 $0x1;
	p0 =	seq.s32 s7, s2  }
0x1e: {  	s7 =	smul.u32 @!p0 $0xF7A, s2;
	p2 =	seq.s32 @!p0 s5, $0x0  }
0x1f: {  	s9 =	smul.u32 $0xF7A, s1;
	s8 =	simm.s32 @!p0 $0x1BF5;
	p2 =	por !p2, p0  }
0x20: {  	[sflag:s8] =	ssyncset.s32 @!p0 $0xFFFFF086;
	s6 =	sadd.s32 @!p0 s3, s7;
	s7 =	simm.s32 @!p0 $0x108  }
0x21: {  	s3 =	sadd.s32 s3, s9;
	s6 =	sadd.s32 @!p0 $0x88, s6;
	s7 =	simm.s32 @p2 $0x1082  }
0x22: {  	[simem:s7], [sflag:s8] =	dma.local @!p0 [hbm:s6], $0xF7A  }
0x23: {  	s9 =	sor.u32 $0xD0000000, s2;
	s6 =	simm.s32 $0x108;
	_ =	swait.ge @!p0 [sflag:s8], $0x0  }
0x24: {  	s3 =	sadd.s32 $0x88, s3;
	s6 =	simm.s32 @!p1 $0x1082;
	[sflag:s4] =	ssyncset.s32 $0xFFFFF086  }
0x25: {  	[simem:s6], [sflag:s4] =	dma.local [hbm:s3], $0xF7A  }
0x26: {  	[smem:$0x3F9B] =	sst s1;
	(tag) =	ssettag s2;
	_ =	strace s9  }
0x27: {  	s1 =	sld [smem:$0x3FAB]  }
0x28: {  	s2 =	sld [smem:$0x3FAC]  }
0x29: {  	s4 =	sld [smem:$0x3FAE]  }
0x2a: {  	p0 =	seq.s32 s5, $0x0;
	s5 =	sld [smem:$0x3FAF]  }
0x2b: {  	s6 =	sld [smem:$0x3FB0]  }
0x2c: {  	s7 =	sld [smem:$0x3FB1]  }
0x2d: {  	s3 =	simm.s32 $0x108;
	s8 =	sld [smem:$0x3FB2]  }
0x2e: {  	s3 =	simm.s32 @!p0 $0x1082;
	s9 =	sld [smem:$0x3FB3]  }
0x2f: {  	lr =	sadd.s32 s0, s3;
	s0 =	sld [smem:$0x3FAA]  }
0x30: {  	s3 =	sld [smem:$0x3FAD]  }
0x31: {  	[smem:$0x3FB6] =	sst s10  }
0x32: {  	s10 =	sld [smem:$0x3FB4];
	_ =	sdelay $0x3  }
0x33: {  	p0 =	seq.s32 s10, $0x1;
	s10 =	sld [smem:$0x3FB6];
	_ =	sdelay $0x3  }
0x34: {  	[smem:$0x3FB6] =	sst s10  }
0x35: {  	s10 =	sld [smem:$0x3FB5];
	_ =	sdelay $0x3  }
0x36: {  	p1 =	seq.s32 s10, $0x1;
	s10 =	sld [smem:$0x3FB6];
	_ =	sdelay $0x3  }
0x37: {  	[smem:$0x3FB6] =	sst s10  }
0x38: {  	s10 =	sld [smem:$0x3FB7]  }
0x39: {  	_ = 	snop;
	(pc) =	sbr.ind lr, $3  }
0x3a: {  	_ = 	snop  }
0x3b: {  	_ = 	snop  }
0x3c: {  	p2 =	seq.s32 s10, $0x1;
	s10 =	sld [smem:$0x3FB6]  }
0x3d: {  	_ =	shalt  }
0x3e: {  	_ =	shalt  }
0x3f: {  	_ =	shalt  }
0x40: {  	_ =	shalt  }
0x41: {  	_ =	shalt  }
0x42: {  	_ =	shalt  }
0x43: {  	_ =	shalt  }
0x44: {  	_ =	shalt  }
0x45: {  	_ =	shalt  }
0x46: {  	_ =	shalt  }
0x47: {  	_ =	shalt  }
0x48: {  	_ =	shalt  }
0x49: {  	_ =	shalt  }
0x4a: {  	_ =	shalt  }
0x4b: {  	_ =	shalt  }
0x4c: {  	_ =	shalt  }
0x4d: {  	_ =	shalt  }
0x4e: {  	_ =	shalt  }
0x4f: {  	_ =	shalt  }
0x50: {  	_ =	shalt  }
0x51: {  	_ =	shalt  }
0x52: {  	_ =	shalt  }
0x53: {  	_ =	shalt  }
0x54: {  	_ =	shalt  }
0x55: {  	_ =	shalt  }
0x56: {  	_ =	shalt  }
0x57: {  	_ =	shalt  }
0x58: {  	_ =	shalt  }
0x59: {  	_ =	shalt  }
0x5a: {  	_ =	shalt  }
0x5b: {  	_ =	shalt  }
0x5c: {  	_ =	shalt  }
0x5d: {  	_ =	shalt  }
0x5e: {  	_ =	shalt  }
0x5f: {  	_ =	shalt  }
0x60: {  	_ =	shalt  }
0x61: {  	_ =	shalt  }
0x62: {  	_ =	shalt  }
0x63: {  	_ =	shalt  }
0x64: {  	_ =	shalt  }
0x65: {  	_ =	shalt  }
0x66: {  	_ =	shalt  }
0x67: {  	_ =	shalt  }
0x68: {  	_ =	shalt  }
0x69: {  	_ =	shalt  }
0x6a: {  	_ =	shalt  }
0x6b: {  	_ =	shalt  }
0x6c: {  	_ =	shalt  }
0x6d: {  	_ =	shalt  }
0x6e: {  	_ =	shalt  }
0x6f: {  	_ =	shalt  }
0x70: {  	_ =	shalt  }
0x71: {  	_ =	shalt  }
0x72: {  	_ =	shalt  }
0x73: {  	_ =	shalt  }
0x74: {  	_ =	shalt  }
0x75: {  	_ =	shalt  }
0x76: {  	_ =	shalt  }
0x77: {  	_ =	shalt  }
0x78: {  	_ =	shalt  }
0x79: {  	_ =	shalt  }
0x7a: {  	_ =	shalt  }
0x7b: {  	_ =	shalt  }
0x7c: {  	_ =	shalt  }
0x7d: {  	_ =	shalt  }
0x7e: {  	_ =	shalt  }
0x7f: {  	_ =	shalt  }
0x80: {  	_ =	shalt  }
0x81: {  	_ =	shalt  }
0x82: {  	_ =	shalt  }
0x83: {  	_ =	shalt  }
0x84: {  	_ =	shalt  }
0x85: {  	_ =	shalt  }
0x86: {  	_ =	shalt  }
0x87: {  	_ =	shalt  }
.Lfunc_end0:
.L_simem_size_0:
called_computation_lowered:
.L_overlay_start_0:
0x88: {  	s2 =	sld [smem:$0x3FD9]  }
0x89: {  	s3 =	sld [smem:$0x3FFE];
	_ =	sdelay $0x1  }
0x8a: {  	s1 =	srdreg.scid  }
0x8b: {  	s0 =	sand.u32 $0x1, s1  }
0x8c: {  	s18 =	sshll.u32 s0, $0xA;
	s2 =	sadd.s32 s3, s2  }
0x8d: {  	s2 =	sadd.s32 s2, s18  }
0x8e: {  	[smem:$0x3FC2] =	sst s2  }
0x8f: {  	_ = 	snop  }
0x90: {  	s2 =	sld [smem:$0x3FC9]  }
0x91: {  	s19 =	sld [smem:$0x3FC8]  }
0x92: {  	s4 =	sld [smem:$0x3FC7]  }
0x93: {  	s5 =	sld [smem:$0x3FC6]  }
0x94: {  	s6 =	sld [smem:$0x3FC5]  }
0x95: {  	s7 =	sld [smem:$0x3FC4]  }
0x96: {  	s8 =	sld [smem:$0x3FD0];
	(tm) =	ssettm $0x1  }
0x97: {  	s9 =	sld [smem:$0x3FFB];
	_ =	sdelay $0x3  }
0x98: {  	_ =	strace s9  }
0x99: {  	s9 =	sld [smem:$0x3FFC];
	_ =	sdelay $0x3  }
0x9a: {  	_ =	strace s9  }
0x9b: {  	s9 =	sld [smem:$0x3FFD];
	_ =	sdelay $0x3  }
0x9c: {  	_ =	strace s9  }
0x9d: {  	_ =	strace $0x8FFFFFFF  }
0x9e: {  	s20 =	sld [smem:$0x3FDB];
	_ =	sdelay $0x1  }
0x9f: {  	s10 =	simm.s32 $_scs_section_size  }
0xa0: {  	s11 =	simm.s32 $_size__tile_overlayer_lowered;
	s12 =	simm.s32 $_tile_overlayer_lowered  }
0xa1: {  	s23 =	simm.s32 $0x1BFF;
	s22 =	sshll.u32 s12, $0x1;
	s9 =	sadd.s32 s10, s20  }
0xa2: {  	s13 =	simm.s32 $0x0;
	s21 =	sshll.u32 s11, $0x1;
	s11 =	sadd.s32 s22, s9  }
0xa3: {  	[timem:s13], [sflag:s23] =	dma.local [hbm:s11], s21  }
0xa4: {  	_ =	swait.ge [sflag:s23], s21  }
0xa5: {  	s10 =	ssub.s32 $0x0, s21;
	[sflag:s23] =	ssyncset.done $0x0  }
0xa6: {  	[sflag:s23] =	ssyncadd.s32 s10;
	_ =	sdelay $0x1  }
0xa7: {  	s24 =	simm.s32 $0x1B8B  }
0xa8: {  	_ =	swait.ge [sflag:s24], $0x1  }
0xa9: {  	[sflag:s24] =	ssyncset.done $0x0  }
0xaa: {  	s25 =	simm.s32 $0x1B8E;
	[sflag:s24] =	ssyncadd.s32 $0xFFFFFFFF  }
0xab: {  	s26 =	simm.s32 $execute0_lowered;
	[smem:$0x3FD2] =	sst s25  }
0xac: {  	s10 =	sshll.u32 s26, $0x1;
	_ =	strace $0x80000046;
	[dreg:$0x1] =	wrdreg $0xFFFFFFFF  }
0xad: {  	s28 =	simm.s32 $_size_execute0_lowered;
	s9 =	sadd.s32 s9, s10;
	[dreg:$0x0] =	wrdreg $0x0  }
0xae: {  	s10 =	sshll.u32 s28, $0x1;
	[dreg:$0x2] =	wrdreg s9  }
0xaf: {  	[dreg:$0x3] =	wrdreg s10  }
0xb0: {  	[dreg:$0x4] =	wrdreg $0xC0  }
0xb1: {  	_ =	task [dreg:s13], $0x5FFFF  }
0xb2: {  	[dreg:$0x1] =	wrdreg $0xFFFFFFFF  }
0xb3: {  	[dreg:$0x0] =	wrdreg $0x60  }
0xb4: {  	[dreg:$0x2] =	wrdreg s2  }
0xb5: {  	[dreg:$0x3] =	wrdreg s19  }
0xb6: {  	[dreg:$0x4] =	wrdreg s4  }
0xb7: {  	[dreg:$0x5] =	wrdreg s5  }
0xb8: {  	[dreg:$0x6] =	wrdreg s6  }
0xb9: {  	[dreg:$0x7] =	wrdreg s7  }
0xba: {  	[dreg:$0x8] =	wrdreg s8  }
0xbb: {  	[dreg:$0x9] =	wrdreg $0x9  }
0xbc: {  	_ =	task.clear_ibuf [dreg:s13], $0xAFFFF;
	_ =	strace $0x90000046  }
0xbd: {  	s29 =	simm.s32 $0x9;
	_ =	strace $0x80000048  }
0xbe: {  	_ =	swait.ge [sflag:s29], $0x1  }
0xbf: {  	[sflag:s29] =	ssyncadd.s32 $0xFFFFFFFF  }
0xc0: {  	_ =	strace $0x90000048  }
0xc1: {  	_ =	sfence  }
0xc2: {  	s30 =	sld [smem:$0x0];
	_ =	sdelay $0x2  }
0xc3: {  	s31 =	sshll.u32 s1, $0xD;
	s1 =	sshrl.u32 s1, $0x2  }
0xc4: {  	s3 =	sand.u32 $0x4000, s31;
	s1 =	sadd.s32 s1, s30  }
0xc5: {  	s0 =	sor.u32 s3, s0;
	s1 =	sshll.u32 s1, $0x11  }
0xc6: {  	s0 =	sor.u32 s1, s0  }
0xc7: {  	s0 =	sadd.s32 $0x8F2B, s0  }
0xc8: {  	[sflag:s0] =	ssyncadd.remote.s32 $0x1  }
0xc9: {  	_ =	sfence.sel $0xFFFF  }
0xca: {  	[dreg:$0x0] =	wrdreg $0xFFFFFFFF;
	(pc) =	sbr.abs _section_cstart, $3  }
0xcb: {  	[dreg:$0x1] =	wrdreg $0xFFFFFFFF  }
0xcc: {  	_ =	task.clear_ibuf [dreg:s13], $0x2FFFF;
	_ =	strace $0x9FFFFFFF  }
0xcd: {  	(tm) =	ssettm $0x7FFFFFFF  }
tec
execute0_lowered:
.L_overlay_start_1:
0x0: {  	(tag) =	ssettag $0x1  }
0x1: {  	v0 =	vimm.s32 $0xFEDCBA98;
	v1 =	vimm.s32 $0x76543210  }
0x2: {  	v2 =	vimm.s32 $0xBA98FEDC;
	v3 =	vimm.s32 $0x32107654;
	v4 =	vimm.s32 $0xDCFE98BA  }
0x3: {  	v5 =	vimm.s32 $0x54761032;
	v6 =	vimm.s32 $0xEFCDAB89;
	v7 =	vimm.s32 $0x67452301  }
0x4: {  	v54 =	vlaneseq.u32;
	vm6 =	vcmask $0xB08;
	vm0 =	vcmask $0x300  }
0x5: {  	vm2 =	vcmask $0x1310;
	vm7 =	vcmask $0x2320;
	vm3 =	vcmask $0x2B28  }
0x6: {  	v57 =	vimm.s32 $0xFEA540;
	vm4 =	vcmask $0x1710;
	vm8 =	vcmask $0x700  }
0x7: {  	vm11 =	vcmask $0x2720;
	vm12 =	vcmask $0x3B38;
	vm10 =	vcmask $0x3730  }
0x8: {  	vm9 =	vcmask $0x2F20;
	vm5 =	vcmask $0xF00;
	vm13 =	vcmask $0x1714  }
0x9: {  	v58 =	vimm.s32 $0x77766655;
	vm14 =	vcmask $0x2F00;
	v8 =	vimm.s32 $0x9080808  }
0xa: {  	v9 =	vimm.s32 $0xDCCCBBBA;
	v62 =	vimm.s32 $0xE0E0D0D;
	v0 =	vunpack.c.l.s4.s8 v0  }
0xb: {  	v1 =	vunpack.c.l.s4.s8 v1;
	v2 =	vunpack.c.l.s4.s8 v2;
	v3 =	vunpack.c.l.s4.s8 v3  }
0xc: {  	v4 =	vunpack.c.l.s4.s8 v4;
	v5 =	vunpack.c.l.s4.s8 v5;
	v6 =	vunpack.c.l.s4.s8 v6  }
0xd: {  	v7 =	vunpack.c.l.s4.s8 v7;
	v55 =	vand.u32 $0x7, v54;
	vm1 =	vmor vm0, vm6  }
0xe: {  	vm4 =	vmor vm8, vm4;
	vm5 =	vmor vm5, vm9;
	vm6 =	vmor vm6, vm13  }
0xf: {  	vm13 =	vcmask $0x3B30;
	v8 =	vunpack.c.0.s8.s32 v8;
	v60 =	vunpack.c.l.s4.s8 v9  }
0x10: {  	v9 =	vunpack.c.0.s8.s32 v62;
	vm2 =	vmor vm1, vm2;
	vm1 =	vcmask $0x1B18  }
0x11: {  	vm4 =	vmor vm4, vm11;
	vm6 =	vmor vm6, vm7;
	v0 =	vunpack.c.0.s8.s32 v0  }
0x12: {  	v2 =	vunpack.c.0.s8.s32 v2;
	v3 =	vunpack.c.0.s8.s32 v3;
	v4 =	vunpack.c.0.s8.s32 v4  }
0x13: {  	v5 =	vunpack.c.0.s8.s32 v5;
	v6 =	vunpack.c.0.s8.s32 v6;
	v7 =	vunpack.c.0.s8.s32 v7  }
0x14: {  	v1 =	vunpack.c.0.s8.s32 v1;
	vm2 =	vmor vm2, vm1;
	vm4 =	vmor vm4, vm10  }
0x15: {  	vm2 =	vmor vm2, vm7;
	vm7 =	vcmask $0x2F2C;
	v2 =	vcombine.low v3, v2  }
0x16: {  	v0 =	vand.u32 $0xF, v0;
	v49 =	vcombine.low v5, v4;
	v50 =	vcombine.low v7, v6  }
0x17: {  	v5 =	vshrl.u32 v54, $0x3;
	vm3 =	vmor vm2, vm3;
	vm2 =	vcmask $0x3330  }
0x18: {  	v6 =	vunpack.c.l.s2.s4 v57;
	v7 =	vunpack.c.l.s4.s8 v58;
	vm6 =	vmor vm6, vm7  }
0x19: {  	s0 =	rddreg [dreg:$0x0];
	vm7 =	vcmask $0xF0C;
	v0 =	vcombine.low v0, v1;
	v56 =	vmul.u32 $0x8, v5  }
0x1a: {  	s1 =	rddreg [dreg:$0x1];
	vm3 =	vmor vm3, vm2;
	v6 =	vunpack.c.l.s4.s8 v6;
	v7 =	vunpack.c.0.s8.s32 v7  }
0x1b: {  	s2 =	rddreg [dreg:$0x2];
	vm6 =	vmor vm6, vm12;
	v51 =	vand.u32 $0xF, v2;
	vm3 =	vmor vm3, vm12  }
0x1c: {  	s3 =	rddreg [dreg:$0x5];
	vm12 =	vcmask $0x1F00;
	v6 =	vunpack.c.0.s8.s32 v6;
	v7 =	vand.u32 $0xF, v7  }
0x1d: {  	s4 =	rddreg [dreg:$0x6];
	s5 =	srdreg.scid;
	v52 =	vand.u32 $0xF, v49;
	v53 =	vand.u32 $0xF, v50;
	v7 =	vnsel vm12, $0xA, v7  }
0x1e: {  	s7 =	simm.s32 $0x0;
	s8 =	stileid.u32;
	s17 =	simm.s32 $0x3;
	v6 =	vand.u32 $0x3, v6;
	v7 =	vsel vm9, v8, v7;
	v8 =	vunpack.c.0.s8.s32 v60  }
0x1f: {  	s28 =	simm.s32 $0x4A00;
	s29 =	simm.s32 $0x5200;
	s30 =	simm.s32 $0x5A00;
	v6 =	vnsel vm14, $0x5, v6;
	v61 =	vsel vm10, $0x9, v7;
	vm14 =	vcmask $0x130C  }
0x20: {  	s31 =	simm.s32 $0x8200;
	s18 =	simm.s32 $0x0;
	s5 =	sand.u32 $0x1, s5;
	[tilespmem:$0x1FFB0] =	vst v55;
	v59 =	vsel vm13, $0x4, v6;
	vm13 =	vcmask $0x33C;
	vm8 =	vmor vm8, vm14  }
0x21: {  	s8 =	sshll.u32 s8, $0xA;
	[smem:$0x7FF] =	sst s7;
	s10 =	sadd.s32 $0x100, s2;
	[tilespmem:$0x1FF70] =	vst v0;
	vm14 =	vcmask $0x1F18;
	v8 =	vand.u32 $0xF, v8;
	vm13 =	vmor vm13, vm7  }
0x22: {  	s11 =	sadd.s32 $0x200, s2;
	s6 =	ssub.s32 $0x2, s5;
	s5 =	sshll.u32 s5, $0x9;
	[tilespmem:$0x1FF80] =	vst v51;
	vm8 =	vmor vm8, vm14;
	vm14 =	vcmask $0x2B24;
	v8 =	vnsel vm12, $0xF, v8  }
0x23: {  	s12 =	sadd.s32 $0x300, s2;
	s9 =	sshrl.u32 s6, $0x1;
	s8 =	sor.u32 s5, s8;
	[tilespmem:$0x1FF90] =	vst v52;
	vm12 =	vcmask $0x338;
	vm14 =	vmor vm14, vm10;
	vm10 =	vcmask $0xF08  }
0x24: {  	s5 =	simm.s32 $0xC200;
	s23 =	ssub.s32 s6, s9;
	s24 =	sshrl.u32 s8, $0x3;
	[tilespmem:$0x1FFA0] =	vst v53;
	v8 =	vsel vm9, v9, v8;
	vm10 =	vmor vm12, vm10;
	vm12 =	vcmask $0x1B14  }
0x25: {  	s25 =	smul.u32 $0x3, s8;
	s26 =	sshll.u32 s8, $0x7;
	s6 =	simm.s32 $0x1;
	[tilespmem:$0x1FFC0] =	vst v56;
	vm13 =	vmor vm13, vm1;
	v63 =	vsel vm2, $0xE, v8;
	vm12 =	vmor vm10, vm12  }
0x26: {  	s9 =	sadd.s32 s3, s24;
	s13 =	sadd.s32 s0, s26;
	s14 =	sadd.s32 s1, s26;
	[tilespmem:$0x1FFD0] =	vst v59;
	vm10 =	vcmask $0x2724;
	vm11 =	vmor vm12, vm11;
	vm12 =	vcmask $0x332C  }
0x27: {  	s16 =	smax.u32 s23, $0x1;
	s3 =	sshrl.u32 s25, $0x3;
	_ =	strace $0x80000047;
	[tilespmem:$0x1FFE0] =	vst v61;
	vm13 =	vmor vm13, vm10;
	vm11 =	vmor vm11, vm12;
	vm12 =	vcmask $0x3F3C  }
0x28: {  	s26 =	simm.s32 $0x4200;
	s15 =	sadd.s32 s4, s3;
	s3 =	simm.s32 $0x2;
	vm9 =	vmmov $0xffff;
	[tilespmem:$0x1FFF0] =	vst v63;
	vm13 =	vmor vm13, vm2;
	vm14 =	vmor vm14, vm12  }
.LBB2_1:
0x29: {  	[tilespmem:s7], [sflag:$0x3] =	stream.linear.gather [hbm4b:s9+s7], $0x200, $0x38;
	[tilespmem:$0xE800] =	vst v63  }
0x2a: {  	_ =	swait.ge [sflag:s17], $0x200  }
0x2b: {  	[sflag:s17] =	ssyncset.done $0x0  }
0x2c: {  	[sflag:s17] =	ssyncadd.s32 $0xFFFFFE00  }
0x2d: {  	s19 =	simm.s32 $0x200;
	s4 =	rddreg [dreg:$0x3]  }
0x2e: {  	[tilespmem:s19], [sflag:$0x3] =	stream.linear.gather [hbm4b:s4+s7], $0x1000, $0x38;
	[tilespmem:$0xE800] =	vst v63  }
0x2f: {  	_ =	swait.ge [sflag:s17], $0x1000  }
0x30: {  	[sflag:s17] =	ssyncset.done $0x0  }
0x31: {  	[sflag:s17] =	ssyncadd.s32 $0xFFFFF000  }
0x32: {  	s21 =	simm.s32 $0x1200;
	s20 =	rddreg [dreg:$0x4]  }
0x33: {  	[tilespmem:s21], [sflag:$0x3] =	stream.linear.gather [hbm4b:s20+s7], $0x1000, $0x38;
	[tilespmem:$0xE800] =	vst v63  }
0x34: {  	_ =	swait.ge [sflag:s17], $0x1000  }
0x35: {  	s22 =	sand.u32 $0x70, s7;
	s23 =	sand.u32 $0xE00, s7;
	[sflag:s17] =	ssyncset.done $0x0  }
0x36: {  	s20 =	sor.u32 s22, s23;
	[sflag:s17] =	ssyncadd.s32 $0xFFFFF000  }
0x37: {  	v9 =	vld [tilespmem:s20+$0x200]  }
0x38: {  	v10 =	vld [tilespmem:s20+$0x280]  }
0x39: {  	v12 =	vld [tilespmem:s20+$0x300]  }
0x3a: {  	v14 =	vld [tilespmem:s20+$0x1200]  }
0x3b: {  	v13 =	vld [tilespmem:s20+$0x1280]  }
0x3c: {  	s24 =	simm.s32 $0x10;
	s21 =	simm.s32 $0x40;
	v11 =	vld [tilespmem:s20+$0x1300];
	v9 =	vadd.f32 v9, v9  }
0x3d: {  	s4 =	sand.u32 $0x70, s24;
	s25 =	sand.u32 $0xE00, s21;
	v15 =	vadd.f32 v10, v10  }
0x3e: {  	s19 =	sor.u32 s4, s25;
	v10 =	vimm.f32 $0.0e+00;
	v16 =	vadd.f32 v12, v12;
	[tilespmem:s20+$0x200] =	vst v9  }
0x3f: {  	s22 =	simm.s32 $0x20;
	v12 =	vimm.f32 $0.0e+00;
	[tilespmem:s20+$0x280] =	vst v15;
	v15 =	vmul.f32 v14, v14;
	v14 =	vimm.f32 $0.0e+00;
	v9 =	vld [tilespmem:s19+$0x200]  }
.LBB2_2:
0x40: {  	p0 =	sne.s32 s22, $0x3F0;
	v17 =	vld [tilespmem:s19+$0x280];
	[tilespmem:s20+$0x300] =	vst v16;
	v13 =	vmul.f32 v13, v13;
	s20 =	smov.u32 s19  }
0x41: {  	v16 =	vld [tilespmem:s20+$0x300];
	v10 =	vadd.f32 v15, v10;
	v11 =	vmul.f32 v11, v11  }
0x42: {  	v15 =	vld [tilespmem:s20+$0x1200];
	v14 =	vadd.f32 v13, v14  }
.Ltmp0:
0x43: {  	v13 =	vld [tilespmem:s20+$0x1280];
	v12 =	vadd.f32 v11, v12;
	(pc) =	sbr.rel @p0 .LBB2_2-.Ltmp0, $4  }
0x44: {  	s21 =	sadd.s32 $0x40, s21;
	v9 =	vadd.f32 v9, v9;
	v11 =	vld [tilespmem:s20+$0x1300]  }
0x45: {  	s4 =	sand.u32 $0x70, s22;
	s19 =	sand.u32 $0xE00, s21;
	v17 =	vadd.f32 v17, v17  }
0x46: {  	s19 =	sor.u32 s4, s19;
	[tilespmem:s20+$0x200] =	vst v9;
	v16 =	vadd.f32 v16, v16  }
0x47: {  	s22 =	sadd.s32 $0x10, s22;
	v9 =	vld [tilespmem:s19+$0x200];
	[tilespmem:s20+$0x280] =	vst v17;
	v15 =	vmul.f32 v15, v15  }
0x48: {  	[tilespmem:s20+$0x300] =	vst v16  }
0x49: {  	v16 =	vld [tilespmem:s19+$0x1200];
	_ =	sdelay $0x1  }
0x4a: {  	v17 =	vld [tilespmem:s19+$0x1280]  }
0x4b: {  	v0 =	vld [tilespmem:$0x1FF70]  }
0x4c: {  	v18 =	vld [tilespmem:s19+$0x1300]  }
0x4d: {  	v13 =	vmul.f32 v13, v13;
	v10 =	vadd.f32 v15, v10;
	v15 =	vmul.f32 v16, v16  }
0x4e: {  	v11 =	vmul.f32 v11, v11  }
0x4f: {  	v13 =	vadd.f32 v13, v14;
	v14 =	vmul.f32 v17, v17;
	v10 =	vadd.f32 v15, v10  }
0x50: {  	v1 =	vld [tilespmem:$0x1FF80];
	v11 =	vadd.f32 v11, v12  }
0x51: {  	v12 =	vmul.f32 v18, v18;
	v13 =	vadd.f32 v14, v13;
	v14 =	vperm.xlane v10, v0;
	_ =	sdelay $0x1  }
0x52: {  	v11 =	vadd.f32 v12, v11;
	v12 =	vperm.xlane v13, v0;
	v10 =	vadd.f32 v14, v10  }
0x53: {  	v54 =	vld [tilespmem:$0x1FF90]  }
0x54: {  	v12 =	vadd.f32 v12, v13;
	v13 =	vperm.xlane v11, v0;
	v14 =	vperm.xlane v10, v1;
	_ =	sdelay $0x1  }
0x55: {  	v11 =	vadd.f32 v13, v11;
	v10 =	vadd.f32 v14, v10;
	v14 =	vperm.xlane v12, v1  }
0x56: {  	v55 =	vld [tilespmem:$0x1FFA0]  }
0x57: {  	v13 =	vperm.xlane v10, v54;
	v12 =	vadd.f32 v14, v12;
	v14 =	vperm.xlane v11, v1;
	_ =	sdelay $0x1  }
0x58: {  	v10 =	vadd.f32 v13, v10;
	v13 =	vperm.xlane v12, v54;
	v11 =	vadd.f32 v14, v11;
	_ =	sdelay $0x1  }
0x59: {  	v14 =	vperm.xlane v10, v55;
	v12 =	vadd.f32 v13, v12;
	v13 =	vperm.xlane v11, v54;
	_ =	sdelay $0x1  }
0x5a: {  	v10 =	vadd.f32 v14, v10;
	v14 =	vperm.xlane v12, v55;
	v11 =	vadd.f32 v13, v11;
	_ =	sdelay $0x1  }
0x5b: {  	v13 =	vshra.s32 v10, $0x1;
	v12 =	vadd.f32 v14, v12;
	v14 =	vperm.xlane v11, v55  }
0x5c: {  	v10 =	vmul.f32 $5.000000000e-01, v10;
	v13 =	vsub.s32 $0x5F3759DF, v13  }
0x5d: {  	v15 =	vshra.s32 v12, $0x1;
	v12 =	vmul.f32 $5.000000000e-01, v12;
	v11 =	vadd.f32 v14, v11  }
0x5e: {  	v14 =	vmul.f32 v13, v10;
	v15 =	vsub.s32 $0x5F3759DF, v15  }
0x5f: {  	v56 =	vmul.f32 v15, v12;
	v57 =	vshra.s32 v11, $0x1;
	v11 =	vmul.f32 $5.000000000e-01, v11  }
0x60: {  	v14 =	vmul.f32 v13, v14;
	v17 =	vsub.s32 $0x5F3759DF, v57  }
0x61: {  	v16 =	vmul.f32 v15, v56;
	v58 =	vmul.f32 v17, v11  }
0x62: {  	v14 =	vsub.f32 $1.500000000e+00, v14  }
0x63: {  	v16 =	vsub.f32 $1.500000000e+00, v16;
	v18 =	vmul.f32 v17, v58  }
0x64: {  	v13 =	vmul.f32 v13, v14  }
0x65: {  	v14 =	vmul.f32 v15, v16;
	v15 =	vsub.f32 $1.500000000e+00, v18  }
0x66: {  	v59 =	vmul.f32 v13, v10  }
0x67: {  	v15 =	vmul.f32 v17, v15  }
0x68: {  	v60 =	vmul.f32 v14, v12;
	v16 =	vmul.f32 v59, v13  }
0x69: {  	v19 =	vld [tilespmem:s19+$0x300];
	v20 =	vmul.f32 v15, v11  }
0x6a: {  	v61 =	vld [tilespmem:s19+$0x280];
	v18 =	vmul.f32 v60, v14;
	v16 =	vsub.f32 $1.500000000e+00, v16  }
0x6b: {  	v20 =	vmul.f32 v20, v15  }
0x6c: {  	v9 =	vadd.f32 v9, v9;
	v18 =	vsub.f32 $1.500000000e+00, v18;
	v13 =	vmul.f32 v16, v13  }
0x6d: {  	v63 =	vsub.f32 $1.500000000e+00, v20  }
0x6e: {  	[tilespmem:s19+$0x200] =	vst v9;
	v9 =	vadd.f32 v19, v19;
	v14 =	vmul.f32 v18, v14;
	v10 =	vmul.f32 v13, v10  }
0x6f: {  	s4 =	simm.s32 $0x0;
	v62 =	vadd.f32 v61, v61;
	v15 =	vmul.f32 v63, v15  }
0x70: {  	s24 =	sand.u32 $0x70, s4;
	s4 =	sand.u32 $0xE00, s4;
	[tilespmem:s19+$0x300] =	vst v9;
	v12 =	vmul.f32 v14, v12;
	v9 =	vmul.f32 v10, v13  }
0x71: {  	[tilespmem:s19+$0x280] =	vst v62;
	s19 =	sor.u32 s24, s4;
	v11 =	vmul.f32 v15, v11  }
0x72: {  	v10 =	vmul.f32 v12, v14;
	v12 =	vld [tilespmem:s19+$0x1200];
	v9 =	vsub.f32 $1.500000000e+00, v9  }
0x73: {  	v16 =	vld [tilespmem:s19+$0x1280];
	v11 =	vmul.f32 v11, v15  }
0x74: {  	v10 =	vsub.f32 $1.500000000e+00, v10;
	v9 =	vmul.f32 v9, v13;
	v13 =	vld [tilespmem:s19+$0x1300]  }
0x75: {  	v11 =	vsub.f32 $1.500000000e+00, v11  }
0x76: {  	v10 =	vmul.f32 v10, v14  }
0x77: {  	s25 =	simm.s32 $0x10;
	s20 =	simm.s32 $0x40;
	v12 =	vmul.f32 v12, v9;
	v11 =	vmul.f32 v11, v15  }
0x78: {  	s21 =	sand.u32 $0xE00, s20;
	s4 =	sand.u32 $0x70, s25;
	v14 =	vmul.f32 v16, v10  }
0x79: {  	s21 =	sor.u32 s4, s21;
	[tilespmem:s19+$0x1200] =	vst v12;
	v13 =	vmul.f32 v13, v11  }
0x7a: {  	s22 =	simm.s32 $0x20;
	v12 =	vld [tilespmem:s21+$0x1200];
	[tilespmem:s19+$0x1280] =	vst v14  }
.LBB2_4:
0x7b: {  	p0 =	sne.s32 s22, $0x3F0;
	v14 =	vld [tilespmem:s21+$0x1280];
	[tilespmem:s19+$0x1300] =	vst v13;
	s19 =	smov.u32 s21  }
0x7c: {  	v13 =	vld [tilespmem:s19+$0x1300];
	_ =	sdelay $0x1  }
.Ltmp1:
0x7d: {  	(pc) =	sbr.rel @p0 .LBB2_4-.Ltmp1, $4  }
0x7e: {  	s20 =	sadd.s32 $0x40, s20;
	v12 =	vmul.f32 v12, v9  }
0x7f: {  	s4 =	sand.u32 $0x70, s22;
	s21 =	sand.u32 $0xE00, s20;
	v14 =	vmul.f32 v14, v10  }
0x80: {  	s21 =	sor.u32 s4, s21;
	[tilespmem:s19+$0x1200] =	vst v12;
	v13 =	vmul.f32 v13, v11  }
0x81: {  	s22 =	sadd.s32 $0x10, s22;
	v12 =	vld [tilespmem:s21+$0x1200];
	[tilespmem:s19+$0x1280] =	vst v14  }
0x82: {  	v14 =	vld [tilespmem:s21+$0x1280];
	[tilespmem:s19+$0x1300] =	vst v13  }
0x83: {  	v13 =	vld [tilespmem:s21+$0x1300];
	_ =	sdelay $0x2  }
0x84: {  	v9 =	vmul.f32 v12, v9  }
0x85: {  	v10 =	vmul.f32 v14, v10  }
0x86: {  	[tilespmem:s21+$0x1200] =	vst v9;
	v61 =	vmul.f32 v13, v11  }
0x87: {  	[tilespmem:s21+$0x1280] =	vst v10  }
0x88: {  	[tilespmem:s21+$0x1300] =	vst v61  }
0x89: {  	v9 =	vld.msk [tilespmem:$0x0], $0xff;
	_ =	sdelay $0x2  }
0x8a: {  	v0 =	vld [tilespmem:$0x1FFB0];
	_ =	sdelay $0x1  }
0x8b: {  	v63 =	vld [tilespmem:$0x1FFC0];
	v62 =	vshll.u32 v9, $0x3  }
0x8c: {  	v9 =	vand.u32 $0x7, v9;
	v10 =	vand.u32 $0xFFFFFFC0, v62  }
0x8d: {  	v9 =	vor.u32 v9, v10  }
0x8e: {  	v9 =	vperm.xlane v9, v0;
	_ =	sdelay $0x1  }
0x8f: {  	v9 =	vadd.s32 v63, v9;
	_ =	sdelay $0x3  }
0x90: {  	s19 =	simm.s32 $0x0;
	s4 =	simm.s32 $0x2200  }
0x91: {  	[tilespmem:s4], [sflag:$0x1] =	stream.indirect_vreg.gather [hbm4b:s2+s19], $0x80, v9, vm9, $0xb8;
	[tilespmem:$0xE800] =	vst v63  }
0x92: {  	s21 =	simm.s32 $0x2A00  }
0x93: {  	[tilespmem:s21], [sflag:$0x1] =	stream.indirect_vreg.gather [hbm4b:s10+s19], $0x80, v9, vm9, $0xb8;
	[tilespmem:$0xE800] =	vst v63  }
0x94: {  	s22 =	simm.s32 $0x3200  }
0x95: {  	[tilespmem:s22], [sflag:$0x1] =	stream.indirect_vreg.gather [hbm4b:s11+s19], $0x80, v9, vm9, $0xb8;
	[tilespmem:$0xE800] =	vst v63  }
0x96: {  	s23 =	simm.s32 $0x3A00  }
0x97: {  	[tilespmem:s23], [sflag:$0x1] =	stream.indirect_vreg.gather [hbm4b:s12+s19], $0x80, v9, vm9, $0xb8;
	[tilespmem:$0xE800] =	vst v63  }
0x98: {  	s24 =	simm.s32 $0x6200  }
0x99: {  	[tilespmem:s24], [sflag:$0x1] =	stream.linear.gather [hbm4b:s13+s19], $0x2000, $0x38;
	[tilespmem:$0xE800] =	vst v63  }
0x9a: {  	s25 =	simm.s32 $0xA200;
	s20 =	simm.s32 $0x0  }
0x9b: {  	[tilespmem:s25], [sflag:$0x1] =	stream.linear.gather [hbm4b:s14+s19], $0x2000, $0x38;
	[tilespmem:$0xE800] =	vst v63  }
.LBB2_6:
0x9c: {  	s21 =	sshll.u32 s20, $0x4  }
0x9d: {  	s4 =	sor.u32 $0x8, s21  }
0x9e: {  	v9 =	vld.msk [tilespmem:s4+$0x0], $0xff;
	_ =	sdelay $0x2  }
0x9f: {  	v0 =	vld [tilespmem:$0x1FFB0];
	_ =	sdelay $0x1  }
0xa0: {  	v54 =	vld [tilespmem:$0x1FFC0];
	v10 =	vshll.u32 v9, $0x3  }
0xa1: {  	v9 =	vand.u32 $0x7, v9;
	v10 =	vand.u32 $0xFFFFFFC0, v10  }
0xa2: {  	v9 =	vor.u32 v9, v10  }
0xa3: {  	v9 =	vperm.xlane v9, v0;
	_ =	sdelay $0x1  }
0xa4: {  	v9 =	vadd.s32 v54, v9;
	_ =	sdelay $0x4  }
0xa5: {  	[tilespmem:s26], [sflag:$0x2] =	stream.indirect_vreg.gather [hbm4b:s2+s19], $0x80, v9, vm9, $0xb8;
	[tilespmem:$0xE800] =	vst v63  }
0xa6: {  	_ = 	snop  }
0xa7: {  	[tilespmem:s28], [sflag:$0x2] =	stream.indirect_vreg.gather [hbm4b:s10+s19], $0x80, v9, vm9, $0xb8;
	[tilespmem:$0xE800] =	vst v63  }
0xa8: {  	s4 =	sor.u32 s8, s4  }
0xa9: {  	[tilespmem:s29], [sflag:$0x2] =	stream.indirect_vreg.gather [hbm4b:s11+s19], $0x80, v9, vm9, $0xb8;
	[tilespmem:$0xE800] =	vst v63  }
0xaa: {  	s4 =	sshll.u32 s4, $0x7  }
0xab: {  	[tilespmem:s30], [sflag:$0x2] =	stream.indirect_vreg.gather [hbm4b:s12+s19], $0x80, v9, vm9, $0xb8;
	[tilespmem:$0xE800] =	vst v63  }
0xac: {  	s22 =	sadd.s32 s0, s4  }
0xad: {  	[tilespmem:s31], [sflag:$0x2] =	stream.linear.gather [hbm4b:s22+s19], $0x2000, $0x38;
	[tilespmem:$0xE800] =	vst v63  }
0xae: {  	s4 =	sadd.s32 s1, s4  }
0xaf: {  	[tilespmem:s5], [sflag:$0x2] =	stream.linear.gather [hbm4b:s4+s19], $0x2000, $0x38;
	[tilespmem:$0xE800] =	vst v63  }
0xb0: {  	_ =	swait.ge [sflag:s6], $0x2000  }
0xb1: {  	[sflag:s6] =	ssyncset.done $0x0  }
0xb2: {  	[sflag:s6] =	ssyncadd.s32 $0xFFFFE000  }
0xb3: {  	_ =	swait.ge [sflag:s6], $0x2000  }
0xb4: {  	[sflag:s6] =	ssyncset.done $0x0  }
0xb5: {  	[sflag:s6] =	ssyncadd.s32 $0xFFFFE000  }
0xb6: {  	_ =	swait.ge [sflag:s6], $0x2000  }
0xb7: {  	s25 =	sand.u32 $0x70, s19;
	s23 =	simm.s32 $0x0;
	[sflag:s6] =	ssyncset.done $0x0  }
0xb8: {  	s22 =	sor.u32 s25, s23;
	s23 =	simm.s32 $0x0;
	[sflag:s6] =	ssyncadd.s32 $0xFFFFE000  }
0xb9: {  	s24 =	sor.u32 s23, s19;
	v9 =	vld [tilespmem:s22+$0x200]  }
0xba: {  	s24 =	sor.u32 $0x380, s24;
	v10 =	vld [tilespmem:s22+$0x280]  }
0xbb: {  	v11 =	vld [tilespmem:s24+$0x6200]  }
0xbc: {  	v12 =	vld [tilespmem:s24+$0xA200]  }
0xbd: {  	v13 =	vld [tilespmem:s22+$0x300]  }
0xbe: {  	s4 =	sor.u32 s25, s23;
	v14 =	vld [tilespmem:s24+$0x2200]  }
0xbf: {  	v15 =	vld [tilespmem:s4+$0x6200]  }
0xc0: {  	v16 =	vld [tilespmem:s4+$0xA200]  }
0xc1: {  	v17 =	vld [tilespmem:s4+$0x6280]  }
0xc2: {  	v18 =	vld [tilespmem:s4+$0xA280]  }
0xc3: {  	v19 =	vld [tilespmem:s4+$0x6300];
	v11 =	vmul.f32 v11, v9;
	v12 =	vmul.f32 v12, v10  }
0xc4: {  	v20 =	vld [tilespmem:s4+$0x6380]  }
0xc5: {  	v21 =	vld [tilespmem:s4+$0x6400];
	v11 =	vadd.f32 v12, v11;
	v12 =	vmul.f32 v14, v13  }
0xc6: {  	v22 =	vld [tilespmem:s4+$0xA400]  }
0xc7: {  	v23 =	vld [tilespmem:s4+$0x6480];
	v11 =	vadd.f32 v12, v11  }
0xc8: {  	v14 =	vld [tilespmem:s4+$0xA300]  }
0xc9: {  	v24 =	vld [tilespmem:s4+$0x6500];
	v11 =	vmul.f32 $1.442695020e+00, v11  }
0xca: {  	v15 =	vmul.f32 v15, v9;
	v16 =	vmul.f32 v16, v10;
	v12 =	vld [tilespmem:s4+$0xA380]  }
0xcb: {  	v17 =	vmul.f32 v17, v9;
	(erf) = vpow2.f32 v11;
	v11 =	vld [tilespmem:s4+$0xA480]  }
0xcc: {  	v27 =	vld [tilespmem:s4+$0x2280];
	v18 =	vmul.f32 v18, v10;
	v19 =	vmul.f32 v19, v9  }
0xcd: {  	v26 =	vld [tilespmem:s4+$0x2200];
	v15 =	vadd.f32 v16, v15;
	v16 =	vmul.f32 v20, v9;
	v14 =	vmul.f32 v14, v10  }
0xce: {  	v25 =	vld [tilespmem:s4+$0xA500];
	v17 =	vadd.f32 v18, v17;
	v18 =	vmul.f32 v21, v9;
	v21 =	vmul.f32 v22, v10  }
0xcf: {  	v20 =	vld [tilespmem:s4+$0x2300];
	v12 =	vmul.f32 v12, v10;
	v14 =	vadd.f32 v14, v19;
	v19 =	vmul.f32 v23, v9  }
0xd0: {  	v22 =	vld [tilespmem:s4+$0x2380];
	v9 =	vmul.f32 v24, v9;
	v11 =	vmul.f32 v11, v10  }
0xd1: {  	v24 =	vmul.f32 v27, v13;
	v12 =	vadd.f32 v12, v16;
	v16 =	vadd.f32 v21, v18;
	v18 =	vld [tilespmem:s4+$0x2400]  }
0xd2: {  	v21 =	vmul.f32 v26, v13;
	v11 =	vadd.f32 v11, v19;
	v19 =	vld [tilespmem:s4+$0x2480]  }
0xd3: {  	v17 =	vadd.f32 v24, v17;
	v10 =	vmul.f32 v25, v10;
	v25 =	vld [tilespmem:s4+$0x2500]  }
0xd4: {  	v20 =	vmul.f32 v20, v13;
	v15 =	vadd.f32 v21, v15;
	v23 =	vpop (erf)  }
0xd5: {  	v21 =	vmul.f32 v22, v13;
	v17 =	vmul.f32 $1.442695020e+00, v17;
	v23 =	vadd.f32 $1.000000000e+00, v23  }
0xd6: {  	v9 =	vadd.f32 v10, v9;
	v10 =	vmul.f32 $1.442695020e+00, v15;
	v15 =	vmul.f32 v18, v13  }
0xd7: {  	v14 =	vadd.f32 v20, v14;
	(erf) = vrcp.f32 v23;
	v18 =	vmul.f32 v19, v13  }
0xd8: {  	v12 =	vadd.f32 v21, v12;
	v13 =	vmul.f32 v25, v13;
	(erf) = vpow2.f32 v10  }
0xd9: {  	v10 =	vmul.f32 $1.442695020e+00, v14;
	v14 =	vadd.f32 v15, v16;
	(erf) = vpow2.f32 v17  }
0xda: {  	v11 =	vadd.f32 v18, v11  }
0xdb: {  	v12 =	vmul.f32 $1.442695020e+00, v12;
	v9 =	vadd.f32 v13, v9;
	v14 =	vmul.f32 $1.442695020e+00, v14  }
0xdc: {  	(erf) = vpow2.f32 v10;
	v10 =	vmul.f32 $1.442695020e+00, v11  }
0xdd: {  	(erf) = vpow2.f32 v12;
	v9 =	vmul.f32 $1.442695020e+00, v9  }
0xde: {  	(erf) = vpow2.f32 v14  }
0xdf: {  	(erf) = vpow2.f32 v10  }
0xe0: {  	v10 =	vpop (erf)  }
0xe1: {  	(erf) = vpow2.f32 v9;
	v9 =	vpop (erf)  }
0xe2: {  	s25 =	simm.s32 $0x0;
	s4 =	simm.s32 $0x10;
	v11 =	vpop (erf)  }
0xe3: {  	s23 =	sand.u32 $0x70, s4;
	s4 =	sor.u32 s25, s4;
	v11 =	vadd.f32 $1.000000000e+00, v11  }
0xe4: {  	s4 =	sor.u32 $0x380, s4;
	v9 =	vadd.f32 $1.000000000e+00, v9  }
0xe5: {  	v20 =	vld [tilespmem:s4+$0x6200];
	v12 =	vpop (erf)  }
0xe6: {  	v22 =	vld [tilespmem:s4+$0xA200];
	(erf) = vrcp.f32 v9;
	v9 =	vadd.f32 $1.000000000e+00, v12;
	v12 =	vpop (erf)  }
0xe7: {  	v13 =	vld [tilespmem:s22+$0x1300];
	(erf) = vrcp.f32 v11;
	v11 =	vpop (erf)  }
0xe8: {  	s24 =	simm.s32 $0x0;
	(erf) = vrcp.f32 v9;
	v9 =	vld [tilespmem:s22+$0x1200];
	v14 =	vpop (erf)  }
0xe9: {  	v12 =	vadd.f32 $1.000000000e+00, v12;
	v15 =	vadd.f32 $1.000000000e+00, v14;
	v14 =	vld [tilespmem:s22+$0x1280];
	s22 =	sor.u32 s23, s24  }
0xea: {  	v10 =	vadd.f32 v10, v10;
	v17 =	vld [tilespmem:s22+$0x200]  }
0xeb: {  	s23 =	sor.u32 s23, s25;
	v24 =	vld [tilespmem:s22+$0x300]  }
0xec: {  	v10 =	vsub.f32 $1.000000000e+00, v10;
	v11 =	vadd.f32 $1.000000000e+00, v11;
	v29 =	vld [tilespmem:s23+$0x6200]  }
0xed: {  	(erf) = vrcp.f32 v12;
	v12 =	vpop (erf);
	v31 =	vld [tilespmem:s23+$0xA200]  }
0xee: {  	(erf) = vrcp.f32 v11;
	v11 =	vadd.f32 $1.000000000e+00, v12;
	v12 =	vmul.f32 v10, v13;
	v41 =	vld [tilespmem:s23+$0x6380]  }
0xef: {  	v33 =	vimm.f32 $0.0e+00;
	v54 =	vld [tilespmem:s23+$0x2480]  }
0xf0: {  	(erf) = vrcp.f32 v15;
	v15 =	vmul.f32 v10, v9;
	v16 =	vadd.f32 v12, v33;
	v12 =	vld [tilespmem:s22+$0x280]  }
0xf1: {  	v42 =	vld [tilespmem:s23+$0xA380];
	(erf) = vrcp.f32 v11;
	v11 =	vmul.f32 v10, v10  }
0xf2: {  	v59 =	vld [tilespmem:s23+$0xA480];
	v18 =	vpop (erf);
	v15 =	vadd.f32 v15, v33;
	v10 =	vmul.f32 v10, v14  }
0xf3: {  	v19 =	vadd.f32 v18, v18;
	v20 =	vmul.f32 v20, v17;
	v29 =	vmul.f32 v29, v17  }
0xf4: {  	v26 =	vld [tilespmem:s4+$0x2200];
	v18 =	vadd.f32 v11, v33;
	v58 =	vmul.f32 v41, v17;
	v5 =	vmul.f32 v54, v24  }
0xf5: {  	v37 =	vld [tilespmem:s23+$0x6300];
	v11 =	vpop (erf);
	v23 =	vsub.f32 $1.000000000e+00, v19;
	v19 =	vadd.f32 v10, v33;
	v22 =	vmul.f32 v22, v12  }
0xf6: {  	v56 =	vld [tilespmem:s23+$0xA400];
	v11 =	vadd.f32 v11, v11;
	v21 =	vpop (erf);
	v31 =	vmul.f32 v31, v12;
	v42 =	vmul.f32 v42, v12  }
0xf7: {  	v41 =	vmul.f32 v59, v12;
	v10 =	vadd.f32 v21, v21;
	v27 =	vmul.f32 v23, v23  }
0xf8: {  	v21 =	vpop (erf);
	v30 =	vmul.f32 v23, v9;
	v32 =	vmul.f32 v23, v14;
	v11 =	vsub.f32 $1.000000000e+00, v11  }
0xf9: {  	v23 =	vmul.f32 v23, v13;
	v21 =	vadd.f32 v21, v21;
	v20 =	vadd.f32 v22, v20  }
0xfa: {  	v25 =	vpop (erf);
	v22 =	vmul.f32 v26, v24;
	v44 =	vadd.f32 v31, v29;
	v31 =	vmul.f32 v37, v17  }
0xfb: {  	v37 =	vmul.f32 v56, v12;
	v10 =	vsub.f32 $1.000000000e+00, v10;
	v25 =	vadd.f32 v25, v25  }
0xfc: {  	v21 =	vsub.f32 $1.000000000e+00, v21;
	v36 =	vmul.f32 v11, v11;
	v55 =	vmul.f32 v11, v9  }
0xfd: {  	v28 =	vpop (erf);
	v40 =	vmul.f32 v11, v14;
	v20 =	vadd.f32 v22, v20;
	v11 =	vmul.f32 v11, v13  }
0xfe: {  	v62 =	vld [tilespmem:s23+$0x2300];
	v28 =	vadd.f32 v28, v28;
	v43 =	vmul.f32 v10, v10;
	v45 =	vmul.f32 v10, v9  }
0xff: {  	v39 =	vld [tilespmem:s23+$0xA300];
	v34 =	vpop (erf);
	v35 =	vsub.f32 $1.000000000e+00, v25;
	v20 =	vmul.f32 $1.442695020e+00, v20;
	v49 =	vmul.f32 v21, v21  }
0x100: {  	v25 =	vld [tilespmem:s23+$0x6280];
	v34 =	vadd.f32 v34, v34;
	v61 =	vmul.f32 v21, v9;
	v51 =	vmul.f32 v21, v14  }
0x101: {  	v38 =	vsub.f32 $1.000000000e+00, v28;
	v28 =	vld [tilespmem:s23+$0xA280];
	v21 =	vmul.f32 v21, v13;
	v0 =	vmul.f32 v35, v35  }
0x102: {  	v57 =	vld [tilespmem:s23+$0x6480];
	v27 =	vadd.f32 v27, v33;
	v52 =	vmul.f32 v35, v9;
	(erf) = vpow2.f32 v20  }
0x103: {  	v46 =	vld [tilespmem:s23+$0x6500];
	v26 =	vsub.f32 $1.000000000e+00, v34;
	v3 =	vmul.f32 v35, v14;
	v34 =	vmul.f32 v62, v24  }
0x104: {  	v48 =	vld [tilespmem:s23+$0xA500];
	v22 =	vadd.f32 v30, v33;
	v56 =	vmul.f32 v35, v13;
	v7 =	vmul.f32 v38, v9  }
0x105: {  	v50 =	vld [tilespmem:s23+$0x2280];
	v35 =	vadd.f32 v45, v33;
	v54 =	vmul.f32 v38, v14;
	v45 =	vmul.f32 v26, v13  }
0x106: {  	v30 =	vld [tilespmem:s23+$0x6400];
	v21 =	vadd.f32 v21, v33;
	v25 =	vmul.f32 v25, v17;
	v29 =	vmul.f32 v28, v12  }
0x107: {  	v60 =	vld [tilespmem:s23+$0x2200];
	v28 =	vadd.f32 v32, v33;
	v32 =	vmul.f32 v57, v17;
	v57 =	vadd.f32 v51, v33  }
0x108: {  	v63 =	vld [tilespmem:s23+$0x2380];
	v20 =	vadd.f32 v29, v25;
	v25 =	vmul.f32 v39, v12;
	v29 =	vadd.f32 v23, v33  }
0x109: {  	v23 =	vmul.f32 v10, v14;
	v39 =	vadd.f32 v42, v58;
	v12 =	vmul.f32 v48, v12  }
0x10a: {  	v41 =	vadd.f32 v41, v32;
	v32 =	vadd.f32 v11, v33;
	v11 =	vmul.f32 v50, v24  }
0x10b: {  	v1 =	vld [tilespmem:s23+$0x2400];
	v47 =	vadd.f32 v25, v31;
	v31 =	vmul.f32 v30, v17;
	v25 =	vadd.f32 v36, v33;
	v53 =	vpop (erf)  }
0x10c: {  	v30 =	vadd.f32 v55, v33;
	v36 =	vmul.f32 v60, v24;
	v2 =	vadd.f32 $1.000000000e+00, v53  }
0x10d: {  	v17 =	vmul.f32 v46, v17;
	v11 =	vadd.f32 v11, v20;
	v20 =	vmul.f32 v63, v24  }
0x10e: {  	v55 =	vld [tilespmem:s23+$0x2500];
	v37 =	vadd.f32 v37, v31;
	v36 =	vadd.f32 v36, v44;
	(erf) = vrcp.f32 v2  }
0x10f: {  	v10 =	vmul.f32 v10, v13;
	v34 =	vadd.f32 v34, v47;
	v12 =	vadd.f32 v12, v17  }
0x110: {  	v17 =	vmul.f32 v1, v24;
	v20 =	vadd.f32 v20, v39;
	v4 =	vmul.f32 $1.442695020e+00, v36  }
0x111: {  	v42 =	vimm.f32 $0.0e+00;
	v11 =	vmul.f32 $1.442695020e+00, v11;
	v34 =	vmul.f32 $1.442695020e+00, v34  }
0x112: {  	v17 =	vadd.f32 v17, v37;
	v20 =	vmul.f32 $1.442695020e+00, v20;
	(erf) = vpow2.f32 v4  }
0x113: {  	v6 =	vadd.f32 v5, v41;
	v24 =	vmul.f32 v55, v24;
	(erf) = vpow2.f32 v11  }
0x114: {  	v58 =	vadd.f32 v10, v33;
	v11 =	vmul.f32 $1.442695020e+00, v17;
	(erf) = vpow2.f32 v34  }
0x115: {  	v46 =	vmul.f32 v26, v26;
	v12 =	vadd.f32 v24, v12;
	(erf) = vpow2.f32 v20  }
0x116: {  	v41 =	vimm.f32 $0.0e+00;
	v24 =	vmul.f32 $1.442695020e+00, v6;
	(erf) = vpow2.f32 v11  }
0x117: {  	v31 =	vadd.f32 v40, v33;
	v36 =	vadd.f32 v23, v33;
	v17 =	vld [tilespmem:s22+$0x1300];
	v12 =	vmul.f32 $1.442695020e+00, v12;
	v23 =	vpop (erf)  }
0x118: {  	v47 =	vmul.f32 v26, v9;
	(erf) = vpow2.f32 v24;
	v23 =	vadd.f32 v23, v23  }
0x119: {  	v44 =	vmul.f32 v26, v14;
	v14 =	vadd.f32 v61, v33;
	(erf) = vpow2.f32 v12;
	v12 =	vld [tilespmem:s22+$0x1200]  }
0x11a: {  	v10 =	vld [tilespmem:s22+$0x1280];
	v55 =	vmul.f32 v38, v13;
	v20 =	vmul.f32 v38, v38;
	v23 =	vsub.f32 $1.000000000e+00, v23  }
0x11b: {  	v37 =	vadd.f32 v49, v33;
	v34 =	vadd.f32 v43, v33;
	v43 =	vimm.f32 $0.0e+00;
	v24 =	vpop (erf)  }
0x11c: {  	v40 =	vadd.f32 v20, v33;
	v20 =	vadd.f32 v55, v33;
	v26 =	vpop (erf);
	v13 =	vmul.f32 v23, v17  }
0x11d: {  	v24 =	vadd.f32 $1.000000000e+00, v24;
	v26 =	vadd.f32 $1.000000000e+00, v26;
	v61 =	vpop (erf);
	v60 =	vmul.f32 v23, v23  }
0x11e: {  	v39 =	vadd.f32 $1.000000000e+00, v61;
	v62 =	vmul.f32 v23, v12;
	v13 =	vadd.f32 v13, v16;
	v16 =	vpop (erf)  }
0x11f: {  	v23 =	vmul.f32 v23, v10;
	v38 =	vadd.f32 v60, v18;
	v18 =	vpop (erf);
	(erf) = vrcp.f32 v24  }
0x120: {  	v15 =	vadd.f32 v62, v15;
	v16 =	vadd.f32 $1.000000000e+00, v16;
	(erf) = vrcp.f32 v26  }
0x121: {  	v24 =	vadd.f32 $1.000000000e+00, v18;
	v18 =	vpop (erf);
	v26 =	vadd.f32 v3, v33;
	(erf) = vrcp.f32 v39  }
0x122: {  	v63 =	vadd.f32 $1.000000000e+00, v18;
	v18 =	vadd.f32 v23, v19;
	v19 =	vpop (erf);
	(erf) = vrcp.f32 v16  }
0x123: {  	s23 =	simm.s32 $0x20;
	v39 =	vadd.f32 v0, v33;
	v19 =	vadd.f32 $1.000000000e+00, v19;
	(erf) = vrcp.f32 v24  }
0x124: {  	s24 =	simm.s32 $0x0;
	s25 =	sand.u32 $0x70, s23;
	v23 =	vadd.f32 v52, v33;
	v16 =	vadd.f32 v7, v33;
	(erf) = vrcp.f32 v63  }
0x125: {  	s4 =	simm.s32 $0x0;
	s22 =	sor.u32 s25, s24;
	s24 =	simm.s32 $0x3;
	v24 =	vadd.f32 v56, v33;
	(erf) = vrcp.f32 v19;
	v19 =	vadd.f32 v54, v33  }
.LBB2_7:
0x126: {  	v48 =	vld [tilespmem:s22+$0x200]  }
0x127: {  	v43 =	vadd.f32 v47, v43;
	v47 =	vld [tilespmem:s22+$0x280]  }
0x128: {  	s25 =	sor.u32 s25, s4;
	v33 =	vadd.f32 v46, v33;
	v46 =	vld [tilespmem:s22+$0x300]  }
0x129: {  	v1 =	vld [tilespmem:s25+$0x6200]  }
0x12a: {  	s4 =	sor.u32 s4, s23;
	v60 =	vld [tilespmem:s25+$0xA200]  }
0x12b: {  	s4 =	sor.u32 $0x380, s4;
	v3 =	vld [tilespmem:s25+$0x2300];
	v49 =	vpop (erf)  }
0x12c: {  	v42 =	vadd.f32 v44, v42;
	v7 =	vld [tilespmem:s4+$0x6200];
	v5 =	vadd.f32 v49, v49;
	v6 =	vpop (erf)  }
0x12d: {  	[tilespmem:$0x1FF60] =	vst v18;
	v41 =	vadd.f32 v45, v41;
	v0 =	vld [tilespmem:s4+$0xA200];
	v49 =	vadd.f32 v6, v6;
	v50 =	vpop (erf)  }
0x12e: {  	v18 =	vmovc v13;
	v13 =	vmovc v14;
	[tilespmem:$0x1FF50] =	vst v15;
	v15 =	vmov v57;
	v54 =	vld [tilespmem:s4+$0x2200];
	v51 =	vsub.f32 $1.000000000e+00, v5;
	v50 =	vadd.f32 v50, v50  }
0x12f: {  	v62 =	vld [tilespmem:s25+$0x6280];
	v52 =	vpop (erf);
	v49 =	vsub.f32 $1.000000000e+00, v49;
	v57 =	vmul.f32 v1, v48;
	v60 =	vmul.f32 v60, v47  }
0x130: {  	v14 =	vmovc v58;
	v52 =	vadd.f32 v52, v52;
	v3 =	vmul.f32 v3, v46;
	v55 =	vmul.f32 v51, v51  }
0x131: {  	v53 =	vpop (erf);
	v50 =	vsub.f32 $1.000000000e+00, v50;
	v58 =	vmul.f32 v51, v12;
	v61 =	vmul.f32 v51, v10  }
0x132: {  	v53 =	vadd.f32 v53, v53;
	v63 =	vmul.f32 v7, v48;
	v4 =	vmul.f32 v0, v47  }
0x133: {  	v56 =	vpop (erf);
	v51 =	vmul.f32 v51, v17;
	v54 =	vmul.f32 v54, v46;
	v52 =	vsub.f32 $1.000000000e+00, v52  }
0x134: {  	v6 =	vld [tilespmem:s25+$0xA300];
	v0 =	vmul.f32 v62, v48;
	v56 =	vadd.f32 v56, v56;
	v59 =	vpop (erf);
	v57 =	vadd.f32 v60, v57  }
0x135: {  	v5 =	vmul.f32 v49, v49;
	v53 =	vsub.f32 $1.000000000e+00, v53;
	v59 =	vadd.f32 v59, v59  }
0x136: {  	v2 =	vld [tilespmem:s25+$0xA280];
	v4 =	vadd.f32 v4, v63;
	v63 =	vmul.f32 v49, v12;
	v27 =	vadd.f32 v55, v27  }
0x137: {  	v55 =	vmul.f32 v49, v10;
	v49 =	vmul.f32 v49, v17;
	v22 =	vadd.f32 v58, v22  }
0x138: {  	v8 =	vld [tilespmem:s25+$0x6380];
	v58 =	vmul.f32 v50, v50;
	v28 =	vadd.f32 v61, v28;
	v61 =	vmul.f32 v50, v12  }
0x139: {  	v1 =	vld [tilespmem:s25+$0xA380];
	v6 =	vmul.f32 v6, v47;
	v29 =	vadd.f32 v51, v29;
	v4 =	vadd.f32 v54, v4  }
0x13a: {  	v7 =	vld [tilespmem:s25+$0xA400];
	v51 =	vmul.f32 v50, v10;
	v50 =	vmul.f32 v50, v17;
	v44 =	vsub.f32 $1.000000000e+00, v56  }
0x13b: {  	v56 =	vmul.f32 v2, v47;
	v45 =	vsub.f32 $1.000000000e+00, v59;
	v59 =	vld [tilespmem:s25+$0x6300];
	v4 =	vmul.f32 $1.442695020e+00, v4  }
0x13c: {  	v2 =	vld [tilespmem:s25+$0x6400];
	v25 =	vadd.f32 v5, v25;
	v5 =	vmul.f32 v52, v52;
	v30 =	vadd.f32 v63, v30  }
0x13d: {  	v62 =	vld [tilespmem:s25+$0x6500];
	v63 =	vmul.f32 v52, v10;
	v31 =	vadd.f32 v55, v31;
	(erf) = vpow2.f32 v4  }
0x13e: {  	v55 =	vmul.f32 v53, v53;
	v32 =	vadd.f32 v49, v32;
	v54 =	vadd.f32 v56, v0;
	v56 =	vld [tilespmem:s25+$0x6480]  }
0x13f: {  	v49 =	vmul.f32 v53, v10;
	v34 =	vadd.f32 v58, v34;
	v35 =	vadd.f32 v61, v35;
	v0 =	vld [tilespmem:s25+$0xA500]  }
0x140: {  	v36 =	vadd.f32 v51, v36;
	v4 =	vmul.f32 v8, v48;
	v8 =	vld [tilespmem:s25+$0xA480];
	v59 =	vmul.f32 v59, v48  }
0x141: {  	v7 =	vmul.f32 v7, v47;
	v37 =	vadd.f32 v5, v37;
	v60 =	vmul.f32 v2, v48;
	v2 =	vld [tilespmem:s25+$0x2280]  }
0x142: {  	v5 =	vmul.f32 v44, v17;
	v6 =	vadd.f32 v6, v59;
	v59 =	vmul.f32 v1, v47;
	v1 =	vld [tilespmem:s25+$0x2200]  }
0x143: {  	v39 =	vadd.f32 v55, v39;
	v26 =	vadd.f32 v49, v26;
	v56 =	vmul.f32 v56, v48  }
0x144: {  	v7 =	vadd.f32 v7, v60;
	v60 =	vld [tilespmem:s25+$0x2380];
	v48 =	vmul.f32 v62, v48;
	v0 =	vmul.f32 v0, v47  }
0x145: {  	v20 =	vadd.f32 v5, v20;
	v62 =	vld [tilespmem:s25+$0x2400];
	v4 =	vadd.f32 v59, v4;
	v59 =	vmul.f32 v52, v12  }
0x146: {  	v0 =	vadd.f32 v0, v48;
	v8 =	vmul.f32 v8, v47;
	v52 =	vmul.f32 v52, v17;
	v9 =	vpop (erf)  }
0x147: {  	v47 =	vld [tilespmem:s25+$0x2480];
	v2 =	vmul.f32 v2, v46;
	v1 =	vmul.f32 v1, v46;
	v9 =	vadd.f32 $1.000000000e+00, v9  }
0x148: {  	v48 =	vld [tilespmem:s25+$0x2500];
	v3 =	vadd.f32 v3, v6;
	v8 =	vadd.f32 v8, v56;
	v56 =	vmul.f32 v53, v12  }
0x149: {  	v53 =	vmul.f32 v53, v17;
	v1 =	vadd.f32 v1, v57;
	(erf) = vrcp.f32 v9  }
0x14a: {  	v2 =	vadd.f32 v2, v54;
	v60 =	vmul.f32 v60, v46;
	v62 =	vmul.f32 v62, v46  }
0x14b: {  	v3 =	vmul.f32 $1.442695020e+00, v3;
	v21 =	vadd.f32 v52, v21;
	v1 =	vmul.f32 $1.442695020e+00, v1  }
0x14c: {  	v2 =	vmul.f32 $1.442695020e+00, v2;
	v4 =	vadd.f32 v60, v4;
	v9 =	vmul.f32 v47, v46  }
0x14d: {  	v6 =	vadd.f32 v62, v7;
	v60 =	vmul.f32 v48, v46;
	(erf) = vpow2.f32 v1  }
0x14e: {  	v4 =	vmul.f32 $1.442695020e+00, v4;
	v8 =	vadd.f32 v9, v8;
	(erf) = vpow2.f32 v2  }
0x14f: {  	v62 =	vmul.f32 $1.442695020e+00, v6;
	v0 =	vadd.f32 v60, v0;
	(erf) = vpow2.f32 v3  }
0x150: {  	v11 =	vld [tilespmem:s22+$0x1200];
	v23 =	vadd.f32 v56, v23;
	v46 =	vmul.f32 $1.442695020e+00, v8;
	(erf) = vpow2.f32 v4  }
0x151: {  	v24 =	vadd.f32 v53, v24;
	v57 =	vld [tilespmem:s22+$0x1280];
	v0 =	vmul.f32 $1.442695020e+00, v0;
	(erf) = vpow2.f32 v62  }
0x152: {  	v47 =	vmov v14;
	v1 =	vmul.f32 v44, v44;
	v3 =	vld [tilespmem:s22+$0x1300];
	(erf) = vpow2.f32 v46;
	v48 =	vpop (erf)  }
0x153: {  	v14 =	vmovc v13;
	v58 =	vadd.f32 v50, v47;
	(erf) = vpow2.f32 v0;
	v2 =	vadd.f32 v48, v48  }
0x154: {  	v47 =	vmul.f32 v45, v12;
	v14 =	vadd.f32 v59, v14;
	v40 =	vadd.f32 v1, v40  }
0x155: {  	v51 =	vmovc v15;
	v13 =	vmovc v18;
	v4 =	vmul.f32 v44, v12;
	v46 =	vmul.f32 v45, v45;
	v2 =	vsub.f32 $1.000000000e+00, v2  }
0x156: {  	v12 =	vmov v11;
	v0 =	vmul.f32 v44, v10;
	v44 =	vmul.f32 v45, v10;
	v54 =	vpop (erf)  }
0x157: {  	v10 =	vmov v57;
	v59 =	vadd.f32 $1.000000000e+00, v54;
	v9 =	vpop (erf);
	v8 =	vmul.f32 v2, v3  }
0x158: {  	v18 =	vld [tilespmem:$0x1FF60];
	v45 =	vmul.f32 v45, v17;
	v9 =	vadd.f32 $1.000000000e+00, v9;
	v17 =	vpop (erf);
	v60 =	vmul.f32 v2, v2  }
0x159: {  	v11 =	vmul.f32 v2, v12;
	v17 =	vadd.f32 $1.000000000e+00, v17;
	(erf) = vrcp.f32 v59;
	v61 =	vpop (erf)  }
0x15a: {  	p0 =	sne.s32 s24, $0x3F;
	v15 =	vld [tilespmem:$0x1FF50];
	v2 =	vmul.f32 v2, v10;
	v6 =	vadd.f32 $1.000000000e+00, v61;
	(erf) = vrcp.f32 v9;
	v62 =	vpop (erf)  }
.Ltmp2:
0x15b: {  	v13 =	vadd.f32 v8, v13;
	v7 =	vadd.f32 $1.000000000e+00, v62;
	(erf) = vrcp.f32 v17;
	v8 =	vpop (erf);
	(pc) =	sbr.rel @p0 .LBB2_7-.Ltmp2, $4  }
0x15c: {  	v57 =	vadd.f32 v63, v51;
	(erf) = vrcp.f32 v6;
	v8 =	vadd.f32 $1.000000000e+00, v8;
	v63 =	vpop (erf)  }
0x15d: {  	s23 =	sadd.s32 $0x10, s23;
	s4 =	sshrl.u32 s24, $0x3;
	v18 =	vadd.f32 v2, v18;
	(erf) = vrcp.f32 v7;
	v2 =	vadd.f32 $1.000000000e+00, v63  }
0x15e: {  	s25 =	sand.u32 $0x70, s23;
	s22 =	sshll.u32 s4, $0x9;
	v16 =	vadd.f32 v4, v16;
	v19 =	vadd.f32 v0, v19;
	(erf) = vrcp.f32 v8  }
0x15f: {  	s24 =	sadd.s32 $0x1, s24;
	s4 =	sshll.u32 s4, $0xA;
	s22 =	sor.u32 s25, s22;
	v38 =	vadd.f32 v60, v38;
	v15 =	vadd.f32 v11, v15;
	v17 =	vmovc v3;
	(erf) = vrcp.f32 v2  }
0x160: {  	v0 =	vld [tilespmem:s22+$0x200]  }
0x161: {  	v1 =	vld [tilespmem:s22+$0x280]  }
0x162: {  	s23 =	sor.u32 s4, s23;
	v4 =	vld [tilespmem:s22+$0x300];
	s4 =	sor.u32 s25, s4  }
0x163: {  	v6 =	vld [tilespmem:s4+$0x6200]  }
0x164: {  	v7 =	vld [tilespmem:s4+$0xA200]  }
0x165: {  	v8 =	vld [tilespmem:s4+$0x6280]  }
0x166: {  	v9 =	vld [tilespmem:s4+$0xA280]  }
0x167: {  	v11 =	vld [tilespmem:s4+$0x6300]  }
0x168: {  	s24 =	sor.u32 $0x380, s23;
	v48 =	vld [tilespmem:s4+$0xA300]  }
0x169: {  	v2 =	vld [tilespmem:s24+$0x6200]  }
0x16a: {  	v3 =	vld [tilespmem:s24+$0xA200]  }
0x16b: {  	v59 =	vld [tilespmem:s4+$0x6380]  }
0x16c: {  	v5 =	vld [tilespmem:s24+$0x2200]  }
0x16d: {  	v49 =	vld [tilespmem:s4+$0xA380]  }
0x16e: {  	v60 =	vld [tilespmem:s4+$0x6400]  }
0x16f: {  	v50 =	vld [tilespmem:s4+$0xA400];
	v2 =	vmul.f32 v2, v0;
	v3 =	vmul.f32 v3, v1  }
0x170: {  	v51 =	vld [tilespmem:s4+$0x6480]  }
0x171: {  	v42 =	vadd.f32 v44, v42;
	v44 =	vld [tilespmem:s4+$0x2200];
	v56 =	vmul.f32 v5, v4;
	v2 =	vadd.f32 v3, v2  }
0x172: {  	v46 =	vadd.f32 v46, v33;
	v52 =	vld [tilespmem:s4+$0xA480];
	v6 =	vmul.f32 v6, v0;
	v7 =	vmul.f32 v7, v1  }
0x173: {  	v61 =	vld [tilespmem:s4+$0x6500];
	v8 =	vmul.f32 v8, v0;
	v9 =	vmul.f32 v9, v1;
	v2 =	vadd.f32 v56, v2  }
0x174: {  	v33 =	vadd.f32 v47, v43;
	v47 =	vld [tilespmem:s4+$0xA500];
	v53 =	vpop (erf);
	v11 =	vmul.f32 v11, v0;
	v62 =	vmul.f32 v48, v1  }
0x175: {  	v43 =	vadd.f32 v53, v53;
	v48 =	vld [tilespmem:s4+$0x2280];
	v63 =	vmul.f32 v49, v1;
	v2 =	vmul.f32 $1.442695020e+00, v2  }
0x176: {  	v41 =	vadd.f32 v45, v41;
	v49 =	vld [tilespmem:s4+$0x2300];
	v51 =	vmul.f32 v51, v0;
	v44 =	vmul.f32 v44, v4  }
0x177: {  	v43 =	vsub.f32 $1.000000000e+00, v43;
	v5 =	vmul.f32 v59, v0;
	v59 =	vld [tilespmem:s4+$0x2380];
	(erf) = vpow2.f32 v2  }
0x178: {  	v6 =	vadd.f32 v7, v6;
	v8 =	vadd.f32 v9, v8;
	v3 =	vmul.f32 v60, v0  }
0x179: {  	v11 =	vadd.f32 v62, v11;
	v0 =	vmul.f32 v61, v0;
	v61 =	vmul.f32 v52, v1  }
0x17a: {  	v53 =	vpop (erf);
	v5 =	vadd.f32 v63, v5;
	v63 =	vld [tilespmem:s4+$0x2480];
	v6 =	vadd.f32 v44, v6;
	v56 =	vmul.f32 v50, v1  }
0x17b: {  	v54 =	vpop (erf);
	v60 =	vld [tilespmem:s4+$0x2400];
	v1 =	vmul.f32 v47, v1;
	v7 =	vadd.f32 v61, v51;
	v48 =	vmul.f32 v48, v4  }
0x17c: {  	v55 =	vpop (erf);
	v52 =	vld [tilespmem:s4+$0x2500];
	v49 =	vmul.f32 v49, v4;
	v50 =	vmul.f32 v59, v4;
	v59 =	vadd.f32 v53, v53  }
0x17d: {  	v45 =	vpop (erf);
	v6 =	vmul.f32 $1.442695020e+00, v6;
	v3 =	vadd.f32 v56, v3;
	v0 =	vadd.f32 v1, v0  }
0x17e: {  	v47 =	vpop (erf);
	v8 =	vadd.f32 v48, v8;
	v11 =	vadd.f32 v49, v11;
	v56 =	vmul.f32 v43, v43  }
0x17f: {  	v9 =	vpop (erf);
	v5 =	vadd.f32 v50, v5;
	v1 =	vmul.f32 v63, v4;
	v63 =	vmul.f32 v43, v12  }
0x180: {  	v48 =	vsub.f32 $1.000000000e+00, v59;
	v2 =	vmul.f32 v60, v4;
	v8 =	vmul.f32 $1.442695020e+00, v8;
	v62 =	vpop (erf)  }
0x181: {  	v11 =	vmul.f32 $1.442695020e+00, v11;
	v4 =	vmul.f32 v52, v4;
	v51 =	vadd.f32 $1.000000000e+00, v62  }
0x182: {  	v60 =	vadd.f32 v54, v54;
	v52 =	vmul.f32 v43, v10;
	v54 =	vmul.f32 v43, v17  }
0x183: {  	v61 =	vadd.f32 v55, v55;
	v5 =	vmul.f32 $1.442695020e+00, v5;
	(erf) = vrcp.f32 v51  }
0x184: {  	v53 =	vadd.f32 v9, v9;
	v55 =	vmul.f32 v48, v48;
	(erf) = vpow2.f32 v6  }
0x185: {  	v1 =	vadd.f32 v1, v7;
	v7 =	vmul.f32 v48, v12;
	(erf) = vpow2.f32 v8  }
0x186: {  	v2 =	vadd.f32 v2, v3;
	v3 =	vadd.f32 v56, v27;
	v56 =	vmul.f32 v48, v10  }
0x187: {  	v0 =	vadd.f32 v4, v0;
	v48 =	vmul.f32 v48, v17;
	(erf) = vpow2.f32 v11  }
0x188: {  	v28 =	vadd.f32 v52, v28;
	v2 =	vmul.f32 $1.442695020e+00, v2;
	(erf) = vpow2.f32 v5  }
0x189: {  	v43 =	vadd.f32 v54, v29;
	v1 =	vmul.f32 $1.442695020e+00, v1;
	v9 =	vadd.f32 v55, v25  }
0x18a: {  	v0 =	vmul.f32 $1.442695020e+00, v0;
	v44 =	vadd.f32 v56, v31;
	(erf) = vpow2.f32 v2  }
0x18b: {  	v32 =	vadd.f32 v48, v32;
	v62 =	vadd.f32 v45, v45;
	(erf) = vpow2.f32 v1  }
0x18c: {  	v51 =	vadd.f32 v47, v47;
	v47 =	vsub.f32 $1.000000000e+00, v53;
	(erf) = vpow2.f32 v0;
	v8 =	vpop (erf)  }
0x18d: {  	v5 =	vsub.f32 $1.000000000e+00, v60;
	v2 =	vsub.f32 $1.000000000e+00, v62;
	v27 =	vpop (erf)  }
0x18e: {  	v1 =	vsub.f32 $1.000000000e+00, v61;
	v59 =	vadd.f32 $1.000000000e+00, v27;
	v60 =	vpop (erf)  }
0x18f: {  	v61 =	vmul.f32 v5, v5;
	v27 =	vadd.f32 v63, v22;
	v22 =	vadd.f32 $1.000000000e+00, v60  }
0x190: {  	v4 =	vsub.f32 $1.000000000e+00, v51;
	v49 =	vmul.f32 v5, v12;
	v56 =	vmul.f32 v2, v2;
	v62 =	vpop (erf)  }
0x191: {  	v55 =	vmul.f32 v1, v1;
	v63 =	vadd.f32 $1.000000000e+00, v62;
	(erf) = vrcp.f32 v59;
	v45 =	vpop (erf)  }
0x192: {  	v6 =	vadd.f32 v61, v34;
	v52 =	vadd.f32 $1.000000000e+00, v45;
	(erf) = vrcp.f32 v22  }
0x193: {  	v8 =	vadd.f32 v8, v8;
	v11 =	vadd.f32 v55, v37;
	(erf) = vrcp.f32 v63;
	v22 =	vpop (erf)  }
0x194: {  	v45 =	vadd.f32 v7, v30;
	(erf) = vrcp.f32 v52;
	v53 =	vadd.f32 $1.000000000e+00, v22;
	v54 =	vpop (erf)  }
0x195: {  	v48 =	vmul.f32 v2, v12;
	v30 =	vadd.f32 v49, v35;
	v0 =	vadd.f32 $1.000000000e+00, v54;
	v29 =	vpop (erf)  }
0x196: {  	v22 =	vmul.f32 v5, v10;
	v29 =	vadd.f32 $1.000000000e+00, v29;
	(erf) = vrcp.f32 v53  }
0x197: {  	v7 =	vadd.f32 v56, v39;
	v5 =	vmul.f32 v5, v17;
	(erf) = vrcp.f32 v0  }
0x198: {  	v31 =	vadd.f32 v22, v36;
	v22 =	vmul.f32 v4, v4;
	(erf) = vrcp.f32 v29  }
0x199: {  	v5 =	vadd.f32 v5, v58;
	v58 =	vadd.f32 v48, v23;
	v29 =	vmul.f32 v47, v47  }
0x19a: {  	v0 =	vsub.f32 $1.000000000e+00, v8;
	v35 =	vadd.f32 v22, v40;
	v40 =	vmul.f32 v1, v10;
	v25 =	vpop (erf)  }
0x19b: {  	v59 =	vpop (erf);
	v22 =	vadd.f32 v25, v25;
	v29 =	vadd.f32 v29, v46  }
0x19c: {  	v40 =	vadd.f32 v40, v57;
	v25 =	vpop (erf);
	v34 =	vadd.f32 v59, v59  }
0x19d: {  	p0 =	seq.s32 s20, $0x1F;
	v8 =	vmul.f32 v0, v0;
	v60 =	vpop (erf);
	v37 =	vsub.f32 $1.000000000e+00, v22;
	v22 =	vadd.f32 v25, v25  }
0x19e: {  	vm15 =	vmmov @!p0 $0xffff;
	v39 =	vsub.f32 $1.000000000e+00, v34;
	v61 =	vadd.f32 v60, v60  }
0x19f: {  	v8 =	vadd.f32 v8, v38;
	v46 =	vsub.f32 $1.000000000e+00, v22;
	v63 =	vmul.f32 v37, v37;
	v25 =	vpop (erf)  }
0x1a0: {  	v50 =	vsub.f32 $1.000000000e+00, v61;
	v55 =	vmul.f32 v39, v39;
	v62 =	vpop (erf);
	v22 =	vadd.f32 v25, v25  }
0x1a1: {  	v56 =	vmul.f32 v46, v46;
	v3 =	vadd.f32 v63, v3;
	v25 =	vpop (erf);
	v36 =	vadd.f32 v62, v62  }
0x1a2: {  	v9 =	vadd.f32 v55, v9;
	v59 =	vmul.f32 v50, v50;
	v54 =	vadd.f32 v25, v25  }
0x1a3: {  	v38 =	vmul.f32 v1, v12;
	v51 =	vsub.f32 $1.000000000e+00, v22;
	v6 =	vadd.f32 v56, v6  }
0x1a4: {  	v1 =	vmul.f32 v1, v17;
	v55 =	vld [tilespmem:$0x1FFA0];
	v25 =	vsub.f32 $1.000000000e+00, v36;
	v11 =	vadd.f32 v59, v11  }
0x1a5: {  	v63 =	vsel vm3, v9, v3;
	v36 =	vmul.f32 v2, v10;
	v3 =	vsel vm3, v3, v9  }
0x1a6: {  	v22 =	vsub.f32 $1.000000000e+00, v54;
	v60 =	vmul.f32 v51, v51;
	v61 =	vmul.f32 v25, v25  }
0x1a7: {  	v2 =	vmul.f32 v2, v17;
	v52 =	vsel vm3, v11, v6;
	v6 =	vsel vm3, v6, v11  }
0x1a8: {  	v62 =	vmul.f32 v22, v22;
	v7 =	vadd.f32 v60, v7;
	v35 =	vadd.f32 v61, v35  }
0x1a9: {  	v11 =	vmul.f32 v47, v12;
	v2 =	vadd.f32 v2, v24;
	v9 =	vperm.xlane v52, v55  }
0x1aa: {  	v49 =	vld [tilespmem:s22+$0x1200];
	v34 =	vadd.f32 v62, v29;
	v29 =	vperm.xlane v63, v55;
	v53 =	vsel vm3, v35, v7  }
0x1ab: {  	v52 =	vmul.f32 v4, v10;
	v11 =	vadd.f32 v11, v33;
	v54 =	vperm.xlane v53, v55  }
0x1ac: {  	v7 =	vsel vm3, v7, v35;
	v3 =	vadd.f32 v29, v3;
	v29 =	vsel vm3, v8, v34  }
0x1ad: {  	v6 =	vadd.f32 v9, v6;
	v56 =	vperm.xlane v29, v55;
	v7 =	vadd.f32 v54, v7;
	v54 =	vld [tilespmem:$0x1FF90]  }
0x1ae: {  	v35 =	vmul.f32 v4, v12;
	v4 =	vmul.f32 v4, v17;
	v8 =	vsel vm3, v34, v8;
	v34 =	vld [tilespmem:s22+$0x1280]  }
0x1af: {  	v63 =	vmul.f32 v0, v49;
	v19 =	vadd.f32 v52, v19;
	v8 =	vadd.f32 v56, v8  }
0x1b0: {  	v12 =	vadd.f32 v38, v14;
	v17 =	vmul.f32 v47, v17;
	v29 =	vld [tilespmem:s22+$0x1300];
	v4 =	vadd.f32 v4, v20  }
0x1b1: {  	v59 =	vsel vm4, v6, v3;
	v3 =	vsel vm4, v3, v6;
	v14 =	vsel vm4, v8, v7  }
0x1b2: {  	v53 =	vld [tilespmem:$0x1FF80];
	v6 =	vadd.f32 v63, v15;
	v60 =	vperm.xlane v59, v54;
	v61 =	vperm.xlane v14, v54  }
0x1b3: {  	v56 =	vadd.f32 v1, v21;
	v7 =	vsel vm4, v7, v8;
	v21 =	vmul.f32 v39, v34  }
0x1b4: {  	v38 =	vld.msk @!p0 [tilespmem:s21+$0x10], $0xff;
	v63 =	vmul.f32 v50, v34;
	v3 =	vadd.f32 v60, v3;
	v7 =	vadd.f32 v61, v7  }
0x1b5: {  	v17 =	vadd.f32 v17, v41;
	v62 =	vmul.f32 v0, v29;
	v0 =	vmul.f32 v0, v34  }
0x1b6: {  	v24 =	vmul.f32 v39, v29;
	v14 =	vmul.f32 v47, v10;
	v47 =	vsel vm5, v7, v3  }
0x1b7: {  	v15 =	vlaneseq.u32 @!p0;
	v52 =	vmul.f32 v22, v29;
	v57 =	vperm.xlane v47, v53  }
0x1b8: {  	v59 =	vmul.f32 v37, v49;
	v21 =	vadd.f32 v21, v44;
	v3 =	vsel vm5, v3, v7  }
0x1b9: {  	v44 =	vmul.f32 v51, v29;
	v1 =	vadd.f32 v3, v57;
	v3 =	vshll.u32 @!p0 v38, $0x3  }
0x1ba: {  	v9 =	vadd.f32 v62, v13;
	v7 =	vand.u32 @!p0 $0x7, v38;
	v47 =	vld [tilespmem:$0x1FF70];
	v3 =	vand.u32 @!p0 $0xFFFFFFC0, v3  }
0x1bb: {  	v3 =	vor.u32 @!p0 v7, v3;
	v7 =	vand.u32 @!p0 $0x7, v15;
	v15 =	vshrl.u32 @!p0 v15, $0x3  }
0x1bc: {  	v10 =	vadd.f32 v0, v18;
	v3 =	vperm.xlane @!p0 v3, v7;
	v7 =	vmul.u32 @!p0 $0x8, v15  }
0x1bd: {  	v18 =	vadd.f32 v35, v16;
	v16 =	vmul.f32 v39, v49;
	v20 =	vadd.f32 v14, v42  }
0x1be: {  	v14 =	vmul.f32 v37, v34;
	v60 =	vmul.f32 v46, v29;
	v3 =	vadd.s32 @!p0 v7, v3  }
0x1bf: {  	v13 =	vadd.f32 v36, v26;
	v61 =	vmul.f32 v50, v49;
	v15 =	vperm.xlane v1, v47  }
0x1c0: {  	v42 =	vmul.f32 v50, v29;
	v2 =	vadd.f32 v44, v2;
	v62 =	vadd.f32 v16, v45  }
0x1c1: {  	v50 =	vmul.f32 v25, v29;
	v16 =	vadd.f32 v24, v32;
	v1 =	vadd.f32 v1, v15  }
0x1c2: {  	s4 =	simm.s32 @!p0 $0x0;
	s22 =	simm.s32 @!p0 $0x2200;
	v24 =	vmul.f32 v51, v34;
	v45 =	vmul.f32 v25, v49;
	v12 =	vadd.f32 v61, v12  }
0x1c3: {  	v0 =	vadd.f32 v42, v56;
	v23 =	vshra.s32 v1, $0x1;
	v1 =	vmul.f32 $5.000000000e-01, v1;
	[tilespmem:s22], [sflag:$0x1] =	stream.indirect_vreg.gather @!p0 [hbm4b:s2+s4], $0x80, v3, vm15, $0xb8;
	[tilespmem:$0xE800] =	vst v63  }
0x1c4: {  	s21 =	sadd.s32 @!p0 $0x10, s21;
	v4 =	vadd.f32 v50, v4;
	v24 =	vadd.f32 v24, v13;
	v23 =	vsub.s32 $0x5F3759DF, v23;
	s22 =	simm.s32 @!p0 $0x2A00  }
0x1c5: {  	v15 =	vmul.f32 v37, v29;
	v26 =	vmul.f32 v23, v1;
	[tilespmem:s22], [sflag:$0x1] =	stream.indirect_vreg.gather @!p0 [hbm4b:s10+s4], $0x80, v3, vm15, $0xb8;
	[tilespmem:$0xE800] =	vst v63  }
0x1c6: {  	s21 =	sadd.s32 @!p0 s8, s21;
	v7 =	vadd.f32 v59, v27;
	v27 =	vadd.f32 v14, v28;
	v28 =	vmul.f32 v46, v49;
	s22 =	simm.s32 @!p0 $0x3200  }
0x1c7: {  	v14 =	vadd.f32 v15, v43;
	v26 =	vmul.f32 v23, v26;
	[tilespmem:s22], [sflag:$0x1] =	stream.indirect_vreg.gather @!p0 [hbm4b:s11+s4], $0x80, v3, vm15, $0xb8;
	[tilespmem:$0xE800] =	vst v63  }
0x1c8: {  	s21 =	sshll.u32 @!p0 s21, $0x7;
	v15 =	vmul.f32 v46, v34;
	v43 =	vmul.f32 v51, v49;
	v46 =	vsel vm3, v62, v7;
	s22 =	simm.s32 @!p0 $0x3A00  }
0x1c9: {  	v7 =	vsel vm3, v7, v62;
	v32 =	vperm.xlane v46, v55;
	v26 =	vsub.f32 $1.500000000e+00, v26;
	[tilespmem:s22], [sflag:$0x1] =	stream.indirect_vreg.gather @!p0 [hbm4b:s12+s4], $0x80, v3, vm15, $0xb8;
	[tilespmem:$0xE800] =	vst v63  }
0x1ca: {  	s23 =	simm.s32 @!p0 $0x6200;
	v59 =	vsel vm3, v21, v27;
	v62 =	vsel vm3, v27, v21;
	v8 =	vadd.f32 v43, v58;
	s22 =	sadd.s32 @!p0 s0, s21  }
0x1cb: {  	v35 =	vsel vm3, v16, v14;
	v7 =	vadd.f32 v32, v7;
	v23 =	vmul.f32 v23, v26;
	[tilespmem:s23], [sflag:$0x1] =	stream.linear.gather @!p0 [hbm4b:s22+s4], $0x2000, $0x38;
	[tilespmem:$0xE800] =	vst v63  }
0x1cc: {  	v37 =	vsel vm3, v14, v16;
	v26 =	vadd.f32 v28, v30;
	v28 =	vadd.f32 v15, v31;
	s21 =	sadd.s32 @!p0 s1, s21;
	s22 =	simm.s32 @!p0 $0xA200  }
0x1cd: {  	v15 =	vadd.f32 v60, v5;
	v31 =	vmul.f32 v22, v49;
	v30 =	vmul.f32 v23, v1;
	[tilespmem:s22], [sflag:$0x1] =	stream.linear.gather @!p0 [hbm4b:s21+s4], $0x2000, $0x38;
	[tilespmem:$0xE800] =	vst v63  }
0x1ce: {  	v5 =	vadd.f32 v45, v18;
	v49 =	vmul.f32 v25, v34;
	v25 =	vmul.f32 v22, v34;
	_ =	swait.ge [sflag:s3], $0x2000  }
0x1cf: {  	v60 =	vperm.xlane v59, v55;
	v11 =	vadd.f32 v31, v11;
	v30 =	vmul.f32 v30, v23;
	[sflag:s3] =	ssyncset.done $0x0  }
0x1d0: {  	v31 =	vsel vm3, v5, v8;
	v5 =	vsel vm3, v8, v5;
	v56 =	vadd.f32 v49, v19;
	[sflag:s3] =	ssyncadd.s32 $0xFFFFE000  }
0x1d1: {  	v20 =	vadd.f32 v25, v20;
	v18 =	vsub.f32 $1.500000000e+00, v30;
	v30 =	vsel vm3, v12, v26;
	_ =	swait.ge [sflag:s3], $0x2000  }
0x1d2: {  	v48 =	vsel vm3, v6, v11;
	v6 =	vsel vm3, v11, v6;
	v30 =	vperm.xlane v30, v55;
	[sflag:s3] =	ssyncset.done $0x0  }
0x1d3: {  	v12 =	vsel vm3, v26, v12;
	v26 =	vperm.xlane v31, v55;
	v31 =	vperm.xlane v48, v55;
	[sflag:s3] =	ssyncadd.s32 $0xFFFFE000  }
0x1d4: {  	v3 =	vsel vm3, v56, v24;
	v25 =	vsel vm3, v10, v20;
	s22 =	simm.s32 $0x0;
	v12 =	vadd.f32 v30, v12;
	_ =	swait.ge [sflag:s3], $0x2000  }
0x1d5: {  	s24 =	simm.s32 $0x0;
	v10 =	vsel vm3, v20, v10;
	s23 =	sand.u32 $0x70, s22;
	v5 =	vadd.f32 v26, v5;
	v6 =	vadd.f32 v31, v6;
	[sflag:s3] =	ssyncset.done $0x0  }
0x1d6: {  	s25 =	simm.s32 $0x0;
	v3 =	vperm.xlane v3, v55;
	s21 =	sor.u32 s23, s24;
	v18 =	vmul.f32 v18, v23;
	v23 =	vsel vm4, v12, v7;
	[sflag:s3] =	ssyncadd.s32 $0xFFFFE000  }
0x1d7: {  	v20 =	vperm.xlane v25, v55;
	s4 =	sor.u32 s25, s22;
	v30 =	vsel vm4, v6, v5;
	v23 =	vperm.xlane v23, v54;
	v57 =	vld [tilespmem:s21+$0x200]  }
0x1d8: {  	s4 =	sor.u32 $0x380, s4;
	v5 =	vsel vm4, v5, v6;
	v30 =	vperm.xlane v30, v54;
	v7 =	vsel vm4, v7, v12;
	v19 =	vld [tilespmem:s21+$0x280]  }
0x1d9: {  	v1 =	vmul.f32 v18, v1;
	v51 =	vadd.f32 v23, v7;
	v7 =	vadd.f32 v52, v17;
	v17 =	vld [tilespmem:s4+$0x8200]  }
0x1da: {  	v32 =	vsel vm3, v24, v56;
	v26 =	vadd.f32 v63, v40;
	v5 =	vadd.f32 v30, v5;
	v22 =	vld [tilespmem:s4+$0xC200]  }
0x1db: {  	s22 =	sor.u32 s23, s25;
	v3 =	vadd.f32 v3, v32;
	v33 =	vadd.f32 v20, v10;
	v1 =	vmul.f32 v1, v18;
	v23 =	vld [tilespmem:s21+$0x300]  }
0x1dc: {  	v61 =	vsel vm3, v26, v28;
	v63 =	vsel vm3, v28, v26;
	v26 =	vld [tilespmem:s22+$0x8280];
	v58 =	vsel vm5, v5, v51  }
0x1dd: {  	v38 =	vsel vm3, v0, v15;
	v1 =	vsub.f32 $1.500000000e+00, v1;
	v28 =	vld [tilespmem:s22+$0x8300];
	v11 =	vperm.xlane v58, v53  }
0x1de: {  	v36 =	vsel vm4, v3, v33;
	v6 =	vperm.xlane v61, v55;
	v20 =	vld [tilespmem:s22+$0xC300];
	v5 =	vsel vm5, v51, v5  }
0x1df: {  	v3 =	vsel vm4, v33, v3;
	v12 =	vadd.f32 v5, v11;
	v11 =	vmul.f32 v1, v18;
	v18 =	vld [tilespmem:s4+$0x4200]  }
0x1e0: {  	v3 =	vperm.xlane v3, v54;
	v14 =	vld [tilespmem:s22+$0x8400];
	v5 =	vadd.f32 v6, v63;
	v6 =	vperm.xlane v38, v55  }
0x1e1: {  	v21 =	vld [tilespmem:s22+$0x8200];
	v1 =	vadd.f32 v60, v62;
	v17 =	vmul.f32 v17, v57;
	v22 =	vmul.f32 v22, v19  }
0x1e2: {  	v0 =	vsel vm3, v15, v0;
	v24 =	vld [tilespmem:s22+$0xC200];
	v41 =	vmul.f32 v26, v57;
	v42 =	vmul.f32 v28, v57  }
0x1e3: {  	v40 =	vld [tilespmem:s22+$0x8500];
	v20 =	vmul.f32 v20, v19;
	v27 =	vsel vm4, v5, v1;
	v17 =	vadd.f32 v22, v17  }
0x1e4: {  	v26 =	vld [tilespmem:s22+$0x4300];
	v34 =	vperm.xlane v27, v54;
	v27 =	vsel vm3, v4, v2;
	v18 =	vmul.f32 v18, v23  }
0x1e5: {  	v25 =	vld [tilespmem:s22+$0xC280];
	v14 =	vmul.f32 v14, v57;
	v1 =	vsel vm4, v1, v5;
	v15 =	vperm.xlane v27, v55  }
0x1e6: {  	v29 =	vld [tilespmem:s22+$0x8480];
	v5 =	vperm.xlane v35, v55;
	v2 =	vsel vm3, v2, v4;
	v17 =	vadd.f32 v18, v17  }
0x1e7: {  	v13 =	vperm.xlane v12, v47;
	v2 =	vadd.f32 v15, v2;
	v15 =	vmul.f32 v21, v57;
	v21 =	vld [tilespmem:s22+$0x4200]  }
0x1e8: {  	v0 =	vadd.f32 v6, v0;
	v5 =	vadd.f32 v5, v37;
	v18 =	vld [tilespmem:s22+$0xC380];
	v16 =	vmul.f32 $1.442695020e+00, v17  }
0x1e9: {  	v3 =	vadd.f32 v3, v36;
	v6 =	vmul.f32 v40, v57;
	v22 =	vld [tilespmem:s22+$0x8380];
	v26 =	vmul.f32 v26, v23  }
0x1ea: {  	v49 =	vsel vm4, v0, v5;
	v17 =	vld [tilespmem:s22+$0xC400];
	(erf) = vpow2.f32 v16;
	v16 =	vsel vm3, v9, v7  }
0x1eb: {  	v28 =	vld [tilespmem:s22+$0xC500];
	v1 =	vadd.f32 v34, v1;
	v52 =	vperm.xlane v49, v54;
	v39 =	vperm.xlane v16, v55  }
0x1ec: {  	v0 =	vsel vm4, v5, v0;
	v16 =	vmul.f32 v24, v19;
	v24 =	vmul.f32 v25, v19;
	v25 =	vld [tilespmem:s22+$0x4280]  }
0x1ed: {  	v27 =	vld [tilespmem:s22+$0xC480];
	v7 =	vsel vm3, v7, v9;
	v21 =	vmul.f32 v21, v23;
	v18 =	vmul.f32 v18, v19  }
0x1ee: {  	v4 =	vadd.f32 v39, v7;
	v15 =	vadd.f32 v16, v15;
	v16 =	vmul.f32 v22, v57;
	v22 =	vld [tilespmem:s22+$0x4380]  }
0x1ef: {  	v9 =	vadd.f32 v24, v41;
	v17 =	vmul.f32 v17, v19;
	v7 =	vadd.f32 v20, v42;
	v24 =	vld [tilespmem:s22+$0x4400]  }
0x1f0: {  	v20 =	vmul.f32 v29, v57;
	v57 =	vsel vm5, v3, v1;
	v1 =	vsel vm5, v1, v3  }
0x1f1: {  	v16 =	vadd.f32 v18, v16;
	v15 =	vadd.f32 v21, v15;
	v21 =	vld [tilespmem:s22+$0x4480];
	v25 =	vmul.f32 v25, v23  }
0x1f2: {  	v18 =	vmul.f32 v27, v19;
	v14 =	vadd.f32 v17, v14;
	v7 =	vadd.f32 v26, v7  }
0x1f3: {  	v19 =	vmul.f32 v28, v19;
	v9 =	vadd.f32 v25, v9;
	v22 =	vmul.f32 v22, v23;
	v27 =	vpop (erf)  }
0x1f4: {  	v44 =	vmul.f32 $1.442695020e+00, v15;
	v15 =	vld [tilespmem:s22+$0x4500];
	v17 =	vmul.f32 v24, v23;
	v43 =	vadd.f32 $1.000000000e+00, v27  }
0x1f5: {  	v7 =	vmul.f32 $1.442695020e+00, v7;
	v9 =	vmul.f32 $1.442695020e+00, v9;
	v16 =	vadd.f32 v22, v16  }
0x1f6: {  	v45 =	vadd.f32 v17, v14;
	v14 =	vmul.f32 v21, v23;
	(erf) = vrcp.f32 v43  }
0x1f7: {  	v50 =	vsel vm4, v4, v2;
	v16 =	vmul.f32 $1.442695020e+00, v16;
	(erf) = vpow2.f32 v44  }
0x1f8: {  	v46 =	vadd.f32 v18, v20;
	v8 =	vmul.f32 $1.442695020e+00, v45;
	(erf) = vpow2.f32 v9  }
0x1f9: {  	s4 =	simm.s32 $0x10;
	v6 =	vadd.f32 v19, v6;
	v48 =	vmul.f32 v15, v23;
	(erf) = vpow2.f32 v7  }
0x1fa: {  	s24 =	simm.s32 $0x0;
	s22 =	sand.u32 $0x70, s4;
	v9 =	vadd.f32 v14, v46;
	v7 =	vperm.xlane v57, v53;
	(erf) = vpow2.f32 v16  }
0x1fb: {  	s25 =	sor.u32 s22, s24;
	s24 =	simm.s32 $0x0;
	v6 =	vadd.f32 v48, v6;
	(erf) = vpow2.f32 v8;
	v8 =	vperm.xlane v50, v54  }
0x1fc: {  	v2 =	vsel vm4, v2, v4;
	s4 =	sor.u32 s24, s4;
	s22 =	sor.u32 s22, s24;
	v17 =	vld [tilespmem:s21+$0x1280];
	v51 =	vmul.f32 $1.442695020e+00, v9;
	v1 =	vadd.f32 v1, v7  }
0x1fd: {  	v0 =	vadd.f32 v52, v0;
	s4 =	sor.u32 $0x380, s4;
	v19 =	vld [tilespmem:s22+$0x8280];
	v55 =	vmul.f32 $1.442695020e+00, v6;
	v2 =	vadd.f32 v8, v2  }
0x1fe: {  	v39 =	vld [tilespmem:s4+$0x8200];
	(erf) = vpow2.f32 v51;
	v10 =	vperm.xlane v1, v47  }
0x1ff: {  	v34 =	vadd.f32 v12, v13;
	v12 =	vld [tilespmem:s4+$0xC200];
	v56 =	vpop (erf);
	(erf) = vpow2.f32 v55;
	v61 =	vsel vm5, v2, v0  }
0x200: {  	v15 =	vld [tilespmem:s21+$0x1300];
	v0 =	vsel vm5, v0, v2;
	v1 =	vadd.f32 v1, v10;
	v58 =	vpop (erf);
	v3 =	vperm.xlane v61, v53  }
0x201: {  	v44 =	vld [tilespmem:s4+$0x4200];
	v2 =	vmul.f32 v11, v34;
	v6 =	vadd.f32 v56, v56;
	v59 =	vadd.f32 $1.000000000e+00, v58;
	v60 =	vpop (erf)  }
0x202: {  	v16 =	vld [tilespmem:s21+$0x1200];
	v1 =	vmul.f32 v11, v1;
	v5 =	vadd.f32 $1.000000000e+00, v60;
	v62 =	vpop (erf);
	v0 =	vadd.f32 v0, v3  }
0x203: {  	v46 =	vld [tilespmem:s22+$0x8200];
	v36 =	vsub.f32 $1.000000000e+00, v6;
	(erf) = vrcp.f32 v59;
	v63 =	vadd.f32 $1.000000000e+00, v62;
	v9 =	vpop (erf)  }
0x204: {  	[tilespmem:$0x1FF00] =	vst v2;
	v2 =	vld [tilespmem:s25+$0x300];
	(erf) = vrcp.f32 v5;
	v32 =	vadd.f32 $1.000000000e+00, v9;
	v33 =	vpop (erf);
	v35 =	vperm.xlane v0, v47  }
0x205: {  	v3 =	vld [tilespmem:s25+$0x200];
	v40 =	vmul.f32 v36, v36;
	v4 =	vadd.f32 $1.000000000e+00, v33;
	(erf) = vrcp.f32 v63  }
0x206: {  	v56 =	vld [tilespmem:s22+$0x8480];
	v41 =	vmul.f32 v36, v15;
	(erf) = vrcp.f32 v32  }
0x207: {  	v26 =	vimm.f32 $0.0e+00;
	v13 =	vmul.f32 v36, v16;
	v37 =	vpop (erf);
	(erf) = vrcp.f32 v4;
	v4 =	vld [tilespmem:s25+$0x280]  }
0x208: {  	v14 =	vld [tilespmem:s22+$0xC200];
	v5 =	vmul.f32 v36, v17;
	v0 =	vadd.f32 v0, v35;
	v38 =	vadd.f32 $1.000000000e+00, v37  }
0x209: {  	v25 =	vadd.f32 v41, v26;
	v22 =	vadd.f32 v40, v26;
	v8 =	vmul.f32 v44, v2  }
0x20a: {  	v23 =	vld [tilespmem:s22+$0xC280];
	v18 =	vadd.f32 v5, v26;
	v6 =	vmul.f32 v39, v3;
	v5 =	vmul.f32 v46, v3  }
0x20b: {  	v54 =	vld [tilespmem:s22+$0xC400];
	v21 =	vadd.f32 v13, v26;
	v55 =	vmul.f32 v19, v3;
	v59 =	vmul.f32 v56, v3;
	v42 =	vpop (erf)  }
0x20c: {  	(erf) = vrcp.f32 v38;
	v10 =	vadd.f32 $1.000000000e+00, v42;
	v43 =	vpop (erf);
	v12 =	vmul.f32 v12, v4  }
0x20d: {  	v0 =	vmul.f32 v0, v11;
	v14 =	vmul.f32 v14, v4;
	v7 =	vadd.f32 v43, v43;
	v13 =	vpop (erf)  }
0x20e: {  	v57 =	vld [tilespmem:s22+$0xC480];
	(erf) = vrcp.f32 v10;
	v45 =	vadd.f32 v13, v13;
	v6 =	vadd.f32 v12, v6  }
0x20f: {  	v23 =	vmul.f32 v23, v4;
	v13 =	vpop (erf);
	v5 =	vadd.f32 v14, v5;
	v7 =	vsub.f32 $1.000000000e+00, v7  }
0x210: {  	v24 =	vld [tilespmem:s22+$0x8300];
	[tilespmem:$0x1FF10] =	vst v1;
	v34 =	vmul.f32 v54, v4;
	v47 =	vadd.f32 v13, v13;
	v13 =	vpop (erf);
	v1 =	vsub.f32 $1.000000000e+00, v45  }
0x211: {  	v29 =	vld [tilespmem:s22+$0xC300];
	v13 =	vadd.f32 v13, v13;
	v12 =	vmul.f32 v7, v7;
	v27 =	vmul.f32 v7, v16  }
0x212: {  	v31 =	vld [tilespmem:s22+$0x8380];
	v6 =	vadd.f32 v8, v6;
	v28 =	vmul.f32 v7, v17;
	v7 =	vmul.f32 v7, v15  }
0x213: {  	v49 =	vld [tilespmem:s22+$0xC380];
	[tilespmem:$0x1FF20] =	vst v0;
	v20 =	vpop (erf);
	v0 =	vsub.f32 $1.000000000e+00, v47;
	v47 =	vmul.f32 v57, v4;
	v30 =	vmul.f32 v1, v1  }
0x214: {  	v20 =	vadd.f32 v20, v20;
	v32 =	vmul.f32 v1, v16;
	v6 =	vmul.f32 $1.442695020e+00, v6  }
0x215: {  	v53 =	vld [tilespmem:s22+$0x8400];
	v13 =	vsub.f32 $1.000000000e+00, v13;
	v52 =	vmul.f32 v1, v17;
	v1 =	vmul.f32 v1, v15  }
0x216: {  	v14 =	vld [tilespmem:s22+$0xC500];
	v39 =	vmul.f32 v0, v0;
	v61 =	vadd.f32 v12, v26;
	v12 =	vmul.f32 v24, v3  }
0x217: {  	v48 =	vpop (erf);
	v24 =	vmul.f32 v29, v4;
	v62 =	vadd.f32 v27, v26;
	v27 =	vmul.f32 v31, v3  }
0x218: {  	v8 =	vadd.f32 v48, v48;
	v31 =	vmul.f32 v49, v4;
	(erf) = vpow2.f32 v6  }
0x219: {  	v58 =	vld [tilespmem:s22+$0x4200];
	v51 =	vsub.f32 $1.000000000e+00, v20;
	v41 =	vmul.f32 v0, v16;
	v43 =	vmul.f32 v0, v17  }
0x21a: {  	v29 =	vld [tilespmem:s22+$0x8500];
	v63 =	vadd.f32 v28, v26;
	v28 =	vmul.f32 v53, v3;
	v7 =	vadd.f32 v7, v26  }
0x21b: {  	v0 =	vmul.f32 v0, v15;
	v4 =	vmul.f32 v14, v4;
	v6 =	vsub.f32 $1.000000000e+00, v8  }
0x21c: {  	v60 =	vld [tilespmem:s22+$0x4300];
	v8 =	vadd.f32 v23, v55;
	v33 =	vmul.f32 v13, v13;
	v49 =	vadd.f32 v30, v26  }
0x21d: {  	v40 =	vmul.f32 v13, v16;
	v36 =	vadd.f32 v1, v26;
	v12 =	vadd.f32 v24, v12  }
0x21e: {  	v44 =	vmul.f32 v13, v17;
	v31 =	vadd.f32 v31, v27;
	v28 =	vadd.f32 v34, v28  }
0x21f: {  	v27 =	vld [tilespmem:s22+$0x4280];
	[tilespmem:$0x1FF30] =	vst v7;
	v7 =	vadd.f32 v47, v59;
	v3 =	vmul.f32 v29, v3;
	v29 =	vmul.f32 v58, v2  }
0x220: {  	v48 =	vld [tilespmem:s22+$0x4480];
	v45 =	vmul.f32 v13, v15;
	v50 =	vpop (erf);
	v38 =	vadd.f32 v39, v26;
	v37 =	vadd.f32 v41, v26  }
0x221: {  	v13 =	vmul.f32 v60, v2;
	v34 =	vadd.f32 v0, v26;
	v5 =	vadd.f32 v29, v5;
	v29 =	vld [tilespmem:s22+$0x4380];
	v46 =	vpop (erf)  }
0x222: {  	v47 =	vmul.f32 v51, v17;
	v20 =	vadd.f32 v50, v50;
	v14 =	vadd.f32 $1.000000000e+00, v46  }
0x223: {  	v11 =	vmul.f32 v6, v17;
	v39 =	vadd.f32 v33, v26;
	v12 =	vadd.f32 v13, v12  }
0x224: {  	v42 =	vsub.f32 $1.000000000e+00, v20;
	v27 =	vmul.f32 v27, v2;
	(erf) = vrcp.f32 v14;
	v14 =	vld [tilespmem:s22+$0x4400]  }
0x225: {  	v12 =	vmul.f32 $1.442695020e+00, v12;
	v3 =	vadd.f32 v4, v3;
	v4 =	vmul.f32 v48, v2  }
0x226: {  	[tilespmem:$0x1FF40] =	vst v49;
	v50 =	vld [tilespmem:s22+$0x4500];
	v49 =	vmul.f32 v42, v16;
	v8 =	vadd.f32 v27, v8;
	v13 =	vmul.f32 v29, v2  }
0x227: {  	v40 =	vadd.f32 v40, v26;
	v48 =	vmul.f32 v42, v17;
	v5 =	vmul.f32 $1.442695020e+00, v5  }
0x228: {  	v8 =	vmul.f32 $1.442695020e+00, v8;
	v46 =	vmul.f32 v51, v51;
	v13 =	vadd.f32 v13, v31  }
0x229: {  	v41 =	vadd.f32 v44, v26;
	(erf) = vpow2.f32 v5;
	v14 =	vmul.f32 v14, v2  }
0x22a: {  	v4 =	vadd.f32 v4, v7;
	(erf) = vpow2.f32 v8;
	v55 =	vmul.f32 $1.442695020e+00, v13  }
0x22b: {  	(erf) = vpow2.f32 v12;
	v2 =	vmul.f32 v50, v2;
	v28 =	vadd.f32 v14, v28  }
0x22c: {  	v44 =	vimm.f32 $0.0e+00;
	v58 =	vmul.f32 $1.442695020e+00, v4;
	(erf) = vpow2.f32 v55  }
0x22d: {  	v4 =	vmul.f32 v6, v6;
	v2 =	vadd.f32 v2, v3;
	v12 =	vmul.f32 $1.442695020e+00, v28  }
0x22e: {  	v29 =	vadd.f32 v32, v26;
	v31 =	vadd.f32 v52, v26;
	v52 =	vmul.f32 v51, v15  }
0x22f: {  	v32 =	vadd.f32 v43, v26;
	v2 =	vmul.f32 $1.442695020e+00, v2;
	(erf) = vpow2.f32 v12  }
0x230: {  	v43 =	vadd.f32 v4, v26;
	v5 =	vmul.f32 v6, v16;
	v14 =	vld [tilespmem:s25+$0x1300];
	v56 =	vpop (erf);
	(erf) = vpow2.f32 v58  }
0x231: {  	v6 =	vmul.f32 v6, v15;
	v57 =	vadd.f32 v56, v56;
	(erf) = vpow2.f32 v2  }
0x232: {  	v8 =	vmul.f32 v51, v16;
	v51 =	vmul.f32 v42, v42;
	v13 =	vld [tilespmem:s25+$0x1280];
	v54 =	vadd.f32 v52, v26;
	v59 =	vpop (erf)  }
0x233: {  	v17 =	vadd.f32 v5, v26;
	v50 =	vmul.f32 v42, v15;
	v12 =	vld [tilespmem:s25+$0x1200];
	v9 =	vpop (erf);
	v3 =	vsub.f32 $1.000000000e+00, v57  }
0x234: {  	v42 =	vadd.f32 v46, v26;
	v46 =	vimm.f32 $0.0e+00;
	v1 =	vadd.f32 $1.000000000e+00, v59;
	v56 =	vpop (erf)  }
0x235: {  	v7 =	vadd.f32 $1.000000000e+00, v9;
	v60 =	vmul.f32 v3, v14;
	v10 =	vmul.f32 v3, v3;
	v57 =	vpop (erf)  }
0x236: {  	v2 =	vadd.f32 $1.000000000e+00, v56;
	(erf) = vrcp.f32 v1;
	v1 =	vadd.f32 $1.000000000e+00, v57  }
0x237: {  	(erf) = vrcp.f32 v7;
	v28 =	vadd.f32 v60, v25;
	v30 =	vadd.f32 v10, v22  }
0x238: {  	v55 =	vmul.f32 v3, v12;
	v3 =	vmul.f32 v3, v13;
	v25 =	vadd.f32 v45, v26;
	v58 =	vpop (erf)  }
0x239: {  	(erf) = vrcp.f32 v2;
	v22 =	vadd.f32 v47, v26;
	v59 =	vpop (erf);
	v2 =	vadd.f32 $1.000000000e+00, v58  }
0x23a: {  	(erf) = vrcp.f32 v1;
	v35 =	vadd.f32 v3, v18;
	v3 =	vadd.f32 $1.000000000e+00, v59;
	v60 =	vpop (erf)  }
0x23b: {  	s22 =	simm.s32 $0x20;
	v45 =	vimm.f32 $0.0e+00;
	v1 =	vadd.f32 $1.000000000e+00, v60;
	(erf) = vrcp.f32 v2  }
0x23c: {  	s24 =	sand.u32 $0x70, s22;
	s25 =	simm.s32 $0x0;
	v33 =	vadd.f32 v55, v21;
	v21 =	vadd.f32 v8, v26;
	(erf) = vrcp.f32 v3  }
0x23d: {  	s23 =	simm.s32 $0x3;
	s4 =	simm.s32 $0x0;
	s21 =	sor.u32 s24, s25;
	v18 =	vadd.f32 v11, v26;
	v55 =	vadd.f32 v6, v26;
	(erf) = vrcp.f32 v1  }
.LBB2_9:
0x23e: {  	v0 =	vld [tilespmem:s21+$0x200];
	s25 =	sor.u32 s4, s22  }
0x23f: {  	s24 =	sor.u32 s24, s4;
	v2 =	vld [tilespmem:s21+$0x280];
	s4 =	sor.u32 $0x380, s25  }
0x240: {  	v4 =	vld [tilespmem:s4+$0x8200]  }
0x241: {  	v6 =	vld [tilespmem:s4+$0xC200]  }
0x242: {  	v46 =	vadd.f32 v49, v46;
	v49 =	vld [tilespmem:s21+$0x300]  }
0x243: {  	v44 =	vadd.f32 v50, v44;
	v50 =	vld [tilespmem:s4+$0x4200]  }
0x244: {  	v52 =	vld [tilespmem:s24+$0x8200]  }
0x245: {  	v19 =	vmov v18;
	v18 =	vmov v17;
	v17 =	vmov v54;
	v54 =	vld [tilespmem:s24+$0xC200]  }
0x246: {  	v57 =	vld [tilespmem:s24+$0x8280];
	v1 =	vpop (erf);
	v4 =	vmul.f32 v4, v0;
	v6 =	vmul.f32 v6, v2  }
0x247: {  	v45 =	vadd.f32 v48, v45;
	v1 =	vadd.f32 v1, v1  }
0x248: {  	v27 =	vadd.f32 v51, v26;
	v3 =	vpop (erf);
	v11 =	vmul.f32 v50, v49;
	v4 =	vadd.f32 v6, v4  }
0x249: {  	v9 =	vld [tilespmem:s24+$0x8380];
	v3 =	vadd.f32 v3, v3;
	v5 =	vpop (erf);
	v1 =	vsub.f32 $1.000000000e+00, v1  }
0x24a: {  	v5 =	vadd.f32 v5, v5;
	v7 =	vpop (erf);
	v52 =	vmul.f32 v52, v0;
	v4 =	vadd.f32 v11, v4  }
0x24b: {  	v58 =	vld [tilespmem:s24+$0xC280];
	v3 =	vsub.f32 $1.000000000e+00, v3;
	v8 =	vpop (erf);
	v54 =	vmul.f32 v54, v2;
	v10 =	vmul.f32 v57, v0  }
0x24c: {  	v7 =	vadd.f32 v7, v7;
	v51 =	vmul.f32 v1, v1;
	v47 =	vpop (erf);
	v4 =	vmul.f32 $1.442695020e+00, v4  }
0x24d: {  	v57 =	vld [tilespmem:s24+$0xC380];
	v5 =	vsub.f32 $1.000000000e+00, v5;
	v53 =	vmul.f32 v1, v12;
	v47 =	vadd.f32 v47, v47;
	v60 =	vpop (erf)  }
0x24e: {  	v56 =	vadd.f32 v60, v60;
	(erf) = vpow2.f32 v4;
	v4 =	vmul.f32 v9, v0;
	v9 =	vld [tilespmem:$0x1FF30]  }
0x24f: {  	v20 =	vmovc v55;
	v8 =	vadd.f32 v8, v8;
	v55 =	vmul.f32 v1, v13;
	v1 =	vmul.f32 v1, v14;
	v60 =	vld [tilespmem:s24+$0xC300]  }
0x250: {  	v48 =	vsub.f32 $1.000000000e+00, v47;
	v47 =	vsub.f32 $1.000000000e+00, v56;
	v56 =	vld [tilespmem:s24+$0x8300];
	v11 =	vmul.f32 v58, v2  }
0x251: {  	v7 =	vsub.f32 $1.000000000e+00, v7;
	v59 =	vmul.f32 v3, v3;
	v52 =	vadd.f32 v54, v52;
	v58 =	vld [tilespmem:s24+$0x8400]  }
0x252: {  	v50 =	vmul.f32 v3, v12;
	v8 =	vsub.f32 $1.000000000e+00, v8;
	v6 =	vadd.f32 v11, v10;
	v10 =	vld [tilespmem:s24+$0x4280]  }
0x253: {  	v23 =	vmovc v21;
	v61 =	vadd.f32 v51, v61;
	v51 =	vmul.f32 v3, v13;
	v11 =	vld [tilespmem:s24+$0x4300];
	v9 =	vadd.f32 v1, v9  }
0x254: {  	v24 =	vmovc v22;
	v3 =	vmul.f32 v3, v14;
	v62 =	vadd.f32 v53, v62;
	v54 =	vmul.f32 v60, v2;
	v60 =	vld [tilespmem:s24+$0x8480]  }
0x255: {  	v53 =	vmul.f32 v5, v5;
	v63 =	vadd.f32 v55, v63;
	v55 =	vmul.f32 v5, v12;
	[tilespmem:$0x1FF30] =	vst v9;
	v9 =	vld [tilespmem:$0x1FF40]  }
0x256: {  	v29 =	vadd.f32 v50, v29;
	v50 =	vmul.f32 v7, v13;
	v22 =	vmovc v62;
	v62 =	vld [tilespmem:s24+$0xC400];
	v31 =	vadd.f32 v51, v31  }
0x257: {  	v26 =	vmovc v25;
	v36 =	vadd.f32 v3, v36;
	v3 =	vmul.f32 v8, v13;
	v56 =	vmul.f32 v56, v0  }
0x258: {  	v21 =	vmovc v61;
	v61 =	vld [tilespmem:s24+$0xC480];
	v41 =	vadd.f32 v50, v41;
	v50 =	vmul.f32 v47, v14;
	v58 =	vmul.f32 v58, v0  }
0x259: {  	v25 =	vmovc v63;
	v63 =	vld [tilespmem:s24+$0xC500];
	v54 =	vadd.f32 v54, v56;
	v56 =	vmul.f32 v57, v2;
	v10 =	vmul.f32 v10, v49  }
0x25a: {  	v57 =	vld [tilespmem:s24+$0x8500];
	v11 =	vmul.f32 v11, v49;
	v60 =	vmul.f32 v60, v0;
	v9 =	vadd.f32 v59, v9  }
0x25b: {  	v1 =	vmul.f32 v5, v13;
	v4 =	vadd.f32 v56, v4;
	v56 =	vmul.f32 v62, v2  }
0x25c: {  	v5 =	vmul.f32 v5, v14;
	v62 =	vmul.f32 v7, v12;
	v6 =	vadd.f32 v10, v6;
	v15 =	vpop (erf);
	[tilespmem:$0x1FF40] =	vst v9;
	v9 =	vld [tilespmem:s24+$0x4200]  }
0x25d: {  	v51 =	vld [tilespmem:s24+$0x4400];
	v56 =	vadd.f32 v56, v58;
	v58 =	vmul.f32 v61, v2;
	v15 =	vadd.f32 $1.000000000e+00, v15  }
0x25e: {  	v11 =	vadd.f32 v11, v54;
	v61 =	vld [tilespmem:s24+$0x4380];
	v2 =	vmul.f32 v63, v2;
	v6 =	vmul.f32 $1.442695020e+00, v6  }
0x25f: {  	v38 =	vadd.f32 v53, v38;
	v63 =	vld [tilespmem:s24+$0x4480];
	v0 =	vmul.f32 v57, v0;
	(erf) = vrcp.f32 v15  }
0x260: {  	v11 =	vmul.f32 $1.442695020e+00, v11;
	v32 =	vadd.f32 v1, v32;
	v1 =	vmul.f32 v48, v48  }
0x261: {  	v34 =	vadd.f32 v5, v34;
	v0 =	vadd.f32 v2, v0;
	v2 =	vld [tilespmem:s24+$0x4500];
	v9 =	vmul.f32 v9, v49  }
0x262: {  	v5 =	vmul.f32 v48, v12;
	v57 =	vmul.f32 v8, v8;
	v58 =	vadd.f32 v58, v60  }
0x263: {  	v60 =	vmul.f32 v8, v12;
	v10 =	vmul.f32 v61, v49;
	v9 =	vadd.f32 v9, v52  }
0x264: {  	v37 =	vadd.f32 v55, v37;
	v15 =	vmul.f32 v51, v49;
	v51 =	vmul.f32 v63, v49  }
0x265: {  	v8 =	vmul.f32 v8, v14;
	v4 =	vadd.f32 v10, v4;
	v9 =	vmul.f32 $1.442695020e+00, v9  }
0x266: {  	v59 =	vmul.f32 v7, v7;
	v15 =	vadd.f32 v15, v56;
	v2 =	vmul.f32 v2, v49  }
0x267: {  	v40 =	vadd.f32 v62, v40;
	v4 =	vmul.f32 $1.442695020e+00, v4;
	(erf) = vpow2.f32 v9  }
0x268: {  	v10 =	vadd.f32 v51, v58;
	v58 =	vmul.f32 $1.442695020e+00, v15;
	v51 =	vpop (erf);
	(erf) = vpow2.f32 v6  }
0x269: {  	v0 =	vadd.f32 v2, v0;
	v2 =	vadd.f32 v51, v51;
	(erf) = vpow2.f32 v11  }
0x26a: {  	v62 =	vmovc v22;
	v22 =	vadd.f32 v3, v24;
	v49 =	vmul.f32 $1.442695020e+00, v10;
	(erf) = vpow2.f32 v4  }
0x26b: {  	v0 =	vmul.f32 $1.442695020e+00, v0;
	v52 =	vld [tilespmem:s21+$0x1280];
	v2 =	vsub.f32 $1.000000000e+00, v2;
	(erf) = vpow2.f32 v58  }
0x26c: {  	v43 =	vadd.f32 v1, v43;
	v7 =	vmul.f32 v7, v14;
	(erf) = vpow2.f32 v49  }
0x26d: {  	v16 =	vld [tilespmem:s21+$0x1200];
	v54 =	vmovc v17;
	v42 =	vadd.f32 v57, v42;
	v61 =	vmovc v21;
	v21 =	vmul.f32 v2, v2;
	(erf) = vpow2.f32 v0  }
0x26e: {  	v54 =	vadd.f32 v8, v54;
	v63 =	vmovc v25;
	v25 =	vmov v26;
	v39 =	vadd.f32 v59, v39  }
0x26f: {  	v25 =	vadd.f32 v7, v25;
	v6 =	vmul.f32 v48, v14;
	v4 =	vld [tilespmem:s21+$0x1300];
	v30 =	vadd.f32 v21, v30  }
0x270: {  	v0 =	vmul.f32 v48, v13;
	v48 =	vmul.f32 v47, v13;
	v13 =	vmov v52;
	v52 =	vpop (erf)  }
0x271: {  	v51 =	vmul.f32 v47, v47;
	v21 =	vadd.f32 v60, v23;
	v17 =	vadd.f32 $1.000000000e+00, v52;
	v14 =	vpop (erf)  }
0x272: {  	v49 =	vmul.f32 v47, v12;
	v12 =	vmov v16;
	v14 =	vadd.f32 $1.000000000e+00, v14;
	v16 =	vpop (erf)  }
0x273: {  	v15 =	vmul.f32 v2, v12;
	v16 =	vadd.f32 $1.000000000e+00, v16;
	(erf) = vrcp.f32 v17;
	v55 =	vpop (erf)  }
0x274: {  	p0 =	sne.s32 s23, $0x3F;
	v53 =	vmul.f32 v2, v4;
	v9 =	vadd.f32 $1.000000000e+00, v55;
	(erf) = vrcp.f32 v14;
	v56 =	vpop (erf)  }
.Ltmp3:
0x275: {  	v2 =	vmul.f32 v2, v13;
	v10 =	vadd.f32 $1.000000000e+00, v56;
	(erf) = vrcp.f32 v16;
	v58 =	vpop (erf);
	(pc) =	sbr.rel @p0 .LBB2_9-.Ltmp3, $4  }
0x276: {  	v33 =	vadd.f32 v15, v33;
	v11 =	vadd.f32 $1.000000000e+00, v58;
	(erf) = vrcp.f32 v9;
	v59 =	vpop (erf)  }
0x277: {  	s22 =	sadd.s32 $0x10, s22;
	s4 =	sshrl.u32 s23, $0x3;
	v35 =	vadd.f32 v2, v35;
	v2 =	vadd.f32 $1.000000000e+00, v59;
	(erf) = vrcp.f32 v10  }
0x278: {  	s25 =	sshll.u32 s4, $0x9;
	s24 =	sand.u32 $0x70, s22;
	v28 =	vadd.f32 v53, v28;
	v17 =	vadd.f32 v5, v18;
	(erf) = vrcp.f32 v11  }
0x279: {  	s23 =	sadd.s32 $0x1, s23;
	s4 =	sshll.u32 s4, $0xA;
	v26 =	vmovc v27;
	s21 =	sor.u32 s24, s25;
	v18 =	vadd.f32 v0, v19;
	v55 =	vadd.f32 v6, v20;
	v14 =	vmovc v4;
	(erf) = vrcp.f32 v2  }
0x27a: {  	v0 =	vld [tilespmem:s21+$0x200]  }
0x27b: {  	v1 =	vld [tilespmem:s21+$0x280]  }
0x27c: {  	v4 =	vld [tilespmem:s21+$0x300];
	s24 =	sor.u32 s24, s4  }
0x27d: {  	v6 =	vld [tilespmem:s24+$0x8200]  }
0x27e: {  	v7 =	vld [tilespmem:s24+$0xC200]  }
0x27f: {  	v8 =	vld [tilespmem:s24+$0x8280]  }
0x280: {  	v9 =	vld [tilespmem:s24+$0xC280]  }
0x281: {  	v10 =	vld [tilespmem:s24+$0x8300]  }
0x282: {  	v11 =	vld [tilespmem:s24+$0xC300]  }
0x283: {  	v15 =	vld [tilespmem:s24+$0x8380]  }
0x284: {  	v56 =	vld [tilespmem:s24+$0xC380]  }
0x285: {  	s22 =	sor.u32 s4, s22;
	v16 =	vld [tilespmem:s24+$0x8400]  }
0x286: {  	s23 =	sor.u32 $0x380, s22;
	v52 =	vld [tilespmem:s24+$0x8480]  }
0x287: {  	v2 =	vld [tilespmem:s23+$0x8200]  }
0x288: {  	v3 =	vld [tilespmem:s23+$0xC200]  }
0x289: {  	v20 =	vld [tilespmem:s24+$0x4280]  }
0x28a: {  	v5 =	vld [tilespmem:s23+$0x4200];
	v6 =	vmul.f32 v6, v0;
	v7 =	vmul.f32 v7, v1  }
0x28b: {  	v47 =	vadd.f32 v51, v26;
	v24 =	vld [tilespmem:s24+$0x4300];
	v8 =	vmul.f32 v8, v0;
	v9 =	vmul.f32 v9, v1  }
0x28c: {  	v26 =	vadd.f32 v49, v46;
	v27 =	vld [tilespmem:s24+$0x4380];
	v10 =	vmul.f32 v10, v0;
	v11 =	vmul.f32 v11, v1  }
0x28d: {  	v45 =	vadd.f32 v48, v45;
	v58 =	vld [tilespmem:s24+$0x8500];
	v2 =	vmul.f32 v2, v0;
	v3 =	vmul.f32 v3, v1  }
0x28e: {  	v44 =	vadd.f32 v50, v44;
	v15 =	vmul.f32 v15, v0;
	v23 =	vmul.f32 v16, v0  }
0x28f: {  	v57 =	vld [tilespmem:s24+$0xC400];
	v48 =	vpop (erf);
	v52 =	vmul.f32 v52, v0;
	v53 =	vmul.f32 v5, v4;
	v2 =	vadd.f32 v3, v2  }
0x290: {  	v50 =	vpop (erf);
	v48 =	vadd.f32 v48, v48;
	v49 =	vmul.f32 v20, v4;
	v16 =	vmul.f32 v24, v4  }
0x291: {  	v60 =	vld [tilespmem:s24+$0x4200];
	v51 =	vmul.f32 v27, v4;
	v24 =	vadd.f32 v50, v50;
	v2 =	vadd.f32 v53, v2  }
0x292: {  	v27 =	vsub.f32 $1.000000000e+00, v48;
	v5 =	vmul.f32 v56, v1;
	v0 =	vmul.f32 v58, v0  }
0x293: {  	v8 =	vadd.f32 v9, v8;
	v10 =	vadd.f32 v11, v10;
	v2 =	vmul.f32 $1.442695020e+00, v2  }
0x294: {  	v6 =	vadd.f32 v7, v6;
	v3 =	vmul.f32 v57, v1;
	v5 =	vadd.f32 v5, v15;
	v53 =	vld [tilespmem:s24+$0xC480]  }
0x295: {  	v59 =	vld [tilespmem:s24+$0xC500];
	v9 =	vpop (erf);
	v8 =	vadd.f32 v49, v8;
	v10 =	vadd.f32 v16, v10;
	(erf) = vpow2.f32 v2  }
0x296: {  	v57 =	vmul.f32 v60, v4;
	v56 =	vpop (erf);
	v3 =	vadd.f32 v3, v23;
	v9 =	vadd.f32 v9, v9  }
0x297: {  	v60 =	vld [tilespmem:s24+$0x4480];
	v5 =	vadd.f32 v51, v5;
	v11 =	vadd.f32 v56, v56;
	v56 =	vmul.f32 v27, v27  }
0x298: {  	v15 =	vpop (erf);
	v8 =	vmul.f32 $1.442695020e+00, v8;
	v10 =	vmul.f32 $1.442695020e+00, v10;
	v9 =	vsub.f32 $1.000000000e+00, v9  }
0x299: {  	v23 =	vld [tilespmem:s24+$0x4500];
	v58 =	vpop (erf);
	v15 =	vadd.f32 v15, v15;
	v5 =	vmul.f32 $1.442695020e+00, v5;
	v53 =	vmul.f32 v53, v1  }
0x29a: {  	v11 =	vsub.f32 $1.000000000e+00, v11;
	v46 =	vadd.f32 v58, v58;
	v1 =	vmul.f32 v59, v1;
	v59 =	vld [tilespmem:s24+$0x4400]  }
0x29b: {  	v58 =	vmul.f32 v27, v13;
	v2 =	vadd.f32 v57, v6;
	v57 =	vmul.f32 v27, v12  }
0x29c: {  	v52 =	vadd.f32 v53, v52;
	v0 =	vadd.f32 v1, v0;
	v1 =	vmul.f32 v60, v4  }
0x29d: {  	v51 =	vsub.f32 $1.000000000e+00, v15;
	v19 =	vmul.f32 v9, v9;
	v48 =	vadd.f32 v58, v63;
	v53 =	vpop (erf)  }
0x29e: {  	v63 =	vmul.f32 v11, v13;
	v2 =	vmul.f32 $1.442695020e+00, v2;
	v1 =	vadd.f32 v1, v52;
	v20 =	vpop (erf)  }
0x29f: {  	v7 =	vmul.f32 v59, v4;
	v4 =	vmul.f32 v23, v4;
	v6 =	vadd.f32 $1.000000000e+00, v20  }
0x2a0: {  	v59 =	vmul.f32 v27, v14;
	v23 =	vadd.f32 v53, v53;
	v53 =	vsub.f32 $1.000000000e+00, v46  }
0x2a1: {  	v49 =	vld [tilespmem:$0x1FF30];
	v46 =	vadd.f32 v57, v62;
	v57 =	vmul.f32 v9, v13;
	(erf) = vrcp.f32 v6  }
0x2a2: {  	v1 =	vmul.f32 $1.442695020e+00, v1;
	v3 =	vadd.f32 v7, v3;
	(erf) = vpow2.f32 v2  }
0x2a3: {  	v0 =	vadd.f32 v4, v0;
	v7 =	vmul.f32 v9, v14;
	(erf) = vpow2.f32 v8  }
0x2a4: {  	v58 =	vld [tilespmem:$0x1FF40];
	v3 =	vmul.f32 $1.442695020e+00, v3;
	v6 =	vsub.f32 $1.000000000e+00, v24;
	(erf) = vpow2.f32 v10  }
0x2a5: {  	v52 =	vsub.f32 $1.000000000e+00, v23;
	v0 =	vmul.f32 $1.442695020e+00, v0;
	(erf) = vpow2.f32 v5  }
0x2a6: {  	v49 =	vadd.f32 v59, v49;
	v24 =	vmul.f32 v6, v6;
	(erf) = vpow2.f32 v3  }
0x2a7: {  	v32 =	vadd.f32 v57, v32;
	v60 =	vmul.f32 v6, v13;
	(erf) = vpow2.f32 v1  }
0x2a8: {  	v34 =	vadd.f32 v7, v34;
	v27 =	vmul.f32 v6, v12;
	v16 =	vmul.f32 v6, v14  }
0x2a9: {  	v10 =	vadd.f32 v63, v41;
	v8 =	vadd.f32 v24, v58;
	(erf) = vpow2.f32 v0  }
0x2aa: {  	v20 =	vmul.f32 v9, v12;
	v50 =	vadd.f32 v27, v29;
	v3 =	vadd.f32 v56, v61;
	v56 =	vpop (erf)  }
0x2ab: {  	v59 =	vmul.f32 v11, v11;
	v31 =	vadd.f32 v60, v31;
	v29 =	vadd.f32 v16, v36;
	v60 =	vpop (erf)  }
0x2ac: {  	v63 =	vmul.f32 v53, v53;
	v36 =	vadd.f32 v20, v37;
	v4 =	vadd.f32 $1.000000000e+00, v60;
	v62 =	vpop (erf)  }
0x2ad: {  	v61 =	vmul.f32 v11, v12;
	v11 =	vmul.f32 v11, v14;
	v5 =	vadd.f32 $1.000000000e+00, v62;
	v23 =	vpop (erf)  }
0x2ae: {  	v1 =	vadd.f32 v19, v38;
	v37 =	vadd.f32 $1.000000000e+00, v23;
	(erf) = vrcp.f32 v4;
	v38 =	vpop (erf)  }
0x2af: {  	v27 =	vld [tilespmem:s21+$0x1200];
	v0 =	vadd.f32 v56, v56;
	v4 =	vadd.f32 $1.000000000e+00, v38;
	(erf) = vrcp.f32 v5;
	v56 =	vpop (erf)  }
0x2b0: {  	v7 =	vadd.f32 v63, v43;
	v23 =	vld [tilespmem:s21+$0x1300];
	v5 =	vadd.f32 $1.000000000e+00, v56;
	(erf) = vrcp.f32 v37;
	v57 =	vpop (erf)  }
0x2b1: {  	v24 =	vld [tilespmem:s21+$0x1280];
	v11 =	vadd.f32 v11, v25;
	v2 =	vadd.f32 $1.000000000e+00, v57;
	(erf) = vrcp.f32 v4  }
0x2b2: {  	v0 =	vsub.f32 $1.000000000e+00, v0;
	v38 =	vmul.f32 v52, v52;
	v58 =	vpop (erf);
	(erf) = vrcp.f32 v5  }
0x2b3: {  	v62 =	vmul.f32 v51, v51;
	v6 =	vadd.f32 $1.000000000e+00, v58;
	(erf) = vrcp.f32 v2  }
0x2b4: {  	v4 =	vadd.f32 v59, v39;
	v59 =	vmul.f32 v0, v0;
	v9 =	vadd.f32 v38, v47  }
0x2b5: {  	v2 =	vadd.f32 v61, v40;
	v60 =	vmul.f32 v0, v23;
	(erf) = vrcp.f32 v6  }
0x2b6: {  	v61 =	vmul.f32 v0, v27;
	v0 =	vmul.f32 v0, v24;
	v5 =	vadd.f32 v59, v30  }
0x2b7: {  	v6 =	vadd.f32 v62, v42;
	v19 =	vadd.f32 v60, v28;
	v37 =	vpop (erf)  }
0x2b8: {  	v20 =	vadd.f32 v0, v35;
	v0 =	vadd.f32 v37, v37;
	v39 =	vpop (erf)  }
0x2b9: {  	v28 =	vadd.f32 v61, v33;
	v15 =	vadd.f32 v39, v39;
	v40 =	vpop (erf)  }
0x2ba: {  	v0 =	vsub.f32 $1.000000000e+00, v0;
	v41 =	vpop (erf);
	v16 =	vadd.f32 v40, v40  }
0x2bb: {  	v37 =	vmul.f32 v53, v12;
	v15 =	vsub.f32 $1.000000000e+00, v15;
	v42 =	vpop (erf);
	v30 =	vadd.f32 v41, v41  }
0x2bc: {  	v39 =	vmul.f32 v53, v13;
	v33 =	vadd.f32 v42, v42;
	v43 =	vpop (erf);
	v16 =	vsub.f32 $1.000000000e+00, v16  }
0x2bd: {  	v47 =	vmul.f32 v0, v0;
	v42 =	vmul.f32 v53, v14;
	v35 =	vadd.f32 v43, v43  }
0x2be: {  	v53 =	vmul.f32 v0, v27;
	v30 =	vsub.f32 $1.000000000e+00, v30;
	v56 =	vpop (erf);
	v33 =	vsub.f32 $1.000000000e+00, v33  }
0x2bf: {  	v41 =	vld [tilespmem:$0x1FFA0];
	v57 =	vmul.f32 v15, v15;
	v38 =	vadd.f32 v56, v56;
	v3 =	vadd.f32 v47, v3  }
0x2c0: {  	v58 =	vmul.f32 v16, v16;
	v35 =	vsub.f32 $1.000000000e+00, v35;
	v59 =	vmul.f32 v30, v30  }
0x2c1: {  	v8 =	vadd.f32 v57, v8;
	v38 =	vsub.f32 $1.000000000e+00, v38;
	v60 =	vmul.f32 v33, v33  }
0x2c2: {  	v1 =	vadd.f32 v58, v1;
	v61 =	vmul.f32 v35, v35;
	v4 =	vadd.f32 v59, v4  }
0x2c3: {  	v63 =	vsel vm3, v8, v3;
	v3 =	vsel vm3, v3, v8;
	v62 =	vmul.f32 v38, v38  }
0x2c4: {  	v6 =	vadd.f32 v60, v6;
	v43 =	vperm.xlane v63, v41;
	v60 =	vmul.f32 v51, v12  }
0x2c5: {  	v63 =	vmul.f32 v51, v14;
	v7 =	vadd.f32 v61, v7;
	v47 =	vsel vm3, v4, v1  }
0x2c6: {  	v1 =	vsel vm3, v1, v4;
	v61 =	vmul.f32 v51, v13;
	v51 =	vmul.f32 v52, v14  }
0x2c7: {  	v14 =	vadd.f32 v42, v55;
	v55 =	vmul.f32 v15, v27;
	v42 =	vmul.f32 v33, v24  }
0x2c8: {  	v9 =	vadd.f32 v62, v9;
	v56 =	vperm.xlane v47, v41;
	v3 =	vadd.f32 v43, v3  }
0x2c9: {  	v43 =	vmul.f32 v52, v12;
	v47 =	vmul.f32 v52, v13;
	v57 =	vsel vm3, v7, v6  }
0x2ca: {  	v6 =	vsel vm3, v6, v7;
	v7 =	vadd.f32 v60, v21;
	v8 =	vadd.f32 v61, v22  }
0x2cb: {  	v13 =	vadd.f32 v51, v44;
	v60 =	vmul.f32 v30, v27;
	v44 =	vmul.f32 v35, v27  }
0x2cc: {  	v1 =	vadd.f32 v56, v1;
	v58 =	vsel vm3, v5, v9;
	v4 =	vperm.xlane v57, v41  }
0x2cd: {  	v40 =	vld [tilespmem:$0x1FF90];
	v5 =	vsel vm3, v9, v5;
	v9 =	vadd.f32 v63, v54;
	v54 =	vmul.f32 v0, v24  }
0x2ce: {  	v12 =	vadd.f32 v47, v45;
	v0 =	vmul.f32 v0, v23;
	v59 =	vperm.xlane v58, v41  }
0x2cf: {  	v56 =	vmul.f32 v15, v24;
	v15 =	vmul.f32 v15, v23;
	v2 =	vadd.f32 v60, v2  }
0x2d0: {  	v58 =	vmul.f32 v16, v27;
	v4 =	vadd.f32 v4, v6;
	v5 =	vadd.f32 v59, v5  }
0x2d1: {  	v8 =	vadd.f32 v42, v8;
	v62 =	vsel vm4, v1, v3;
	v1 =	vsel vm4, v3, v1  }
0x2d2: {  	v0 =	vadd.f32 v0, v49;
	v6 =	vperm.xlane v62, v40;
	v25 =	vsel vm4, v5, v4  }
0x2d3: {  	v4 =	vsel vm4, v4, v5;
	v5 =	vadd.f32 v39, v18;
	v39 =	vld [tilespmem:$0x1FF80];
	v3 =	vperm.xlane v25, v40  }
0x2d4: {  	v21 =	vadd.f32 v56, v31;
	v49 =	vmul.f32 v33, v23;
	v59 =	vmul.f32 v16, v24  }
0x2d5: {  	v16 =	vmul.f32 v16, v23;
	v1 =	vadd.f32 v6, v1;
	v3 =	vadd.f32 v3, v4  }
0x2d6: {  	v15 =	vadd.f32 v15, v29;
	v62 =	vmul.f32 v30, v24;
	v30 =	vmul.f32 v30, v23  }
0x2d7: {  	v56 =	vadd.f32 v49, v9;
	v6 =	vadd.f32 v37, v17;
	v37 =	vld [tilespmem:$0x1FF70];
	v52 =	vsel vm5, v3, v1  }
0x2d8: {  	v18 =	vadd.f32 v53, v46;
	v22 =	vadd.f32 v59, v32;
	v17 =	vperm.xlane v52, v39  }
0x2d9: {  	v16 =	vadd.f32 v16, v34;
	v10 =	vadd.f32 v62, v10;
	v1 =	vsel vm5, v1, v3  }
0x2da: {  	v25 =	vadd.f32 v58, v36;
	v36 =	vmul.f32 v33, v27;
	v1 =	vadd.f32 v1, v17  }
0x2db: {  	v11 =	vadd.f32 v30, v11;
	v27 =	vmul.f32 v38, v27;
	v4 =	vadd.f32 v43, v26  }
0x2dc: {  	v6 =	vadd.f32 v44, v6;
	v7 =	vadd.f32 v36, v7;
	v57 =	vperm.xlane v1, v37  }
0x2dd: {  	v3 =	vadd.f32 v54, v48;
	v4 =	vadd.f32 v27, v4  }
0x2de: {  	v48 =	vsel vm3, v2, v25;
	v51 =	vsel vm3, v6, v7;
	v1 =	vadd.f32 v1, v57  }
0x2df: {  	v2 =	vsel vm3, v25, v2;
	v6 =	vsel vm3, v7, v6;
	v53 =	vperm.xlane v51, v41  }
0x2e0: {  	v52 =	vsel vm3, v28, v4;
	v61 =	vshra.s32 v1, $0x1;
	v1 =	vmul.f32 $5.000000000e-01, v1  }
0x2e1: {  	v17 =	vadd.f32 v55, v50;
	v50 =	vmul.f32 v35, v24;
	v29 =	vsub.s32 $0x5F3759DF, v61  }
0x2e2: {  	v4 =	vsel vm3, v4, v28;
	v54 =	vperm.xlane v52, v41;
	v63 =	vmul.f32 v29, v1  }
0x2e3: {  	v28 =	vsel vm3, v16, v11;
	v55 =	vmul.f32 v35, v23;
	v24 =	vmul.f32 v38, v24  }
0x2e4: {  	v6 =	vadd.f32 v53, v6;
	v4 =	vadd.f32 v54, v4;
	v43 =	vmul.f32 v29, v63  }
0x2e5: {  	v23 =	vmul.f32 v38, v23;
	v46 =	vsel vm3, v17, v18;
	v17 =	vsel vm3, v18, v17  }
0x2e6: {  	v5 =	vadd.f32 v50, v5;
	v25 =	vsel vm4, v4, v6;
	v45 =	vsub.f32 $1.500000000e+00, v43  }
0x2e7: {  	v62 =	vadd.f32 v23, v13;
	v26 =	vperm.xlane v46, v41;
	v59 =	vperm.xlane v25, v40  }
0x2e8: {  	v14 =	vadd.f32 v55, v14;
	v47 =	vmul.f32 v29, v45;
	v29 =	vperm.xlane v48, v41  }
0x2e9: {  	v4 =	vsel vm4, v6, v4;
	v30 =	vsel vm3, v19, v62;
	v17 =	vadd.f32 v26, v17  }
0x2ea: {  	v26 =	vsel vm3, v11, v16;
	v4 =	vadd.f32 v59, v4;
	v2 =	vadd.f32 v29, v2  }
0x2eb: {  	v61 =	vadd.f32 v24, v12;
	v24 =	vsel vm3, v15, v0;
	v63 =	vsel vm3, v21, v3  }
0x2ec: {  	v0 =	vsel vm3, v0, v15;
	v13 =	vperm.xlane v63, v41;
	v58 =	vsel vm4, v2, v17  }
0x2ed: {  	v3 =	vsel vm3, v3, v21;
	v21 =	vsel vm3, v5, v8;
	v18 =	vperm.xlane v58, v40  }
0x2ee: {  	v3 =	vadd.f32 v13, v3;
	v13 =	vperm.xlane v21, v41;
	v2 =	vsel vm4, v17, v2  }
0x2ef: {  	v25 =	vperm.xlane v24, v41;
	v5 =	vsel vm3, v8, v5;
	v2 =	vadd.f32 v18, v2  }
0x2f0: {  	v5 =	vadd.f32 v13, v5;
	v57 =	vmul.f32 v47, v1;
	v18 =	vsel vm3, v10, v22  }
0x2f1: {  	v17 =	vsel vm5, v2, v4;
	v2 =	vsel vm5, v4, v2;
	v4 =	vperm.xlane v18, v41  }
0x2f2: {  	v9 =	vmul.f32 v57, v47;
	v10 =	vsel vm3, v22, v10;
	v22 =	vsel vm3, v20, v61  }
0x2f3: {  	v29 =	vsel vm3, v14, v56;
	v23 =	vperm.xlane v22, v41;
	v4 =	vadd.f32 v4, v10  }
0x2f4: {  	v60 =	vsub.f32 $1.500000000e+00, v9;
	v9 =	vsel vm3, v61, v20;
	v10 =	vperm.xlane v26, v41  }
0x2f5: {  	v8 =	vadd.f32 v23, v9;
	v9 =	vperm.xlane v29, v41;
	v27 =	vsel vm4, v3, v4  }
0x2f6: {  	v3 =	vsel vm4, v4, v3;
	v4 =	vadd.f32 v10, v28;
	v10 =	vperm.xlane v30, v41  }
0x2f7: {  	v7 =	vsel vm3, v56, v14;
	v31 =	vsel vm3, v62, v19;
	v0 =	vadd.f32 v25, v0  }
0x2f8: {  	v32 =	vsel vm4, v8, v5;
	v7 =	vadd.f32 v9, v7;
	v33 =	vadd.f32 v10, v31  }
0x2f9: {  	v6 =	vmul.f32 v60, v47;
	v5 =	vsel vm4, v5, v8;
	v34 =	vperm.xlane v32, v40  }
0x2fa: {  	v3 =	vperm.xlane v3, v40;
	v35 =	vsel vm4, v4, v0;
	v36 =	vsel vm4, v33, v7  }
0x2fb: {  	v49 =	vld [tilespmem:$0x1FFD0];
	v5 =	vadd.f32 v34, v5;
	v38 =	vperm.xlane v35, v40;
	v41 =	vperm.xlane v36, v40  }
0x2fc: {  	v52 =	vld [tilespmem:$0x1FF10];
	v0 =	vsel vm4, v0, v4;
	v3 =	vadd.f32 v3, v27;
	v7 =	vsel vm4, v7, v33  }
0x2fd: {  	v2 =	vperm.xlane v2, v39;
	v0 =	vadd.f32 v38, v0;
	v43 =	vadd.f32 v41, v7  }
0x2fe: {  	v50 =	vld [tilespmem:$0x1FF00];
	v1 =	vmul.f32 v6, v1;
	v42 =	vsel vm5, v5, v3  }
0x2ff: {  	v54 =	vld [tilespmem:$0x1FF20];
	v2 =	vadd.f32 v17, v2;
	v44 =	vperm.xlane v42, v39;
	v45 =	vsel vm5, v43, v0  }
0x300: {  	v55 =	vld [tilespmem:$0x1FFE0];
	v1 =	vmul.f32 v1, v6;
	v3 =	vsel vm5, v3, v5;
	v5 =	vperm.xlane v45, v39  }
0x301: {  	v53 =	vperm.xlane v52, v49;
	v3 =	vadd.f32 v3, v44;
	v0 =	vsel vm5, v0, v43  }
0x302: {  	v1 =	vsub.f32 $1.500000000e+00, v1;
	v46 =	vperm.xlane v2, v37;
	v0 =	vadd.f32 v0, v5  }
0x303: {  	vm15 =	vmor vm0, vm7;
	v51 =	vperm.xlane v50, v49;
	v47 =	vperm.xlane v3, v37  }
0x304: {  	v62 =	vld [tilespmem:$0x1FFF0];
	v1 =	vmul.f32 v1, v6;
	v2 =	vadd.f32 v2, v46;
	v48 =	vperm.xlane v0, v37  }
0x305: {  	v57 =	vperm.xlane v50, v55;
	v8 =	vperm.xlane v54, v55;
	v3 =	vadd.f32 v3, v47  }
0x306: {  	v6 =	vperm.xlane v54, v49;
	v2 =	vmul.f32 v1, v2;
	v0 =	vadd.f32 v0, v48  }
0x307: {  	vm15 =	vmor vm15, vm1;
	v7 =	vperm.xlane v52, v55;
	v3 =	vmul.f32 v1, v3  }
0x308: {  	v56 =	vsel vm6, v6, v53;
	v61 =	vperm.xlane v2, v55;
	v0 =	vmul.f32 v0, v1  }
0x309: {  	s25 =	smul.u32 $0xC0, s20;
	s20 =	sadd.s32 $0x1, s20;
	v58 =	vsel vm15, v7, v8;
	v59 =	vperm.xlane v3, v55;
	v3 =	vperm.xlane v3, v62  }
0x30a: {  	p0 =	sne.s32 s20, $0x20;
	vm15 =	vmor vm10, vm2;
	v60 =	vperm.xlane v0, v55;
	v0 =	vperm.xlane v0, v62  }
.Ltmp4:
0x30b: {  	v2 =	vperm.xlane v2, v62;
	v4 =	vsel vm8, v58, v57;
	vm15 =	vmor vm15, vm12;
	(pc) =	sbr.rel @p0 .LBB2_6-.Ltmp4, $4  }
0x30c: {  	s4 =	sshra.s32 s25, $0x2;
	v1 =	vsel vm13, v51, v56;
	v6 =	vsel vm15, v59, v60;
	v0 =	vsel vm13, v0, v3  }
0x30d: {  	[tilespmem:s4+$0xE200] =	vst v1;
	vm15 =	vmmov $0xff;
	v5 =	vsel vm14, v6, v61;
	v0 =	vsel vm11, v0, v2  }
0x30e: {  	v63 =	vsel vm15, v4, v5;
	[tilespmem:s4+$0xE220] =	vst v0  }
0x30f: {  	[tilespmem:s4+$0xE210] =	vst v63  }
0x310: {  	s18 =	sadd.s32 $0x1, s18  }
0x311: {  	p0 =	sne.s32 s18, s16  }
.Ltmp5:
0x312: {  	s4 =	simm.s32 $0xE200;
	(pc) =	sbr.rel @p0 .LBB2_1-.Ltmp5, $4  }
0x313: {  	[hbm4b:s15+s7] =	stream.linear.scatter [tilespmem:s4], [sflag:$0x3], $0x600, $0x38;
	[tilespmem:$0xE800] =	vst v63  }
0x314: {  	_ =	swait.ge [sflag:s17], $0x600  }
0x315: {  	[sflag:s17] =	ssyncset.done $0x0  }
0x316: {  	[sflag:s17] =	ssyncadd.s32 $0xFFFFFA00  }
0x317: {  	_ =	sfence.sel $0x180000  }
0x318: {  	[bflag:$0x0] =	sbarrier.arrive $0xFFFF  }
0x319: {  	_ =	strace $0x90000047  }
0x31a: {  	s0 =	stileid.u32;
	[bflag:$0x2] =	sbarrier.arrive $0xFFFF  }
0x31b: {  	p0 =	sne.s32 s0, $0x0;
	s0 =	rddreg [dreg:$0x7]  }
0x31c: {  	s0 =	sadd.s32 @!p0 $0x100000, s0  }
0x31d: {  	[sflag:s0] =	ssyncadd.tile.s32 @!p0 $0x1;
	_ =	shalt  }
.Lfunc_end2:
_tile_overlayer_lowered:
.L_overlay_start_2:
0x31e: {  	(tag) =	ssettag $0x2  }
0x31f: {  	s0 =	rddreg [dreg:$0x0];
	s2 =	stileid.u32  }
0x320: {  	s1 =	rddreg [dreg:$0x1];
	p0 =	sne.s32 s2, $0x0  }
0x321: {  	s3 =	rddreg [dreg:$0x2];
	[bflag:$0x3] =	sbarrier.arrive $0xFFFF;
	s2 =	simm.s32 @!p0 $0x1C03  }
0x322: {  	[timem:s3], [sflag:s2] =	dma.local @!p0 [hbm:s0], s1  }
0x323: {  	s0 =	simm.s32 @!p0 $0x3  }
0x324: {  	_ =	swait.ge @!p0 [sflag:s0], s1  }
0x325: {  	s1 =	ssub.s32 @!p0 $0x0, s1;
	[sflag:s0] =	ssyncset.done @!p0 $0x0  }
0x326: {  	[sflag:s0] =	ssyncadd.s32 @!p0 s1  }
0x327: {  	[bflag:$0x3] =	sbarrier.arrive $0xFFFF  }
0x328: {  	_ =	shalt  }

</sc_bundles>
